<compile_context>
chip_gen: v7x
topology: tpu7x:2x2x1
jax: 0.10.2.dev20260603
libtpu: 0.0.44.dev20260713+nightly
codegen_flags: <defaults>
</compile_context>

<pallas_src>
import functools

import jax
import jax.numpy as jnp
from jax import lax
from jax.experimental import pallas as pl
from jax.experimental.pallas import tpu as pltpu
from jax.experimental.pallas import tpu_sc as plsc

_VOCAB = 100000
_EMB = 300
_BATCH = 1024
_SAMP = 5
_NSAMP = _BATCH * _SAMP
_CVOCAB = 10000

_NW = 32
_KS2 = 0x1BD11BDB
_ROT = ((13, 15, 26, 6), (17, 29, 16, 24))
_INJ = ((1, _KS2 + 1), (_KS2, 2), (0, 4), (1, _KS2 + 4), (_KS2, 5))


def _rnd(x0, x1, r):
    x0 = x0 + x1
    x1 = (lax.shift_left(x1, r) | lax.shift_right_logical(x1, 32 - r)) ^ x0
    return x0, x1


def _threefry_bits(n):
    x1 = n + 1
    x0 = x1
    x1 = (lax.shift_left(x1, 13) | lax.shift_right_logical(x1, 19)) ^ x0
    for r in (15, 26, 6):
        x0, x1 = _rnd(x0, x1, r)
    for g in range(1, 5):
        a, b = _INJ[g - 1]
        if g != 3:
            x0 = x0 + a
        x1 = x1 + b
        for r in _ROT[g % 2]:
            x0, x1 = _rnd(x0, x1, r)
    a, b = _INJ[4]
    return (x0 + a) ^ (x1 + b)


def _make_sampler(n_rows, vocab, row_blk, col_blk):
    n_full = vocab // col_blk

    def body(out_ref):
        r0 = pl.program_id(0) * row_blk
        row_iota = lax.broadcasted_iota(jnp.int32, (row_blk, col_blk), 0)
        col_iota = lax.broadcasted_iota(jnp.int32, (row_blk, col_blk), 1)
        row_base = (r0 + row_iota) * vocab

        def chunk(ci, carry, masked=False):
            m, a = carry
            col = col_iota + ci * col_blk
            bits = _threefry_bits(row_base + col)
            v = lax.shift_right_logical(bits, jnp.int32(9))
            if masked:
                v = jnp.where(col < vocab, v, jnp.int32(-1))
            mc = jnp.max(v, axis=1, keepdims=True)
            ac = jnp.min(jnp.where(v == mc, col, jnp.int32(1 << 30)),
                         axis=1, keepdims=True)
            upd = mc > m
            return jnp.where(upd, mc, m), jnp.where(upd, ac, a)

        m0 = jnp.full((row_blk, 1), -2, jnp.int32)
        a0 = jnp.zeros((row_blk, 1), jnp.int32)
        carry = lax.fori_loop(0, n_full, chunk, (m0, a0))
        if vocab % col_blk:
            carry = chunk(n_full, carry, masked=True)
        _, a = carry
        out_ref[...] = a

    return pl.pallas_call(
        body,
        grid=(n_rows // row_blk,),
        out_specs=pl.BlockSpec((row_blk, 1), lambda i: (i, 0)),
        out_shape=jax.ShapeDtypeStruct((n_rows, 1), jnp.int32),
    )


_SC_ROWS = 1536
_TC_ROWS = _NSAMP - _SC_ROWS
_RPT = _SC_ROWS // _NW


def _sc_sampler():
    mesh = plsc.VectorSubcoreMesh(core_axis_name="c", subcore_axis_name="s")

    @functools.partial(
        pl.kernel,
        out_type=jax.ShapeDtypeStruct((_SC_ROWS,), jnp.int32),
        mesh=mesh,
        scratch_types=[
            pltpu.VMEM((_RPT,), jnp.int32),
            pltpu.SemaphoreType.DMA,
        ],
    )
    def k(out_hbm, ans_v, sem):
        del sem
        wid = lax.axis_index("s") * 2 + lax.axis_index("c")
        iota = lax.iota(jnp.int32, 16)
        nchunk = _VOCAB // 16

        def row_argmax(gr):
            base = gr * _VOCAB

            def chunk(c, carry):
                m, a = carry
                col = c * 32 + iota
                colb = col + 16
                bits = _threefry_bits(base + col)
                bitsb = _threefry_bits(base + colb)
                v = lax.shift_right_logical(bits, jnp.int32(9))
                vb = lax.shift_right_logical(bitsb, jnp.int32(9))
                upd = v > m
                m = jnp.where(upd, v, m)
                a = jnp.where(upd, col, a)
                updb = vb > m
                return jnp.where(updb, vb, m), jnp.where(updb, colb, a)

            m0 = jnp.full((16,), -2, jnp.int32)
            a0 = jnp.zeros((16,), jnp.int32)
            m, a = lax.fori_loop(0, nchunk // 2, chunk, (m0, a0))
            def lane_rot(vec, k):
                perm = ((iota + k) & 15).reshape(16, 1)
                return lax.gather(
                    vec, perm,
                    lax.GatherDimensionNumbers(
                        offset_dims=(), collapsed_slice_dims=(0,),
                        start_index_map=(0,)),
                    (1,), mode=lax.GatherScatterMode.PROMISE_IN_BOUNDS)

            mx = m
            for k in (8, 4, 2, 1):
                mx = jnp.maximum(mx, lane_rot(mx, k))
            cand = jnp.where(m == mx, a, jnp.int32(1 << 30))
            for k in (8, 4, 2, 1):
                cand = jnp.minimum(cand, lane_rot(cand, k))
            return cand

        for b in range(_RPT // 16):
            def row_body(r, ansvec, b=b):
                gr = _TC_ROWS + wid * _RPT + b * 16 + r
                ans = row_argmax(gr)
                return jnp.where(iota == r, ans, ansvec)

            ansvec = lax.fori_loop(0, 16, row_body, jnp.zeros((16,), jnp.int32))
            ans_v[pl.ds(b * 16, 16)] = ansvec

        pltpu.sync_copy(ans_v, out_hbm.at[pl.ds(wid * _RPT, _RPT)])

    return k()


_BPW = _BATCH // _NW
_ROWCHUNK = 8


def _in_gather(table, idx):
    mesh = plsc.VectorSubcoreMesh(core_axis_name="c", subcore_axis_name="s")

    @functools.partial(
        pl.kernel,
        out_type=jax.ShapeDtypeStruct((_BATCH, _CVOCAB), jnp.float32),
        mesh=mesh,
        scratch_types=[
            pltpu.VMEM((_BPW,), jnp.int32),
            pltpu.VMEM((_ROWCHUNK, _CVOCAB), jnp.float32),
            pltpu.SemaphoreType.DMA,
        ],
        compiler_params=pltpu.CompilerParams(use_tc_tiling_on_sc=False),
    )
    def k(table_hbm, idx_hbm, out_hbm, idx_v, rows_v, sem):
        wid = lax.axis_index("s") * 2 + lax.axis_index("c")
        base = wid * _BPW
        pltpu.sync_copy(idx_hbm.at[pl.ds(base, _BPW)], idx_v)
        for o in range(0, _BPW, _ROWCHUNK):
            pltpu.async_copy(
                table_hbm.at[idx_v.at[pl.ds(o, _ROWCHUNK)]], rows_v, sem
            ).wait()
            pltpu.sync_copy(rows_v, out_hbm.at[pl.ds(base + o, _ROWCHUNK)])

    return k(table, idx)


_PAD_E = 384
_SPT = _NSAMP // _NW


def _out_gather(ow_flat, idx, bias_pad):
    mesh = plsc.VectorSubcoreMesh(core_axis_name="c", subcore_axis_name="s")

    @functools.partial(
        pl.kernel,
        out_type=jax.ShapeDtypeStruct((_NSAMP * _EMB,), jnp.float32),
        mesh=mesh,
        scratch_types=[
            pltpu.VMEM((_SPT + 16,), jnp.int32),
            pltpu.VMEM((_PAD_E,), jnp.int32),
            pltpu.VMEM((3, 128), jnp.int32),
            pltpu.VMEM((_PAD_E,), jnp.float32),
            pltpu.VMEM((_PAD_E,), jnp.float32),
            pltpu.VMEM((_SPT * _EMB + 16,), jnp.float32),
            pltpu.SemaphoreType.DMA,
        ],
    )
    def k(ow_hbm, idx_hbm, bias_hbm, out_hbm,
          idx_v, ebase_v, rowidx_v, vals_v, bias_v, out_v, sem):
        wid = lax.axis_index("s") * 2 + lax.axis_index("c")
        base = wid * _SPT
        pltpu.sync_copy(idx_hbm.at[pl.ds(base, _SPT)], idx_v.at[pl.ds(0, _SPT)])
        pltpu.sync_copy(bias_hbm, bias_v)
        for c in range(_PAD_E // 16):
            e = lax.iota(jnp.int32, 16) + (16 * c)
            ebase_v[pl.ds(16 * c, 16)] = jnp.where(e < _EMB, e * _VOCAB, 0)

        def body(s, _):
            idx_s = idx_v[pl.ds(s, 16)][0]
            for c in range(_PAD_E // 16):
                rowidx_v[c // 8, pl.ds((c % 8) * 16, 16)] = (
                    ebase_v[pl.ds(16 * c, 16)] + idx_s)
            handles = [
                pltpu.async_copy(
                    ow_hbm.at[rowidx_v.at[kk]],
                    vals_v.at[pl.ds(kk * 128, 128)], sem)
                for kk in range(3)
            ]
            for h in handles:
                h.wait()
            obase = s * _EMB
            for c in range(19):
                out_v[pl.ds(obase + 16 * c, 16)] = (
                    vals_v[pl.ds(16 * c, 16)] + bias_v[pl.ds(16 * c, 16)])
            return 0

        lax.fori_loop(0, _SPT, body, 0)
        pltpu.sync_copy(out_v.at[pl.ds(0, _SPT * _EMB)],
                        out_hbm.at[pl.ds(base * _EMB, _SPT * _EMB)])

    return k(ow_flat, idx, bias_pad)


def kernel(x, batch_size, sample_num, in_weight, out_weight, out_bias,
           noise_probs):
    del batch_size, sample_num, noise_probs
    nw2 = _make_sampler(_TC_ROWS, _VOCAB, 256, 512)()
    nw_sc = _sc_sampler()
    noise_words = jnp.concatenate([nw2[:, 0], nw_sc])
    input_vector = _in_gather(in_weight, x)
    bias_pad = jnp.concatenate(
        [out_bias, jnp.zeros((_PAD_E - _EMB,), jnp.float32)])
    flat = _out_gather(out_weight.reshape(-1), noise_words, bias_pad)
    noise_vector = flat.reshape(_BATCH, _SAMP, _EMB)
    return input_vector, noise_vector

# --- scband reference (transcript-rebuilt; emitter-appended) ---
"""Pipeline reference for scband-skip-gram-69939247448145 (READ-ONLY COPY).

The authoritative reference and input builder live on the scoring server;
editing this copy changes nothing except your own understanding.
"""

import jax, jax.numpy as jnp
import numpy as np

chinese_vocab_size = 10000  # hardcoded global in the original module
VOCAB_SIZE = 100000
EMBED_SIZE = 300
BATCH = 1024
SAMPLE_NUM = 5


def setup_inputs(seed: int = 0) -> dict:
    key = jax.random.key(seed)
    k1, k2, k3, k4 = jax.random.split(key, 4)
    # in_embed = nn.Embedding(embed_size, chinese_vocab_size) with weight.uniform_(-1, 1)
    in_weight = jax.random.uniform(k1, (EMBED_SIZE, chinese_vocab_size), minval=-1.0, maxval=1.0, dtype=jnp.float32)
    # out_embed = nn.Linear(vocab_size, embed_size) with weight.uniform_(-1, 1); default bias init
    out_weight = jax.random.uniform(k2, (EMBED_SIZE, VOCAB_SIZE), minval=-1.0, maxval=1.0, dtype=jnp.float32)
    bound = 1.0 / np.sqrt(VOCAB_SIZE)
    out_bias = jax.random.uniform(k3, (EMBED_SIZE,), minval=-bound, maxval=bound, dtype=jnp.float32)
    # noise_probs=None path in forward_noise -> torch.ones(vocab_size)
    noise_probs = jnp.ones((VOCAB_SIZE,), dtype=jnp.float32)
    # indices into in_embed must be < num_embeddings == embed_size (300) per the original (buggy) layout
    x = jax.random.randint(k4, (BATCH,), 0, EMBED_SIZE, dtype=jnp.int32)
    return {
        "x": x,
        "batch_size": BATCH,
        "sample_num": SAMPLE_NUM,
        "in_weight": in_weight,
        "out_weight": out_weight,
        "out_bias": out_bias,
        "noise_probs": noise_probs,
    }


def reference(x, batch_size, sample_num, in_weight, out_weight, out_bias, noise_probs):
    # forward_input: embedding lookup (gather)
    input_vector = jnp.take(in_weight, x, axis=0)  # [B, chinese_vocab_size]
    # forward_noise: multinomial sampling from noise distribution (with replacement)
    probs = noise_probs / jnp.sum(noise_probs)
    b = x.shape[0]
    s = SAMPLE_NUM
    noise_words = jax.random.categorical(
        jax.random.key(1), jnp.log(probs), shape=(b * s,)
    )  # [B * S] int indices in [0, vocab_size)
    # out_embed applied to indices == gather of one-hot rows through the Linear:
    # one_hot(idx) @ W^T + b == W[:, idx]^T + b
    noise_vector = (jnp.take(out_weight, noise_words, axis=1).T + out_bias).reshape(
        b, s, -1
    )  # [B, S, embed_size]
    noise_vector = noise_vector + 0.0 * (batch_size * sample_num)
    return input_vector, noise_vector

if __name__ == "__main__":
    import jax
    _d = setup_inputs()
    print(jax.jit(kernel)(*tuple(_d.values())))

</pallas_src>

<mosaic_0001>
#map = affine_map<(d0, d1) -> (0)>
module attributes {stable_mosaic.version = 14 : i64} {
  func.func @k(%arg0: i32, %arg1: i32, %arg2: memref<30000000xf32, #tpu.memory_space<hbm>>, %arg3: memref<5120xi32, #tpu.memory_space<hbm>>, %arg4: memref<384xf32, #tpu.memory_space<hbm>>, %arg5: memref<1536000xf32, #tpu.memory_space<hbm>>, %arg6: memref<176xi32, #tpu.memory_space<vmem>>, %arg7: memref<384xi32, #tpu.memory_space<vmem>>, %arg8: memref<3x128xi32, #tpu.memory_space<vmem>>, %arg9: memref<384xf32, #tpu.memory_space<vmem>>, %arg10: memref<384xf32, #tpu.memory_space<vmem>>, %arg11: memref<48016xf32, #tpu.memory_space<vmem>>, %arg12: memref<!tpu.dma_semaphore, #tpu.memory_space<semaphore_mem>>) attributes {dimension_semantics = [#tpu.dimension_semantics<core_parallel>, #tpu.dimension_semantics<subcore_parallel>], iteration_bounds = array<i64: 2, 16>, scalar_prefetch = 0 : i64, scratch_operands = 7 : i64, tpu.core_type = #tpu.core_type<sc_vector_subcore>, window_params = [{transform_indices = #map}, {transform_indices = #map}, {transform_indices = #map}, {transform_indices = #map}]} {
    %mul3A = arith.constant 2 : i32
    %mul3A_0 = arith.muli %arg1, %mul3A : i32
    %add3A = arith.addi %mul3A_0, %arg0 : i32
    %mul3A_1 = arith.constant 160 : i32
    %mul3A_2 = arith.muli %add3A, %mul3A_1 : i32
    "tpu.region"() ({
      %run_scoped3A = tpu.sem_alloc : memref<!tpu.dma_semaphore, #tpu.memory_space<semaphore_mem>>
      %dma_start3A = arith.constant 0 : i32
      %dma_start3A_413 = tpu.memref_slice %arg6[%dma_start3A] : memref<176xi32, #tpu.memory_space<vmem>> -> memref<160xi32, #tpu.memory_space<vmem>>
      %dma_start3A_414 = tpu.memref_slice %arg3[%mul3A_2] : memref<5120xi32, #tpu.memory_space<hbm>> -> memref<160xi32, #tpu.memory_space<hbm>>
      %dma_start3A_415 = arith.constant 0 : i32
      %dma_start3A_416 = tpu.memref_slice %arg6[%dma_start3A_415] : memref<176xi32, #tpu.memory_space<vmem>> -> memref<160xi32, #tpu.memory_space<vmem>>
      %dma_start3A_417 = tpu.memref_slice %arg3[%mul3A_2] : memref<5120xi32, #tpu.memory_space<hbm>> -> memref<160xi32, #tpu.memory_space<hbm>>
      tpu.enqueue_dma source(%dma_start3A_417 : memref<160xi32, #tpu.memory_space<hbm>>) target(%dma_start3A_416 : memref<160xi32, #tpu.memory_space<vmem>>) target_semaphore(%run_scoped3A : memref<!tpu.dma_semaphore, #tpu.memory_space<semaphore_mem>>)
      %dma_wait3A = arith.constant 0 : i32
      %dma_wait3A_418 = tpu.memref_slice %arg6[%dma_wait3A] : memref<176xi32, #tpu.memory_space<vmem>> -> memref<160xi32, #tpu.memory_space<vmem>>
      %dma_wait3A_419 = tpu.memref_slice %arg3[%mul3A_2] : memref<5120xi32, #tpu.memory_space<hbm>> -> memref<160xi32, #tpu.memory_space<hbm>>
      %dma_wait3A_420 = arith.constant 0 : i32
      %dma_wait3A_421 = tpu.memref_slice %arg6[%dma_wait3A_420] : memref<176xi32, #tpu.memory_space<vmem>> -> memref<160xi32, #tpu.memory_space<vmem>>
      %dma_wait3A_422 = tpu.memref_slice %arg3[%mul3A_2] : memref<5120xi32, #tpu.memory_space<hbm>> -> memref<160xi32, #tpu.memory_space<hbm>>
      tpu.wait_dma2 semaphore(%run_scoped3A : memref<!tpu.dma_semaphore, #tpu.memory_space<semaphore_mem>>) src(%dma_wait3A_422 : memref<160xi32, #tpu.memory_space<hbm>>) dst(%dma_wait3A_421 : memref<160xi32, #tpu.memory_space<vmem>>)
      tpu.yield
    }) : () -> ()
    "tpu.region"() ({
      %run_scoped3A = tpu.sem_alloc : memref<!tpu.dma_semaphore, #tpu.memory_space<semaphore_mem>>
      tpu.enqueue_dma source(%arg4 : memref<384xf32, #tpu.memory_space<hbm>>) target(%arg10 : memref<384xf32, #tpu.memory_space<vmem>>) target_semaphore(%run_scoped3A : memref<!tpu.dma_semaphore, #tpu.memory_space<semaphore_mem>>)
      tpu.wait_dma2 semaphore(%run_scoped3A : memref<!tpu.dma_semaphore, #tpu.memory_space<semaphore_mem>>) src(%arg4 : memref<384xf32, #tpu.memory_space<hbm>>) dst(%arg10 : memref<384xf32, #tpu.memory_space<vmem>>)
      tpu.yield
    }) : () -> ()
    %iota3A = tpu.iota {dimensions = array<i32: 0>} : vector<16xi32>
    %add3A_3 = arith.constant 0 : i32
    %add3A_4 = vector.broadcast %add3A_3 : i32 to vector<16xi32>
    %add3A_5 = arith.addi %iota3A, %add3A_4 : vector<16xi32>
    %lt3A = arith.constant 300 : i32
    %lt3A_6 = vector.broadcast %lt3A : i32 to vector<16xi32>
    %lt3A_7 = arith.cmpi slt, %add3A_5, %lt3A_6 : vector<16xi32>
    %mul3A_8 = arith.constant 100000 : i32
    %mul3A_9 = vector.broadcast %mul3A_8 : i32 to vector<16xi32>
    %mul3A_10 = arith.muli %add3A_5, %mul3A_9 : vector<16xi32>
    %jit3A = arith.constant 0 : i32
    %broadcast_in_dim3A = vector.broadcast %jit3A : i32 to vector<16xi32>
    %select_n3A = arith.select %lt3A_7, %mul3A_10, %broadcast_in_dim3A : vector<16xi1>, vector<16xi32>
    %swap3A = arith.constant 0 : index
    %swap3A_11 = tpu.vector_load %arg7[%swap3A] {strides = array<i32>} : memref<384xi32, #tpu.memory_space<vmem>>, vector<16xi32>,
    %swap3A_12 = vector.shape_cast %swap3A_11 : vector<16xi32> to vector<16xi32>
    %swap3A_13 = vector.shape_cast %select_n3A : vector<16xi32> to vector<16xi32>
    tpu.vector_store %arg7[%swap3A], %swap3A_13 {strides = array<i32>} : memref<384xi32, #tpu.memory_space<vmem>>, vector<16xi32>,
    %iota3A_14 = tpu.iota {dimensions = array<i32: 0>} : vector<16xi32>
    %add3A_15 = arith.constant 16 : i32
    %add3A_16 = vector.broadcast %add3A_15 : i32 to vector<16xi32>
    %add3A_17 = arith.addi %iota3A_14, %add3A_16 : vector<16xi32>
    %lt3A_18 = arith.constant 300 : i32
    %lt3A_19 = vector.broadcast %lt3A_18 : i32 to vector<16xi32>
    %lt3A_20 = arith.cmpi slt, %add3A_17, %lt3A_19 : vector<16xi32>
    %mul3A_21 = arith.constant 100000 : i32
    %mul3A_22 = vector.broadcast %mul3A_21 : i32 to vector<16xi32>
    %mul3A_23 = arith.muli %add3A_17, %mul3A_22 : vector<16xi32>
    %jit3A_24 = arith.constant 0 : i32
    %broadcast_in_dim3A_25 = vector.broadcast %jit3A_24 : i32 to vector<16xi32>
    %select_n3A_26 = arith.select %lt3A_20, %mul3A_23, %broadcast_in_dim3A_25 : vector<16xi1>, vector<16xi32>
    %swap3A_27 = arith.constant 16 : index
    %swap3A_28 = tpu.vector_load %arg7[%swap3A_27] {strides = array<i32>} : memref<384xi32, #tpu.memory_space<vmem>>, vector<16xi32>,
    %swap3A_29 = vector.shape_cast %swap3A_28 : vector<16xi32> to vector<16xi32>
    %swap3A_30 = vector.shape_cast %select_n3A_26 : vector<16xi32> to vector<16xi32>
    tpu.vector_store %arg7[%swap3A_27], %swap3A_30 {strides = array<i32>} : memref<384xi32, #tpu.memory_space<vmem>>, vector<16xi32>,
    %iota3A_31 = tpu.iota {dimensions = array<i32: 0>} : vector<16xi32>
    %add3A_32 = arith.constant 32 : i32
    %add3A_33 = vector.broadcast %add3A_32 : i32 to vector<16xi32>
    %add3A_34 = arith.addi %iota3A_31, %add3A_33 : vector<16xi32>
    %lt3A_35 = arith.constant 300 : i32
    %lt3A_36 = vector.broadcast %lt3A_35 : i32 to vector<16xi32>
    %lt3A_37 = arith.cmpi slt, %add3A_34, %lt3A_36 : vector<16xi32>
    %mul3A_38 = arith.constant 100000 : i32
    %mul3A_39 = vector.broadcast %mul3A_38 : i32 to vector<16xi32>
    %mul3A_40 = arith.muli %add3A_34, %mul3A_39 : vector<16xi32>
    %jit3A_41 = arith.constant 0 : i32
    %broadcast_in_dim3A_42 = vector.broadcast %jit3A_41 : i32 to vector<16xi32>
    %select_n3A_43 = arith.select %lt3A_37, %mul3A_40, %broadcast_in_dim3A_42 : vector<16xi1>, vector<16xi32>
    %swap3A_44 = arith.constant 32 : index
    %swap3A_45 = tpu.vector_load %arg7[%swap3A_44] {strides = array<i32>} : memref<384xi32, #tpu.memory_space<vmem>>, vector<16xi32>,
    %swap3A_46 = vector.shape_cast %swap3A_45 : vector<16xi32> to vector<16xi32>
    %swap3A_47 = vector.shape_cast %select_n3A_43 : vector<16xi32> to vector<16xi32>
    tpu.vector_store %arg7[%swap3A_44], %swap3A_47 {strides = array<i32>} : memref<384xi32, #tpu.memory_space<vmem>>, vector<16xi32>,
    %iota3A_48 = tpu.iota {dimensions = array<i32: 0>} : vector<16xi32>
    %add3A_49 = arith.constant 48 : i32
    %add3A_50 = vector.broadcast %add3A_49 : i32 to vector<16xi32>
    %add3A_51 = arith.addi %iota3A_48, %add3A_50 : vector<16xi32>
    %lt3A_52 = arith.constant 300 : i32
    %lt3A_53 = vector.broadcast %lt3A_52 : i32 to vector<16xi32>
    %lt3A_54 = arith.cmpi slt, %add3A_51, %lt3A_53 : vector<16xi32>
    %mul3A_55 = arith.constant 100000 : i32
    %mul3A_56 = vector.broadcast %mul3A_55 : i32 to vector<16xi32>
    %mul3A_57 = arith.muli %add3A_51, %mul3A_56 : vector<16xi32>
    %jit3A_58 = arith.constant 0 : i32
    %broadcast_in_dim3A_59 = vector.broadcast %jit3A_58 : i32 to vector<16xi32>
    %select_n3A_60 = arith.select %lt3A_54, %mul3A_57, %broadcast_in_dim3A_59 : vector<16xi1>, vector<16xi32>
    %swap3A_61 = arith.constant 48 : index
    %swap3A_62 = tpu.vector_load %arg7[%swap3A_61] {strides = array<i32>} : memref<384xi32, #tpu.memory_space<vmem>>, vector<16xi32>,
    %swap3A_63 = vector.shape_cast %swap3A_62 : vector<16xi32> to vector<16xi32>
    %swap3A_64 = vector.shape_cast %select_n3A_60 : vector<16xi32> to vector<16xi32>
    tpu.vector_store %arg7[%swap3A_61], %swap3A_64 {strides = array<i32>} : memref<384xi32, #tpu.memory_space<vmem>>, vector<16xi32>,
    %iota3A_65 = tpu.iota {dimensions = array<i32: 0>} : vector<16xi32>
    %add3A_66 = arith.constant 64 : i32
    %add3A_67 = vector.broadcast %add3A_66 : i32 to vector<16xi32>
    %add3A_68 = arith.addi %iota3A_65, %add3A_67 : vector<16xi32>
    %lt3A_69 = arith.constant 300 : i32
    %lt3A_70 = vector.broadcast %lt3A_69 : i32 to vector<16xi32>
    %lt3A_71 = arith.cmpi slt, %add3A_68, %lt3A_70 : vector<16xi32>
    %mul3A_72 = arith.constant 100000 : i32
    %mul3A_73 = vector.broadcast %mul3A_72 : i32 to vector<16xi32>
    %mul3A_74 = arith.muli %add3A_68, %mul3A_73 : vector<16xi32>
    %jit3A_75 = arith.constant 0 : i32
    %broadcast_in_dim3A_76 = vector.broadcast %jit3A_75 : i32 to vector<16xi32>
    %select_n3A_77 = arith.select %lt3A_71, %mul3A_74, %broadcast_in_dim3A_76 : vector<16xi1>, vector<16xi32>
    %swap3A_78 = arith.constant 64 : index
    %swap3A_79 = tpu.vector_load %arg7[%swap3A_78] {strides = array<i32>} : memref<384xi32, #tpu.memory_space<vmem>>, vector<16xi32>,
    %swap3A_80 = vector.shape_cast %swap3A_79 : vector<16xi32> to vector<16xi32>
    %swap3A_81 = vector.shape_cast %select_n3A_77 : vector<16xi32> to vector<16xi32>
    tpu.vector_store %arg7[%swap3A_78], %swap3A_81 {strides = array<i32>} : memref<384xi32, #tpu.memory_space<vmem>>, vector<16xi32>,
    %iota3A_82 = tpu.iota {dimensions = array<i32: 0>} : vector<16xi32>
    %add3A_83 = arith.constant 80 : i32
    %add3A_84 = vector.broadcast %add3A_83 : i32 to vector<16xi32>
    %add3A_85 = arith.addi %iota3A_82, %add3A_84 : vector<16xi32>
    %lt3A_86 = arith.constant 300 : i32
    %lt3A_87 = vector.broadcast %lt3A_86 : i32 to vector<16xi32>
    %lt3A_88 = arith.cmpi slt, %add3A_85, %lt3A_87 : vector<16xi32>
    %mul3A_89 = arith.constant 100000 : i32
    %mul3A_90 = vector.broadcast %mul3A_89 : i32 to vector<16xi32>
    %mul3A_91 = arith.muli %add3A_85, %mul3A_90 : vector<16xi32>
    %jit3A_92 = arith.constant 0 : i32
    %broadcast_in_dim3A_93 = vector.broadcast %jit3A_92 : i32 to vector<16xi32>
    %select_n3A_94 = arith.select %lt3A_88, %mul3A_91, %broadcast_in_dim3A_93 : vector<16xi1>, vector<16xi32>
    %swap3A_95 = arith.constant 80 : index
    %swap3A_96 = tpu.vector_load %arg7[%swap3A_95] {strides = array<i32>} : memref<384xi32, #tpu.memory_space<vmem>>, vector<16xi32>,
    %swap3A_97 = vector.shape_cast %swap3A_96 : vector<16xi32> to vector<16xi32>
    %swap3A_98 = vector.shape_cast %select_n3A_94 : vector<16xi32> to vector<16xi32>
    tpu.vector_store %arg7[%swap3A_95], %swap3A_98 {strides = array<i32>} : memref<384xi32, #tpu.memory_space<vmem>>, vector<16xi32>,
    %iota3A_99 = tpu.iota {dimensions = array<i32: 0>} : vector<16xi32>
    %add3A_100 = arith.constant 96 : i32
    %add3A_101 = vector.broadcast %add3A_100 : i32 to vector<16xi32>
    %add3A_102 = arith.addi %iota3A_99, %add3A_101 : vector<16xi32>
    %lt3A_103 = arith.constant 300 : i32
    %lt3A_104 = vector.broadcast %lt3A_103 : i32 to vector<16xi32>
    %lt3A_105 = arith.cmpi slt, %add3A_102, %lt3A_104 : vector<16xi32>
    %mul3A_106 = arith.constant 100000 : i32
    %mul3A_107 = vector.broadcast %mul3A_106 : i32 to vector<16xi32>
    %mul3A_108 = arith.muli %add3A_102, %mul3A_107 : vector<16xi32>
    %jit3A_109 = arith.constant 0 : i32
    %broadcast_in_dim3A_110 = vector.broadcast %jit3A_109 : i32 to vector<16xi32>
    %select_n3A_111 = arith.select %lt3A_105, %mul3A_108, %broadcast_in_dim3A_110 : vector<16xi1>, vector<16xi32>
    %swap3A_112 = arith.constant 96 : index
    %swap3A_113 = tpu.vector_load %arg7[%swap3A_112] {strides = array<i32>} : memref<384xi32, #tpu.memory_space<vmem>>, vector<16xi32>,
    %swap3A_114 = vector.shape_cast %swap3A_113 : vector<16xi32> to vector<16xi32>
    %swap3A_115 = vector.shape_cast %select_n3A_111 : vector<16xi32> to vector<16xi32>
    tpu.vector_store %arg7[%swap3A_112], %swap3A_115 {strides = array<i32>} : memref<384xi32, #tpu.memory_space<vmem>>, vector<16xi32>,
    %iota3A_116 = tpu.iota {dimensions = array<i32: 0>} : vector<16xi32>
    %add3A_117 = arith.constant 112 : i32
    %add3A_118 = vector.broadcast %add3A_117 : i32 to vector<16xi32>
    %add3A_119 = arith.addi %iota3A_116, %add3A_118 : vector<16xi32>
    %lt3A_120 = arith.constant 300 : i32
    %lt3A_121 = vector.broadcast %lt3A_120 : i32 to vector<16xi32>
    %lt3A_122 = arith.cmpi slt, %add3A_119, %lt3A_121 : vector<16xi32>
    %mul3A_123 = arith.constant 100000 : i32
    %mul3A_124 = vector.broadcast %mul3A_123 : i32 to vector<16xi32>
    %mul3A_125 = arith.muli %add3A_119, %mul3A_124 : vector<16xi32>
    %jit3A_126 = arith.constant 0 : i32
    %broadcast_in_dim3A_127 = vector.broadcast %jit3A_126 : i32 to vector<16xi32>
    %select_n3A_128 = arith.select %lt3A_122, %mul3A_125, %broadcast_in_dim3A_127 : vector<16xi1>, vector<16xi32>
    %swap3A_129 = arith.constant 112 : index
    %swap3A_130 = tpu.vector_load %arg7[%swap3A_129] {strides = array<i32>} : memref<384xi32, #tpu.memory_space<vmem>>, vector<16xi32>,
    %swap3A_131 = vector.shape_cast %swap3A_130 : vector<16xi32> to vector<16xi32>
    %swap3A_132 = vector.shape_cast %select_n3A_128 : vector<16xi32> to vector<16xi32>
    tpu.vector_store %arg7[%swap3A_129], %swap3A_132 {strides = array<i32>} : memref<384xi32, #tpu.memory_space<vmem>>, vector<16xi32>,
    %iota3A_133 = tpu.iota {dimensions = array<i32: 0>} : vector<16xi32>
    %add3A_134 = arith.constant 128 : i32
    %add3A_135 = vector.broadcast %add3A_134 : i32 to vector<16xi32>
    %add3A_136 = arith.addi %iota3A_133, %add3A_135 : vector<16xi32>
    %lt3A_137 = arith.constant 300 : i32
    %lt3A_138 = vector.broadcast %lt3A_137 : i32 to vector<16xi32>
    %lt3A_139 = arith.cmpi slt, %add3A_136, %lt3A_138 : vector<16xi32>
    %mul3A_140 = arith.constant 100000 : i32
    %mul3A_141 = vector.broadcast %mul3A_140 : i32 to vector<16xi32>
    %mul3A_142 = arith.muli %add3A_136, %mul3A_141 : vector<16xi32>
    %jit3A_143 = arith.constant 0 : i32
    %broadcast_in_dim3A_144 = vector.broadcast %jit3A_143 : i32 to vector<16xi32>
    %select_n3A_145 = arith.select %lt3A_139, %mul3A_142, %broadcast_in_dim3A_144 : vector<16xi1>, vector<16xi32>
    %swap3A_146 = arith.constant 128 : index
    %swap3A_147 = tpu.vector_load %arg7[%swap3A_146] {strides = array<i32>} : memref<384xi32, #tpu.memory_space<vmem>>, vector<16xi32>,
    %swap3A_148 = vector.shape_cast %swap3A_147 : vector<16xi32> to vector<16xi32>
    %swap3A_149 = vector.shape_cast %select_n3A_145 : vector<16xi32> to vector<16xi32>
    tpu.vector_store %arg7[%swap3A_146], %swap3A_149 {strides = array<i32>} : memref<384xi32, #tpu.memory_space<vmem>>, vector<16xi32>,
    %iota3A_150 = tpu.iota {dimensions = array<i32: 0>} : vector<16xi32>
    %add3A_151 = arith.constant 144 : i32
    %add3A_152 = vector.broadcast %add3A_151 : i32 to vector<16xi32>
    %add3A_153 = arith.addi %iota3A_150, %add3A_152 : vector<16xi32>
    %lt3A_154 = arith.constant 300 : i32
    %lt3A_155 = vector.broadcast %lt3A_154 : i32 to vector<16xi32>
    %lt3A_156 = arith.cmpi slt, %add3A_153, %lt3A_155 : vector<16xi32>
    %mul3A_157 = arith.constant 100000 : i32
    %mul3A_158 = vector.broadcast %mul3A_157 : i32 to vector<16xi32>
    %mul3A_159 = arith.muli %add3A_153, %mul3A_158 : vector<16xi32>
    %jit3A_160 = arith.constant 0 : i32
    %broadcast_in_dim3A_161 = vector.broadcast %jit3A_160 : i32 to vector<16xi32>
    %select_n3A_162 = arith.select %lt3A_156, %mul3A_159, %broadcast_in_dim3A_161 : vector<16xi1>, vector<16xi32>
    %swap3A_163 = arith.constant 144 : index
    %swap3A_164 = tpu.vector_load %arg7[%swap3A_163] {strides = array<i32>} : memref<384xi32, #tpu.memory_space<vmem>>, vector<16xi32>,
    %swap3A_165 = vector.shape_cast %swap3A_164 : vector<16xi32> to vector<16xi32>
    %swap3A_166 = vector.shape_cast %select_n3A_162 : vector<16xi32> to vector<16xi32>
    tpu.vector_store %arg7[%swap3A_163], %swap3A_166 {strides = array<i32>} : memref<384xi32, #tpu.memory_space<vmem>>, vector<16xi32>,
    %iota3A_167 = tpu.iota {dimensions = array<i32: 0>} : vector<16xi32>
    %add3A_168 = arith.constant 160 : i32
    %add3A_169 = vector.broadcast %add3A_168 : i32 to vector<16xi32>
    %add3A_170 = arith.addi %iota3A_167, %add3A_169 : vector<16xi32>
    %lt3A_171 = arith.constant 300 : i32
    %lt3A_172 = vector.broadcast %lt3A_171 : i32 to vector<16xi32>
    %lt3A_173 = arith.cmpi slt, %add3A_170, %lt3A_172 : vector<16xi32>
    %mul3A_174 = arith.constant 100000 : i32
    %mul3A_175 = vector.broadcast %mul3A_174 : i32 to vector<16xi32>
    %mul3A_176 = arith.muli %add3A_170, %mul3A_175 : vector<16xi32>
    %jit3A_177 = arith.constant 0 : i32
    %broadcast_in_dim3A_178 = vector.broadcast %jit3A_177 : i32 to vector<16xi32>
    %select_n3A_179 = arith.select %lt3A_173, %mul3A_176, %broadcast_in_dim3A_178 : vector<16xi1>, vector<16xi32>
    %swap3A_180 = arith.constant 160 : index
    %swap3A_181 = tpu.vector_load %arg7[%swap3A_180] {strides = array<i32>} : memref<384xi32, #tpu.memory_space<vmem>>, vector<16xi32>,
    %swap3A_182 = vector.shape_cast %swap3A_181 : vector<16xi32> to vector<16xi32>
    %swap3A_183 = vector.shape_cast %select_n3A_179 : vector<16xi32> to vector<16xi32>
    tpu.vector_store %arg7[%swap3A_180], %swap3A_183 {strides = array<i32>} : memref<384xi32, #tpu.memory_space<vmem>>, vector<16xi32>,
    %iota3A_184 = tpu.iota {dimensions = array<i32: 0>} : vector<16xi32>
    %add3A_185 = arith.constant 176 : i32
    %add3A_186 = vector.broadcast %add3A_185 : i32 to vector<16xi32>
    %add3A_187 = arith.addi %iota3A_184, %add3A_186 : vector<16xi32>
    %lt3A_188 = arith.constant 300 : i32
    %lt3A_189 = vector.broadcast %lt3A_188 : i32 to vector<16xi32>
    %lt3A_190 = arith.cmpi slt, %add3A_187, %lt3A_189 : vector<16xi32>
    %mul3A_191 = arith.constant 100000 : i32
    %mul3A_192 = vector.broadcast %mul3A_191 : i32 to vector<16xi32>
    %mul3A_193 = arith.muli %add3A_187, %mul3A_192 : vector<16xi32>
    %jit3A_194 = arith.constant 0 : i32
    %broadcast_in_dim3A_195 = vector.broadcast %jit3A_194 : i32 to vector<16xi32>
    %select_n3A_196 = arith.select %lt3A_190, %mul3A_193, %broadcast_in_dim3A_195 : vector<16xi1>, vector<16xi32>
    %swap3A_197 = arith.constant 176 : index
    %swap3A_198 = tpu.vector_load %arg7[%swap3A_197] {strides = array<i32>} : memref<384xi32, #tpu.memory_space<vmem>>, vector<16xi32>,
    %swap3A_199 = vector.shape_cast %swap3A_198 : vector<16xi32> to vector<16xi32>
    %swap3A_200 = vector.shape_cast %select_n3A_196 : vector<16xi32> to vector<16xi32>
    tpu.vector_store %arg7[%swap3A_197], %swap3A_200 {strides = array<i32>} : memref<384xi32, #tpu.memory_space<vmem>>, vector<16xi32>,
    %iota3A_201 = tpu.iota {dimensions = array<i32: 0>} : vector<16xi32>
    %add3A_202 = arith.constant 192 : i32
    %add3A_203 = vector.broadcast %add3A_202 : i32 to vector<16xi32>
    %add3A_204 = arith.addi %iota3A_201, %add3A_203 : vector<16xi32>
    %lt3A_205 = arith.constant 300 : i32
    %lt3A_206 = vector.broadcast %lt3A_205 : i32 to vector<16xi32>
    %lt3A_207 = arith.cmpi slt, %add3A_204, %lt3A_206 : vector<16xi32>
    %mul3A_208 = arith.constant 100000 : i32
    %mul3A_209 = vector.broadcast %mul3A_208 : i32 to vector<16xi32>
    %mul3A_210 = arith.muli %add3A_204, %mul3A_209 : vector<16xi32>
    %jit3A_211 = arith.constant 0 : i32
    %broadcast_in_dim3A_212 = vector.broadcast %jit3A_211 : i32 to vector<16xi32>
    %select_n3A_213 = arith.select %lt3A_207, %mul3A_210, %broadcast_in_dim3A_212 : vector<16xi1>, vector<16xi32>
    %swap3A_214 = arith.constant 192 : index
    %swap3A_215 = tpu.vector_load %arg7[%swap3A_214] {strides = array<i32>} : memref<384xi32, #tpu.memory_space<vmem>>, vector<16xi32>,
    %swap3A_216 = vector.shape_cast %swap3A_215 : vector<16xi32> to vector<16xi32>
    %swap3A_217 = vector.shape_cast %select_n3A_213 : vector<16xi32> to vector<16xi32>
    tpu.vector_store %arg7[%swap3A_214], %swap3A_217 {strides = array<i32>} : memref<384xi32, #tpu.memory_space<vmem>>, vector<16xi32>,
    %iota3A_218 = tpu.iota {dimensions = array<i32: 0>} : vector<16xi32>
    %add3A_219 = arith.constant 208 : i32
    %add3A_220 = vector.broadcast %add3A_219 : i32 to vector<16xi32>
    %add3A_221 = arith.addi %iota3A_218, %add3A_220 : vector<16xi32>
    %lt3A_222 = arith.constant 300 : i32
    %lt3A_223 = vector.broadcast %lt3A_222 : i32 to vector<16xi32>
    %lt3A_224 = arith.cmpi slt, %add3A_221, %lt3A_223 : vector<16xi32>
    %mul3A_225 = arith.constant 100000 : i32
    %mul3A_226 = vector.broadcast %mul3A_225 : i32 to vector<16xi32>
    %mul3A_227 = arith.muli %add3A_221, %mul3A_226 : vector<16xi32>
    %jit3A_228 = arith.constant 0 : i32
    %broadcast_in_dim3A_229 = vector.broadcast %jit3A_228 : i32 to vector<16xi32>
    %select_n3A_230 = arith.select %lt3A_224, %mul3A_227, %broadcast_in_dim3A_229 : vector<16xi1>, vector<16xi32>
    %swap3A_231 = arith.constant 208 : index
    %swap3A_232 = tpu.vector_load %arg7[%swap3A_231] {strides = array<i32>} : memref<384xi32, #tpu.memory_space<vmem>>, vector<16xi32>,
    %swap3A_233 = vector.shape_cast %swap3A_232 : vector<16xi32> to vector<16xi32>
    %swap3A_234 = vector.shape_cast %select_n3A_230 : vector<16xi32> to vector<16xi32>
    tpu.vector_store %arg7[%swap3A_231], %swap3A_234 {strides = array<i32>} : memref<384xi32, #tpu.memory_space<vmem>>, vector<16xi32>,
    %iota3A_235 = tpu.iota {dimensions = array<i32: 0>} : vector<16xi32>
    %add3A_236 = arith.constant 224 : i32
    %add3A_237 = vector.broadcast %add3A_236 : i32 to vector<16xi32>
    %add3A_238 = arith.addi %iota3A_235, %add3A_237 : vector<16xi32>
    %lt3A_239 = arith.constant 300 : i32
    %lt3A_240 = vector.broadcast %lt3A_239 : i32 to vector<16xi32>
    %lt3A_241 = arith.cmpi slt, %add3A_238, %lt3A_240 : vector<16xi32>
    %mul3A_242 = arith.constant 100000 : i32
    %mul3A_243 = vector.broadcast %mul3A_242 : i32 to vector<16xi32>
    %mul3A_244 = arith.muli %add3A_238, %mul3A_243 : vector<16xi32>
    %jit3A_245 = arith.constant 0 : i32
    %broadcast_in_dim3A_246 = vector.broadcast %jit3A_245 : i32 to vector<16xi32>
    %select_n3A_247 = arith.select %lt3A_241, %mul3A_244, %broadcast_in_dim3A_246 : vector<16xi1>, vector<16xi32>
    %swap3A_248 = arith.constant 224 : index
    %swap3A_249 = tpu.vector_load %arg7[%swap3A_248] {strides = array<i32>} : memref<384xi32, #tpu.memory_space<vmem>>, vector<16xi32>,
    %swap3A_250 = vector.shape_cast %swap3A_249 : vector<16xi32> to vector<16xi32>
    %swap3A_251 = vector.shape_cast %select_n3A_247 : vector<16xi32> to vector<16xi32>
    tpu.vector_store %arg7[%swap3A_248], %swap3A_251 {strides = array<i32>} : memref<384xi32, #tpu.memory_space<vmem>>, vector<16xi32>,
    %iota3A_252 = tpu.iota {dimensions = array<i32: 0>} : vector<16xi32>
    %add3A_253 = arith.constant 240 : i32
    %add3A_254 = vector.broadcast %add3A_253 : i32 to vector<16xi32>
    %add3A_255 = arith.addi %iota3A_252, %add3A_254 : vector<16xi32>
    %lt3A_256 = arith.constant 300 : i32
    %lt3A_257 = vector.broadcast %lt3A_256 : i32 to vector<16xi32>
    %lt3A_258 = arith.cmpi slt, %add3A_255, %lt3A_257 : vector<16xi32>
    %mul3A_259 = arith.constant 100000 : i32
    %mul3A_260 = vector.broadcast %mul3A_259 : i32 to vector<16xi32>
    %mul3A_261 = arith.muli %add3A_255, %mul3A_260 : vector<16xi32>
    %jit3A_262 = arith.constant 0 : i32
    %broadcast_in_dim3A_263 = vector.broadcast %jit3A_262 : i32 to vector<16xi32>
    %select_n3A_264 = arith.select %lt3A_258, %mul3A_261, %broadcast_in_dim3A_263 : vector<16xi1>, vector<16xi32>
    %swap3A_265 = arith.constant 240 : index
    %swap3A_266 = tpu.vector_load %arg7[%swap3A_265] {strides = array<i32>} : memref<384xi32, #tpu.memory_space<vmem>>, vector<16xi32>,
    %swap3A_267 = vector.shape_cast %swap3A_266 : vector<16xi32> to vector<16xi32>
    %swap3A_268 = vector.shape_cast %select_n3A_264 : vector<16xi32> to vector<16xi32>
    tpu.vector_store %arg7[%swap3A_265], %swap3A_268 {strides = array<i32>} : memref<384xi32, #tpu.memory_space<vmem>>, vector<16xi32>,
    %iota3A_269 = tpu.iota {dimensions = array<i32: 0>} : vector<16xi32>
    %add3A_270 = arith.constant 256 : i32
    %add3A_271 = vector.broadcast %add3A_270 : i32 to vector<16xi32>
    %add3A_272 = arith.addi %iota3A_269, %add3A_271 : vector<16xi32>
    %lt3A_273 = arith.constant 300 : i32
    %lt3A_274 = vector.broadcast %lt3A_273 : i32 to vector<16xi32>
    %lt3A_275 = arith.cmpi slt, %add3A_272, %lt3A_274 : vector<16xi32>
    %mul3A_276 = arith.constant 100000 : i32
    %mul3A_277 = vector.broadcast %mul3A_276 : i32 to vector<16xi32>
    %mul3A_278 = arith.muli %add3A_272, %mul3A_277 : vector<16xi32>
    %jit3A_279 = arith.constant 0 : i32
    %broadcast_in_dim3A_280 = vector.broadcast %jit3A_279 : i32 to vector<16xi32>
    %select_n3A_281 = arith.select %lt3A_275, %mul3A_278, %broadcast_in_dim3A_280 : vector<16xi1>, vector<16xi32>
    %swap3A_282 = arith.constant 256 : index
    %swap3A_283 = tpu.vector_load %arg7[%swap3A_282] {strides = array<i32>} : memref<384xi32, #tpu.memory_space<vmem>>, vector<16xi32>,
    %swap3A_284 = vector.shape_cast %swap3A_283 : vector<16xi32> to vector<16xi32>
    %swap3A_285 = vector.shape_cast %select_n3A_281 : vector<16xi32> to vector<16xi32>
    tpu.vector_store %arg7[%swap3A_282], %swap3A_285 {strides = array<i32>} : memref<384xi32, #tpu.memory_space<vmem>>, vector<16xi32>,
    %iota3A_286 = tpu.iota {dimensions = array<i32: 0>} : vector<16xi32>
    %add3A_287 = arith.constant 272 : i32
    %add3A_288 = vector.broadcast %add3A_287 : i32 to vector<16xi32>
    %add3A_289 = arith.addi %iota3A_286, %add3A_288 : vector<16xi32>
    %lt3A_290 = arith.constant 300 : i32
    %lt3A_291 = vector.broadcast %lt3A_290 : i32 to vector<16xi32>
    %lt3A_292 = arith.cmpi slt, %add3A_289, %lt3A_291 : vector<16xi32>
    %mul3A_293 = arith.constant 100000 : i32
    %mul3A_294 = vector.broadcast %mul3A_293 : i32 to vector<16xi32>
    %mul3A_295 = arith.muli %add3A_289, %mul3A_294 : vector<16xi32>
    %jit3A_296 = arith.constant 0 : i32
    %broadcast_in_dim3A_297 = vector.broadcast %jit3A_296 : i32 to vector<16xi32>
    %select_n3A_298 = arith.select %lt3A_292, %mul3A_295, %broadcast_in_dim3A_297 : vector<16xi1>, vector<16xi32>
    %swap3A_299 = arith.constant 272 : index
    %swap3A_300 = tpu.vector_load %arg7[%swap3A_299] {strides = array<i32>} : memref<384xi32, #tpu.memory_space<vmem>>, vector<16xi32>,
    %swap3A_301 = vector.shape_cast %swap3A_300 : vector<16xi32> to vector<16xi32>
    %swap3A_302 = vector.shape_cast %select_n3A_298 : vector<16xi32> to vector<16xi32>
    tpu.vector_store %arg7[%swap3A_299], %swap3A_302 {strides = array<i32>} : memref<384xi32, #tpu.memory_space<vmem>>, vector<16xi32>,
    %iota3A_303 = tpu.iota {dimensions = array<i32: 0>} : vector<16xi32>
    %add3A_304 = arith.constant 288 : i32
    %add3A_305 = vector.broadcast %add3A_304 : i32 to vector<16xi32>
    %add3A_306 = arith.addi %iota3A_303, %add3A_305 : vector<16xi32>
    %lt3A_307 = arith.constant 300 : i32
    %lt3A_308 = vector.broadcast %lt3A_307 : i32 to vector<16xi32>
    %lt3A_309 = arith.cmpi slt, %add3A_306, %lt3A_308 : vector<16xi32>
    %mul3A_310 = arith.constant 100000 : i32
    %mul3A_311 = vector.broadcast %mul3A_310 : i32 to vector<16xi32>
    %mul3A_312 = arith.muli %add3A_306, %mul3A_311 : vector<16xi32>
    %jit3A_313 = arith.constant 0 : i32
    %broadcast_in_dim3A_314 = vector.broadcast %jit3A_313 : i32 to vector<16xi32>
    %select_n3A_315 = arith.select %lt3A_309, %mul3A_312, %broadcast_in_dim3A_314 : vector<16xi1>, vector<16xi32>
    %swap3A_316 = arith.constant 288 : index
    %swap3A_317 = tpu.vector_load %arg7[%swap3A_316] {strides = array<i32>} : memref<384xi32, #tpu.memory_space<vmem>>, vector<16xi32>,
    %swap3A_318 = vector.shape_cast %swap3A_317 : vector<16xi32> to vector<16xi32>
    %swap3A_319 = vector.shape_cast %select_n3A_315 : vector<16xi32> to vector<16xi32>
    tpu.vector_store %arg7[%swap3A_316], %swap3A_319 {strides = array<i32>} : memref<384xi32, #tpu.memory_space<vmem>>, vector<16xi32>,
    %iota3A_320 = tpu.iota {dimensions = array<i32: 0>} : vector<16xi32>
    %add3A_321 = arith.constant 304 : i32
    %add3A_322 = vector.broadcast %add3A_321 : i32 to vector<16xi32>
    %add3A_323 = arith.addi %iota3A_320, %add3A_322 : vector<16xi32>
    %lt3A_324 = arith.constant 300 : i32
    %lt3A_325 = vector.broadcast %lt3A_324 : i32 to vector<16xi32>
    %lt3A_326 = arith.cmpi slt, %add3A_323, %lt3A_325 : vector<16xi32>
    %mul3A_327 = arith.constant 100000 : i32
    %mul3A_328 = vector.broadcast %mul3A_327 : i32 to vector<16xi32>
    %mul3A_329 = arith.muli %add3A_323, %mul3A_328 : vector<16xi32>
    %jit3A_330 = arith.constant 0 : i32
    %broadcast_in_dim3A_331 = vector.broadcast %jit3A_330 : i32 to vector<16xi32>
    %select_n3A_332 = arith.select %lt3A_326, %mul3A_329, %broadcast_in_dim3A_331 : vector<16xi1>, vector<16xi32>
    %swap3A_333 = arith.constant 304 : index
    %swap3A_334 = tpu.vector_load %arg7[%swap3A_333] {strides = array<i32>} : memref<384xi32, #tpu.memory_space<vmem>>, vector<16xi32>,
    %swap3A_335 = vector.shape_cast %swap3A_334 : vector<16xi32> to vector<16xi32>
    %swap3A_336 = vector.shape_cast %select_n3A_332 : vector<16xi32> to vector<16xi32>
    tpu.vector_store %arg7[%swap3A_333], %swap3A_336 {strides = array<i32>} : memref<384xi32, #tpu.memory_space<vmem>>, vector<16xi32>,
    %iota3A_337 = tpu.iota {dimensions = array<i32: 0>} : vector<16xi32>
    %add3A_338 = arith.constant 320 : i32
    %add3A_339 = vector.broadcast %add3A_338 : i32 to vector<16xi32>
    %add3A_340 = arith.addi %iota3A_337, %add3A_339 : vector<16xi32>
    %lt3A_341 = arith.constant 300 : i32
    %lt3A_342 = vector.broadcast %lt3A_341 : i32 to vector<16xi32>
    %lt3A_343 = arith.cmpi slt, %add3A_340, %lt3A_342 : vector<16xi32>
    %mul3A_344 = arith.constant 100000 : i32
    %mul3A_345 = vector.broadcast %mul3A_344 : i32 to vector<16xi32>
    %mul3A_346 = arith.muli %add3A_340, %mul3A_345 : vector<16xi32>
    %jit3A_347 = arith.constant 0 : i32
    %broadcast_in_dim3A_348 = vector.broadcast %jit3A_347 : i32 to vector<16xi32>
    %select_n3A_349 = arith.select %lt3A_343, %mul3A_346, %broadcast_in_dim3A_348 : vector<16xi1>, vector<16xi32>
    %swap3A_350 = arith.constant 320 : index
    %swap3A_351 = tpu.vector_load %arg7[%swap3A_350] {strides = array<i32>} : memref<384xi32, #tpu.memory_space<vmem>>, vector<16xi32>,
    %swap3A_352 = vector.shape_cast %swap3A_351 : vector<16xi32> to vector<16xi32>
    %swap3A_353 = vector.shape_cast %select_n3A_349 : vector<16xi32> to vector<16xi32>
    tpu.vector_store %arg7[%swap3A_350], %swap3A_353 {strides = array<i32>} : memref<384xi32, #tpu.memory_space<vmem>>, vector<16xi32>,
    %iota3A_354 = tpu.iota {dimensions = array<i32: 0>} : vector<16xi32>
    %add3A_355 = arith.constant 336 : i32
    %add3A_356 = vector.broadcast %add3A_355 : i32 to vector<16xi32>
    %add3A_357 = arith.addi %iota3A_354, %add3A_356 : vector<16xi32>
    %lt3A_358 = arith.constant 300 : i32
    %lt3A_359 = vector.broadcast %lt3A_358 : i32 to vector<16xi32>
    %lt3A_360 = arith.cmpi slt, %add3A_357, %lt3A_359 : vector<16xi32>
    %mul3A_361 = arith.constant 100000 : i32
    %mul3A_362 = vector.broadcast %mul3A_361 : i32 to vector<16xi32>
    %mul3A_363 = arith.muli %add3A_357, %mul3A_362 : vector<16xi32>
    %jit3A_364 = arith.constant 0 : i32
    %broadcast_in_dim3A_365 = vector.broadcast %jit3A_364 : i32 to vector<16xi32>
    %select_n3A_366 = arith.select %lt3A_360, %mul3A_363, %broadcast_in_dim3A_365 : vector<16xi1>, vector<16xi32>
    %swap3A_367 = arith.constant 336 : index
    %swap3A_368 = tpu.vector_load %arg7[%swap3A_367] {strides = array<i32>} : memref<384xi32, #tpu.memory_space<vmem>>, vector<16xi32>,
    %swap3A_369 = vector.shape_cast %swap3A_368 : vector<16xi32> to vector<16xi32>
    %swap3A_370 = vector.shape_cast %select_n3A_366 : vector<16xi32> to vector<16xi32>
    tpu.vector_store %arg7[%swap3A_367], %swap3A_370 {strides = array<i32>} : memref<384xi32, #tpu.memory_space<vmem>>, vector<16xi32>,
    %iota3A_371 = tpu.iota {dimensions = array<i32: 0>} : vector<16xi32>
    %add3A_372 = arith.constant 352 : i32
    %add3A_373 = vector.broadcast %add3A_372 : i32 to vector<16xi32>
    %add3A_374 = arith.addi %iota3A_371, %add3A_373 : vector<16xi32>
    %lt3A_375 = arith.constant 300 : i32
    %lt3A_376 = vector.broadcast %lt3A_375 : i32 to vector<16xi32>
    %lt3A_377 = arith.cmpi slt, %add3A_374, %lt3A_376 : vector<16xi32>
    %mul3A_378 = arith.constant 100000 : i32
    %mul3A_379 = vector.broadcast %mul3A_378 : i32 to vector<16xi32>
    %mul3A_380 = arith.muli %add3A_374, %mul3A_379 : vector<16xi32>
    %jit3A_381 = arith.constant 0 : i32
    %broadcast_in_dim3A_382 = vector.broadcast %jit3A_381 : i32 to vector<16xi32>
    %select_n3A_383 = arith.select %lt3A_377, %mul3A_380, %broadcast_in_dim3A_382 : vector<16xi1>, vector<16xi32>
    %swap3A_384 = arith.constant 352 : index
    %swap3A_385 = tpu.vector_load %arg7[%swap3A_384] {strides = array<i32>} : memref<384xi32, #tpu.memory_space<vmem>>, vector<16xi32>,
    %swap3A_386 = vector.shape_cast %swap3A_385 : vector<16xi32> to vector<16xi32>
    %swap3A_387 = vector.shape_cast %select_n3A_383 : vector<16xi32> to vector<16xi32>
    tpu.vector_store %arg7[%swap3A_384], %swap3A_387 {strides = array<i32>} : memref<384xi32, #tpu.memory_space<vmem>>, vector<16xi32>,
    %iota3A_388 = tpu.iota {dimensions = array<i32: 0>} : vector<16xi32>
    %add3A_389 = arith.constant 368 : i32
    %add3A_390 = vector.broadcast %add3A_389 : i32 to vector<16xi32>
    %add3A_391 = arith.addi %iota3A_388, %add3A_390 : vector<16xi32>
    %lt3A_392 = arith.constant 300 : i32
    %lt3A_393 = vector.broadcast %lt3A_392 : i32 to vector<16xi32>
    %lt3A_394 = arith.cmpi slt, %add3A_391, %lt3A_393 : vector<16xi32>
    %mul3A_395 = arith.constant 100000 : i32
    %mul3A_396 = vector.broadcast %mul3A_395 : i32 to vector<16xi32>
    %mul3A_397 = arith.muli %add3A_391, %mul3A_396 : vector<16xi32>
    %jit3A_398 = arith.constant 0 : i32
    %broadcast_in_dim3A_399 = vector.broadcast %jit3A_398 : i32 to vector<16xi32>
    %select_n3A_400 = arith.select %lt3A_394, %mul3A_397, %broadcast_in_dim3A_399 : vector<16xi1>, vector<16xi32>
    %swap3A_401 = arith.constant 368 : index
    %swap3A_402 = tpu.vector_load %arg7[%swap3A_401] {strides = array<i32>} : memref<384xi32, #tpu.memory_space<vmem>>, vector<16xi32>,
    %swap3A_403 = vector.shape_cast %swap3A_402 : vector<16xi32> to vector<16xi32>
    %swap3A_404 = vector.shape_cast %select_n3A_400 : vector<16xi32> to vector<16xi32>
    tpu.vector_store %arg7[%swap3A_401], %swap3A_404 {strides = array<i32>} : memref<384xi32, #tpu.memory_space<vmem>>, vector<16xi32>,
    %scan3A = arith.constant 0 : i32
    %scan3A_405 = arith.constant 0 : i32
    %scan3A_406 = arith.constant 160 : i32
    %scan3A_407 = arith.addi %scan3A_405, %scan3A_406 : i32
    %scan3A_408 = arith.constant 1 : i32
    %scan3A_409 = scf.for %scan3A_413 = %scan3A_405 to %scan3A_407 step %scan3A_408 iter_args(%scan3A_414 = %scan3A) -> (i32)  : i32 {
      %get3A = arith.index_cast %scan3A_413 : i32 to index
      %get3A_415 = tpu.vector_load %arg6[%get3A] {strides = array<i32>} : memref<176xi32, #tpu.memory_space<vmem>>, vector<16xi32>,
      %get3A_416 = vector.shape_cast %get3A_415 : vector<16xi32> to vector<16xi32>
      %slice3A = vector.extract_strided_slice %get3A_416 {offsets = [0], sizes = [1], strides = [1]} : vector<16xi32> to vector<1xi32>
      %squeeze3A = vector.extract %slice3A[0] : i32 from vector<1xi32>
      %get3A_417 = arith.constant 0 : index
      %get3A_418 = tpu.vector_load %arg7[%get3A_417] {strides = array<i32>} : memref<384xi32, #tpu.memory_space<vmem>>, vector<16xi32>,
      %get3A_419 = vector.shape_cast %get3A_418 : vector<16xi32> to vector<16xi32>
      %add3A_420 = vector.broadcast %squeeze3A : i32 to vector<16xi32>
      %add3A_421 = arith.addi %get3A_419, %add3A_420 : vector<16xi32>
      %swap3A_422 = arith.constant 0 : i32
      %swap3A_423 = arith.index_cast %swap3A_422 : i32 to index
      %swap3A_424 = arith.constant 0 : index
      %swap3A_425 = tpu.vector_load %arg8[%swap3A_423, %swap3A_424] {strides = array<i32>} : memref<3x128xi32, #tpu.memory_space<vmem>>, vector<1x16xi32>,
      %swap3A_426 = vector.shape_cast %swap3A_425 : vector<1x16xi32> to vector<16xi32>
      %swap3A_427 = vector.shape_cast %add3A_421 : vector<16xi32> to vector<1x16xi32>
      tpu.vector_store %arg8[%swap3A_423, %swap3A_424], %swap3A_427 {strides = array<i32>} : memref<3x128xi32, #tpu.memory_space<vmem>>, vector<1x16xi32>,
      %get3A_428 = arith.constant 16 : index
      %get3A_429 = tpu.vector_load %arg7[%get3A_428] {strides = array<i32>} : memref<384xi32, #tpu.memory_space<vmem>>, vector<16xi32>,
      %get3A_430 = vector.shape_cast %get3A_429 : vector<16xi32> to vector<16xi32>
      %add3A_431 = vector.broadcast %squeeze3A : i32 to vector<16xi32>
      %add3A_432 = arith.addi %get3A_430, %add3A_431 : vector<16xi32>
      %swap3A_433 = arith.constant 0 : i32
      %swap3A_434 = arith.index_cast %swap3A_433 : i32 to index
      %swap3A_435 = arith.constant 16 : index
      %swap3A_436 = tpu.vector_load %arg8[%swap3A_434, %swap3A_435] {strides = array<i32>} : memref<3x128xi32, #tpu.memory_space<vmem>>, vector<1x16xi32>,
      %swap3A_437 = vector.shape_cast %swap3A_436 : vector<1x16xi32> to vector<16xi32>
      %swap3A_438 = vector.shape_cast %add3A_432 : vector<16xi32> to vector<1x16xi32>
      tpu.vector_store %arg8[%swap3A_434, %swap3A_435], %swap3A_438 {strides = array<i32>} : memref<3x128xi32, #tpu.memory_space<vmem>>, vector<1x16xi32>,
      %get3A_439 = arith.constant 32 : index
      %get3A_440 = tpu.vector_load %arg7[%get3A_439] {strides = array<i32>} : memref<384xi32, #tpu.memory_space<vmem>>, vector<16xi32>,
      %get3A_441 = vector.shape_cast %get3A_440 : vector<16xi32> to vector<16xi32>
      %add3A_442 = vector.broadcast %squeeze3A : i32 to vector<16xi32>
      %add3A_443 = arith.addi %get3A_441, %add3A_442 : vector<16xi32>
      %swap3A_444 = arith.constant 0 : i32
      %swap3A_445 = arith.index_cast %swap3A_444 : i32 to index
      %swap3A_446 = arith.constant 32 : index
      %swap3A_447 = tpu.vector_load %arg8[%swap3A_445, %swap3A_446] {strides = array<i32>} : memref<3x128xi32, #tpu.memory_space<vmem>>, vector<1x16xi32>,
      %swap3A_448 = vector.shape_cast %swap3A_447 : vector<1x16xi32> to vector<16xi32>
      %swap3A_449 = vector.shape_cast %add3A_443 : vector<16xi32> to vector<1x16xi32>
      tpu.vector_store %arg8[%swap3A_445, %swap3A_446], %swap3A_449 {strides = array<i32>} : memref<3x128xi32, #tpu.memory_space<vmem>>, vector<1x16xi32>,
      %get3A_450 = arith.constant 48 : index
      %get3A_451 = tpu.vector_load %arg7[%get3A_450] {strides = array<i32>} : memref<384xi32, #tpu.memory_space<vmem>>, vector<16xi32>,
      %get3A_452 = vector.shape_cast %get3A_451 : vector<16xi32> to vector<16xi32>
      %add3A_453 = vector.broadcast %squeeze3A : i32 to vector<16xi32>
      %add3A_454 = arith.addi %get3A_452, %add3A_453 : vector<16xi32>
      %swap3A_455 = arith.constant 0 : i32
      %swap3A_456 = arith.index_cast %swap3A_455 : i32 to index
      %swap3A_457 = arith.constant 48 : index
      %swap3A_458 = tpu.vector_load %arg8[%swap3A_456, %swap3A_457] {strides = array<i32>} : memref<3x128xi32, #tpu.memory_space<vmem>>, vector<1x16xi32>,
      %swap3A_459 = vector.shape_cast %swap3A_458 : vector<1x16xi32> to vector<16xi32>
      %swap3A_460 = vector.shape_cast %add3A_454 : vector<16xi32> to vector<1x16xi32>
      tpu.vector_store %arg8[%swap3A_456, %swap3A_457], %swap3A_460 {strides = array<i32>} : memref<3x128xi32, #tpu.memory_space<vmem>>, vector<1x16xi32>,
      %get3A_461 = arith.constant 64 : index
      %get3A_462 = tpu.vector_load %arg7[%get3A_461] {strides = array<i32>} : memref<384xi32, #tpu.memory_space<vmem>>, vector<16xi32>,
      %get3A_463 = vector.shape_cast %get3A_462 : vector<16xi32> to vector<16xi32>
      %add3A_464 = vector.broadcast %squeeze3A : i32 to vector<16xi32>
      %add3A_465 = arith.addi %get3A_463, %add3A_464 : vector<16xi32>
      %swap3A_466 = arith.constant 0 : i32
      %swap3A_467 = arith.index_cast %swap3A_466 : i32 to index
      %swap3A_468 = arith.constant 64 : index
      %swap3A_469 = tpu.vector_load %arg8[%swap3A_467, %swap3A_468] {strides = array<i32>} : memref<3x128xi32, #tpu.memory_space<vmem>>, vector<1x16xi32>,
      %swap3A_470 = vector.shape_cast %swap3A_469 : vector<1x16xi32> to vector<16xi32>
      %swap3A_471 = vector.shape_cast %add3A_465 : vector<16xi32> to vector<1x16xi32>
      tpu.vector_store %arg8[%swap3A_467, %swap3A_468], %swap3A_471 {strides = array<i32>} : memref<3x128xi32, #tpu.memory_space<vmem>>, vector<1x16xi32>,
      %get3A_472 = arith.constant 80 : index
      %get3A_473 = tpu.vector_load %arg7[%get3A_472] {strides = array<i32>} : memref<384xi32, #tpu.memory_space<vmem>>, vector<16xi32>,
      %get3A_474 = vector.shape_cast %get3A_473 : vector<16xi32> to vector<16xi32>
      %add3A_475 = vector.broadcast %squeeze3A : i32 to vector<16xi32>
      %add3A_476 = arith.addi %get3A_474, %add3A_475 : vector<16xi32>
      %swap3A_477 = arith.constant 0 : i32
      %swap3A_478 = arith.index_cast %swap3A_477 : i32 to index
      %swap3A_479 = arith.constant 80 : index
      %swap3A_480 = tpu.vector_load %arg8[%swap3A_478, %swap3A_479] {strides = array<i32>} : memref<3x128xi32, #tpu.memory_space<vmem>>, vector<1x16xi32>,
      %swap3A_481 = vector.shape_cast %swap3A_480 : vector<1x16xi32> to vector<16xi32>
      %swap3A_482 = vector.shape_cast %add3A_476 : vector<16xi32> to vector<1x16xi32>
      tpu.vector_store %arg8[%swap3A_478, %swap3A_479], %swap3A_482 {strides = array<i32>} : memref<3x128xi32, #tpu.memory_space<vmem>>, vector<1x16xi32>,
      %get3A_483 = arith.constant 96 : index
      %get3A_484 = tpu.vector_load %arg7[%get3A_483] {strides = array<i32>} : memref<384xi32, #tpu.memory_space<vmem>>, vector<16xi32>,
      %get3A_485 = vector.shape_cast %get3A_484 : vector<16xi32> to vector<16xi32>
      %add3A_486 = vector.broadcast %squeeze3A : i32 to vector<16xi32>
      %add3A_487 = arith.addi %get3A_485, %add3A_486 : vector<16xi32>
      %swap3A_488 = arith.constant 0 : i32
      %swap3A_489 = arith.index_cast %swap3A_488 : i32 to index
      %swap3A_490 = arith.constant 96 : index
      %swap3A_491 = tpu.vector_load %arg8[%swap3A_489, %swap3A_490] {strides = array<i32>} : memref<3x128xi32, #tpu.memory_space<vmem>>, vector<1x16xi32>,
      %swap3A_492 = vector.shape_cast %swap3A_491 : vector<1x16xi32> to vector<16xi32>
      %swap3A_493 = vector.shape_cast %add3A_487 : vector<16xi32> to vector<1x16xi32>
      tpu.vector_store %arg8[%swap3A_489, %swap3A_490], %swap3A_493 {strides = array<i32>} : memref<3x128xi32, #tpu.memory_space<vmem>>, vector<1x16xi32>,
      %get3A_494 = arith.constant 112 : index
      %get3A_495 = tpu.vector_load %arg7[%get3A_494] {strides = array<i32>} : memref<384xi32, #tpu.memory_space<vmem>>, vector<16xi32>,
      %get3A_496 = vector.shape_cast %get3A_495 : vector<16xi32> to vector<16xi32>
      %add3A_497 = vector.broadcast %squeeze3A : i32 to vector<16xi32>
      %add3A_498 = arith.addi %get3A_496, %add3A_497 : vector<16xi32>
      %swap3A_499 = arith.constant 0 : i32
      %swap3A_500 = arith.index_cast %swap3A_499 : i32 to index
      %swap3A_501 = arith.constant 112 : index
      %swap3A_502 = tpu.vector_load %arg8[%swap3A_500, %swap3A_501] {strides = array<i32>} : memref<3x128xi32, #tpu.memory_space<vmem>>, vector<1x16xi32>,
      %swap3A_503 = vector.shape_cast %swap3A_502 : vector<1x16xi32> to vector<16xi32>
      %swap3A_504 = vector.shape_cast %add3A_498 : vector<16xi32> to vector<1x16xi32>
      tpu.vector_store %arg8[%swap3A_500, %swap3A_501], %swap3A_504 {strides = array<i32>} : memref<3x128xi32, #tpu.memory_space<vmem>>, vector<1x16xi32>,
      %get3A_505 = arith.constant 128 : index
      %get3A_506 = tpu.vector_load %arg7[%get3A_505] {strides = array<i32>} : memref<384xi32, #tpu.memory_space<vmem>>, vector<16xi32>,
      %get3A_507 = vector.shape_cast %get3A_506 : vector<16xi32> to vector<16xi32>
      %add3A_508 = vector.broadcast %squeeze3A : i32 to vector<16xi32>
      %add3A_509 = arith.addi %get3A_507, %add3A_508 : vector<16xi32>
      %swap3A_510 = arith.constant 1 : i32
      %swap3A_511 = arith.index_cast %swap3A_510 : i32 to index
      %swap3A_512 = arith.constant 0 : index
      %swap3A_513 = tpu.vector_load %arg8[%swap3A_511, %swap3A_512] {strides = array<i32>} : memref<3x128xi32, #tpu.memory_space<vmem>>, vector<1x16xi32>,
      %swap3A_514 = vector.shape_cast %swap3A_513 : vector<1x16xi32> to vector<16xi32>
      %swap3A_515 = vector.shape_cast %add3A_509 : vector<16xi32> to vector<1x16xi32>
      tpu.vector_store %arg8[%swap3A_511, %swap3A_512], %swap3A_515 {strides = array<i32>} : memref<3x128xi32, #tpu.memory_space<vmem>>, vector<1x16xi32>,
      %get3A_516 = arith.constant 144 : index
      %get3A_517 = tpu.vector_load %arg7[%get3A_516] {strides = array<i32>} : memref<384xi32, #tpu.memory_space<vmem>>, vector<16xi32>,
      %get3A_518 = vector.shape_cast %get3A_517 : vector<16xi32> to vector<16xi32>
      %add3A_519 = vector.broadcast %squeeze3A : i32 to vector<16xi32>
      %add3A_520 = arith.addi %get3A_518, %add3A_519 : vector<16xi32>
      %swap3A_521 = arith.constant 1 : i32
      %swap3A_522 = arith.index_cast %swap3A_521 : i32 to index
      %swap3A_523 = arith.constant 16 : index
      %swap3A_524 = tpu.vector_load %arg8[%swap3A_522, %swap3A_523] {strides = array<i32>} : memref<3x128xi32, #tpu.memory_space<vmem>>, vector<1x16xi32>,
      %swap3A_525 = vector.shape_cast %swap3A_524 : vector<1x16xi32> to vector<16xi32>
      %swap3A_526 = vector.shape_cast %add3A_520 : vector<16xi32> to vector<1x16xi32>
      tpu.vector_store %arg8[%swap3A_522, %swap3A_523], %swap3A_526 {strides = array<i32>} : memref<3x128xi32, #tpu.memory_space<vmem>>, vector<1x16xi32>,
      %get3A_527 = arith.constant 160 : index
      %get3A_528 = tpu.vector_load %arg7[%get3A_527] {strides = array<i32>} : memref<384xi32, #tpu.memory_space<vmem>>, vector<16xi32>,
      %get3A_529 = vector.shape_cast %get3A_528 : vector<16xi32> to vector<16xi32>
      %add3A_530 = vector.broadcast %squeeze3A : i32 to vector<16xi32>
      %add3A_531 = arith.addi %get3A_529, %add3A_530 : vector<16xi32>
      %swap3A_532 = arith.constant 1 : i32
      %swap3A_533 = arith.index_cast %swap3A_532 : i32 to index
      %swap3A_534 = arith.constant 32 : index
      %swap3A_535 = tpu.vector_load %arg8[%swap3A_533, %swap3A_534] {strides = array<i32>} : memref<3x128xi32, #tpu.memory_space<vmem>>, vector<1x16xi32>,
      %swap3A_536 = vector.shape_cast %swap3A_535 : vector<1x16xi32> to vector<16xi32>
      %swap3A_537 = vector.shape_cast %add3A_531 : vector<16xi32> to vector<1x16xi32>
      tpu.vector_store %arg8[%swap3A_533, %swap3A_534], %swap3A_537 {strides = array<i32>} : memref<3x128xi32, #tpu.memory_space<vmem>>, vector<1x16xi32>,
      %get3A_538 = arith.constant 176 : index
      %get3A_539 = tpu.vector_load %arg7[%get3A_538] {strides = array<i32>} : memref<384xi32, #tpu.memory_space<vmem>>, vector<16xi32>,
      %get3A_540 = vector.shape_cast %get3A_539 : vector<16xi32> to vector<16xi32>
      %add3A_541 = vector.broadcast %squeeze3A : i32 to vector<16xi32>
      %add3A_542 = arith.addi %get3A_540, %add3A_541 : vector<16xi32>
      %swap3A_543 = arith.constant 1 : i32
      %swap3A_544 = arith.index_cast %swap3A_543 : i32 to index
      %swap3A_545 = arith.constant 48 : index
      %swap3A_546 = tpu.vector_load %arg8[%swap3A_544, %swap3A_545] {strides = array<i32>} : memref<3x128xi32, #tpu.memory_space<vmem>>, vector<1x16xi32>,
      %swap3A_547 = vector.shape_cast %swap3A_546 : vector<1x16xi32> to vector<16xi32>
      %swap3A_548 = vector.shape_cast %add3A_542 : vector<16xi32> to vector<1x16xi32>
      tpu.vector_store %arg8[%swap3A_544, %swap3A_545], %swap3A_548 {strides = array<i32>} : memref<3x128xi32, #tpu.memory_space<vmem>>, vector<1x16xi32>,
      %get3A_549 = arith.constant 192 : index
      %get3A_550 = tpu.vector_load %arg7[%get3A_549] {strides = array<i32>} : memref<384xi32, #tpu.memory_space<vmem>>, vector<16xi32>,
      %get3A_551 = vector.shape_cast %get3A_550 : vector<16xi32> to vector<16xi32>
      %add3A_552 = vector.broadcast %squeeze3A : i32 to vector<16xi32>
      %add3A_553 = arith.addi %get3A_551, %add3A_552 : vector<16xi32>
      %swap3A_554 = arith.constant 1 : i32
      %swap3A_555 = arith.index_cast %swap3A_554 : i32 to index
      %swap3A_556 = arith.constant 64 : index
      %swap3A_557 = tpu.vector_load %arg8[%swap3A_555, %swap3A_556] {strides = array<i32>} : memref<3x128xi32, #tpu.memory_space<vmem>>, vector<1x16xi32>,
      %swap3A_558 = vector.shape_cast %swap3A_557 : vector<1x16xi32> to vector<16xi32>
      %swap3A_559 = vector.shape_cast %add3A_553 : vector<16xi32> to vector<1x16xi32>
      tpu.vector_store %arg8[%swap3A_555, %swap3A_556], %swap3A_559 {strides = array<i32>} : memref<3x128xi32, #tpu.memory_space<vmem>>, vector<1x16xi32>,
      %get3A_560 = arith.constant 208 : index
      %get3A_561 = tpu.vector_load %arg7[%get3A_560] {strides = array<i32>} : memref<384xi32, #tpu.memory_space<vmem>>, vector<16xi32>,
      %get3A_562 = vector.shape_cast %get3A_561 : vector<16xi32> to vector<16xi32>
      %add3A_563 = vector.broadcast %squeeze3A : i32 to vector<16xi32>
      %add3A_564 = arith.addi %get3A_562, %add3A_563 : vector<16xi32>
      %swap3A_565 = arith.constant 1 : i32
      %swap3A_566 = arith.index_cast %swap3A_565 : i32 to index
      %swap3A_567 = arith.constant 80 : index
      %swap3A_568 = tpu.vector_load %arg8[%swap3A_566, %swap3A_567] {strides = array<i32>} : memref<3x128xi32, #tpu.memory_space<vmem>>, vector<1x16xi32>,
      %swap3A_569 = vector.shape_cast %swap3A_568 : vector<1x16xi32> to vector<16xi32>
      %swap3A_570 = vector.shape_cast %add3A_564 : vector<16xi32> to vector<1x16xi32>
      tpu.vector_store %arg8[%swap3A_566, %swap3A_567], %swap3A_570 {strides = array<i32>} : memref<3x128xi32, #tpu.memory_space<vmem>>, vector<1x16xi32>,
      %get3A_571 = arith.constant 224 : index
      %get3A_572 = tpu.vector_load %arg7[%get3A_571] {strides = array<i32>} : memref<384xi32, #tpu.memory_space<vmem>>, vector<16xi32>,
      %get3A_573 = vector.shape_cast %get3A_572 : vector<16xi32> to vector<16xi32>
      %add3A_574 = vector.broadcast %squeeze3A : i32 to vector<16xi32>
      %add3A_575 = arith.addi %get3A_573, %add3A_574 : vector<16xi32>
      %swap3A_576 = arith.constant 1 : i32
      %swap3A_577 = arith.index_cast %swap3A_576 : i32 to index
      %swap3A_578 = arith.constant 96 : index
      %swap3A_579 = tpu.vector_load %arg8[%swap3A_577, %swap3A_578] {strides = array<i32>} : memref<3x128xi32, #tpu.memory_space<vmem>>, vector<1x16xi32>,
      %swap3A_580 = vector.shape_cast %swap3A_579 : vector<1x16xi32> to vector<16xi32>
      %swap3A_581 = vector.shape_cast %add3A_575 : vector<16xi32> to vector<1x16xi32>
      tpu.vector_store %arg8[%swap3A_577, %swap3A_578], %swap3A_581 {strides = array<i32>} : memref<3x128xi32, #tpu.memory_space<vmem>>, vector<1x16xi32>,
      %get3A_582 = arith.constant 240 : index
      %get3A_583 = tpu.vector_load %arg7[%get3A_582] {strides = array<i32>} : memref<384xi32, #tpu.memory_space<vmem>>, vector<16xi32>,
      %get3A_584 = vector.shape_cast %get3A_583 : vector<16xi32> to vector<16xi32>
      %add3A_585 = vector.broadcast %squeeze3A : i32 to vector<16xi32>
      %add3A_586 = arith.addi %get3A_584, %add3A_585 : vector<16xi32>
      %swap3A_587 = arith.constant 1 : i32
      %swap3A_588 = arith.index_cast %swap3A_587 : i32 to index
      %swap3A_589 = arith.constant 112 : index
      %swap3A_590 = tpu.vector_load %arg8[%swap3A_588, %swap3A_589] {strides = array<i32>} : memref<3x128xi32, #tpu.memory_space<vmem>>, vector<1x16xi32>,
      %swap3A_591 = vector.shape_cast %swap3A_590 : vector<1x16xi32> to vector<16xi32>
      %swap3A_592 = vector.shape_cast %add3A_586 : vector<16xi32> to vector<1x16xi32>
      tpu.vector_store %arg8[%swap3A_588, %swap3A_589], %swap3A_592 {strides = array<i32>} : memref<3x128xi32, #tpu.memory_space<vmem>>, vector<1x16xi32>,
      %get3A_593 = arith.constant 256 : index
      %get3A_594 = tpu.vector_load %arg7[%get3A_593] {strides = array<i32>} : memref<384xi32, #tpu.memory_space<vmem>>, vector<16xi32>,
      %get3A_595 = vector.shape_cast %get3A_594 : vector<16xi32> to vector<16xi32>
      %add3A_596 = vector.broadcast %squeeze3A : i32 to vector<16xi32>
      %add3A_597 = arith.addi %get3A_595, %add3A_596 : vector<16xi32>
      %swap3A_598 = arith.constant 2 : i32
      %swap3A_599 = arith.index_cast %swap3A_598 : i32 to index
      %swap3A_600 = arith.constant 0 : index
      %swap3A_601 = tpu.vector_load %arg8[%swap3A_599, %swap3A_600] {strides = array<i32>} : memref<3x128xi32, #tpu.memory_space<vmem>>, vector<1x16xi32>,
      %swap3A_602 = vector.shape_cast %swap3A_601 : vector<1x16xi32> to vector<16xi32>
      %swap3A_603 = vector.shape_cast %add3A_597 : vector<16xi32> to vector<1x16xi32>
      tpu.vector_store %arg8[%swap3A_599, %swap3A_600], %swap3A_603 {strides = array<i32>} : memref<3x128xi32, #tpu.memory_space<vmem>>, vector<1x16xi32>,
      %get3A_604 = arith.constant 272 : index
      %get3A_605 = tpu.vector_load %arg7[%get3A_604] {strides = array<i32>} : memref<384xi32, #tpu.memory_space<vmem>>, vector<16xi32>,
      %get3A_606 = vector.shape_cast %get3A_605 : vector<16xi32> to vector<16xi32>
      %add3A_607 = vector.broadcast %squeeze3A : i32 to vector<16xi32>
      %add3A_608 = arith.addi %get3A_606, %add3A_607 : vector<16xi32>
      %swap3A_609 = arith.constant 2 : i32
      %swap3A_610 = arith.index_cast %swap3A_609 : i32 to index
      %swap3A_611 = arith.constant 16 : index
      %swap3A_612 = tpu.vector_load %arg8[%swap3A_610, %swap3A_611] {strides = array<i32>} : memref<3x128xi32, #tpu.memory_space<vmem>>, vector<1x16xi32>,
      %swap3A_613 = vector.shape_cast %swap3A_612 : vector<1x16xi32> to vector<16xi32>
      %swap3A_614 = vector.shape_cast %add3A_608 : vector<16xi32> to vector<1x16xi32>
      tpu.vector_store %arg8[%swap3A_610, %swap3A_611], %swap3A_614 {strides = array<i32>} : memref<3x128xi32, #tpu.memory_space<vmem>>, vector<1x16xi32>,
      %get3A_615 = arith.constant 288 : index
      %get3A_616 = tpu.vector_load %arg7[%get3A_615] {strides = array<i32>} : memref<384xi32, #tpu.memory_space<vmem>>, vector<16xi32>,
      %get3A_617 = vector.shape_cast %get3A_616 : vector<16xi32> to vector<16xi32>
      %add3A_618 = vector.broadcast %squeeze3A : i32 to vector<16xi32>
      %add3A_619 = arith.addi %get3A_617, %add3A_618 : vector<16xi32>
      %swap3A_620 = arith.constant 2 : i32
      %swap3A_621 = arith.index_cast %swap3A_620 : i32 to index
      %swap3A_622 = arith.constant 32 : index
      %swap3A_623 = tpu.vector_load %arg8[%swap3A_621, %swap3A_622] {strides = array<i32>} : memref<3x128xi32, #tpu.memory_space<vmem>>, vector<1x16xi32>,
      %swap3A_624 = vector.shape_cast %swap3A_623 : vector<1x16xi32> to vector<16xi32>
      %swap3A_625 = vector.shape_cast %add3A_619 : vector<16xi32> to vector<1x16xi32>
      tpu.vector_store %arg8[%swap3A_621, %swap3A_622], %swap3A_625 {strides = array<i32>} : memref<3x128xi32, #tpu.memory_space<vmem>>, vector<1x16xi32>,
      %get3A_626 = arith.constant 304 : index
      %get3A_627 = tpu.vector_load %arg7[%get3A_626] {strides = array<i32>} : memref<384xi32, #tpu.memory_space<vmem>>, vector<16xi32>,
      %get3A_628 = vector.shape_cast %get3A_627 : vector<16xi32> to vector<16xi32>
      %add3A_629 = vector.broadcast %squeeze3A : i32 to vector<16xi32>
      %add3A_630 = arith.addi %get3A_628, %add3A_629 : vector<16xi32>
      %swap3A_631 = arith.constant 2 : i32
      %swap3A_632 = arith.index_cast %swap3A_631 : i32 to index
      %swap3A_633 = arith.constant 48 : index
      %swap3A_634 = tpu.vector_load %arg8[%swap3A_632, %swap3A_633] {strides = array<i32>} : memref<3x128xi32, #tpu.memory_space<vmem>>, vector<1x16xi32>,
      %swap3A_635 = vector.shape_cast %swap3A_634 : vector<1x16xi32> to vector<16xi32>
      %swap3A_636 = vector.shape_cast %add3A_630 : vector<16xi32> to vector<1x16xi32>
      tpu.vector_store %arg8[%swap3A_632, %swap3A_633], %swap3A_636 {strides = array<i32>} : memref<3x128xi32, #tpu.memory_space<vmem>>, vector<1x16xi32>,
      %get3A_637 = arith.constant 320 : index
      %get3A_638 = tpu.vector_load %arg7[%get3A_637] {strides = array<i32>} : memref<384xi32, #tpu.memory_space<vmem>>, vector<16xi32>,
      %get3A_639 = vector.shape_cast %get3A_638 : vector<16xi32> to vector<16xi32>
      %add3A_640 = vector.broadcast %squeeze3A : i32 to vector<16xi32>
      %add3A_641 = arith.addi %get3A_639, %add3A_640 : vector<16xi32>
      %swap3A_642 = arith.constant 2 : i32
      %swap3A_643 = arith.index_cast %swap3A_642 : i32 to index
      %swap3A_644 = arith.constant 64 : index
      %swap3A_645 = tpu.vector_load %arg8[%swap3A_643, %swap3A_644] {strides = array<i32>} : memref<3x128xi32, #tpu.memory_space<vmem>>, vector<1x16xi32>,
      %swap3A_646 = vector.shape_cast %swap3A_645 : vector<1x16xi32> to vector<16xi32>
      %swap3A_647 = vector.shape_cast %add3A_641 : vector<16xi32> to vector<1x16xi32>
      tpu.vector_store %arg8[%swap3A_643, %swap3A_644], %swap3A_647 {strides = array<i32>} : memref<3x128xi32, #tpu.memory_space<vmem>>, vector<1x16xi32>,
      %get3A_648 = arith.constant 336 : index
      %get3A_649 = tpu.vector_load %arg7[%get3A_648] {strides = array<i32>} : memref<384xi32, #tpu.memory_space<vmem>>, vector<16xi32>,
      %get3A_650 = vector.shape_cast %get3A_649 : vector<16xi32> to vector<16xi32>
      %add3A_651 = vector.broadcast %squeeze3A : i32 to vector<16xi32>
      %add3A_652 = arith.addi %get3A_650, %add3A_651 : vector<16xi32>
      %swap3A_653 = arith.constant 2 : i32
      %swap3A_654 = arith.index_cast %swap3A_653 : i32 to index
      %swap3A_655 = arith.constant 80 : index
      %swap3A_656 = tpu.vector_load %arg8[%swap3A_654, %swap3A_655] {strides = array<i32>} : memref<3x128xi32, #tpu.memory_space<vmem>>, vector<1x16xi32>,
      %swap3A_657 = vector.shape_cast %swap3A_656 : vector<1x16xi32> to vector<16xi32>
      %swap3A_658 = vector.shape_cast %add3A_652 : vector<16xi32> to vector<1x16xi32>
      tpu.vector_store %arg8[%swap3A_654, %swap3A_655], %swap3A_658 {strides = array<i32>} : memref<3x128xi32, #tpu.memory_space<vmem>>, vector<1x16xi32>,
      %get3A_659 = arith.constant 352 : index
      %get3A_660 = tpu.vector_load %arg7[%get3A_659] {strides = array<i32>} : memref<384xi32, #tpu.memory_space<vmem>>, vector<16xi32>,
      %get3A_661 = vector.shape_cast %get3A_660 : vector<16xi32> to vector<16xi32>
      %add3A_662 = vector.broadcast %squeeze3A : i32 to vector<16xi32>
      %add3A_663 = arith.addi %get3A_661, %add3A_662 : vector<16xi32>
      %swap3A_664 = arith.constant 2 : i32
      %swap3A_665 = arith.index_cast %swap3A_664 : i32 to index
      %swap3A_666 = arith.constant 96 : index
      %swap3A_667 = tpu.vector_load %arg8[%swap3A_665, %swap3A_666] {strides = array<i32>} : memref<3x128xi32, #tpu.memory_space<vmem>>, vector<1x16xi32>,
      %swap3A_668 = vector.shape_cast %swap3A_667 : vector<1x16xi32> to vector<16xi32>
      %swap3A_669 = vector.shape_cast %add3A_663 : vector<16xi32> to vector<1x16xi32>
      tpu.vector_store %arg8[%swap3A_665, %swap3A_666], %swap3A_669 {strides = array<i32>} : memref<3x128xi32, #tpu.memory_space<vmem>>, vector<1x16xi32>,
      %get3A_670 = arith.constant 368 : index
      %get3A_671 = tpu.vector_load %arg7[%get3A_670] {strides = array<i32>} : memref<384xi32, #tpu.memory_space<vmem>>, vector<16xi32>,
      %get3A_672 = vector.shape_cast %get3A_671 : vector<16xi32> to vector<16xi32>
      %add3A_673 = vector.broadcast %squeeze3A : i32 to vector<16xi32>
      %add3A_674 = arith.addi %get3A_672, %add3A_673 : vector<16xi32>
      %swap3A_675 = arith.constant 2 : i32
      %swap3A_676 = arith.index_cast %swap3A_675 : i32 to index
      %swap3A_677 = arith.constant 112 : index
      %swap3A_678 = tpu.vector_load %arg8[%swap3A_676, %swap3A_677] {strides = array<i32>} : memref<3x128xi32, #tpu.memory_space<vmem>>, vector<1x16xi32>,
      %swap3A_679 = vector.shape_cast %swap3A_678 : vector<1x16xi32> to vector<16xi32>
      %swap3A_680 = vector.shape_cast %add3A_674 : vector<16xi32> to vector<1x16xi32>
      tpu.vector_store %arg8[%swap3A_676, %swap3A_677], %swap3A_680 {strides = array<i32>} : memref<3x128xi32, #tpu.memory_space<vmem>>, vector<1x16xi32>,
      %dma_start3A = arith.constant 0 : i32
      %dma_start3A_681 = arith.constant 0 : i32
      %dma_start3A_682 = tpu.memref_slice %arg9[%dma_start3A_681] : memref<384xf32, #tpu.memory_space<vmem>> -> memref<128xf32, #tpu.memory_space<vmem>>
      %dma_start3A_683 = arith.constant 0 : i32
      %dma_start3A_684 = tpu.memref_slice %arg8[%dma_start3A, %dma_start3A_683] : memref<3x128xi32, #tpu.memory_space<vmem>> -> memref<1x128xi32, #tpu.memory_space<vmem>>
      %dma_start3A_685 = tpu.memref_squeeze %dma_start3A_684 : memref<1x128xi32, #tpu.memory_space<vmem>> -> memref<128xi32, #tpu.memory_space<vmem>>
      %dma_start3A_686 = arith.constant 0 : i32
      %dma_start3A_687 = tpu.memref_slice %arg2[%dma_start3A_686] : memref<30000000xf32, #tpu.memory_space<hbm>> -> memref<30000000xf32, #tpu.memory_space<hbm>>
      tpu.enqueue_indirect_dma source(%dma_start3A_687 : memref<30000000xf32, #tpu.memory_space<hbm>>) target(%dma_start3A_682 : memref<128xf32, #tpu.memory_space<vmem>>) offsets(%dma_start3A_685 : memref<128xi32, #tpu.memory_space<vmem>>) semaphore(%arg12 : memref<!tpu.dma_semaphore, #tpu.memory_space<semaphore_mem>>)
      %dma_start3A_688 = arith.constant 1 : i32
      %dma_start3A_689 = arith.constant 128 : i32
      %dma_start3A_690 = tpu.memref_slice %arg9[%dma_start3A_689] : memref<384xf32, #tpu.memory_space<vmem>> -> memref<128xf32, #tpu.memory_space<vmem>>
      %dma_start3A_691 = arith.constant 0 : i32
      %dma_start3A_692 = tpu.memref_slice %arg8[%dma_start3A_688, %dma_start3A_691] : memref<3x128xi32, #tpu.memory_space<vmem>> -> memref<1x128xi32, #tpu.memory_space<vmem>>
      %dma_start3A_693 = tpu.memref_squeeze %dma_start3A_692 : memref<1x128xi32, #tpu.memory_space<vmem>> -> memref<128xi32, #tpu.memory_space<vmem>>
      %dma_start3A_694 = arith.constant 0 : i32
      %dma_start3A_695 = tpu.memref_slice %arg2[%dma_start3A_694] : memref<30000000xf32, #tpu.memory_space<hbm>> -> memref<30000000xf32, #tpu.memory_space<hbm>>
      tpu.enqueue_indirect_dma source(%dma_start3A_695 : memref<30000000xf32, #tpu.memory_space<hbm>>) target(%dma_start3A_690 : memref<128xf32, #tpu.memory_space<vmem>>) offsets(%dma_start3A_693 : memref<128xi32, #tpu.memory_space<vmem>>) semaphore(%arg12 : memref<!tpu.dma_semaphore, #tpu.memory_space<semaphore_mem>>)
      %dma_start3A_696 = arith.constant 2 : i32
      %dma_start3A_697 = arith.constant 256 : i32
      %dma_start3A_698 = tpu.memref_slice %arg9[%dma_start3A_697] : memref<384xf32, #tpu.memory_space<vmem>> -> memref<128xf32, #tpu.memory_space<vmem>>
      %dma_start3A_699 = arith.constant 0 : i32
      %dma_start3A_700 = tpu.memref_slice %arg8[%dma_start3A_696, %dma_start3A_699] : memref<3x128xi32, #tpu.memory_space<vmem>> -> memref<1x128xi32, #tpu.memory_space<vmem>>
      %dma_start3A_701 = tpu.memref_squeeze %dma_start3A_700 : memref<1x128xi32, #tpu.memory_space<vmem>> -> memref<128xi32, #tpu.memory_space<vmem>>
      %dma_start3A_702 = arith.constant 0 : i32
      %dma_start3A_703 = tpu.memref_slice %arg2[%dma_start3A_702] : memref<30000000xf32, #tpu.memory_space<hbm>> -> memref<30000000xf32, #tpu.memory_space<hbm>>
      tpu.enqueue_indirect_dma source(%dma_start3A_703 : memref<30000000xf32, #tpu.memory_space<hbm>>) target(%dma_start3A_698 : memref<128xf32, #tpu.memory_space<vmem>>) offsets(%dma_start3A_701 : memref<128xi32, #tpu.memory_space<vmem>>) semaphore(%arg12 : memref<!tpu.dma_semaphore, #tpu.memory_space<semaphore_mem>>)
      %dma_wait3A = arith.constant 0 : i32
      %dma_wait3A_704 = arith.constant 0 : i32
      %dma_wait3A_705 = tpu.memref_slice %arg9[%dma_wait3A_704] : memref<384xf32, #tpu.memory_space<vmem>> -> memref<128xf32, #tpu.memory_space<vmem>>
      %dma_wait3A_706 = arith.constant 0 : i32
      %dma_wait3A_707 = tpu.memref_slice %arg8[%dma_wait3A, %dma_wait3A_706] : memref<3x128xi32, #tpu.memory_space<vmem>> -> memref<1x128xi32, #tpu.memory_space<vmem>>
      %dma_wait3A_708 = tpu.memref_squeeze %dma_wait3A_707 : memref<1x128xi32, #tpu.memory_space<vmem>> -> memref<128xi32, #tpu.memory_space<vmem>>
      %dma_wait3A_709 = arith.constant 0 : i32
      %dma_wait3A_710 = tpu.memref_slice %arg2[%dma_wait3A_709] : memref<30000000xf32, #tpu.memory_space<hbm>> -> memref<30000000xf32, #tpu.memory_space<hbm>>
      tpu.wait_indirect_dma semaphore(%arg12 : memref<!tpu.dma_semaphore, #tpu.memory_space<semaphore_mem>>) src(%dma_wait3A_710 : memref<30000000xf32, #tpu.memory_space<hbm>>) dst(%dma_wait3A_705 : memref<128xf32, #tpu.memory_space<vmem>>)
      %dma_wait3A_711 = arith.constant 1 : i32
      %dma_wait3A_712 = arith.constant 128 : i32
      %dma_wait3A_713 = tpu.memref_slice %arg9[%dma_wait3A_712] : memref<384xf32, #tpu.memory_space<vmem>> -> memref<128xf32, #tpu.memory_space<vmem>>
      %dma_wait3A_714 = arith.constant 0 : i32
      %dma_wait3A_715 = tpu.memref_slice %arg8[%dma_wait3A_711, %dma_wait3A_714] : memref<3x128xi32, #tpu.memory_space<vmem>> -> memref<1x128xi32, #tpu.memory_space<vmem>>
      %dma_wait3A_716 = tpu.memref_squeeze %dma_wait3A_715 : memref<1x128xi32, #tpu.memory_space<vmem>> -> memref<128xi32, #tpu.memory_space<vmem>>
      %dma_wait3A_717 = arith.constant 0 : i32
      %dma_wait3A_718 = tpu.memref_slice %arg2[%dma_wait3A_717] : memref<30000000xf32, #tpu.memory_space<hbm>> -> memref<30000000xf32, #tpu.memory_space<hbm>>
      tpu.wait_indirect_dma semaphore(%arg12 : memref<!tpu.dma_semaphore, #tpu.memory_space<semaphore_mem>>) src(%dma_wait3A_718 : memref<30000000xf32, #tpu.memory_space<hbm>>) dst(%dma_wait3A_713 : memref<128xf32, #tpu.memory_space<vmem>>)
      %dma_wait3A_719 = arith.constant 2 : i32
      %dma_wait3A_720 = arith.constant 256 : i32
      %dma_wait3A_721 = tpu.memref_slice %arg9[%dma_wait3A_720] : memref<384xf32, #tpu.memory_space<vmem>> -> memref<128xf32, #tpu.memory_space<vmem>>
      %dma_wait3A_722 = arith.constant 0 : i32
      %dma_wait3A_723 = tpu.memref_slice %arg8[%dma_wait3A_719, %dma_wait3A_722] : memref<3x128xi32, #tpu.memory_space<vmem>> -> memref<1x128xi32, #tpu.memory_space<vmem>>
      %dma_wait3A_724 = tpu.memref_squeeze %dma_wait3A_723 : memref<1x128xi32, #tpu.memory_space<vmem>> -> memref<128xi32, #tpu.memory_space<vmem>>
      %dma_wait3A_725 = arith.constant 0 : i32
      %dma_wait3A_726 = tpu.memref_slice %arg2[%dma_wait3A_725] : memref<30000000xf32, #tpu.memory_space<hbm>> -> memref<30000000xf32, #tpu.memory_space<hbm>>
      tpu.wait_indirect_dma semaphore(%arg12 : memref<!tpu.dma_semaphore, #tpu.memory_space<semaphore_mem>>) src(%dma_wait3A_726 : memref<30000000xf32, #tpu.memory_space<hbm>>) dst(%dma_wait3A_721 : memref<128xf32, #tpu.memory_space<vmem>>)
      %mul3A_727 = arith.constant 300 : i32
      %mul3A_728 = arith.muli %scan3A_413, %mul3A_727 : i32
      %get3A_729 = arith.constant 0 : index
      %get3A_730 = tpu.vector_load %arg9[%get3A_729] {strides = array<i32>} : memref<384xf32, #tpu.memory_space<vmem>>, vector<16xf32>,
      %get3A_731 = vector.shape_cast %get3A_730 : vector<16xf32> to vector<16xf32>
      %get3A_732 = arith.constant 0 : index
      %get3A_733 = tpu.vector_load %arg10[%get3A_732] {strides = array<i32>} : memref<384xf32, #tpu.memory_space<vmem>>, vector<16xf32>,
      %get3A_734 = vector.shape_cast %get3A_733 : vector<16xf32> to vector<16xf32>
      %add3A_735 = arith.addf %get3A_731, %get3A_734 : vector<16xf32>
      %add3A_736 = arith.constant 0 : i32
      %add3A_737 = arith.addi %mul3A_728, %add3A_736 : i32
      %swap3A_738 = arith.index_cast %add3A_737 : i32 to index
      %swap3A_739 = tpu.vector_load %arg11[%swap3A_738] {strides = array<i32>} : memref<48016xf32, #tpu.memory_space<vmem>>, vector<16xf32>,
      %swap3A_740 = vector.shape_cast %swap3A_739 : vector<16xf32> to vector<16xf32>
      %swap3A_741 = vector.shape_cast %add3A_735 : vector<16xf32> to vector<16xf32>
      tpu.vector_store %arg11[%swap3A_738], %swap3A_741 {strides = array<i32>} : memref<48016xf32, #tpu.memory_space<vmem>>, vector<16xf32>,
      %get3A_742 = arith.constant 16 : index
      %get3A_743 = tpu.vector_load %arg9[%get3A_742] {strides = array<i32>} : memref<384xf32, #tpu.memory_space<vmem>>, vector<16xf32>,
      %get3A_744 = vector.shape_cast %get3A_743 : vector<16xf32> to vector<16xf32>
      %get3A_745 = arith.constant 16 : index
      %get3A_746 = tpu.vector_load %arg10[%get3A_745] {strides = array<i32>} : memref<384xf32, #tpu.memory_space<vmem>>, vector<16xf32>,
      %get3A_747 = vector.shape_cast %get3A_746 : vector<16xf32> to vector<16xf32>
      %add3A_748 = arith.addf %get3A_744, %get3A_747 : vector<16xf32>
      %add3A_749 = arith.constant 16 : i32
      %add3A_750 = arith.addi %mul3A_728, %add3A_749 : i32
      %swap3A_751 = arith.index_cast %add3A_750 : i32 to index
      %swap3A_752 = tpu.vector_load %arg11[%swap3A_751] {strides = array<i32>} : memref<48016xf32, #tpu.memory_space<vmem>>, vector<16xf32>,
      %swap3A_753 = vector.shape_cast %swap3A_752 : vector<16xf32> to vector<16xf32>
      %swap3A_754 = vector.shape_cast %add3A_748 : vector<16xf32> to vector<16xf32>
      tpu.vector_store %arg11[%swap3A_751], %swap3A_754 {strides = array<i32>} : memref<48016xf32, #tpu.memory_space<vmem>>, vector<16xf32>,
      %get3A_755 = arith.constant 32 : index
      %get3A_756 = tpu.vector_load %arg9[%get3A_755] {strides = array<i32>} : memref<384xf32, #tpu.memory_space<vmem>>, vector<16xf32>,
      %get3A_757 = vector.shape_cast %get3A_756 : vector<16xf32> to vector<16xf32>
      %get3A_758 = arith.constant 32 : index
      %get3A_759 = tpu.vector_load %arg10[%get3A_758] {strides = array<i32>} : memref<384xf32, #tpu.memory_space<vmem>>, vector<16xf32>,
      %get3A_760 = vector.shape_cast %get3A_759 : vector<16xf32> to vector<16xf32>
      %add3A_761 = arith.addf %get3A_757, %get3A_760 : vector<16xf32>
      %add3A_762 = arith.constant 32 : i32
      %add3A_763 = arith.addi %mul3A_728, %add3A_762 : i32
      %swap3A_764 = arith.index_cast %add3A_763 : i32 to index
      %swap3A_765 = tpu.vector_load %arg11[%swap3A_764] {strides = array<i32>} : memref<48016xf32, #tpu.memory_space<vmem>>, vector<16xf32>,
      %swap3A_766 = vector.shape_cast %swap3A_765 : vector<16xf32> to vector<16xf32>
      %swap3A_767 = vector.shape_cast %add3A_761 : vector<16xf32> to vector<16xf32>
      tpu.vector_store %arg11[%swap3A_764], %swap3A_767 {strides = array<i32>} : memref<48016xf32, #tpu.memory_space<vmem>>, vector<16xf32>,
      %get3A_768 = arith.constant 48 : index
      %get3A_769 = tpu.vector_load %arg9[%get3A_768] {strides = array<i32>} : memref<384xf32, #tpu.memory_space<vmem>>, vector<16xf32>,
      %get3A_770 = vector.shape_cast %get3A_769 : vector<16xf32> to vector<16xf32>
      %get3A_771 = arith.constant 48 : index
      %get3A_772 = tpu.vector_load %arg10[%get3A_771] {strides = array<i32>} : memref<384xf32, #tpu.memory_space<vmem>>, vector<16xf32>,
      %get3A_773 = vector.shape_cast %get3A_772 : vector<16xf32> to vector<16xf32>
      %add3A_774 = arith.addf %get3A_770, %get3A_773 : vector<16xf32>
      %add3A_775 = arith.constant 48 : i32
      %add3A_776 = arith.addi %mul3A_728, %add3A_775 : i32
      %swap3A_777 = arith.index_cast %add3A_776 : i32 to index
      %swap3A_778 = tpu.vector_load %arg11[%swap3A_777] {strides = array<i32>} : memref<48016xf32, #tpu.memory_space<vmem>>, vector<16xf32>,
      %swap3A_779 = vector.shape_cast %swap3A_778 : vector<16xf32> to vector<16xf32>
      %swap3A_780 = vector.shape_cast %add3A_774 : vector<16xf32> to vector<16xf32>
      tpu.vector_store %arg11[%swap3A_777], %swap3A_780 {strides = array<i32>} : memref<48016xf32, #tpu.memory_space<vmem>>, vector<16xf32>,
      %get3A_781 = arith.constant 64 : index
      %get3A_782 = tpu.vector_load %arg9[%get3A_781] {strides = array<i32>} : memref<384xf32, #tpu.memory_space<vmem>>, vector<16xf32>,
      %get3A_783 = vector.shape_cast %get3A_782 : vector<16xf32> to vector<16xf32>
      %get3A_784 = arith.constant 64 : index
      %get3A_785 = tpu.vector_load %arg10[%get3A_784] {strides = array<i32>} : memref<384xf32, #tpu.memory_space<vmem>>, vector<16xf32>,
      %get3A_786 = vector.shape_cast %get3A_785 : vector<16xf32> to vector<16xf32>
      %add3A_787 = arith.addf %get3A_783, %get3A_786 : vector<16xf32>
      %add3A_788 = arith.constant 64 : i32
      %add3A_789 = arith.addi %mul3A_728, %add3A_788 : i32
      %swap3A_790 = arith.index_cast %add3A_789 : i32 to index
      %swap3A_791 = tpu.vector_load %arg11[%swap3A_790] {strides = array<i32>} : memref<48016xf32, #tpu.memory_space<vmem>>, vector<16xf32>,
      %swap3A_792 = vector.shape_cast %swap3A_791 : vector<16xf32> to vector<16xf32>
      %swap3A_793 = vector.shape_cast %add3A_787 : vector<16xf32> to vector<16xf32>
      tpu.vector_store %arg11[%swap3A_790], %swap3A_793 {strides = array<i32>} : memref<48016xf32, #tpu.memory_space<vmem>>, vector<16xf32>,
      %get3A_794 = arith.constant 80 : index
      %get3A_795 = tpu.vector_load %arg9[%get3A_794] {strides = array<i32>} : memref<384xf32, #tpu.memory_space<vmem>>, vector<16xf32>,
      %get3A_796 = vector.shape_cast %get3A_795 : vector<16xf32> to vector<16xf32>
      %get3A_797 = arith.constant 80 : index
      %get3A_798 = tpu.vector_load %arg10[%get3A_797] {strides = array<i32>} : memref<384xf32, #tpu.memory_space<vmem>>, vector<16xf32>,
      %get3A_799 = vector.shape_cast %get3A_798 : vector<16xf32> to vector<16xf32>
      %add3A_800 = arith.addf %get3A_796, %get3A_799 : vector<16xf32>
      %add3A_801 = arith.constant 80 : i32
      %add3A_802 = arith.addi %mul3A_728, %add3A_801 : i32
      %swap3A_803 = arith.index_cast %add3A_802 : i32 to index
      %swap3A_804 = tpu.vector_load %arg11[%swap3A_803] {strides = array<i32>} : memref<48016xf32, #tpu.memory_space<vmem>>, vector<16xf32>,
      %swap3A_805 = vector.shape_cast %swap3A_804 : vector<16xf32> to vector<16xf32>
      %swap3A_806 = vector.shape_cast %add3A_800 : vector<16xf32> to vector<16xf32>
      tpu.vector_store %arg11[%swap3A_803], %swap3A_806 {strides = array<i32>} : memref<48016xf32, #tpu.memory_space<vmem>>, vector<16xf32>,
      %get3A_807 = arith.constant 96 : index
      %get3A_808 = tpu.vector_load %arg9[%get3A_807] {strides = array<i32>} : memref<384xf32, #tpu.memory_space<vmem>>, vector<16xf32>,
      %get3A_809 = vector.shape_cast %get3A_808 : vector<16xf32> to vector<16xf32>
      %get3A_810 = arith.constant 96 : index
      %get3A_811 = tpu.vector_load %arg10[%get3A_810] {strides = array<i32>} : memref<384xf32, #tpu.memory_space<vmem>>, vector<16xf32>,
      %get3A_812 = vector.shape_cast %get3A_811 : vector<16xf32> to vector<16xf32>
      %add3A_813 = arith.addf %get3A_809, %get3A_812 : vector<16xf32>
      %add3A_814 = arith.constant 96 : i32
      %add3A_815 = arith.addi %mul3A_728, %add3A_814 : i32
      %swap3A_816 = arith.index_cast %add3A_815 : i32 to index
      %swap3A_817 = tpu.vector_load %arg11[%swap3A_816] {strides = array<i32>} : memref<48016xf32, #tpu.memory_space<vmem>>, vector<16xf32>,
      %swap3A_818 = vector.shape_cast %swap3A_817 : vector<16xf32> to vector<16xf32>
      %swap3A_819 = vector.shape_cast %add3A_813 : vector<16xf32> to vector<16xf32>
      tpu.vector_store %arg11[%swap3A_816], %swap3A_819 {strides = array<i32>} : memref<48016xf32, #tpu.memory_space<vmem>>, vector<16xf32>,
      %get3A_820 = arith.constant 112 : index
      %get3A_821 = tpu.vector_load %arg9[%get3A_820] {strides = array<i32>} : memref<384xf32, #tpu.memory_space<vmem>>, vector<16xf32>,
      %get3A_822 = vector.shape_cast %get3A_821 : vector<16xf32> to vector<16xf32>
      %get3A_823 = arith.constant 112 : index
      %get3A_824 = tpu.vector_load %arg10[%get3A_823] {strides = array<i32>} : memref<384xf32, #tpu.memory_space<vmem>>, vector<16xf32>,
      %get3A_825 = vector.shape_cast %get3A_824 : vector<16xf32> to vector<16xf32>
      %add3A_826 = arith.addf %get3A_822, %get3A_825 : vector<16xf32>
      %add3A_827 = arith.constant 112 : i32
      %add3A_828 = arith.addi %mul3A_728, %add3A_827 : i32
      %swap3A_829 = arith.index_cast %add3A_828 : i32 to index
      %swap3A_830 = tpu.vector_load %arg11[%swap3A_829] {strides = array<i32>} : memref<48016xf32, #tpu.memory_space<vmem>>, vector<16xf32>,
      %swap3A_831 = vector.shape_cast %swap3A_830 : vector<16xf32> to vector<16xf32>
      %swap3A_832 = vector.shape_cast %add3A_826 : vector<16xf32> to vector<16xf32>
      tpu.vector_store %arg11[%swap3A_829], %swap3A_832 {strides = array<i32>} : memref<48016xf32, #tpu.memory_space<vmem>>, vector<16xf32>,
      %get3A_833 = arith.constant 128 : index
      %get3A_834 = tpu.vector_load %arg9[%get3A_833] {strides = array<i32>} : memref<384xf32, #tpu.memory_space<vmem>>, vector<16xf32>,
      %get3A_835 = vector.shape_cast %get3A_834 : vector<16xf32> to vector<16xf32>
      %get3A_836 = arith.constant 128 : index
      %get3A_837 = tpu.vector_load %arg10[%get3A_836] {strides = array<i32>} : memref<384xf32, #tpu.memory_space<vmem>>, vector<16xf32>,
      %get3A_838 = vector.shape_cast %get3A_837 : vector<16xf32> to vector<16xf32>
      %add3A_839 = arith.addf %get3A_835, %get3A_838 : vector<16xf32>
      %add3A_840 = arith.constant 128 : i32
      %add3A_841 = arith.addi %mul3A_728, %add3A_840 : i32
      %swap3A_842 = arith.index_cast %add3A_841 : i32 to index
      %swap3A_843 = tpu.vector_load %arg11[%swap3A_842] {strides = array<i32>} : memref<48016xf32, #tpu.memory_space<vmem>>, vector<16xf32>,
      %swap3A_844 = vector.shape_cast %swap3A_843 : vector<16xf32> to vector<16xf32>
      %swap3A_845 = vector.shape_cast %add3A_839 : vector<16xf32> to vector<16xf32>
      tpu.vector_store %arg11[%swap3A_842], %swap3A_845 {strides = array<i32>} : memref<48016xf32, #tpu.memory_space<vmem>>, vector<16xf32>,
      %get3A_846 = arith.constant 144 : index
      %get3A_847 = tpu.vector_load %arg9[%get3A_846] {strides = array<i32>} : memref<384xf32, #tpu.memory_space<vmem>>, vector<16xf32>,
      %get3A_848 = vector.shape_cast %get3A_847 : vector<16xf32> to vector<16xf32>
      %get3A_849 = arith.constant 144 : index
      %get3A_850 = tpu.vector_load %arg10[%get3A_849] {strides = array<i32>} : memref<384xf32, #tpu.memory_space<vmem>>, vector<16xf32>,
      %get3A_851 = vector.shape_cast %get3A_850 : vector<16xf32> to vector<16xf32>
      %add3A_852 = arith.addf %get3A_848, %get3A_851 : vector<16xf32>
      %add3A_853 = arith.constant 144 : i32
      %add3A_854 = arith.addi %mul3A_728, %add3A_853 : i32
      %swap3A_855 = arith.index_cast %add3A_854 : i32 to index
      %swap3A_856 = tpu.vector_load %arg11[%swap3A_855] {strides = array<i32>} : memref<48016xf32, #tpu.memory_space<vmem>>, vector<16xf32>,
      %swap3A_857 = vector.shape_cast %swap3A_856 : vector<16xf32> to vector<16xf32>
      %swap3A_858 = vector.shape_cast %add3A_852 : vector<16xf32> to vector<16xf32>
      tpu.vector_store %arg11[%swap3A_855], %swap3A_858 {strides = array<i32>} : memref<48016xf32, #tpu.memory_space<vmem>>, vector<16xf32>,
      %get3A_859 = arith.constant 160 : index
      %get3A_860 = tpu.vector_load %arg9[%get3A_859] {strides = array<i32>} : memref<384xf32, #tpu.memory_space<vmem>>, vector<16xf32>,
      %get3A_861 = vector.shape_cast %get3A_860 : vector<16xf32> to vector<16xf32>
      %get3A_862 = arith.constant 160 : index
      %get3A_863 = tpu.vector_load %arg10[%get3A_862] {strides = array<i32>} : memref<384xf32, #tpu.memory_space<vmem>>, vector<16xf32>,
      %get3A_864 = vector.shape_cast %get3A_863 : vector<16xf32> to vector<16xf32>
      %add3A_865 = arith.addf %get3A_861, %get3A_864 : vector<16xf32>
      %add3A_866 = arith.constant 160 : i32
      %add3A_867 = arith.addi %mul3A_728, %add3A_866 : i32
      %swap3A_868 = arith.index_cast %add3A_867 : i32 to index
      %swap3A_869 = tpu.vector_load %arg11[%swap3A_868] {strides = array<i32>} : memref<48016xf32, #tpu.memory_space<vmem>>, vector<16xf32>,
      %swap3A_870 = vector.shape_cast %swap3A_869 : vector<16xf32> to vector<16xf32>
      %swap3A_871 = vector.shape_cast %add3A_865 : vector<16xf32> to vector<16xf32>
      tpu.vector_store %arg11[%swap3A_868], %swap3A_871 {strides = array<i32>} : memref<48016xf32, #tpu.memory_space<vmem>>, vector<16xf32>,
      %get3A_872 = arith.constant 176 : index
      %get3A_873 = tpu.vector_load %arg9[%get3A_872] {strides = array<i32>} : memref<384xf32, #tpu.memory_space<vmem>>, vector<16xf32>,
      %get3A_874 = vector.shape_cast %get3A_873 : vector<16xf32> to vector<16xf32>
      %get3A_875 = arith.constant 176 : index
      %get3A_876 = tpu.vector_load %arg10[%get3A_875] {strides = array<i32>} : memref<384xf32, #tpu.memory_space<vmem>>, vector<16xf32>,
      %get3A_877 = vector.shape_cast %get3A_876 : vector<16xf32> to vector<16xf32>
      %add3A_878 = arith.addf %get3A_874, %get3A_877 : vector<16xf32>
      %add3A_879 = arith.constant 176 : i32
      %add3A_880 = arith.addi %mul3A_728, %add3A_879 : i32
      %swap3A_881 = arith.index_cast %add3A_880 : i32 to index
      %swap3A_882 = tpu.vector_load %arg11[%swap3A_881] {strides = array<i32>} : memref<48016xf32, #tpu.memory_space<vmem>>, vector<16xf32>,
      %swap3A_883 = vector.shape_cast %swap3A_882 : vector<16xf32> to vector<16xf32>
      %swap3A_884 = vector.shape_cast %add3A_878 : vector<16xf32> to vector<16xf32>
      tpu.vector_store %arg11[%swap3A_881], %swap3A_884 {strides = array<i32>} : memref<48016xf32, #tpu.memory_space<vmem>>, vector<16xf32>,
      %get3A_885 = arith.constant 192 : index
      %get3A_886 = tpu.vector_load %arg9[%get3A_885] {strides = array<i32>} : memref<384xf32, #tpu.memory_space<vmem>>, vector<16xf32>,
      %get3A_887 = vector.shape_cast %get3A_886 : vector<16xf32> to vector<16xf32>
      %get3A_888 = arith.constant 192 : index
      %get3A_889 = tpu.vector_load %arg10[%get3A_888] {strides = array<i32>} : memref<384xf32, #tpu.memory_space<vmem>>, vector<16xf32>,
      %get3A_890 = vector.shape_cast %get3A_889 : vector<16xf32> to vector<16xf32>
      %add3A_891 = arith.addf %get3A_887, %get3A_890 : vector<16xf32>
      %add3A_892 = arith.constant 192 : i32
      %add3A_893 = arith.addi %mul3A_728, %add3A_892 : i32
      %swap3A_894 = arith.index_cast %add3A_893 : i32 to index
      %swap3A_895 = tpu.vector_load %arg11[%swap3A_894] {strides = array<i32>} : memref<48016xf32, #tpu.memory_space<vmem>>, vector<16xf32>,
      %swap3A_896 = vector.shape_cast %swap3A_895 : vector<16xf32> to vector<16xf32>
      %swap3A_897 = vector.shape_cast %add3A_891 : vector<16xf32> to vector<16xf32>
      tpu.vector_store %arg11[%swap3A_894], %swap3A_897 {strides = array<i32>} : memref<48016xf32, #tpu.memory_space<vmem>>, vector<16xf32>,
      %get3A_898 = arith.constant 208 : index
      %get3A_899 = tpu.vector_load %arg9[%get3A_898] {strides = array<i32>} : memref<384xf32, #tpu.memory_space<vmem>>, vector<16xf32>,
      %get3A_900 = vector.shape_cast %get3A_899 : vector<16xf32> to vector<16xf32>
      %get3A_901 = arith.constant 208 : index
      %get3A_902 = tpu.vector_load %arg10[%get3A_901] {strides = array<i32>} : memref<384xf32, #tpu.memory_space<vmem>>, vector<16xf32>,
      %get3A_903 = vector.shape_cast %get3A_902 : vector<16xf32> to vector<16xf32>
      %add3A_904 = arith.addf %get3A_900, %get3A_903 : vector<16xf32>
      %add3A_905 = arith.constant 208 : i32
      %add3A_906 = arith.addi %mul3A_728, %add3A_905 : i32
      %swap3A_907 = arith.index_cast %add3A_906 : i32 to index
      %swap3A_908 = tpu.vector_load %arg11[%swap3A_907] {strides = array<i32>} : memref<48016xf32, #tpu.memory_space<vmem>>, vector<16xf32>,
      %swap3A_909 = vector.shape_cast %swap3A_908 : vector<16xf32> to vector<16xf32>
      %swap3A_910 = vector.shape_cast %add3A_904 : vector<16xf32> to vector<16xf32>
      tpu.vector_store %arg11[%swap3A_907], %swap3A_910 {strides = array<i32>} : memref<48016xf32, #tpu.memory_space<vmem>>, vector<16xf32>,
      %get3A_911 = arith.constant 224 : index
      %get3A_912 = tpu.vector_load %arg9[%get3A_911] {strides = array<i32>} : memref<384xf32, #tpu.memory_space<vmem>>, vector<16xf32>,
      %get3A_913 = vector.shape_cast %get3A_912 : vector<16xf32> to vector<16xf32>
      %get3A_914 = arith.constant 224 : index
      %get3A_915 = tpu.vector_load %arg10[%get3A_914] {strides = array<i32>} : memref<384xf32, #tpu.memory_space<vmem>>, vector<16xf32>,
      %get3A_916 = vector.shape_cast %get3A_915 : vector<16xf32> to vector<16xf32>
      %add3A_917 = arith.addf %get3A_913, %get3A_916 : vector<16xf32>
      %add3A_918 = arith.constant 224 : i32
      %add3A_919 = arith.addi %mul3A_728, %add3A_918 : i32
      %swap3A_920 = arith.index_cast %add3A_919 : i32 to index
      %swap3A_921 = tpu.vector_load %arg11[%swap3A_920] {strides = array<i32>} : memref<48016xf32, #tpu.memory_space<vmem>>, vector<16xf32>,
      %swap3A_922 = vector.shape_cast %swap3A_921 : vector<16xf32> to vector<16xf32>
      %swap3A_923 = vector.shape_cast %add3A_917 : vector<16xf32> to vector<16xf32>
      tpu.vector_store %arg11[%swap3A_920], %swap3A_923 {strides = array<i32>} : memref<48016xf32, #tpu.memory_space<vmem>>, vector<16xf32>,
      %get3A_924 = arith.constant 240 : index
      %get3A_925 = tpu.vector_load %arg9[%get3A_924] {strides = array<i32>} : memref<384xf32, #tpu.memory_space<vmem>>, vector<16xf32>,
      %get3A_926 = vector.shape_cast %get3A_925 : vector<16xf32> to vector<16xf32>
      %get3A_927 = arith.constant 240 : index
      %get3A_928 = tpu.vector_load %arg10[%get3A_927] {strides = array<i32>} : memref<384xf32, #tpu.memory_space<vmem>>, vector<16xf32>,
      %get3A_929 = vector.shape_cast %get3A_928 : vector<16xf32> to vector<16xf32>
      %add3A_930 = arith.addf %get3A_926, %get3A_929 : vector<16xf32>
      %add3A_931 = arith.constant 240 : i32
      %add3A_932 = arith.addi %mul3A_728, %add3A_931 : i32
      %swap3A_933 = arith.index_cast %add3A_932 : i32 to index
      %swap3A_934 = tpu.vector_load %arg11[%swap3A_933] {strides = array<i32>} : memref<48016xf32, #tpu.memory_space<vmem>>, vector<16xf32>,
      %swap3A_935 = vector.shape_cast %swap3A_934 : vector<16xf32> to vector<16xf32>
      %swap3A_936 = vector.shape_cast %add3A_930 : vector<16xf32> to vector<16xf32>
      tpu.vector_store %arg11[%swap3A_933], %swap3A_936 {strides = array<i32>} : memref<48016xf32, #tpu.memory_space<vmem>>, vector<16xf32>,
      %get3A_937 = arith.constant 256 : index
      %get3A_938 = tpu.vector_load %arg9[%get3A_937] {strides = array<i32>} : memref<384xf32, #tpu.memory_space<vmem>>, vector<16xf32>,
      %get3A_939 = vector.shape_cast %get3A_938 : vector<16xf32> to vector<16xf32>
      %get3A_940 = arith.constant 256 : index
      %get3A_941 = tpu.vector_load %arg10[%get3A_940] {strides = array<i32>} : memref<384xf32, #tpu.memory_space<vmem>>, vector<16xf32>,
      %get3A_942 = vector.shape_cast %get3A_941 : vector<16xf32> to vector<16xf32>
      %add3A_943 = arith.addf %get3A_939, %get3A_942 : vector<16xf32>
      %add3A_944 = arith.constant 256 : i32
      %add3A_945 = arith.addi %mul3A_728, %add3A_944 : i32
      %swap3A_946 = arith.index_cast %add3A_945 : i32 to index
      %swap3A_947 = tpu.vector_load %arg11[%swap3A_946] {strides = array<i32>} : memref<48016xf32, #tpu.memory_space<vmem>>, vector<16xf32>,
      %swap3A_948 = vector.shape_cast %swap3A_947 : vector<16xf32> to vector<16xf32>
      %swap3A_949 = vector.shape_cast %add3A_943 : vector<16xf32> to vector<16xf32>
      tpu.vector_store %arg11[%swap3A_946], %swap3A_949 {strides = array<i32>} : memref<48016xf32, #tpu.memory_space<vmem>>, vector<16xf32>,
      %get3A_950 = arith.constant 272 : index
      %get3A_951 = tpu.vector_load %arg9[%get3A_950] {strides = array<i32>} : memref<384xf32, #tpu.memory_space<vmem>>, vector<16xf32>,
      %get3A_952 = vector.shape_cast %get3A_951 : vector<16xf32> to vector<16xf32>
      %get3A_953 = arith.constant 272 : index
      %get3A_954 = tpu.vector_load %arg10[%get3A_953] {strides = array<i32>} : memref<384xf32, #tpu.memory_space<vmem>>, vector<16xf32>,
      %get3A_955 = vector.shape_cast %get3A_954 : vector<16xf32> to vector<16xf32>
      %add3A_956 = arith.addf %get3A_952, %get3A_955 : vector<16xf32>
      %add3A_957 = arith.constant 272 : i32
      %add3A_958 = arith.addi %mul3A_728, %add3A_957 : i32
      %swap3A_959 = arith.index_cast %add3A_958 : i32 to index
      %swap3A_960 = tpu.vector_load %arg11[%swap3A_959] {strides = array<i32>} : memref<48016xf32, #tpu.memory_space<vmem>>, vector<16xf32>,
      %swap3A_961 = vector.shape_cast %swap3A_960 : vector<16xf32> to vector<16xf32>
      %swap3A_962 = vector.shape_cast %add3A_956 : vector<16xf32> to vector<16xf32>
      tpu.vector_store %arg11[%swap3A_959], %swap3A_962 {strides = array<i32>} : memref<48016xf32, #tpu.memory_space<vmem>>, vector<16xf32>,
      %get3A_963 = arith.constant 288 : index
      %get3A_964 = tpu.vector_load %arg9[%get3A_963] {strides = array<i32>} : memref<384xf32, #tpu.memory_space<vmem>>, vector<16xf32>,
      %get3A_965 = vector.shape_cast %get3A_964 : vector<16xf32> to vector<16xf32>
      %get3A_966 = arith.constant 288 : index
      %get3A_967 = tpu.vector_load %arg10[%get3A_966] {strides = array<i32>} : memref<384xf32, #tpu.memory_space<vmem>>, vector<16xf32>,
      %get3A_968 = vector.shape_cast %get3A_967 : vector<16xf32> to vector<16xf32>
      %add3A_969 = arith.addf %get3A_965, %get3A_968 : vector<16xf32>
      %add3A_970 = arith.constant 288 : i32
      %add3A_971 = arith.addi %mul3A_728, %add3A_970 : i32
      %swap3A_972 = arith.index_cast %add3A_971 : i32 to index
      %swap3A_973 = tpu.vector_load %arg11[%swap3A_972] {strides = array<i32>} : memref<48016xf32, #tpu.memory_space<vmem>>, vector<16xf32>,
      %swap3A_974 = vector.shape_cast %swap3A_973 : vector<16xf32> to vector<16xf32>
      %swap3A_975 = vector.shape_cast %add3A_969 : vector<16xf32> to vector<16xf32>
      tpu.vector_store %arg11[%swap3A_972], %swap3A_975 {strides = array<i32>} : memref<48016xf32, #tpu.memory_space<vmem>>, vector<16xf32>,
      %scan3A_976 = arith.constant 0 : i32
      scf.yield %scan3A_976 : i32
    }
    %scan3A_410 = arith.constant 160 : i32
    %mul3A_411 = arith.constant 300 : i32
    %mul3A_412 = arith.muli %mul3A_2, %mul3A_411 : i32
    "tpu.region"() ({
      %run_scoped3A = tpu.sem_alloc : memref<!tpu.dma_semaphore, #tpu.memory_space<semaphore_mem>>
      %dma_start3A = arith.constant 0 : i32
      %dma_start3A_413 = tpu.memref_slice %arg11[%dma_start3A] : memref<48016xf32, #tpu.memory_space<vmem>> -> memref<48000xf32, #tpu.memory_space<vmem>>
      %dma_start3A_414 = tpu.memref_slice %arg5[%mul3A_412] : memref<1536000xf32, #tpu.memory_space<hbm>> -> memref<48000xf32, #tpu.memory_space<hbm>>
      %dma_start3A_415 = tpu.memref_slice %arg5[%mul3A_412] : memref<1536000xf32, #tpu.memory_space<hbm>> -> memref<48000xf32, #tpu.memory_space<hbm>>
      %dma_start3A_416 = arith.constant 0 : i32
      %dma_start3A_417 = tpu.memref_slice %arg11[%dma_start3A_416] : memref<48016xf32, #tpu.memory_space<vmem>> -> memref<48000xf32, #tpu.memory_space<vmem>>
      tpu.enqueue_dma source(%dma_start3A_417 : memref<48000xf32, #tpu.memory_space<vmem>>) target(%dma_start3A_415 : memref<48000xf32, #tpu.memory_space<hbm>>) target_semaphore(%run_scoped3A : memref<!tpu.dma_semaphore, #tpu.memory_space<semaphore_mem>>)
      %dma_wait3A = arith.constant 0 : i32
      %dma_wait3A_418 = tpu.memref_slice %arg11[%dma_wait3A] : memref<48016xf32, #tpu.memory_space<vmem>> -> memref<48000xf32, #tpu.memory_space<vmem>>
      %dma_wait3A_419 = tpu.memref_slice %arg5[%mul3A_412] : memref<1536000xf32, #tpu.memory_space<hbm>> -> memref<48000xf32, #tpu.memory_space<hbm>>
      %dma_wait3A_420 = tpu.memref_slice %arg5[%mul3A_412] : memref<1536000xf32, #tpu.memory_space<hbm>> -> memref<48000xf32, #tpu.memory_space<hbm>>
      %dma_wait3A_421 = arith.constant 0 : i32
      %dma_wait3A_422 = tpu.memref_slice %arg11[%dma_wait3A_421] : memref<48016xf32, #tpu.memory_space<vmem>> -> memref<48000xf32, #tpu.memory_space<vmem>>
      tpu.wait_dma2 semaphore(%run_scoped3A : memref<!tpu.dma_semaphore, #tpu.memory_space<semaphore_mem>>) src(%dma_wait3A_422 : memref<48000xf32, #tpu.memory_space<vmem>>) dst(%dma_wait3A_420 : memref<48000xf32, #tpu.memory_space<hbm>>)
      tpu.yield
    }) : () -> ()
    return
  }
}

#map = affine_map<(d0, d1) -> (0, 0)>
#map1 = affine_map<(d0, d1) -> (0)>
module attributes {stable_mosaic.version = 14 : i64} {
  func.func @k(%arg0: i32, %arg1: i32, %arg2: memref<300x10000xf32, #tpu.memory_space<hbm>>, %arg3: memref<1024xi32, #tpu.memory_space<hbm>>, %arg4: memref<1024x10000xf32, #tpu.memory_space<hbm>>, %arg5: memref<32xi32, #tpu.memory_space<vmem>>, %arg6: memref<8x10000xf32, #tpu.memory_space<vmem>>, %arg7: memref<!tpu.dma_semaphore, #tpu.memory_space<semaphore_mem>>) attributes {dimension_semantics = [#tpu.dimension_semantics<core_parallel>, #tpu.dimension_semantics<subcore_parallel>], iteration_bounds = array<i64: 2, 16>, scalar_prefetch = 0 : i64, scratch_operands = 3 : i64, tpu.core_type = #tpu.core_type<sc_vector_subcore>, window_params = [{transform_indices = #map}, {transform_indices = #map1}, {transform_indices = #map}]} {
    %mul3A = arith.constant 2 : i32
    %mul3A_0 = arith.muli %arg1, %mul3A : i32
    %add3A = arith.addi %mul3A_0, %arg0 : i32
    %mul3A_1 = arith.constant 32 : i32
    %mul3A_2 = arith.muli %add3A, %mul3A_1 : i32
    "tpu.region"() ({
      %run_scoped3A = tpu.sem_alloc : memref<!tpu.dma_semaphore, #tpu.memory_space<semaphore_mem>>
      %dma_start3A_49 = tpu.memref_slice %arg3[%mul3A_2] : memref<1024xi32, #tpu.memory_space<hbm>> -> memref<32xi32, #tpu.memory_space<hbm>>
      %dma_start3A_50 = tpu.memref_slice %arg3[%mul3A_2] : memref<1024xi32, #tpu.memory_space<hbm>> -> memref<32xi32, #tpu.memory_space<hbm>>
      tpu.enqueue_dma source(%dma_start3A_50 : memref<32xi32, #tpu.memory_space<hbm>>) target(%arg5 : memref<32xi32, #tpu.memory_space<vmem>>) target_semaphore(%run_scoped3A : memref<!tpu.dma_semaphore, #tpu.memory_space<semaphore_mem>>)
      %dma_wait3A_51 = tpu.memref_slice %arg3[%mul3A_2] : memref<1024xi32, #tpu.memory_space<hbm>> -> memref<32xi32, #tpu.memory_space<hbm>>
      %dma_wait3A_52 = tpu.memref_slice %arg3[%mul3A_2] : memref<1024xi32, #tpu.memory_space<hbm>> -> memref<32xi32, #tpu.memory_space<hbm>>
      tpu.wait_dma2 semaphore(%run_scoped3A : memref<!tpu.dma_semaphore, #tpu.memory_space<semaphore_mem>>) src(%dma_wait3A_52 : memref<32xi32, #tpu.memory_space<hbm>>) dst(%arg5 : memref<32xi32, #tpu.memory_space<vmem>>)
      tpu.yield
    }) : () -> ()
    %dma_start3A = arith.constant 0 : i32
    %dma_start3A_3 = tpu.memref_slice %arg5[%dma_start3A] : memref<32xi32, #tpu.memory_space<vmem>> -> memref<8xi32, #tpu.memory_space<vmem>>
    %dma_start3A_4 = arith.constant 0 : i32
    %dma_start3A_5 = arith.constant 0 : i32
    %dma_start3A_6 = tpu.memref_slice %arg2[%dma_start3A_4, %dma_start3A_5] : memref<300x10000xf32, #tpu.memory_space<hbm>> -> memref<300x10000xf32, #tpu.memory_space<hbm>>
    tpu.enqueue_indirect_dma source(%dma_start3A_6 : memref<300x10000xf32, #tpu.memory_space<hbm>>) target(%arg6 : memref<8x10000xf32, #tpu.memory_space<vmem>>) offsets(%dma_start3A_3 : memref<8xi32, #tpu.memory_space<vmem>>) semaphore(%arg7 : memref<!tpu.dma_semaphore, #tpu.memory_space<semaphore_mem>>)
    %dma_wait3A = arith.constant 0 : i32
    %dma_wait3A_7 = tpu.memref_slice %arg5[%dma_wait3A] : memref<32xi32, #tpu.memory_space<vmem>> -> memref<8xi32, #tpu.memory_space<vmem>>
    %dma_wait3A_8 = arith.constant 0 : i32
    %dma_wait3A_9 = arith.constant 0 : i32
    %dma_wait3A_10 = tpu.memref_slice %arg2[%dma_wait3A_8, %dma_wait3A_9] : memref<300x10000xf32, #tpu.memory_space<hbm>> -> memref<300x10000xf32, #tpu.memory_space<hbm>>
    tpu.wait_indirect_dma semaphore(%arg7 : memref<!tpu.dma_semaphore, #tpu.memory_space<semaphore_mem>>) src(%dma_wait3A_10 : memref<300x10000xf32, #tpu.memory_space<hbm>>) dst(%arg6 : memref<8x10000xf32, #tpu.memory_space<vmem>>)
    %add3A_11 = arith.constant 0 : i32
    %add3A_12 = arith.addi %mul3A_2, %add3A_11 : i32
    "tpu.region"() ({
      %run_scoped3A = tpu.sem_alloc : memref<!tpu.dma_semaphore, #tpu.memory_space<semaphore_mem>>
      %dma_start3A_49 = arith.constant 0 : i32
      %dma_start3A_50 = tpu.memref_slice %arg4[%add3A_12, %dma_start3A_49] : memref<1024x10000xf32, #tpu.memory_space<hbm>> -> memref<8x10000xf32, #tpu.memory_space<hbm>>
      %dma_start3A_51 = arith.constant 0 : i32
      %dma_start3A_52 = tpu.memref_slice %arg4[%add3A_12, %dma_start3A_51] : memref<1024x10000xf32, #tpu.memory_space<hbm>> -> memref<8x10000xf32, #tpu.memory_space<hbm>>
      tpu.enqueue_dma source(%arg6 : memref<8x10000xf32, #tpu.memory_space<vmem>>) target(%dma_start3A_52 : memref<8x10000xf32, #tpu.memory_space<hbm>>) target_semaphore(%run_scoped3A : memref<!tpu.dma_semaphore, #tpu.memory_space<semaphore_mem>>)
      %dma_wait3A_53 = arith.constant 0 : i32
      %dma_wait3A_54 = tpu.memref_slice %arg4[%add3A_12, %dma_wait3A_53] : memref<1024x10000xf32, #tpu.memory_space<hbm>> -> memref<8x10000xf32, #tpu.memory_space<hbm>>
      %dma_wait3A_55 = arith.constant 0 : i32
      %dma_wait3A_56 = tpu.memref_slice %arg4[%add3A_12, %dma_wait3A_55] : memref<1024x10000xf32, #tpu.memory_space<hbm>> -> memref<8x10000xf32, #tpu.memory_space<hbm>>
      tpu.wait_dma2 semaphore(%run_scoped3A : memref<!tpu.dma_semaphore, #tpu.memory_space<semaphore_mem>>) src(%arg6 : memref<8x10000xf32, #tpu.memory_space<vmem>>) dst(%dma_wait3A_56 : memref<8x10000xf32, #tpu.memory_space<hbm>>)
      tpu.yield
    }) : () -> ()
    %dma_start3A_13 = arith.constant 8 : i32
    %dma_start3A_14 = tpu.memref_slice %arg5[%dma_start3A_13] : memref<32xi32, #tpu.memory_space<vmem>> -> memref<8xi32, #tpu.memory_space<vmem>>
    %dma_start3A_15 = arith.constant 0 : i32
    %dma_start3A_16 = arith.constant 0 : i32
    %dma_start3A_17 = tpu.memref_slice %arg2[%dma_start3A_15, %dma_start3A_16] : memref<300x10000xf32, #tpu.memory_space<hbm>> -> memref<300x10000xf32, #tpu.memory_space<hbm>>
    tpu.enqueue_indirect_dma source(%dma_start3A_17 : memref<300x10000xf32, #tpu.memory_space<hbm>>) target(%arg6 : memref<8x10000xf32, #tpu.memory_space<vmem>>) offsets(%dma_start3A_14 : memref<8xi32, #tpu.memory_space<vmem>>) semaphore(%arg7 : memref<!tpu.dma_semaphore, #tpu.memory_space<semaphore_mem>>)
    %dma_wait3A_18 = arith.constant 8 : i32
    %dma_wait3A_19 = tpu.memref_slice %arg5[%dma_wait3A_18] : memref<32xi32, #tpu.memory_space<vmem>> -> memref<8xi32, #tpu.memory_space<vmem>>
    %dma_wait3A_20 = arith.constant 0 : i32
    %dma_wait3A_21 = arith.constant 0 : i32
    %dma_wait3A_22 = tpu.memref_slice %arg2[%dma_wait3A_20, %dma_wait3A_21] : memref<300x10000xf32, #tpu.memory_space<hbm>> -> memref<300x10000xf32, #tpu.memory_space<hbm>>
    tpu.wait_indirect_dma semaphore(%arg7 : memref<!tpu.dma_semaphore, #tpu.memory_space<semaphore_mem>>) src(%dma_wait3A_22 : memref<300x10000xf32, #tpu.memory_space<hbm>>) dst(%arg6 : memref<8x10000xf32, #tpu.memory_space<vmem>>)
    %add3A_23 = arith.constant 8 : i32
    %add3A_24 = arith.addi %mul3A_2, %add3A_23 : i32
    "tpu.region"() ({
      %run_scoped3A = tpu.sem_alloc : memref<!tpu.dma_semaphore, #tpu.memory_space<semaphore_mem>>
      %dma_start3A_49 = arith.constant 0 : i32
      %dma_start3A_50 = tpu.memref_slice %arg4[%add3A_24, %dma_start3A_49] : memref<1024x10000xf32, #tpu.memory_space<hbm>> -> memref<8x10000xf32, #tpu.memory_space<hbm>>
      %dma_start3A_51 = arith.constant 0 : i32
      %dma_start3A_52 = tpu.memref_slice %arg4[%add3A_24, %dma_start3A_51] : memref<1024x10000xf32, #tpu.memory_space<hbm>> -> memref<8x10000xf32, #tpu.memory_space<hbm>>
      tpu.enqueue_dma source(%arg6 : memref<8x10000xf32, #tpu.memory_space<vmem>>) target(%dma_start3A_52 : memref<8x10000xf32, #tpu.memory_space<hbm>>) target_semaphore(%run_scoped3A : memref<!tpu.dma_semaphore, #tpu.memory_space<semaphore_mem>>)
      %dma_wait3A_53 = arith.constant 0 : i32
      %dma_wait3A_54 = tpu.memref_slice %arg4[%add3A_24, %dma_wait3A_53] : memref<1024x10000xf32, #tpu.memory_space<hbm>> -> memref<8x10000xf32, #tpu.memory_space<hbm>>
      %dma_wait3A_55 = arith.constant 0 : i32
      %dma_wait3A_56 = tpu.memref_slice %arg4[%add3A_24, %dma_wait3A_55] : memref<1024x10000xf32, #tpu.memory_space<hbm>> -> memref<8x10000xf32, #tpu.memory_space<hbm>>
      tpu.wait_dma2 semaphore(%run_scoped3A : memref<!tpu.dma_semaphore, #tpu.memory_space<semaphore_mem>>) src(%arg6 : memref<8x10000xf32, #tpu.memory_space<vmem>>) dst(%dma_wait3A_56 : memref<8x10000xf32, #tpu.memory_space<hbm>>)
      tpu.yield
    }) : () -> ()
    %dma_start3A_25 = arith.constant 16 : i32
    %dma_start3A_26 = tpu.memref_slice %arg5[%dma_start3A_25] : memref<32xi32, #tpu.memory_space<vmem>> -> memref<8xi32, #tpu.memory_space<vmem>>
    %dma_start3A_27 = arith.constant 0 : i32
    %dma_start3A_28 = arith.constant 0 : i32
    %dma_start3A_29 = tpu.memref_slice %arg2[%dma_start3A_27, %dma_start3A_28] : memref<300x10000xf32, #tpu.memory_space<hbm>> -> memref<300x10000xf32, #tpu.memory_space<hbm>>
    tpu.enqueue_indirect_dma source(%dma_start3A_29 : memref<300x10000xf32, #tpu.memory_space<hbm>>) target(%arg6 : memref<8x10000xf32, #tpu.memory_space<vmem>>) offsets(%dma_start3A_26 : memref<8xi32, #tpu.memory_space<vmem>>) semaphore(%arg7 : memref<!tpu.dma_semaphore, #tpu.memory_space<semaphore_mem>>)
    %dma_wait3A_30 = arith.constant 16 : i32
    %dma_wait3A_31 = tpu.memref_slice %arg5[%dma_wait3A_30] : memref<32xi32, #tpu.memory_space<vmem>> -> memref<8xi32, #tpu.memory_space<vmem>>
    %dma_wait3A_32 = arith.constant 0 : i32
    %dma_wait3A_33 = arith.constant 0 : i32
    %dma_wait3A_34 = tpu.memref_slice %arg2[%dma_wait3A_32, %dma_wait3A_33] : memref<300x10000xf32, #tpu.memory_space<hbm>> -> memref<300x10000xf32, #tpu.memory_space<hbm>>
    tpu.wait_indirect_dma semaphore(%arg7 : memref<!tpu.dma_semaphore, #tpu.memory_space<semaphore_mem>>) src(%dma_wait3A_34 : memref<300x10000xf32, #tpu.memory_space<hbm>>) dst(%arg6 : memref<8x10000xf32, #tpu.memory_space<vmem>>)
    %add3A_35 = arith.constant 16 : i32
    %add3A_36 = arith.addi %mul3A_2, %add3A_35 : i32
    "tpu.region"() ({
      %run_scoped3A = tpu.sem_alloc : memref<!tpu.dma_semaphore, #tpu.memory_space<semaphore_mem>>
      %dma_start3A_49 = arith.constant 0 : i32
      %dma_start3A_50 = tpu.memref_slice %arg4[%add3A_36, %dma_start3A_49] : memref<1024x10000xf32, #tpu.memory_space<hbm>> -> memref<8x10000xf32, #tpu.memory_space<hbm>>
      %dma_start3A_51 = arith.constant 0 : i32
      %dma_start3A_52 = tpu.memref_slice %arg4[%add3A_36, %dma_start3A_51] : memref<1024x10000xf32, #tpu.memory_space<hbm>> -> memref<8x10000xf32, #tpu.memory_space<hbm>>
      tpu.enqueue_dma source(%arg6 : memref<8x10000xf32, #tpu.memory_space<vmem>>) target(%dma_start3A_52 : memref<8x10000xf32, #tpu.memory_space<hbm>>) target_semaphore(%run_scoped3A : memref<!tpu.dma_semaphore, #tpu.memory_space<semaphore_mem>>)
      %dma_wait3A_53 = arith.constant 0 : i32
      %dma_wait3A_54 = tpu.memref_slice %arg4[%add3A_36, %dma_wait3A_53] : memref<1024x10000xf32, #tpu.memory_space<hbm>> -> memref<8x10000xf32, #tpu.memory_space<hbm>>
      %dma_wait3A_55 = arith.constant 0 : i32
      %dma_wait3A_56 = tpu.memref_slice %arg4[%add3A_36, %dma_wait3A_55] : memref<1024x10000xf32, #tpu.memory_space<hbm>> -> memref<8x10000xf32, #tpu.memory_space<hbm>>
      tpu.wait_dma2 semaphore(%run_scoped3A : memref<!tpu.dma_semaphore, #tpu.memory_space<semaphore_mem>>) src(%arg6 : memref<8x10000xf32, #tpu.memory_space<vmem>>) dst(%dma_wait3A_56 : memref<8x10000xf32, #tpu.memory_space<hbm>>)
      tpu.yield
    }) : () -> ()
    %dma_start3A_37 = arith.constant 24 : i32
    %dma_start3A_38 = tpu.memref_slice %arg5[%dma_start3A_37] : memref<32xi32, #tpu.memory_space<vmem>> -> memref<8xi32, #tpu.memory_space<vmem>>
    %dma_start3A_39 = arith.constant 0 : i32
    %dma_start3A_40 = arith.constant 0 : i32
    %dma_start3A_41 = tpu.memref_slice %arg2[%dma_start3A_39, %dma_start3A_40] : memref<300x10000xf32, #tpu.memory_space<hbm>> -> memref<300x10000xf32, #tpu.memory_space<hbm>>
    tpu.enqueue_indirect_dma source(%dma_start3A_41 : memref<300x10000xf32, #tpu.memory_space<hbm>>) target(%arg6 : memref<8x10000xf32, #tpu.memory_space<vmem>>) offsets(%dma_start3A_38 : memref<8xi32, #tpu.memory_space<vmem>>) semaphore(%arg7 : memref<!tpu.dma_semaphore, #tpu.memory_space<semaphore_mem>>)
    %dma_wait3A_42 = arith.constant 24 : i32
    %dma_wait3A_43 = tpu.memref_slice %arg5[%dma_wait3A_42] : memref<32xi32, #tpu.memory_space<vmem>> -> memref<8xi32, #tpu.memory_space<vmem>>
    %dma_wait3A_44 = arith.constant 0 : i32
    %dma_wait3A_45 = arith.constant 0 : i32
    %dma_wait3A_46 = tpu.memref_slice %arg2[%dma_wait3A_44, %dma_wait3A_45] : memref<300x10000xf32, #tpu.memory_space<hbm>> -> memref<300x10000xf32, #tpu.memory_space<hbm>>
    tpu.wait_indirect_dma semaphore(%arg7 : memref<!tpu.dma_semaphore, #tpu.memory_space<semaphore_mem>>) src(%dma_wait3A_46 : memref<300x10000xf32, #tpu.memory_space<hbm>>) dst(%arg6 : memref<8x10000xf32, #tpu.memory_space<vmem>>)
    %add3A_47 = arith.constant 24 : i32
    %add3A_48 = arith.addi %mul3A_2, %add3A_47 : i32
    "tpu.region"() ({
      %run_scoped3A = tpu.sem_alloc : memref<!tpu.dma_semaphore, #tpu.memory_space<semaphore_mem>>
      %dma_start3A_49 = arith.constant 0 : i32
      %dma_start3A_50 = tpu.memref_slice %arg4[%add3A_48, %dma_start3A_49] : memref<1024x10000xf32, #tpu.memory_space<hbm>> -> memref<8x10000xf32, #tpu.memory_space<hbm>>
      %dma_start3A_51 = arith.constant 0 : i32
      %dma_start3A_52 = tpu.memref_slice %arg4[%add3A_48, %dma_start3A_51] : memref<1024x10000xf32, #tpu.memory_space<hbm>> -> memref<8x10000xf32, #tpu.memory_space<hbm>>
      tpu.enqueue_dma source(%arg6 : memref<8x10000xf32, #tpu.memory_space<vmem>>) target(%dma_start3A_52 : memref<8x10000xf32, #tpu.memory_space<hbm>>) target_semaphore(%run_scoped3A : memref<!tpu.dma_semaphore, #tpu.memory_space<semaphore_mem>>)
      %dma_wait3A_53 = arith.constant 0 : i32
      %dma_wait3A_54 = tpu.memref_slice %arg4[%add3A_48, %dma_wait3A_53] : memref<1024x10000xf32, #tpu.memory_space<hbm>> -> memref<8x10000xf32, #tpu.memory_space<hbm>>
      %dma_wait3A_55 = arith.constant 0 : i32
      %dma_wait3A_56 = tpu.memref_slice %arg4[%add3A_48, %dma_wait3A_55] : memref<1024x10000xf32, #tpu.memory_space<hbm>> -> memref<8x10000xf32, #tpu.memory_space<hbm>>
      tpu.wait_dma2 semaphore(%run_scoped3A : memref<!tpu.dma_semaphore, #tpu.memory_space<semaphore_mem>>) src(%arg6 : memref<8x10000xf32, #tpu.memory_space<vmem>>) dst(%dma_wait3A_56 : memref<8x10000xf32, #tpu.memory_space<hbm>>)
      tpu.yield
    }) : () -> ()
    return
  }
}

#map = affine_map<(d0, d1) -> (0)>
module attributes {stable_mosaic.version = 14 : i64} {
  func.func @k(%arg0: i32, %arg1: i32, %arg2: memref<1536xi32, #tpu.memory_space<hbm>>, %arg3: memref<48xi32, #tpu.memory_space<vmem>>, %arg4: memref<!tpu.dma_semaphore, #tpu.memory_space<semaphore_mem>>) attributes {dimension_semantics = [#tpu.dimension_semantics<core_parallel>, #tpu.dimension_semantics<subcore_parallel>], iteration_bounds = array<i64: 2, 16>, scalar_prefetch = 0 : i64, scratch_operands = 2 : i64, tpu.core_type = #tpu.core_type<sc_vector_subcore>, window_params = [{transform_indices = #map}]} {
    %mul3A = arith.constant 2 : i32
    %mul3A_0 = arith.muli %arg1, %mul3A : i32
    %add3A = arith.addi %mul3A_0, %arg0 : i32
    %iota3A = tpu.iota {dimensions = array<i32: 0>} : vector<16xi32>
    %broadcast_in_dim3A = arith.constant 0 : i32
    %broadcast_in_dim3A_1 = vector.broadcast %broadcast_in_dim3A : i32 to vector<16xi32>
    %scan3A = arith.constant 0 : i32
    %scan3A_2 = arith.constant 16 : i32
    %scan3A_3 = arith.addi %scan3A, %scan3A_2 : i32
    %scan3A_4 = arith.constant 1 : i32
    %scan3A_5 = scf.for %scan3A_36 = %scan3A to %scan3A_3 step %scan3A_4 iter_args(%scan3A_37 = %broadcast_in_dim3A_1) -> (vector<16xi32>)  : i32 {
      %mul3A_38 = arith.constant 48 : i32
      %mul3A_39 = arith.muli %add3A, %mul3A_38 : i32
      %add3A_40 = arith.constant 3584 : i32
      %add3A_41 = arith.addi %add3A_40, %mul3A_39 : i32
      %add3A_42 = arith.constant 0 : i32
      %add3A_43 = arith.addi %add3A_41, %add3A_42 : i32
      %add3A_44 = arith.addi %add3A_43, %scan3A_36 : i32
      %mul3A_45 = arith.constant 100000 : i32
      %mul3A_46 = arith.muli %add3A_44, %mul3A_45 : i32
      %broadcast_in_dim3A_47 = arith.constant -2 : i32
      %broadcast_in_dim3A_48 = vector.broadcast %broadcast_in_dim3A_47 : i32 to vector<16xi32>
      %broadcast_in_dim3A_49 = arith.constant 0 : i32
      %broadcast_in_dim3A_50 = vector.broadcast %broadcast_in_dim3A_49 : i32 to vector<16xi32>
      %scan3A_51 = arith.constant 0 : i32
      %scan3A_52 = arith.constant 3125 : i32
      %scan3A_53 = arith.addi %scan3A_51, %scan3A_52 : i32
      %scan3A_54 = arith.constant 1 : i32
      %scan3A_55:2 = scf.for %scan3A_136 = %scan3A_51 to %scan3A_53 step %scan3A_54 iter_args(%scan3A_137 = %broadcast_in_dim3A_48, %scan3A_138 = %broadcast_in_dim3A_50) -> (vector<16xi32>, vector<16xi32>)  : i32 {
        %mul3A_139 = arith.constant 32 : i32
        %mul3A_140 = arith.muli %scan3A_136, %mul3A_139 : i32
        %add3A_141 = vector.broadcast %mul3A_140 : i32 to vector<16xi32>
        %add3A_142 = arith.addi %add3A_141, %iota3A : vector<16xi32>
        %add3A_143 = arith.constant 16 : i32
        %add3A_144 = vector.broadcast %add3A_143 : i32 to vector<16xi32>
        %add3A_145 = arith.addi %add3A_142, %add3A_144 : vector<16xi32>
        %add3A_146 = vector.broadcast %mul3A_46 : i32 to vector<16xi32>
        %add3A_147 = arith.addi %add3A_146, %add3A_142 : vector<16xi32>
        %add3A_148 = arith.constant 1 : i32
        %add3A_149 = vector.broadcast %add3A_148 : i32 to vector<16xi32>
        %add3A_150 = arith.addi %add3A_147, %add3A_149 : vector<16xi32>
        %shift_left3A = arith.constant 13 : i32
        %shift_left3A_151 = vector.broadcast %shift_left3A : i32 to vector<16xi32>
        %shift_left3A_152 = arith.shli %add3A_150, %shift_left3A_151 : vector<16xi32>
        %shift_right_logical3A = arith.constant 19 : i32
        %shift_right_logical3A_153 = vector.broadcast %shift_right_logical3A : i32 to vector<16xi32>
        %shift_right_logical3A_154 = arith.shrui %add3A_150, %shift_right_logical3A_153 : vector<16xi32>
        %or3A = arith.ori %shift_left3A_152, %shift_right_logical3A_154 : vector<16xi32>
        %xor3A = arith.xori %or3A, %add3A_150 : vector<16xi32>
        %add3A_155 = arith.addi %add3A_150, %xor3A : vector<16xi32>
        %shift_left3A_156 = arith.constant 15 : i32
        %shift_left3A_157 = vector.broadcast %shift_left3A_156 : i32 to vector<16xi32>
        %shift_left3A_158 = arith.shli %xor3A, %shift_left3A_157 : vector<16xi32>
        %shift_right_logical3A_159 = arith.constant 17 : i32
        %shift_right_logical3A_160 = vector.broadcast %shift_right_logical3A_159 : i32 to vector<16xi32>
        %shift_right_logical3A_161 = arith.shrui %xor3A, %shift_right_logical3A_160 : vector<16xi32>
        %or3A_162 = arith.ori %shift_left3A_158, %shift_right_logical3A_161 : vector<16xi32>
        %xor3A_163 = arith.xori %or3A_162, %add3A_155 : vector<16xi32>
        %add3A_164 = arith.addi %add3A_155, %xor3A_163 : vector<16xi32>
        %shift_left3A_165 = arith.constant 26 : i32
        %shift_left3A_166 = vector.broadcast %shift_left3A_165 : i32 to vector<16xi32>
        %shift_left3A_167 = arith.shli %xor3A_163, %shift_left3A_166 : vector<16xi32>
        %shift_right_logical3A_168 = arith.constant 6 : i32
        %shift_right_logical3A_169 = vector.broadcast %shift_right_logical3A_168 : i32 to vector<16xi32>
        %shift_right_logical3A_170 = arith.shrui %xor3A_163, %shift_right_logical3A_169 : vector<16xi32>
        %or3A_171 = arith.ori %shift_left3A_167, %shift_right_logical3A_170 : vector<16xi32>
        %xor3A_172 = arith.xori %or3A_171, %add3A_164 : vector<16xi32>
        %add3A_173 = arith.addi %add3A_164, %xor3A_172 : vector<16xi32>
        %shift_left3A_174 = arith.constant 6 : i32
        %shift_left3A_175 = vector.broadcast %shift_left3A_174 : i32 to vector<16xi32>
        %shift_left3A_176 = arith.shli %xor3A_172, %shift_left3A_175 : vector<16xi32>
        %shift_right_logical3A_177 = arith.constant 26 : i32
        %shift_right_logical3A_178 = vector.broadcast %shift_right_logical3A_177 : i32 to vector<16xi32>
        %shift_right_logical3A_179 = arith.shrui %xor3A_172, %shift_right_logical3A_178 : vector<16xi32>
        %or3A_180 = arith.ori %shift_left3A_176, %shift_right_logical3A_179 : vector<16xi32>
        %xor3A_181 = arith.xori %or3A_180, %add3A_173 : vector<16xi32>
        %add3A_182 = arith.constant 1 : i32
        %add3A_183 = vector.broadcast %add3A_182 : i32 to vector<16xi32>
        %add3A_184 = arith.addi %add3A_173, %add3A_183 : vector<16xi32>
        %add3A_185 = arith.constant 466688988 : i32
        %add3A_186 = vector.broadcast %add3A_185 : i32 to vector<16xi32>
        %add3A_187 = arith.addi %xor3A_181, %add3A_186 : vector<16xi32>
        %add3A_188 = arith.addi %add3A_184, %add3A_187 : vector<16xi32>
        %shift_left3A_189 = arith.constant 17 : i32
        %shift_left3A_190 = vector.broadcast %shift_left3A_189 : i32 to vector<16xi32>
        %shift_left3A_191 = arith.shli %add3A_187, %shift_left3A_190 : vector<16xi32>
        %shift_right_logical3A_192 = arith.constant 15 : i32
        %shift_right_logical3A_193 = vector.broadcast %shift_right_logical3A_192 : i32 to vector<16xi32>
        %shift_right_logical3A_194 = arith.shrui %add3A_187, %shift_right_logical3A_193 : vector<16xi32>
        %or3A_195 = arith.ori %shift_left3A_191, %shift_right_logical3A_194 : vector<16xi32>
        %xor3A_196 = arith.xori %or3A_195, %add3A_188 : vector<16xi32>
        %add3A_197 = arith.addi %add3A_188, %xor3A_196 : vector<16xi32>
        %shift_left3A_198 = arith.constant 29 : i32
        %shift_left3A_199 = vector.broadcast %shift_left3A_198 : i32 to vector<16xi32>
        %shift_left3A_200 = arith.shli %xor3A_196, %shift_left3A_199 : vector<16xi32>
        %shift_right_logical3A_201 = arith.constant 3 : i32
        %shift_right_logical3A_202 = vector.broadcast %shift_right_logical3A_201 : i32 to vector<16xi32>
        %shift_right_logical3A_203 = arith.shrui %xor3A_196, %shift_right_logical3A_202 : vector<16xi32>
        %or3A_204 = arith.ori %shift_left3A_200, %shift_right_logical3A_203 : vector<16xi32>
        %xor3A_205 = arith.xori %or3A_204, %add3A_197 : vector<16xi32>
        %add3A_206 = arith.addi %add3A_197, %xor3A_205 : vector<16xi32>
        %shift_left3A_207 = arith.constant 16 : i32
        %shift_left3A_208 = vector.broadcast %shift_left3A_207 : i32 to vector<16xi32>
        %shift_left3A_209 = arith.shli %xor3A_205, %shift_left3A_208 : vector<16xi32>
        %shift_right_logical3A_210 = arith.constant 16 : i32
        %shift_right_logical3A_211 = vector.broadcast %shift_right_logical3A_210 : i32 to vector<16xi32>
        %shift_right_logical3A_212 = arith.shrui %xor3A_205, %shift_right_logical3A_211 : vector<16xi32>
        %or3A_213 = arith.ori %shift_left3A_209, %shift_right_logical3A_212 : vector<16xi32>
        %xor3A_214 = arith.xori %or3A_213, %add3A_206 : vector<16xi32>
        %add3A_215 = arith.addi %add3A_206, %xor3A_214 : vector<16xi32>
        %shift_left3A_216 = arith.constant 24 : i32
        %shift_left3A_217 = vector.broadcast %shift_left3A_216 : i32 to vector<16xi32>
        %shift_left3A_218 = arith.shli %xor3A_214, %shift_left3A_217 : vector<16xi32>
        %shift_right_logical3A_219 = arith.constant 8 : i32
        %shift_right_logical3A_220 = vector.broadcast %shift_right_logical3A_219 : i32 to vector<16xi32>
        %shift_right_logical3A_221 = arith.shrui %xor3A_214, %shift_right_logical3A_220 : vector<16xi32>
        %or3A_222 = arith.ori %shift_left3A_218, %shift_right_logical3A_221 : vector<16xi32>
        %xor3A_223 = arith.xori %or3A_222, %add3A_215 : vector<16xi32>
        %add3A_224 = arith.constant 466688987 : i32
        %add3A_225 = vector.broadcast %add3A_224 : i32 to vector<16xi32>
        %add3A_226 = arith.addi %add3A_215, %add3A_225 : vector<16xi32>
        %add3A_227 = arith.constant 2 : i32
        %add3A_228 = vector.broadcast %add3A_227 : i32 to vector<16xi32>
        %add3A_229 = arith.addi %xor3A_223, %add3A_228 : vector<16xi32>
        %add3A_230 = arith.addi %add3A_226, %add3A_229 : vector<16xi32>
        %shift_left3A_231 = arith.constant 13 : i32
        %shift_left3A_232 = vector.broadcast %shift_left3A_231 : i32 to vector<16xi32>
        %shift_left3A_233 = arith.shli %add3A_229, %shift_left3A_232 : vector<16xi32>
        %shift_right_logical3A_234 = arith.constant 19 : i32
        %shift_right_logical3A_235 = vector.broadcast %shift_right_logical3A_234 : i32 to vector<16xi32>
        %shift_right_logical3A_236 = arith.shrui %add3A_229, %shift_right_logical3A_235 : vector<16xi32>
        %or3A_237 = arith.ori %shift_left3A_233, %shift_right_logical3A_236 : vector<16xi32>
        %xor3A_238 = arith.xori %or3A_237, %add3A_230 : vector<16xi32>
        %add3A_239 = arith.addi %add3A_230, %xor3A_238 : vector<16xi32>
        %shift_left3A_240 = arith.constant 15 : i32
        %shift_left3A_241 = vector.broadcast %shift_left3A_240 : i32 to vector<16xi32>
        %shift_left3A_242 = arith.shli %xor3A_238, %shift_left3A_241 : vector<16xi32>
        %shift_right_logical3A_243 = arith.constant 17 : i32
        %shift_right_logical3A_244 = vector.broadcast %shift_right_logical3A_243 : i32 to vector<16xi32>
        %shift_right_logical3A_245 = arith.shrui %xor3A_238, %shift_right_logical3A_244 : vector<16xi32>
        %or3A_246 = arith.ori %shift_left3A_242, %shift_right_logical3A_245 : vector<16xi32>
        %xor3A_247 = arith.xori %or3A_246, %add3A_239 : vector<16xi32>
        %add3A_248 = arith.addi %add3A_239, %xor3A_247 : vector<16xi32>
        %shift_left3A_249 = arith.constant 26 : i32
        %shift_left3A_250 = vector.broadcast %shift_left3A_249 : i32 to vector<16xi32>
        %shift_left3A_251 = arith.shli %xor3A_247, %shift_left3A_250 : vector<16xi32>
        %shift_right_logical3A_252 = arith.constant 6 : i32
        %shift_right_logical3A_253 = vector.broadcast %shift_right_logical3A_252 : i32 to vector<16xi32>
        %shift_right_logical3A_254 = arith.shrui %xor3A_247, %shift_right_logical3A_253 : vector<16xi32>
        %or3A_255 = arith.ori %shift_left3A_251, %shift_right_logical3A_254 : vector<16xi32>
        %xor3A_256 = arith.xori %or3A_255, %add3A_248 : vector<16xi32>
        %add3A_257 = arith.addi %add3A_248, %xor3A_256 : vector<16xi32>
        %shift_left3A_258 = arith.constant 6 : i32
        %shift_left3A_259 = vector.broadcast %shift_left3A_258 : i32 to vector<16xi32>
        %shift_left3A_260 = arith.shli %xor3A_256, %shift_left3A_259 : vector<16xi32>
        %shift_right_logical3A_261 = arith.constant 26 : i32
        %shift_right_logical3A_262 = vector.broadcast %shift_right_logical3A_261 : i32 to vector<16xi32>
        %shift_right_logical3A_263 = arith.shrui %xor3A_256, %shift_right_logical3A_262 : vector<16xi32>
        %or3A_264 = arith.ori %shift_left3A_260, %shift_right_logical3A_263 : vector<16xi32>
        %xor3A_265 = arith.xori %or3A_264, %add3A_257 : vector<16xi32>
        %add3A_266 = arith.constant 4 : i32
        %add3A_267 = vector.broadcast %add3A_266 : i32 to vector<16xi32>
        %add3A_268 = arith.addi %xor3A_265, %add3A_267 : vector<16xi32>
        %add3A_269 = arith.addi %add3A_257, %add3A_268 : vector<16xi32>
        %shift_left3A_270 = arith.constant 17 : i32
        %shift_left3A_271 = vector.broadcast %shift_left3A_270 : i32 to vector<16xi32>
        %shift_left3A_272 = arith.shli %add3A_268, %shift_left3A_271 : vector<16xi32>
        %shift_right_logical3A_273 = arith.constant 15 : i32
        %shift_right_logical3A_274 = vector.broadcast %shift_right_logical3A_273 : i32 to vector<16xi32>
        %shift_right_logical3A_275 = arith.shrui %add3A_268, %shift_right_logical3A_274 : vector<16xi32>
        %or3A_276 = arith.ori %shift_left3A_272, %shift_right_logical3A_275 : vector<16xi32>
        %xor3A_277 = arith.xori %or3A_276, %add3A_269 : vector<16xi32>
        %add3A_278 = arith.addi %add3A_269, %xor3A_277 : vector<16xi32>
        %shift_left3A_279 = arith.constant 29 : i32
        %shift_left3A_280 = vector.broadcast %shift_left3A_279 : i32 to vector<16xi32>
        %shift_left3A_281 = arith.shli %xor3A_277, %shift_left3A_280 : vector<16xi32>
        %shift_right_logical3A_282 = arith.constant 3 : i32
        %shift_right_logical3A_283 = vector.broadcast %shift_right_logical3A_282 : i32 to vector<16xi32>
        %shift_right_logical3A_284 = arith.shrui %xor3A_277, %shift_right_logical3A_283 : vector<16xi32>
        %or3A_285 = arith.ori %shift_left3A_281, %shift_right_logical3A_284 : vector<16xi32>
        %xor3A_286 = arith.xori %or3A_285, %add3A_278 : vector<16xi32>
        %add3A_287 = arith.addi %add3A_278, %xor3A_286 : vector<16xi32>
        %shift_left3A_288 = arith.constant 16 : i32
        %shift_left3A_289 = vector.broadcast %shift_left3A_288 : i32 to vector<16xi32>
        %shift_left3A_290 = arith.shli %xor3A_286, %shift_left3A_289 : vector<16xi32>
        %shift_right_logical3A_291 = arith.constant 16 : i32
        %shift_right_logical3A_292 = vector.broadcast %shift_right_logical3A_291 : i32 to vector<16xi32>
        %shift_right_logical3A_293 = arith.shrui %xor3A_286, %shift_right_logical3A_292 : vector<16xi32>
        %or3A_294 = arith.ori %shift_left3A_290, %shift_right_logical3A_293 : vector<16xi32>
        %xor3A_295 = arith.xori %or3A_294, %add3A_287 : vector<16xi32>
        %add3A_296 = arith.addi %add3A_287, %xor3A_295 : vector<16xi32>
        %shift_left3A_297 = arith.constant 24 : i32
        %shift_left3A_298 = vector.broadcast %shift_left3A_297 : i32 to vector<16xi32>
        %shift_left3A_299 = arith.shli %xor3A_295, %shift_left3A_298 : vector<16xi32>
        %shift_right_logical3A_300 = arith.constant 8 : i32
        %shift_right_logical3A_301 = vector.broadcast %shift_right_logical3A_300 : i32 to vector<16xi32>
        %shift_right_logical3A_302 = arith.shrui %xor3A_295, %shift_right_logical3A_301 : vector<16xi32>
        %or3A_303 = arith.ori %shift_left3A_299, %shift_right_logical3A_302 : vector<16xi32>
        %xor3A_304 = arith.xori %or3A_303, %add3A_296 : vector<16xi32>
        %add3A_305 = arith.constant 1 : i32
        %add3A_306 = vector.broadcast %add3A_305 : i32 to vector<16xi32>
        %add3A_307 = arith.addi %add3A_296, %add3A_306 : vector<16xi32>
        %add3A_308 = arith.constant 466688991 : i32
        %add3A_309 = vector.broadcast %add3A_308 : i32 to vector<16xi32>
        %add3A_310 = arith.addi %xor3A_304, %add3A_309 : vector<16xi32>
        %add3A_311 = arith.addi %add3A_307, %add3A_310 : vector<16xi32>
        %shift_left3A_312 = arith.constant 13 : i32
        %shift_left3A_313 = vector.broadcast %shift_left3A_312 : i32 to vector<16xi32>
        %shift_left3A_314 = arith.shli %add3A_310, %shift_left3A_313 : vector<16xi32>
        %shift_right_logical3A_315 = arith.constant 19 : i32
        %shift_right_logical3A_316 = vector.broadcast %shift_right_logical3A_315 : i32 to vector<16xi32>
        %shift_right_logical3A_317 = arith.shrui %add3A_310, %shift_right_logical3A_316 : vector<16xi32>
        %or3A_318 = arith.ori %shift_left3A_314, %shift_right_logical3A_317 : vector<16xi32>
        %xor3A_319 = arith.xori %or3A_318, %add3A_311 : vector<16xi32>
        %add3A_320 = arith.addi %add3A_311, %xor3A_319 : vector<16xi32>
        %shift_left3A_321 = arith.constant 15 : i32
        %shift_left3A_322 = vector.broadcast %shift_left3A_321 : i32 to vector<16xi32>
        %shift_left3A_323 = arith.shli %xor3A_319, %shift_left3A_322 : vector<16xi32>
        %shift_right_logical3A_324 = arith.constant 17 : i32
        %shift_right_logical3A_325 = vector.broadcast %shift_right_logical3A_324 : i32 to vector<16xi32>
        %shift_right_logical3A_326 = arith.shrui %xor3A_319, %shift_right_logical3A_325 : vector<16xi32>
        %or3A_327 = arith.ori %shift_left3A_323, %shift_right_logical3A_326 : vector<16xi32>
        %xor3A_328 = arith.xori %or3A_327, %add3A_320 : vector<16xi32>
        %add3A_329 = arith.addi %add3A_320, %xor3A_328 : vector<16xi32>
        %shift_left3A_330 = arith.constant 26 : i32
        %shift_left3A_331 = vector.broadcast %shift_left3A_330 : i32 to vector<16xi32>
        %shift_left3A_332 = arith.shli %xor3A_328, %shift_left3A_331 : vector<16xi32>
        %shift_right_logical3A_333 = arith.constant 6 : i32
        %shift_right_logical3A_334 = vector.broadcast %shift_right_logical3A_333 : i32 to vector<16xi32>
        %shift_right_logical3A_335 = arith.shrui %xor3A_328, %shift_right_logical3A_334 : vector<16xi32>
        %or3A_336 = arith.ori %shift_left3A_332, %shift_right_logical3A_335 : vector<16xi32>
        %xor3A_337 = arith.xori %or3A_336, %add3A_329 : vector<16xi32>
        %add3A_338 = arith.addi %add3A_329, %xor3A_337 : vector<16xi32>
        %shift_left3A_339 = arith.constant 6 : i32
        %shift_left3A_340 = vector.broadcast %shift_left3A_339 : i32 to vector<16xi32>
        %shift_left3A_341 = arith.shli %xor3A_337, %shift_left3A_340 : vector<16xi32>
        %shift_right_logical3A_342 = arith.constant 26 : i32
        %shift_right_logical3A_343 = vector.broadcast %shift_right_logical3A_342 : i32 to vector<16xi32>
        %shift_right_logical3A_344 = arith.shrui %xor3A_337, %shift_right_logical3A_343 : vector<16xi32>
        %or3A_345 = arith.ori %shift_left3A_341, %shift_right_logical3A_344 : vector<16xi32>
        %xor3A_346 = arith.xori %or3A_345, %add3A_338 : vector<16xi32>
        %add3A_347 = arith.constant 466688987 : i32
        %add3A_348 = vector.broadcast %add3A_347 : i32 to vector<16xi32>
        %add3A_349 = arith.addi %add3A_338, %add3A_348 : vector<16xi32>
        %add3A_350 = arith.constant 5 : i32
        %add3A_351 = vector.broadcast %add3A_350 : i32 to vector<16xi32>
        %add3A_352 = arith.addi %xor3A_346, %add3A_351 : vector<16xi32>
        %xor3A_353 = arith.xori %add3A_349, %add3A_352 : vector<16xi32>
        %add3A_354 = vector.broadcast %mul3A_46 : i32 to vector<16xi32>
        %add3A_355 = arith.addi %add3A_354, %add3A_145 : vector<16xi32>
        %add3A_356 = arith.constant 1 : i32
        %add3A_357 = vector.broadcast %add3A_356 : i32 to vector<16xi32>
        %add3A_358 = arith.addi %add3A_355, %add3A_357 : vector<16xi32>
        %shift_left3A_359 = arith.constant 13 : i32
        %shift_left3A_360 = vector.broadcast %shift_left3A_359 : i32 to vector<16xi32>
        %shift_left3A_361 = arith.shli %add3A_358, %shift_left3A_360 : vector<16xi32>
        %shift_right_logical3A_362 = arith.constant 19 : i32
        %shift_right_logical3A_363 = vector.broadcast %shift_right_logical3A_362 : i32 to vector<16xi32>
        %shift_right_logical3A_364 = arith.shrui %add3A_358, %shift_right_logical3A_363 : vector<16xi32>
        %or3A_365 = arith.ori %shift_left3A_361, %shift_right_logical3A_364 : vector<16xi32>
        %xor3A_366 = arith.xori %or3A_365, %add3A_358 : vector<16xi32>
        %add3A_367 = arith.addi %add3A_358, %xor3A_366 : vector<16xi32>
        %shift_left3A_368 = arith.constant 15 : i32
        %shift_left3A_369 = vector.broadcast %shift_left3A_368 : i32 to vector<16xi32>
        %shift_left3A_370 = arith.shli %xor3A_366, %shift_left3A_369 : vector<16xi32>
        %shift_right_logical3A_371 = arith.constant 17 : i32
        %shift_right_logical3A_372 = vector.broadcast %shift_right_logical3A_371 : i32 to vector<16xi32>
        %shift_right_logical3A_373 = arith.shrui %xor3A_366, %shift_right_logical3A_372 : vector<16xi32>
        %or3A_374 = arith.ori %shift_left3A_370, %shift_right_logical3A_373 : vector<16xi32>
        %xor3A_375 = arith.xori %or3A_374, %add3A_367 : vector<16xi32>
        %add3A_376 = arith.addi %add3A_367, %xor3A_375 : vector<16xi32>
        %shift_left3A_377 = arith.constant 26 : i32
        %shift_left3A_378 = vector.broadcast %shift_left3A_377 : i32 to vector<16xi32>
        %shift_left3A_379 = arith.shli %xor3A_375, %shift_left3A_378 : vector<16xi32>
        %shift_right_logical3A_380 = arith.constant 6 : i32
        %shift_right_logical3A_381 = vector.broadcast %shift_right_logical3A_380 : i32 to vector<16xi32>
        %shift_right_logical3A_382 = arith.shrui %xor3A_375, %shift_right_logical3A_381 : vector<16xi32>
        %or3A_383 = arith.ori %shift_left3A_379, %shift_right_logical3A_382 : vector<16xi32>
        %xor3A_384 = arith.xori %or3A_383, %add3A_376 : vector<16xi32>
        %add3A_385 = arith.addi %add3A_376, %xor3A_384 : vector<16xi32>
        %shift_left3A_386 = arith.constant 6 : i32
        %shift_left3A_387 = vector.broadcast %shift_left3A_386 : i32 to vector<16xi32>
        %shift_left3A_388 = arith.shli %xor3A_384, %shift_left3A_387 : vector<16xi32>
        %shift_right_logical3A_389 = arith.constant 26 : i32
        %shift_right_logical3A_390 = vector.broadcast %shift_right_logical3A_389 : i32 to vector<16xi32>
        %shift_right_logical3A_391 = arith.shrui %xor3A_384, %shift_right_logical3A_390 : vector<16xi32>
        %or3A_392 = arith.ori %shift_left3A_388, %shift_right_logical3A_391 : vector<16xi32>
        %xor3A_393 = arith.xori %or3A_392, %add3A_385 : vector<16xi32>
        %add3A_394 = arith.constant 1 : i32
        %add3A_395 = vector.broadcast %add3A_394 : i32 to vector<16xi32>
        %add3A_396 = arith.addi %add3A_385, %add3A_395 : vector<16xi32>
        %add3A_397 = arith.constant 466688988 : i32
        %add3A_398 = vector.broadcast %add3A_397 : i32 to vector<16xi32>
        %add3A_399 = arith.addi %xor3A_393, %add3A_398 : vector<16xi32>
        %add3A_400 = arith.addi %add3A_396, %add3A_399 : vector<16xi32>
        %shift_left3A_401 = arith.constant 17 : i32
        %shift_left3A_402 = vector.broadcast %shift_left3A_401 : i32 to vector<16xi32>
        %shift_left3A_403 = arith.shli %add3A_399, %shift_left3A_402 : vector<16xi32>
        %shift_right_logical3A_404 = arith.constant 15 : i32
        %shift_right_logical3A_405 = vector.broadcast %shift_right_logical3A_404 : i32 to vector<16xi32>
        %shift_right_logical3A_406 = arith.shrui %add3A_399, %shift_right_logical3A_405 : vector<16xi32>
        %or3A_407 = arith.ori %shift_left3A_403, %shift_right_logical3A_406 : vector<16xi32>
        %xor3A_408 = arith.xori %or3A_407, %add3A_400 : vector<16xi32>
        %add3A_409 = arith.addi %add3A_400, %xor3A_408 : vector<16xi32>
        %shift_left3A_410 = arith.constant 29 : i32
        %shift_left3A_411 = vector.broadcast %shift_left3A_410 : i32 to vector<16xi32>
        %shift_left3A_412 = arith.shli %xor3A_408, %shift_left3A_411 : vector<16xi32>
        %shift_right_logical3A_413 = arith.constant 3 : i32
        %shift_right_logical3A_414 = vector.broadcast %shift_right_logical3A_413 : i32 to vector<16xi32>
        %shift_right_logical3A_415 = arith.shrui %xor3A_408, %shift_right_logical3A_414 : vector<16xi32>
        %or3A_416 = arith.ori %shift_left3A_412, %shift_right_logical3A_415 : vector<16xi32>
        %xor3A_417 = arith.xori %or3A_416, %add3A_409 : vector<16xi32>
        %add3A_418 = arith.addi %add3A_409, %xor3A_417 : vector<16xi32>
        %shift_left3A_419 = arith.constant 16 : i32
        %shift_left3A_420 = vector.broadcast %shift_left3A_419 : i32 to vector<16xi32>
        %shift_left3A_421 = arith.shli %xor3A_417, %shift_left3A_420 : vector<16xi32>
        %shift_right_logical3A_422 = arith.constant 16 : i32
        %shift_right_logical3A_423 = vector.broadcast %shift_right_logical3A_422 : i32 to vector<16xi32>
        %shift_right_logical3A_424 = arith.shrui %xor3A_417, %shift_right_logical3A_423 : vector<16xi32>
        %or3A_425 = arith.ori %shift_left3A_421, %shift_right_logical3A_424 : vector<16xi32>
        %xor3A_426 = arith.xori %or3A_425, %add3A_418 : vector<16xi32>
        %add3A_427 = arith.addi %add3A_418, %xor3A_426 : vector<16xi32>
        %shift_left3A_428 = arith.constant 24 : i32
        %shift_left3A_429 = vector.broadcast %shift_left3A_428 : i32 to vector<16xi32>
        %shift_left3A_430 = arith.shli %xor3A_426, %shift_left3A_429 : vector<16xi32>
        %shift_right_logical3A_431 = arith.constant 8 : i32
        %shift_right_logical3A_432 = vector.broadcast %shift_right_logical3A_431 : i32 to vector<16xi32>
        %shift_right_logical3A_433 = arith.shrui %xor3A_426, %shift_right_logical3A_432 : vector<16xi32>
        %or3A_434 = arith.ori %shift_left3A_430, %shift_right_logical3A_433 : vector<16xi32>
        %xor3A_435 = arith.xori %or3A_434, %add3A_427 : vector<16xi32>
        %add3A_436 = arith.constant 466688987 : i32
        %add3A_437 = vector.broadcast %add3A_436 : i32 to vector<16xi32>
        %add3A_438 = arith.addi %add3A_427, %add3A_437 : vector<16xi32>
        %add3A_439 = arith.constant 2 : i32
        %add3A_440 = vector.broadcast %add3A_439 : i32 to vector<16xi32>
        %add3A_441 = arith.addi %xor3A_435, %add3A_440 : vector<16xi32>
        %add3A_442 = arith.addi %add3A_438, %add3A_441 : vector<16xi32>
        %shift_left3A_443 = arith.constant 13 : i32
        %shift_left3A_444 = vector.broadcast %shift_left3A_443 : i32 to vector<16xi32>
        %shift_left3A_445 = arith.shli %add3A_441, %shift_left3A_444 : vector<16xi32>
        %shift_right_logical3A_446 = arith.constant 19 : i32
        %shift_right_logical3A_447 = vector.broadcast %shift_right_logical3A_446 : i32 to vector<16xi32>
        %shift_right_logical3A_448 = arith.shrui %add3A_441, %shift_right_logical3A_447 : vector<16xi32>
        %or3A_449 = arith.ori %shift_left3A_445, %shift_right_logical3A_448 : vector<16xi32>
        %xor3A_450 = arith.xori %or3A_449, %add3A_442 : vector<16xi32>
        %add3A_451 = arith.addi %add3A_442, %xor3A_450 : vector<16xi32>
        %shift_left3A_452 = arith.constant 15 : i32
        %shift_left3A_453 = vector.broadcast %shift_left3A_452 : i32 to vector<16xi32>
        %shift_left3A_454 = arith.shli %xor3A_450, %shift_left3A_453 : vector<16xi32>
        %shift_right_logical3A_455 = arith.constant 17 : i32
        %shift_right_logical3A_456 = vector.broadcast %shift_right_logical3A_455 : i32 to vector<16xi32>
        %shift_right_logical3A_457 = arith.shrui %xor3A_450, %shift_right_logical3A_456 : vector<16xi32>
        %or3A_458 = arith.ori %shift_left3A_454, %shift_right_logical3A_457 : vector<16xi32>
        %xor3A_459 = arith.xori %or3A_458, %add3A_451 : vector<16xi32>
        %add3A_460 = arith.addi %add3A_451, %xor3A_459 : vector<16xi32>
        %shift_left3A_461 = arith.constant 26 : i32
        %shift_left3A_462 = vector.broadcast %shift_left3A_461 : i32 to vector<16xi32>
        %shift_left3A_463 = arith.shli %xor3A_459, %shift_left3A_462 : vector<16xi32>
        %shift_right_logical3A_464 = arith.constant 6 : i32
        %shift_right_logical3A_465 = vector.broadcast %shift_right_logical3A_464 : i32 to vector<16xi32>
        %shift_right_logical3A_466 = arith.shrui %xor3A_459, %shift_right_logical3A_465 : vector<16xi32>
        %or3A_467 = arith.ori %shift_left3A_463, %shift_right_logical3A_466 : vector<16xi32>
        %xor3A_468 = arith.xori %or3A_467, %add3A_460 : vector<16xi32>
        %add3A_469 = arith.addi %add3A_460, %xor3A_468 : vector<16xi32>
        %shift_left3A_470 = arith.constant 6 : i32
        %shift_left3A_471 = vector.broadcast %shift_left3A_470 : i32 to vector<16xi32>
        %shift_left3A_472 = arith.shli %xor3A_468, %shift_left3A_471 : vector<16xi32>
        %shift_right_logical3A_473 = arith.constant 26 : i32
        %shift_right_logical3A_474 = vector.broadcast %shift_right_logical3A_473 : i32 to vector<16xi32>
        %shift_right_logical3A_475 = arith.shrui %xor3A_468, %shift_right_logical3A_474 : vector<16xi32>
        %or3A_476 = arith.ori %shift_left3A_472, %shift_right_logical3A_475 : vector<16xi32>
        %xor3A_477 = arith.xori %or3A_476, %add3A_469 : vector<16xi32>
        %add3A_478 = arith.constant 4 : i32
        %add3A_479 = vector.broadcast %add3A_478 : i32 to vector<16xi32>
        %add3A_480 = arith.addi %xor3A_477, %add3A_479 : vector<16xi32>
        %add3A_481 = arith.addi %add3A_469, %add3A_480 : vector<16xi32>
        %shift_left3A_482 = arith.constant 17 : i32
        %shift_left3A_483 = vector.broadcast %shift_left3A_482 : i32 to vector<16xi32>
        %shift_left3A_484 = arith.shli %add3A_480, %shift_left3A_483 : vector<16xi32>
        %shift_right_logical3A_485 = arith.constant 15 : i32
        %shift_right_logical3A_486 = vector.broadcast %shift_right_logical3A_485 : i32 to vector<16xi32>
        %shift_right_logical3A_487 = arith.shrui %add3A_480, %shift_right_logical3A_486 : vector<16xi32>
        %or3A_488 = arith.ori %shift_left3A_484, %shift_right_logical3A_487 : vector<16xi32>
        %xor3A_489 = arith.xori %or3A_488, %add3A_481 : vector<16xi32>
        %add3A_490 = arith.addi %add3A_481, %xor3A_489 : vector<16xi32>
        %shift_left3A_491 = arith.constant 29 : i32
        %shift_left3A_492 = vector.broadcast %shift_left3A_491 : i32 to vector<16xi32>
        %shift_left3A_493 = arith.shli %xor3A_489, %shift_left3A_492 : vector<16xi32>
        %shift_right_logical3A_494 = arith.constant 3 : i32
        %shift_right_logical3A_495 = vector.broadcast %shift_right_logical3A_494 : i32 to vector<16xi32>
        %shift_right_logical3A_496 = arith.shrui %xor3A_489, %shift_right_logical3A_495 : vector<16xi32>
        %or3A_497 = arith.ori %shift_left3A_493, %shift_right_logical3A_496 : vector<16xi32>
        %xor3A_498 = arith.xori %or3A_497, %add3A_490 : vector<16xi32>
        %add3A_499 = arith.addi %add3A_490, %xor3A_498 : vector<16xi32>
        %shift_left3A_500 = arith.constant 16 : i32
        %shift_left3A_501 = vector.broadcast %shift_left3A_500 : i32 to vector<16xi32>
        %shift_left3A_502 = arith.shli %xor3A_498, %shift_left3A_501 : vector<16xi32>
        %shift_right_logical3A_503 = arith.constant 16 : i32
        %shift_right_logical3A_504 = vector.broadcast %shift_right_logical3A_503 : i32 to vector<16xi32>
        %shift_right_logical3A_505 = arith.shrui %xor3A_498, %shift_right_logical3A_504 : vector<16xi32>
        %or3A_506 = arith.ori %shift_left3A_502, %shift_right_logical3A_505 : vector<16xi32>
        %xor3A_507 = arith.xori %or3A_506, %add3A_499 : vector<16xi32>
        %add3A_508 = arith.addi %add3A_499, %xor3A_507 : vector<16xi32>
        %shift_left3A_509 = arith.constant 24 : i32
        %shift_left3A_510 = vector.broadcast %shift_left3A_509 : i32 to vector<16xi32>
        %shift_left3A_511 = arith.shli %xor3A_507, %shift_left3A_510 : vector<16xi32>
        %shift_right_logical3A_512 = arith.constant 8 : i32
        %shift_right_logical3A_513 = vector.broadcast %shift_right_logical3A_512 : i32 to vector<16xi32>
        %shift_right_logical3A_514 = arith.shrui %xor3A_507, %shift_right_logical3A_513 : vector<16xi32>
        %or3A_515 = arith.ori %shift_left3A_511, %shift_right_logical3A_514 : vector<16xi32>
        %xor3A_516 = arith.xori %or3A_515, %add3A_508 : vector<16xi32>
        %add3A_517 = arith.constant 1 : i32
        %add3A_518 = vector.broadcast %add3A_517 : i32 to vector<16xi32>
        %add3A_519 = arith.addi %add3A_508, %add3A_518 : vector<16xi32>
        %add3A_520 = arith.constant 466688991 : i32
        %add3A_521 = vector.broadcast %add3A_520 : i32 to vector<16xi32>
        %add3A_522 = arith.addi %xor3A_516, %add3A_521 : vector<16xi32>
        %add3A_523 = arith.addi %add3A_519, %add3A_522 : vector<16xi32>
        %shift_left3A_524 = arith.constant 13 : i32
        %shift_left3A_525 = vector.broadcast %shift_left3A_524 : i32 to vector<16xi32>
        %shift_left3A_526 = arith.shli %add3A_522, %shift_left3A_525 : vector<16xi32>
        %shift_right_logical3A_527 = arith.constant 19 : i32
        %shift_right_logical3A_528 = vector.broadcast %shift_right_logical3A_527 : i32 to vector<16xi32>
        %shift_right_logical3A_529 = arith.shrui %add3A_522, %shift_right_logical3A_528 : vector<16xi32>
        %or3A_530 = arith.ori %shift_left3A_526, %shift_right_logical3A_529 : vector<16xi32>
        %xor3A_531 = arith.xori %or3A_530, %add3A_523 : vector<16xi32>
        %add3A_532 = arith.addi %add3A_523, %xor3A_531 : vector<16xi32>
        %shift_left3A_533 = arith.constant 15 : i32
        %shift_left3A_534 = vector.broadcast %shift_left3A_533 : i32 to vector<16xi32>
        %shift_left3A_535 = arith.shli %xor3A_531, %shift_left3A_534 : vector<16xi32>
        %shift_right_logical3A_536 = arith.constant 17 : i32
        %shift_right_logical3A_537 = vector.broadcast %shift_right_logical3A_536 : i32 to vector<16xi32>
        %shift_right_logical3A_538 = arith.shrui %xor3A_531, %shift_right_logical3A_537 : vector<16xi32>
        %or3A_539 = arith.ori %shift_left3A_535, %shift_right_logical3A_538 : vector<16xi32>
        %xor3A_540 = arith.xori %or3A_539, %add3A_532 : vector<16xi32>
        %add3A_541 = arith.addi %add3A_532, %xor3A_540 : vector<16xi32>
        %shift_left3A_542 = arith.constant 26 : i32
        %shift_left3A_543 = vector.broadcast %shift_left3A_542 : i32 to vector<16xi32>
        %shift_left3A_544 = arith.shli %xor3A_540, %shift_left3A_543 : vector<16xi32>
        %shift_right_logical3A_545 = arith.constant 6 : i32
        %shift_right_logical3A_546 = vector.broadcast %shift_right_logical3A_545 : i32 to vector<16xi32>
        %shift_right_logical3A_547 = arith.shrui %xor3A_540, %shift_right_logical3A_546 : vector<16xi32>
        %or3A_548 = arith.ori %shift_left3A_544, %shift_right_logical3A_547 : vector<16xi32>
        %xor3A_549 = arith.xori %or3A_548, %add3A_541 : vector<16xi32>
        %add3A_550 = arith.addi %add3A_541, %xor3A_549 : vector<16xi32>
        %shift_left3A_551 = arith.constant 6 : i32
        %shift_left3A_552 = vector.broadcast %shift_left3A_551 : i32 to vector<16xi32>
        %shift_left3A_553 = arith.shli %xor3A_549, %shift_left3A_552 : vector<16xi32>
        %shift_right_logical3A_554 = arith.constant 26 : i32
        %shift_right_logical3A_555 = vector.broadcast %shift_right_logical3A_554 : i32 to vector<16xi32>
        %shift_right_logical3A_556 = arith.shrui %xor3A_549, %shift_right_logical3A_555 : vector<16xi32>
        %or3A_557 = arith.ori %shift_left3A_553, %shift_right_logical3A_556 : vector<16xi32>
        %xor3A_558 = arith.xori %or3A_557, %add3A_550 : vector<16xi32>
        %add3A_559 = arith.constant 466688987 : i32
        %add3A_560 = vector.broadcast %add3A_559 : i32 to vector<16xi32>
        %add3A_561 = arith.addi %add3A_550, %add3A_560 : vector<16xi32>
        %add3A_562 = arith.constant 5 : i32
        %add3A_563 = vector.broadcast %add3A_562 : i32 to vector<16xi32>
        %add3A_564 = arith.addi %xor3A_558, %add3A_563 : vector<16xi32>
        %xor3A_565 = arith.xori %add3A_561, %add3A_564 : vector<16xi32>
        %shift_right_logical3A_566 = arith.constant 9 : i32
        %shift_right_logical3A_567 = vector.broadcast %shift_right_logical3A_566 : i32 to vector<16xi32>
        %shift_right_logical3A_568 = arith.shrui %xor3A_353, %shift_right_logical3A_567 : vector<16xi32>
        %shift_right_logical3A_569 = arith.constant 9 : i32
        %shift_right_logical3A_570 = vector.broadcast %shift_right_logical3A_569 : i32 to vector<16xi32>
        %shift_right_logical3A_571 = arith.shrui %xor3A_565, %shift_right_logical3A_570 : vector<16xi32>
        %gt3A = arith.cmpi sgt, %shift_right_logical3A_568, %scan3A_137 : vector<16xi32>
        %select_n3A_572 = arith.select %gt3A, %shift_right_logical3A_568, %scan3A_137 : vector<16xi1>, vector<16xi32>
        %select_n3A_573 = arith.select %gt3A, %add3A_142, %scan3A_138 : vector<16xi1>, vector<16xi32>
        %gt3A_574 = arith.cmpi sgt, %shift_right_logical3A_571, %select_n3A_572 : vector<16xi32>
        %select_n3A_575 = arith.select %gt3A_574, %shift_right_logical3A_571, %select_n3A_572 : vector<16xi1>, vector<16xi32>
        %select_n3A_576 = arith.select %gt3A_574, %add3A_145, %select_n3A_573 : vector<16xi1>, vector<16xi32>
        scf.yield %select_n3A_575, %select_n3A_576 : vector<16xi32>, vector<16xi32>
      }
      %scan3A_56 = arith.constant 3125 : i32
      %add3A_57 = arith.constant 8 : i32
      %add3A_58 = vector.broadcast %add3A_57 : i32 to vector<16xi32>
      %add3A_59 = arith.addi %iota3A, %add3A_58 : vector<16xi32>
      %and3A = arith.constant 15 : i32
      %and3A_60 = vector.broadcast %and3A : i32 to vector<16xi32>
      %and3A_61 = arith.andi %add3A_59, %and3A_60 : vector<16xi32>
      %reshape3A = vector.shape_cast %and3A_61 : vector<16xi32> to vector<16x1xi32>
      %gather3A = vector.shape_cast %reshape3A : vector<16x1xi32> to vector<16xi32>
      %gather3A_62 = tpu.dynamic_gather %scan3A_55#0[%gather3A] in [0] : vector<16xi32>, vector<16xi32> -> vector<16xi32>
      %max3A = arith.maxsi %scan3A_55#0, %gather3A_62 : vector<16xi32>
      %add3A_63 = arith.constant 4 : i32
      %add3A_64 = vector.broadcast %add3A_63 : i32 to vector<16xi32>
      %add3A_65 = arith.addi %iota3A, %add3A_64 : vector<16xi32>
      %and3A_66 = arith.constant 15 : i32
      %and3A_67 = vector.broadcast %and3A_66 : i32 to vector<16xi32>
      %and3A_68 = arith.andi %add3A_65, %and3A_67 : vector<16xi32>
      %reshape3A_69 = vector.shape_cast %and3A_68 : vector<16xi32> to vector<16x1xi32>
      %gather3A_70 = vector.shape_cast %reshape3A_69 : vector<16x1xi32> to vector<16xi32>
      %gather3A_71 = tpu.dynamic_gather %max3A[%gather3A_70] in [0] : vector<16xi32>, vector<16xi32> -> vector<16xi32>
      %max3A_72 = arith.maxsi %max3A, %gather3A_71 : vector<16xi32>
      %add3A_73 = arith.constant 2 : i32
      %add3A_74 = vector.broadcast %add3A_73 : i32 to vector<16xi32>
      %add3A_75 = arith.addi %iota3A, %add3A_74 : vector<16xi32>
      %and3A_76 = arith.constant 15 : i32
      %and3A_77 = vector.broadcast %and3A_76 : i32 to vector<16xi32>
      %and3A_78 = arith.andi %add3A_75, %and3A_77 : vector<16xi32>
      %reshape3A_79 = vector.shape_cast %and3A_78 : vector<16xi32> to vector<16x1xi32>
      %gather3A_80 = vector.shape_cast %reshape3A_79 : vector<16x1xi32> to vector<16xi32>
      %gather3A_81 = tpu.dynamic_gather %max3A_72[%gather3A_80] in [0] : vector<16xi32>, vector<16xi32> -> vector<16xi32>
      %max3A_82 = arith.maxsi %max3A_72, %gather3A_81 : vector<16xi32>
      %add3A_83 = arith.constant 1 : i32
      %add3A_84 = vector.broadcast %add3A_83 : i32 to vector<16xi32>
      %add3A_85 = arith.addi %iota3A, %add3A_84 : vector<16xi32>
      %and3A_86 = arith.constant 15 : i32
      %and3A_87 = vector.broadcast %and3A_86 : i32 to vector<16xi32>
      %and3A_88 = arith.andi %add3A_85, %and3A_87 : vector<16xi32>
      %reshape3A_89 = vector.shape_cast %and3A_88 : vector<16xi32> to vector<16x1xi32>
      %gather3A_90 = vector.shape_cast %reshape3A_89 : vector<16x1xi32> to vector<16xi32>
      %gather3A_91 = tpu.dynamic_gather %max3A_82[%gather3A_90] in [0] : vector<16xi32>, vector<16xi32> -> vector<16xi32>
      %max3A_92 = arith.maxsi %max3A_82, %gather3A_91 : vector<16xi32>
      %eq3A = arith.cmpi eq, %scan3A_55#0, %max3A_92 : vector<16xi32>
      %jit3A = arith.constant 1073741824 : i32
      %broadcast_in_dim3A_93 = vector.broadcast %jit3A : i32 to vector<16xi32>
      %select_n3A = arith.select %eq3A, %scan3A_55#1, %broadcast_in_dim3A_93 : vector<16xi1>, vector<16xi32>
      %add3A_94 = arith.constant 8 : i32
      %add3A_95 = vector.broadcast %add3A_94 : i32 to vector<16xi32>
      %add3A_96 = arith.addi %iota3A, %add3A_95 : vector<16xi32>
      %and3A_97 = arith.constant 15 : i32
      %and3A_98 = vector.broadcast %and3A_97 : i32 to vector<16xi32>
      %and3A_99 = arith.andi %add3A_96, %and3A_98 : vector<16xi32>
      %reshape3A_100 = vector.shape_cast %and3A_99 : vector<16xi32> to vector<16x1xi32>
      %gather3A_101 = vector.shape_cast %reshape3A_100 : vector<16x1xi32> to vector<16xi32>
      %gather3A_102 = tpu.dynamic_gather %select_n3A[%gather3A_101] in [0] : vector<16xi32>, vector<16xi32> -> vector<16xi32>
      %min3A = arith.minsi %select_n3A, %gather3A_102 : vector<16xi32>
      %add3A_103 = arith.constant 4 : i32
      %add3A_104 = vector.broadcast %add3A_103 : i32 to vector<16xi32>
      %add3A_105 = arith.addi %iota3A, %add3A_104 : vector<16xi32>
      %and3A_106 = arith.constant 15 : i32
      %and3A_107 = vector.broadcast %and3A_106 : i32 to vector<16xi32>
      %and3A_108 = arith.andi %add3A_105, %and3A_107 : vector<16xi32>
      %reshape3A_109 = vector.shape_cast %and3A_108 : vector<16xi32> to vector<16x1xi32>
      %gather3A_110 = vector.shape_cast %reshape3A_109 : vector<16x1xi32> to vector<16xi32>
      %gather3A_111 = tpu.dynamic_gather %min3A[%gather3A_110] in [0] : vector<16xi32>, vector<16xi32> -> vector<16xi32>
      %min3A_112 = arith.minsi %min3A, %gather3A_111 : vector<16xi32>
      %add3A_113 = arith.constant 2 : i32
      %add3A_114 = vector.broadcast %add3A_113 : i32 to vector<16xi32>
      %add3A_115 = arith.addi %iota3A, %add3A_114 : vector<16xi32>
      %and3A_116 = arith.constant 15 : i32
      %and3A_117 = vector.broadcast %and3A_116 : i32 to vector<16xi32>
      %and3A_118 = arith.andi %add3A_115, %and3A_117 : vector<16xi32>
      %reshape3A_119 = vector.shape_cast %and3A_118 : vector<16xi32> to vector<16x1xi32>
      %gather3A_120 = vector.shape_cast %reshape3A_119 : vector<16x1xi32> to vector<16xi32>
      %gather3A_121 = tpu.dynamic_gather %min3A_112[%gather3A_120] in [0] : vector<16xi32>, vector<16xi32> -> vector<16xi32>
      %min3A_122 = arith.minsi %min3A_112, %gather3A_121 : vector<16xi32>
      %add3A_123 = arith.constant 1 : i32
      %add3A_124 = vector.broadcast %add3A_123 : i32 to vector<16xi32>
      %add3A_125 = arith.addi %iota3A, %add3A_124 : vector<16xi32>
      %and3A_126 = arith.constant 15 : i32
      %and3A_127 = vector.broadcast %and3A_126 : i32 to vector<16xi32>
      %and3A_128 = arith.andi %add3A_125, %and3A_127 : vector<16xi32>
      %reshape3A_129 = vector.shape_cast %and3A_128 : vector<16xi32> to vector<16x1xi32>
      %gather3A_130 = vector.shape_cast %reshape3A_129 : vector<16x1xi32> to vector<16xi32>
      %gather3A_131 = tpu.dynamic_gather %min3A_122[%gather3A_130] in [0] : vector<16xi32>, vector<16xi32> -> vector<16xi32>
      %min3A_132 = arith.minsi %min3A_122, %gather3A_131 : vector<16xi32>
      %eq3A_133 = vector.broadcast %scan3A_36 : i32 to vector<16xi32>
      %eq3A_134 = arith.cmpi eq, %iota3A, %eq3A_133 : vector<16xi32>
      %select_n3A_135 = arith.select %eq3A_134, %min3A_132, %scan3A_37 : vector<16xi1>, vector<16xi32>
      scf.yield %select_n3A_135 : vector<16xi32>
    }
    %scan3A_6 = arith.constant 16 : i32
    %swap3A = arith.constant 0 : index
    %swap3A_7 = tpu.vector_load %arg3[%swap3A] {strides = array<i32>} : memref<48xi32, #tpu.memory_space<vmem>>, vector<16xi32>,
    %swap3A_8 = vector.shape_cast %swap3A_7 : vector<16xi32> to vector<16xi32>
    %swap3A_9 = vector.shape_cast %scan3A_5 : vector<16xi32> to vector<16xi32>
    tpu.vector_store %arg3[%swap3A], %swap3A_9 {strides = array<i32>} : memref<48xi32, #tpu.memory_space<vmem>>, vector<16xi32>,
    %broadcast_in_dim3A_10 = arith.constant 0 : i32
    %broadcast_in_dim3A_11 = vector.broadcast %broadcast_in_dim3A_10 : i32 to vector<16xi32>
    %scan3A_12 = arith.constant 0 : i32
    %scan3A_13 = arith.constant 16 : i32
    %scan3A_14 = arith.addi %scan3A_12, %scan3A_13 : i32
    %scan3A_15 = arith.constant 1 : i32
    %scan3A_16 = scf.for %scan3A_36 = %scan3A_12 to %scan3A_14 step %scan3A_15 iter_args(%scan3A_37 = %broadcast_in_dim3A_11) -> (vector<16xi32>)  : i32 {
      %mul3A_38 = arith.constant 48 : i32
      %mul3A_39 = arith.muli %add3A, %mul3A_38 : i32
      %add3A_40 = arith.constant 3584 : i32
      %add3A_41 = arith.addi %add3A_40, %mul3A_39 : i32
      %add3A_42 = arith.constant 16 : i32
      %add3A_43 = arith.addi %add3A_41, %add3A_42 : i32
      %add3A_44 = arith.addi %add3A_43, %scan3A_36 : i32
      %mul3A_45 = arith.constant 100000 : i32
      %mul3A_46 = arith.muli %add3A_44, %mul3A_45 : i32
      %broadcast_in_dim3A_47 = arith.constant -2 : i32
      %broadcast_in_dim3A_48 = vector.broadcast %broadcast_in_dim3A_47 : i32 to vector<16xi32>
      %broadcast_in_dim3A_49 = arith.constant 0 : i32
      %broadcast_in_dim3A_50 = vector.broadcast %broadcast_in_dim3A_49 : i32 to vector<16xi32>
      %scan3A_51 = arith.constant 0 : i32
      %scan3A_52 = arith.constant 3125 : i32
      %scan3A_53 = arith.addi %scan3A_51, %scan3A_52 : i32
      %scan3A_54 = arith.constant 1 : i32
      %scan3A_55:2 = scf.for %scan3A_136 = %scan3A_51 to %scan3A_53 step %scan3A_54 iter_args(%scan3A_137 = %broadcast_in_dim3A_48, %scan3A_138 = %broadcast_in_dim3A_50) -> (vector<16xi32>, vector<16xi32>)  : i32 {
        %mul3A_139 = arith.constant 32 : i32
        %mul3A_140 = arith.muli %scan3A_136, %mul3A_139 : i32
        %add3A_141 = vector.broadcast %mul3A_140 : i32 to vector<16xi32>
        %add3A_142 = arith.addi %add3A_141, %iota3A : vector<16xi32>
        %add3A_143 = arith.constant 16 : i32
        %add3A_144 = vector.broadcast %add3A_143 : i32 to vector<16xi32>
        %add3A_145 = arith.addi %add3A_142, %add3A_144 : vector<16xi32>
        %add3A_146 = vector.broadcast %mul3A_46 : i32 to vector<16xi32>
        %add3A_147 = arith.addi %add3A_146, %add3A_142 : vector<16xi32>
        %add3A_148 = arith.constant 1 : i32
        %add3A_149 = vector.broadcast %add3A_148 : i32 to vector<16xi32>
        %add3A_150 = arith.addi %add3A_147, %add3A_149 : vector<16xi32>
        %shift_left3A = arith.constant 13 : i32
        %shift_left3A_151 = vector.broadcast %shift_left3A : i32 to vector<16xi32>
        %shift_left3A_152 = arith.shli %add3A_150, %shift_left3A_151 : vector<16xi32>
        %shift_right_logical3A = arith.constant 19 : i32
        %shift_right_logical3A_153 = vector.broadcast %shift_right_logical3A : i32 to vector<16xi32>
        %shift_right_logical3A_154 = arith.shrui %add3A_150, %shift_right_logical3A_153 : vector<16xi32>
        %or3A = arith.ori %shift_left3A_152, %shift_right_logical3A_154 : vector<16xi32>
        %xor3A = arith.xori %or3A, %add3A_150 : vector<16xi32>
        %add3A_155 = arith.addi %add3A_150, %xor3A : vector<16xi32>
        %shift_left3A_156 = arith.constant 15 : i32
        %shift_left3A_157 = vector.broadcast %shift_left3A_156 : i32 to vector<16xi32>
        %shift_left3A_158 = arith.shli %xor3A, %shift_left3A_157 : vector<16xi32>
        %shift_right_logical3A_159 = arith.constant 17 : i32
        %shift_right_logical3A_160 = vector.broadcast %shift_right_logical3A_159 : i32 to vector<16xi32>
        %shift_right_logical3A_161 = arith.shrui %xor3A, %shift_right_logical3A_160 : vector<16xi32>
        %or3A_162 = arith.ori %shift_left3A_158, %shift_right_logical3A_161 : vector<16xi32>
        %xor3A_163 = arith.xori %or3A_162, %add3A_155 : vector<16xi32>
        %add3A_164 = arith.addi %add3A_155, %xor3A_163 : vector<16xi32>
        %shift_left3A_165 = arith.constant 26 : i32
        %shift_left3A_166 = vector.broadcast %shift_left3A_165 : i32 to vector<16xi32>
        %shift_left3A_167 = arith.shli %xor3A_163, %shift_left3A_166 : vector<16xi32>
        %shift_right_logical3A_168 = arith.constant 6 : i32
        %shift_right_logical3A_169 = vector.broadcast %shift_right_logical3A_168 : i32 to vector<16xi32>
        %shift_right_logical3A_170 = arith.shrui %xor3A_163, %shift_right_logical3A_169 : vector<16xi32>
        %or3A_171 = arith.ori %shift_left3A_167, %shift_right_logical3A_170 : vector<16xi32>
        %xor3A_172 = arith.xori %or3A_171, %add3A_164 : vector<16xi32>
        %add3A_173 = arith.addi %add3A_164, %xor3A_172 : vector<16xi32>
        %shift_left3A_174 = arith.constant 6 : i32
        %shift_left3A_175 = vector.broadcast %shift_left3A_174 : i32 to vector<16xi32>
        %shift_left3A_176 = arith.shli %xor3A_172, %shift_left3A_175 : vector<16xi32>
        %shift_right_logical3A_177 = arith.constant 26 : i32
        %shift_right_logical3A_178 = vector.broadcast %shift_right_logical3A_177 : i32 to vector<16xi32>
        %shift_right_logical3A_179 = arith.shrui %xor3A_172, %shift_right_logical3A_178 : vector<16xi32>
        %or3A_180 = arith.ori %shift_left3A_176, %shift_right_logical3A_179 : vector<16xi32>
        %xor3A_181 = arith.xori %or3A_180, %add3A_173 : vector<16xi32>
        %add3A_182 = arith.constant 1 : i32
        %add3A_183 = vector.broadcast %add3A_182 : i32 to vector<16xi32>
        %add3A_184 = arith.addi %add3A_173, %add3A_183 : vector<16xi32>
        %add3A_185 = arith.constant 466688988 : i32
        %add3A_186 = vector.broadcast %add3A_185 : i32 to vector<16xi32>
        %add3A_187 = arith.addi %xor3A_181, %add3A_186 : vector<16xi32>
        %add3A_188 = arith.addi %add3A_184, %add3A_187 : vector<16xi32>
        %shift_left3A_189 = arith.constant 17 : i32
        %shift_left3A_190 = vector.broadcast %shift_left3A_189 : i32 to vector<16xi32>
        %shift_left3A_191 = arith.shli %add3A_187, %shift_left3A_190 : vector<16xi32>
        %shift_right_logical3A_192 = arith.constant 15 : i32
        %shift_right_logical3A_193 = vector.broadcast %shift_right_logical3A_192 : i32 to vector<16xi32>
        %shift_right_logical3A_194 = arith.shrui %add3A_187, %shift_right_logical3A_193 : vector<16xi32>
        %or3A_195 = arith.ori %shift_left3A_191, %shift_right_logical3A_194 : vector<16xi32>
        %xor3A_196 = arith.xori %or3A_195, %add3A_188 : vector<16xi32>
        %add3A_197 = arith.addi %add3A_188, %xor3A_196 : vector<16xi32>
        %shift_left3A_198 = arith.constant 29 : i32
        %shift_left3A_199 = vector.broadcast %shift_left3A_198 : i32 to vector<16xi32>
        %shift_left3A_200 = arith.shli %xor3A_196, %shift_left3A_199 : vector<16xi32>
        %shift_right_logical3A_201 = arith.constant 3 : i32
        %shift_right_logical3A_202 = vector.broadcast %shift_right_logical3A_201 : i32 to vector<16xi32>
        %shift_right_logical3A_203 = arith.shrui %xor3A_196, %shift_right_logical3A_202 : vector<16xi32>
        %or3A_204 = arith.ori %shift_left3A_200, %shift_right_logical3A_203 : vector<16xi32>
        %xor3A_205 = arith.xori %or3A_204, %add3A_197 : vector<16xi32>
        %add3A_206 = arith.addi %add3A_197, %xor3A_205 : vector<16xi32>
        %shift_left3A_207 = arith.constant 16 : i32
        %shift_left3A_208 = vector.broadcast %shift_left3A_207 : i32 to vector<16xi32>
        %shift_left3A_209 = arith.shli %xor3A_205, %shift_left3A_208 : vector<16xi32>
        %shift_right_logical3A_210 = arith.constant 16 : i32
        %shift_right_logical3A_211 = vector.broadcast %shift_right_logical3A_210 : i32 to vector<16xi32>
        %shift_right_logical3A_212 = arith.shrui %xor3A_205, %shift_right_logical3A_211 : vector<16xi32>
        %or3A_213 = arith.ori %shift_left3A_209, %shift_right_logical3A_212 : vector<16xi32>
        %xor3A_214 = arith.xori %or3A_213, %add3A_206 : vector<16xi32>
        %add3A_215 = arith.addi %add3A_206, %xor3A_214 : vector<16xi32>
        %shift_left3A_216 = arith.constant 24 : i32
        %shift_left3A_217 = vector.broadcast %shift_left3A_216 : i32 to vector<16xi32>
        %shift_left3A_218 = arith.shli %xor3A_214, %shift_left3A_217 : vector<16xi32>
        %shift_right_logical3A_219 = arith.constant 8 : i32
        %shift_right_logical3A_220 = vector.broadcast %shift_right_logical3A_219 : i32 to vector<16xi32>
        %shift_right_logical3A_221 = arith.shrui %xor3A_214, %shift_right_logical3A_220 : vector<16xi32>
        %or3A_222 = arith.ori %shift_left3A_218, %shift_right_logical3A_221 : vector<16xi32>
        %xor3A_223 = arith.xori %or3A_222, %add3A_215 : vector<16xi32>
        %add3A_224 = arith.constant 466688987 : i32
        %add3A_225 = vector.broadcast %add3A_224 : i32 to vector<16xi32>
        %add3A_226 = arith.addi %add3A_215, %add3A_225 : vector<16xi32>
        %add3A_227 = arith.constant 2 : i32
        %add3A_228 = vector.broadcast %add3A_227 : i32 to vector<16xi32>
        %add3A_229 = arith.addi %xor3A_223, %add3A_228 : vector<16xi32>
        %add3A_230 = arith.addi %add3A_226, %add3A_229 : vector<16xi32>
        %shift_left3A_231 = arith.constant 13 : i32
        %shift_left3A_232 = vector.broadcast %shift_left3A_231 : i32 to vector<16xi32>
        %shift_left3A_233 = arith.shli %add3A_229, %shift_left3A_232 : vector<16xi32>
        %shift_right_logical3A_234 = arith.constant 19 : i32
        %shift_right_logical3A_235 = vector.broadcast %shift_right_logical3A_234 : i32 to vector<16xi32>
        %shift_right_logical3A_236 = arith.shrui %add3A_229, %shift_right_logical3A_235 : vector<16xi32>
        %or3A_237 = arith.ori %shift_left3A_233, %shift_right_logical3A_236 : vector<16xi32>
        %xor3A_238 = arith.xori %or3A_237, %add3A_230 : vector<16xi32>
        %add3A_239 = arith.addi %add3A_230, %xor3A_238 : vector<16xi32>
        %shift_left3A_240 = arith.constant 15 : i32
        %shift_left3A_241 = vector.broadcast %shift_left3A_240 : i32 to vector<16xi32>
        %shift_left3A_242 = arith.shli %xor3A_238, %shift_left3A_241 : vector<16xi32>
        %shift_right_logical3A_243 = arith.constant 17 : i32
        %shift_right_logical3A_244 = vector.broadcast %shift_right_logical3A_243 : i32 to vector<16xi32>
        %shift_right_logical3A_245 = arith.shrui %xor3A_238, %shift_right_logical3A_244 : vector<16xi32>
        %or3A_246 = arith.ori %shift_left3A_242, %shift_right_logical3A_245 : vector<16xi32>
        %xor3A_247 = arith.xori %or3A_246, %add3A_239 : vector<16xi32>
        %add3A_248 = arith.addi %add3A_239, %xor3A_247 : vector<16xi32>
        %shift_left3A_249 = arith.constant 26 : i32
        %shift_left3A_250 = vector.broadcast %shift_left3A_249 : i32 to vector<16xi32>
        %shift_left3A_251 = arith.shli %xor3A_247, %shift_left3A_250 : vector<16xi32>
        %shift_right_logical3A_252 = arith.constant 6 : i32
        %shift_right_logical3A_253 = vector.broadcast %shift_right_logical3A_252 : i32 to vector<16xi32>
        %shift_right_logical3A_254 = arith.shrui %xor3A_247, %shift_right_logical3A_253 : vector<16xi32>
        %or3A_255 = arith.ori %shift_left3A_251, %shift_right_logical3A_254 : vector<16xi32>
        %xor3A_256 = arith.xori %or3A_255, %add3A_248 : vector<16xi32>
        %add3A_257 = arith.addi %add3A_248, %xor3A_256 : vector<16xi32>
        %shift_left3A_258 = arith.constant 6 : i32
        %shift_left3A_259 = vector.broadcast %shift_left3A_258 : i32 to vector<16xi32>
        %shift_left3A_260 = arith.shli %xor3A_256, %shift_left3A_259 : vector<16xi32>
        %shift_right_logical3A_261 = arith.constant 26 : i32
        %shift_right_logical3A_262 = vector.broadcast %shift_right_logical3A_261 : i32 to vector<16xi32>
        %shift_right_logical3A_263 = arith.shrui %xor3A_256, %shift_right_logical3A_262 : vector<16xi32>
        %or3A_264 = arith.ori %shift_left3A_260, %shift_right_logical3A_263 : vector<16xi32>
        %xor3A_265 = arith.xori %or3A_264, %add3A_257 : vector<16xi32>
        %add3A_266 = arith.constant 4 : i32
        %add3A_267 = vector.broadcast %add3A_266 : i32 to vector<16xi32>
        %add3A_268 = arith.addi %xor3A_265, %add3A_267 : vector<16xi32>
        %add3A_269 = arith.addi %add3A_257, %add3A_268 : vector<16xi32>
        %shift_left3A_270 = arith.constant 17 : i32
        %shift_left3A_271 = vector.broadcast %shift_left3A_270 : i32 to vector<16xi32>
        %shift_left3A_272 = arith.shli %add3A_268, %shift_left3A_271 : vector<16xi32>
        %shift_right_logical3A_273 = arith.constant 15 : i32
        %shift_right_logical3A_274 = vector.broadcast %shift_right_logical3A_273 : i32 to vector<16xi32>
        %shift_right_logical3A_275 = arith.shrui %add3A_268, %shift_right_logical3A_274 : vector<16xi32>
        %or3A_276 = arith.ori %shift_left3A_272, %shift_right_logical3A_275 : vector<16xi32>
        %xor3A_277 = arith.xori %or3A_276, %add3A_269 : vector<16xi32>
        %add3A_278 = arith.addi %add3A_269, %xor3A_277 : vector<16xi32>
        %shift_left3A_279 = arith.constant 29 : i32
        %shift_left3A_280 = vector.broadcast %shift_left3A_279 : i32 to vector<16xi32>
        %shift_left3A_281 = arith.shli %xor3A_277, %shift_left3A_280 : vector<16xi32>
        %shift_right_logical3A_282 = arith.constant 3 : i32
        %shift_right_logical3A_283 = vector.broadcast %shift_right_logical3A_282 : i32 to vector<16xi32>
        %shift_right_logical3A_284 = arith.shrui %xor3A_277, %shift_right_logical3A_283 : vector<16xi32>
        %or3A_285 = arith.ori %shift_left3A_281, %shift_right_logical3A_284 : vector<16xi32>
        %xor3A_286 = arith.xori %or3A_285, %add3A_278 : vector<16xi32>
        %add3A_287 = arith.addi %add3A_278, %xor3A_286 : vector<16xi32>
        %shift_left3A_288 = arith.constant 16 : i32
        %shift_left3A_289 = vector.broadcast %shift_left3A_288 : i32 to vector<16xi32>
        %shift_left3A_290 = arith.shli %xor3A_286, %shift_left3A_289 : vector<16xi32>
        %shift_right_logical3A_291 = arith.constant 16 : i32
        %shift_right_logical3A_292 = vector.broadcast %shift_right_logical3A_291 : i32 to vector<16xi32>
        %shift_right_logical3A_293 = arith.shrui %xor3A_286, %shift_right_logical3A_292 : vector<16xi32>
        %or3A_294 = arith.ori %shift_left3A_290, %shift_right_logical3A_293 : vector<16xi32>
        %xor3A_295 = arith.xori %or3A_294, %add3A_287 : vector<16xi32>
        %add3A_296 = arith.addi %add3A_287, %xor3A_295 : vector<16xi32>
        %shift_left3A_297 = arith.constant 24 : i32
        %shift_left3A_298 = vector.broadcast %shift_left3A_297 : i32 to vector<16xi32>
        %shift_left3A_299 = arith.shli %xor3A_295, %shift_left3A_298 : vector<16xi32>
        %shift_right_logical3A_300 = arith.constant 8 : i32
        %shift_right_logical3A_301 = vector.broadcast %shift_right_logical3A_300 : i32 to vector<16xi32>
        %shift_right_logical3A_302 = arith.shrui %xor3A_295, %shift_right_logical3A_301 : vector<16xi32>
        %or3A_303 = arith.ori %shift_left3A_299, %shift_right_logical3A_302 : vector<16xi32>
        %xor3A_304 = arith.xori %or3A_303, %add3A_296 : vector<16xi32>
        %add3A_305 = arith.constant 1 : i32
        %add3A_306 = vector.broadcast %add3A_305 : i32 to vector<16xi32>
        %add3A_307 = arith.addi %add3A_296, %add3A_306 : vector<16xi32>
        %add3A_308 = arith.constant 466688991 : i32
        %add3A_309 = vector.broadcast %add3A_308 : i32 to vector<16xi32>
        %add3A_310 = arith.addi %xor3A_304, %add3A_309 : vector<16xi32>
        %add3A_311 = arith.addi %add3A_307, %add3A_310 : vector<16xi32>
        %shift_left3A_312 = arith.constant 13 : i32
        %shift_left3A_313 = vector.broadcast %shift_left3A_312 : i32 to vector<16xi32>
        %shift_left3A_314 = arith.shli %add3A_310, %shift_left3A_313 : vector<16xi32>
        %shift_right_logical3A_315 = arith.constant 19 : i32
        %shift_right_logical3A_316 = vector.broadcast %shift_right_logical3A_315 : i32 to vector<16xi32>
        %shift_right_logical3A_317 = arith.shrui %add3A_310, %shift_right_logical3A_316 : vector<16xi32>
        %or3A_318 = arith.ori %shift_left3A_314, %shift_right_logical3A_317 : vector<16xi32>
        %xor3A_319 = arith.xori %or3A_318, %add3A_311 : vector<16xi32>
        %add3A_320 = arith.addi %add3A_311, %xor3A_319 : vector<16xi32>
        %shift_left3A_321 = arith.constant 15 : i32
        %shift_left3A_322 = vector.broadcast %shift_left3A_321 : i32 to vector<16xi32>
        %shift_left3A_323 = arith.shli %xor3A_319, %shift_left3A_322 : vector<16xi32>
        %shift_right_logical3A_324 = arith.constant 17 : i32
        %shift_right_logical3A_325 = vector.broadcast %shift_right_logical3A_324 : i32 to vector<16xi32>
        %shift_right_logical3A_326 = arith.shrui %xor3A_319, %shift_right_logical3A_325 : vector<16xi32>
        %or3A_327 = arith.ori %shift_left3A_323, %shift_right_logical3A_326 : vector<16xi32>
        %xor3A_328 = arith.xori %or3A_327, %add3A_320 : vector<16xi32>
        %add3A_329 = arith.addi %add3A_320, %xor3A_328 : vector<16xi32>
        %shift_left3A_330 = arith.constant 26 : i32
        %shift_left3A_331 = vector.broadcast %shift_left3A_330 : i32 to vector<16xi32>
        %shift_left3A_332 = arith.shli %xor3A_328, %shift_left3A_331 : vector<16xi32>
        %shift_right_logical3A_333 = arith.constant 6 : i32
        %shift_right_logical3A_334 = vector.broadcast %shift_right_logical3A_333 : i32 to vector<16xi32>
        %shift_right_logical3A_335 = arith.shrui %xor3A_328, %shift_right_logical3A_334 : vector<16xi32>
        %or3A_336 = arith.ori %shift_left3A_332, %shift_right_logical3A_335 : vector<16xi32>
        %xor3A_337 = arith.xori %or3A_336, %add3A_329 : vector<16xi32>
        %add3A_338 = arith.addi %add3A_329, %xor3A_337 : vector<16xi32>
        %shift_left3A_339 = arith.constant 6 : i32
        %shift_left3A_340 = vector.broadcast %shift_left3A_339 : i32 to vector<16xi32>
        %shift_left3A_341 = arith.shli %xor3A_337, %shift_left3A_340 : vector<16xi32>
        %shift_right_logical3A_342 = arith.constant 26 : i32
        %shift_right_logical3A_343 = vector.broadcast %shift_right_logical3A_342 : i32 to vector<16xi32>
        %shift_right_logical3A_344 = arith.shrui %xor3A_337, %shift_right_logical3A_343 : vector<16xi32>
        %or3A_345 = arith.ori %shift_left3A_341, %shift_right_logical3A_344 : vector<16xi32>
        %xor3A_346 = arith.xori %or3A_345, %add3A_338 : vector<16xi32>
        %add3A_347 = arith.constant 466688987 : i32
        %add3A_348 = vector.broadcast %add3A_347 : i32 to vector<16xi32>
        %add3A_349 = arith.addi %add3A_338, %add3A_348 : vector<16xi32>
        %add3A_350 = arith.constant 5 : i32
        %add3A_351 = vector.broadcast %add3A_350 : i32 to vector<16xi32>
        %add3A_352 = arith.addi %xor3A_346, %add3A_351 : vector<16xi32>
        %xor3A_353 = arith.xori %add3A_349, %add3A_352 : vector<16xi32>
        %add3A_354 = vector.broadcast %mul3A_46 : i32 to vector<16xi32>
        %add3A_355 = arith.addi %add3A_354, %add3A_145 : vector<16xi32>
        %add3A_356 = arith.constant 1 : i32
        %add3A_357 = vector.broadcast %add3A_356 : i32 to vector<16xi32>
        %add3A_358 = arith.addi %add3A_355, %add3A_357 : vector<16xi32>
        %shift_left3A_359 = arith.constant 13 : i32
        %shift_left3A_360 = vector.broadcast %shift_left3A_359 : i32 to vector<16xi32>
        %shift_left3A_361 = arith.shli %add3A_358, %shift_left3A_360 : vector<16xi32>
        %shift_right_logical3A_362 = arith.constant 19 : i32
        %shift_right_logical3A_363 = vector.broadcast %shift_right_logical3A_362 : i32 to vector<16xi32>
        %shift_right_logical3A_364 = arith.shrui %add3A_358, %shift_right_logical3A_363 : vector<16xi32>
        %or3A_365 = arith.ori %shift_left3A_361, %shift_right_logical3A_364 : vector<16xi32>
        %xor3A_366 = arith.xori %or3A_365, %add3A_358 : vector<16xi32>
        %add3A_367 = arith.addi %add3A_358, %xor3A_366 : vector<16xi32>
        %shift_left3A_368 = arith.constant 15 : i32
        %shift_left3A_369 = vector.broadcast %shift_left3A_368 : i32 to vector<16xi32>
        %shift_left3A_370 = arith.shli %xor3A_366, %shift_left3A_369 : vector<16xi32>
        %shift_right_logical3A_371 = arith.constant 17 : i32
        %shift_right_logical3A_372 = vector.broadcast %shift_right_logical3A_371 : i32 to vector<16xi32>
        %shift_right_logical3A_373 = arith.shrui %xor3A_366, %shift_right_logical3A_372 : vector<16xi32>
        %or3A_374 = arith.ori %shift_left3A_370, %shift_right_logical3A_373 : vector<16xi32>
        %xor3A_375 = arith.xori %or3A_374, %add3A_367 : vector<16xi32>
        %add3A_376 = arith.addi %add3A_367, %xor3A_375 : vector<16xi32>
        %shift_left3A_377 = arith.constant 26 : i32
        %shift_left3A_378 = vector.broadcast %shift_left3A_377 : i32 to vector<16xi32>
        %shift_left3A_379 = arith.shli %xor3A_375, %shift_left3A_378 : vector<16xi32>
        %shift_right_logical3A_380 = arith.constant 6 : i32
        %shift_right_logical3A_381 = vector.broadcast %shift_right_logical3A_380 : i32 to vector<16xi32>
        %shift_right_logical3A_382 = arith.shrui %xor3A_375, %shift_right_logical3A_381 : vector<16xi32>
        %or3A_383 = arith.ori %shift_left3A_379, %shift_right_logical3A_382 : vector<16xi32>
        %xor3A_384 = arith.xori %or3A_383, %add3A_376 : vector<16xi32>
        %add3A_385 = arith.addi %add3A_376, %xor3A_384 : vector<16xi32>
        %shift_left3A_386 = arith.constant 6 : i32
        %shift_left3A_387 = vector.broadcast %shift_left3A_386 : i32 to vector<16xi32>
        %shift_left3A_388 = arith.shli %xor3A_384, %shift_left3A_387 : vector<16xi32>
        %shift_right_logical3A_389 = arith.constant 26 : i32
        %shift_right_logical3A_390 = vector.broadcast %shift_right_logical3A_389 : i32 to vector<16xi32>
        %shift_right_logical3A_391 = arith.shrui %xor3A_384, %shift_right_logical3A_390 : vector<16xi32>
        %or3A_392 = arith.ori %shift_left3A_388, %shift_right_logical3A_391 : vector<16xi32>
        %xor3A_393 = arith.xori %or3A_392, %add3A_385 : vector<16xi32>
        %add3A_394 = arith.constant 1 : i32
        %add3A_395 = vector.broadcast %add3A_394 : i32 to vector<16xi32>
        %add3A_396 = arith.addi %add3A_385, %add3A_395 : vector<16xi32>
        %add3A_397 = arith.constant 466688988 : i32
        %add3A_398 = vector.broadcast %add3A_397 : i32 to vector<16xi32>
        %add3A_399 = arith.addi %xor3A_393, %add3A_398 : vector<16xi32>
        %add3A_400 = arith.addi %add3A_396, %add3A_399 : vector<16xi32>
        %shift_left3A_401 = arith.constant 17 : i32
        %shift_left3A_402 = vector.broadcast %shift_left3A_401 : i32 to vector<16xi32>
        %shift_left3A_403 = arith.shli %add3A_399, %shift_left3A_402 : vector<16xi32>
        %shift_right_logical3A_404 = arith.constant 15 : i32
        %shift_right_logical3A_405 = vector.broadcast %shift_right_logical3A_404 : i32 to vector<16xi32>
        %shift_right_logical3A_406 = arith.shrui %add3A_399, %shift_right_logical3A_405 : vector<16xi32>
        %or3A_407 = arith.ori %shift_left3A_403, %shift_right_logical3A_406 : vector<16xi32>
        %xor3A_408 = arith.xori %or3A_407, %add3A_400 : vector<16xi32>
        %add3A_409 = arith.addi %add3A_400, %xor3A_408 : vector<16xi32>
        %shift_left3A_410 = arith.constant 29 : i32
        %shift_left3A_411 = vector.broadcast %shift_left3A_410 : i32 to vector<16xi32>
        %shift_left3A_412 = arith.shli %xor3A_408, %shift_left3A_411 : vector<16xi32>
        %shift_right_logical3A_413 = arith.constant 3 : i32
        %shift_right_logical3A_414 = vector.broadcast %shift_right_logical3A_413 : i32 to vector<16xi32>
        %shift_right_logical3A_415 = arith.shrui %xor3A_408, %shift_right_logical3A_414 : vector<16xi32>
        %or3A_416 = arith.ori %shift_left3A_412, %shift_right_logical3A_415 : vector<16xi32>
        %xor3A_417 = arith.xori %or3A_416, %add3A_409 : vector<16xi32>
        %add3A_418 = arith.addi %add3A_409, %xor3A_417 : vector<16xi32>
        %shift_left3A_419 = arith.constant 16 : i32
        %shift_left3A_420 = vector.broadcast %shift_left3A_419 : i32 to vector<16xi32>
        %shift_left3A_421 = arith.shli %xor3A_417, %shift_left3A_420 : vector<16xi32>
        %shift_right_logical3A_422 = arith.constant 16 : i32
        %shift_right_logical3A_423 = vector.broadcast %shift_right_logical3A_422 : i32 to vector<16xi32>
        %shift_right_logical3A_424 = arith.shrui %xor3A_417, %shift_right_logical3A_423 : vector<16xi32>
        %or3A_425 = arith.ori %shift_left3A_421, %shift_right_logical3A_424 : vector<16xi32>
        %xor3A_426 = arith.xori %or3A_425, %add3A_418 : vector<16xi32>
        %add3A_427 = arith.addi %add3A_418, %xor3A_426 : vector<16xi32>
        %shift_left3A_428 = arith.constant 24 : i32
        %shift_left3A_429 = vector.broadcast %shift_left3A_428 : i32 to vector<16xi32>
        %shift_left3A_430 = arith.shli %xor3A_426, %shift_left3A_429 : vector<16xi32>
        %shift_right_logical3A_431 = arith.constant 8 : i32
        %shift_right_logical3A_432 = vector.broadcast %shift_right_logical3A_431 : i32 to vector<16xi32>
        %shift_right_logical3A_433 = arith.shrui %xor3A_426, %shift_right_logical3A_432 : vector<16xi32>
        %or3A_434 = arith.ori %shift_left3A_430, %shift_right_logical3A_433 : vector<16xi32>
        %xor3A_435 = arith.xori %or3A_434, %add3A_427 : vector<16xi32>
        %add3A_436 = arith.constant 466688987 : i32
        %add3A_437 = vector.broadcast %add3A_436 : i32 to vector<16xi32>
        %add3A_438 = arith.addi %add3A_427, %add3A_437 : vector<16xi32>
        %add3A_439 = arith.constant 2 : i32
        %add3A_440 = vector.broadcast %add3A_439 : i32 to vector<16xi32>
        %add3A_441 = arith.addi %xor3A_435, %add3A_440 : vector<16xi32>
        %add3A_442 = arith.addi %add3A_438, %add3A_441 : vector<16xi32>
        %shift_left3A_443 = arith.constant 13 : i32
        %shift_left3A_444 = vector.broadcast %shift_left3A_443 : i32 to vector<16xi32>
        %shift_left3A_445 = arith.shli %add3A_441, %shift_left3A_444 : vector<16xi32>
        %shift_right_logical3A_446 = arith.constant 19 : i32
        %shift_right_logical3A_447 = vector.broadcast %shift_right_logical3A_446 : i32 to vector<16xi32>
        %shift_right_logical3A_448 = arith.shrui %add3A_441, %shift_right_logical3A_447 : vector<16xi32>
        %or3A_449 = arith.ori %shift_left3A_445, %shift_right_logical3A_448 : vector<16xi32>
        %xor3A_450 = arith.xori %or3A_449, %add3A_442 : vector<16xi32>
        %add3A_451 = arith.addi %add3A_442, %xor3A_450 : vector<16xi32>
        %shift_left3A_452 = arith.constant 15 : i32
        %shift_left3A_453 = vector.broadcast %shift_left3A_452 : i32 to vector<16xi32>
        %shift_left3A_454 = arith.shli %xor3A_450, %shift_left3A_453 : vector<16xi32>
        %shift_right_logical3A_455 = arith.constant 17 : i32
        %shift_right_logical3A_456 = vector.broadcast %shift_right_logical3A_455 : i32 to vector<16xi32>
        %shift_right_logical3A_457 = arith.shrui %xor3A_450, %shift_right_logical3A_456 : vector<16xi32>
        %or3A_458 = arith.ori %shift_left3A_454, %shift_right_logical3A_457 : vector<16xi32>
        %xor3A_459 = arith.xori %or3A_458, %add3A_451 : vector<16xi32>
        %add3A_460 = arith.addi %add3A_451, %xor3A_459 : vector<16xi32>
        %shift_left3A_461 = arith.constant 26 : i32
        %shift_left3A_462 = vector.broadcast %shift_left3A_461 : i32 to vector<16xi32>
        %shift_left3A_463 = arith.shli %xor3A_459, %shift_left3A_462 : vector<16xi32>
        %shift_right_logical3A_464 = arith.constant 6 : i32
        %shift_right_logical3A_465 = vector.broadcast %shift_right_logical3A_464 : i32 to vector<16xi32>
        %shift_right_logical3A_466 = arith.shrui %xor3A_459, %shift_right_logical3A_465 : vector<16xi32>
        %or3A_467 = arith.ori %shift_left3A_463, %shift_right_logical3A_466 : vector<16xi32>
        %xor3A_468 = arith.xori %or3A_467, %add3A_460 : vector<16xi32>
        %add3A_469 = arith.addi %add3A_460, %xor3A_468 : vector<16xi32>
        %shift_left3A_470 = arith.constant 6 : i32
        %shift_left3A_471 = vector.broadcast %shift_left3A_470 : i32 to vector<16xi32>
        %shift_left3A_472 = arith.shli %xor3A_468, %shift_left3A_471 : vector<16xi32>
        %shift_right_logical3A_473 = arith.constant 26 : i32
        %shift_right_logical3A_474 = vector.broadcast %shift_right_logical3A_473 : i32 to vector<16xi32>
        %shift_right_logical3A_475 = arith.shrui %xor3A_468, %shift_right_logical3A_474 : vector<16xi32>
        %or3A_476 = arith.ori %shift_left3A_472, %shift_right_logical3A_475 : vector<16xi32>
        %xor3A_477 = arith.xori %or3A_476, %add3A_469 : vector<16xi32>
        %add3A_478 = arith.constant 4 : i32
        %add3A_479 = vector.broadcast %add3A_478 : i32 to vector<16xi32>
        %add3A_480 = arith.addi %xor3A_477, %add3A_479 : vector<16xi32>
        %add3A_481 = arith.addi %add3A_469, %add3A_480 : vector<16xi32>
        %shift_left3A_482 = arith.constant 17 : i32
        %shift_left3A_483 = vector.broadcast %shift_left3A_482 : i32 to vector<16xi32>
        %shift_left3A_484 = arith.shli %add3A_480, %shift_left3A_483 : vector<16xi32>
        %shift_right_logical3A_485 = arith.constant 15 : i32
        %shift_right_logical3A_486 = vector.broadcast %shift_right_logical3A_485 : i32 to vector<16xi32>
        %shift_right_logical3A_487 = arith.shrui %add3A_480, %shift_right_logical3A_486 : vector<16xi32>
        %or3A_488 = arith.ori %shift_left3A_484, %shift_right_logical3A_487 : vector<16xi32>
        %xor3A_489 = arith.xori %or3A_488, %add3A_481 : vector<16xi32>
        %add3A_490 = arith.addi %add3A_481, %xor3A_489 : vector<16xi32>
        %shift_left3A_491 = arith.constant 29 : i32
        %shift_left3A_492 = vector.broadcast %shift_left3A_491 : i32 to vector<16xi32>
        %shift_left3A_493 = arith.shli %xor3A_489, %shift_left3A_492 : vector<16xi32>
        %shift_right_logical3A_494 = arith.constant 3 : i32
        %shift_right_logical3A_495 = vector.broadcast %shift_right_logical3A_494 : i32 to vector<16xi32>
        %shift_right_logical3A_496 = arith.shrui %xor3A_489, %shift_right_logical3A_495 : vector<16xi32>
        %or3A_497 = arith.ori %shift_left3A_493, %shift_right_logical3A_496 : vector<16xi32>
        %xor3A_498 = arith.xori %or3A_497, %add3A_490 : vector<16xi32>
        %add3A_499 = arith.addi %add3A_490, %xor3A_498 : vector<16xi32>
        %shift_left3A_500 = arith.constant 16 : i32
        %shift_left3A_501 = vector.broadcast %shift_left3A_500 : i32 to vector<16xi32>
        %shift_left3A_502 = arith.shli %xor3A_498, %shift_left3A_501 : vector<16xi32>
        %shift_right_logical3A_503 = arith.constant 16 : i32
        %shift_right_logical3A_504 = vector.broadcast %shift_right_logical3A_503 : i32 to vector<16xi32>
        %shift_right_logical3A_505 = arith.shrui %xor3A_498, %shift_right_logical3A_504 : vector<16xi32>
        %or3A_506 = arith.ori %shift_left3A_502, %shift_right_logical3A_505 : vector<16xi32>
        %xor3A_507 = arith.xori %or3A_506, %add3A_499 : vector<16xi32>
        %add3A_508 = arith.addi %add3A_499, %xor3A_507 : vector<16xi32>
        %shift_left3A_509 = arith.constant 24 : i32
        %shift_left3A_510 = vector.broadcast %shift_left3A_509 : i32 to vector<16xi32>
        %shift_left3A_511 = arith.shli %xor3A_507, %shift_left3A_510 : vector<16xi32>
        %shift_right_logical3A_512 = arith.constant 8 : i32
        %shift_right_logical3A_513 = vector.broadcast %shift_right_logical3A_512 : i32 to vector<16xi32>
        %shift_right_logical3A_514 = arith.shrui %xor3A_507, %shift_right_logical3A_513 : vector<16xi32>
        %or3A_515 = arith.ori %shift_left3A_511, %shift_right_logical3A_514 : vector<16xi32>
        %xor3A_516 = arith.xori %or3A_515, %add3A_508 : vector<16xi32>
        %add3A_517 = arith.constant 1 : i32
        %add3A_518 = vector.broadcast %add3A_517 : i32 to vector<16xi32>
        %add3A_519 = arith.addi %add3A_508, %add3A_518 : vector<16xi32>
        %add3A_520 = arith.constant 466688991 : i32
        %add3A_521 = vector.broadcast %add3A_520 : i32 to vector<16xi32>
        %add3A_522 = arith.addi %xor3A_516, %add3A_521 : vector<16xi32>
        %add3A_523 = arith.addi %add3A_519, %add3A_522 : vector<16xi32>
        %shift_left3A_524 = arith.constant 13 : i32
        %shift_left3A_525 = vector.broadcast %shift_left3A_524 : i32 to vector<16xi32>
        %shift_left3A_526 = arith.shli %add3A_522, %shift_left3A_525 : vector<16xi32>
        %shift_right_logical3A_527 = arith.constant 19 : i32
        %shift_right_logical3A_528 = vector.broadcast %shift_right_logical3A_527 : i32 to vector<16xi32>
        %shift_right_logical3A_529 = arith.shrui %add3A_522, %shift_right_logical3A_528 : vector<16xi32>
        %or3A_530 = arith.ori %shift_left3A_526, %shift_right_logical3A_529 : vector<16xi32>
        %xor3A_531 = arith.xori %or3A_530, %add3A_523 : vector<16xi32>
        %add3A_532 = arith.addi %add3A_523, %xor3A_531 : vector<16xi32>
        %shift_left3A_533 = arith.constant 15 : i32
        %shift_left3A_534 = vector.broadcast %shift_left3A_533 : i32 to vector<16xi32>
        %shift_left3A_535 = arith.shli %xor3A_531, %shift_left3A_534 : vector<16xi32>
        %shift_right_logical3A_536 = arith.constant 17 : i32
        %shift_right_logical3A_537 = vector.broadcast %shift_right_logical3A_536 : i32 to vector<16xi32>
        %shift_right_logical3A_538 = arith.shrui %xor3A_531, %shift_right_logical3A_537 : vector<16xi32>
        %or3A_539 = arith.ori %shift_left3A_535, %shift_right_logical3A_538 : vector<16xi32>
        %xor3A_540 = arith.xori %or3A_539, %add3A_532 : vector<16xi32>
        %add3A_541 = arith.addi %add3A_532, %xor3A_540 : vector<16xi32>
        %shift_left3A_542 = arith.constant 26 : i32
        %shift_left3A_543 = vector.broadcast %shift_left3A_542 : i32 to vector<16xi32>
        %shift_left3A_544 = arith.shli %xor3A_540, %shift_left3A_543 : vector<16xi32>
        %shift_right_logical3A_545 = arith.constant 6 : i32
        %shift_right_logical3A_546 = vector.broadcast %shift_right_logical3A_545 : i32 to vector<16xi32>
        %shift_right_logical3A_547 = arith.shrui %xor3A_540, %shift_right_logical3A_546 : vector<16xi32>
        %or3A_548 = arith.ori %shift_left3A_544, %shift_right_logical3A_547 : vector<16xi32>
        %xor3A_549 = arith.xori %or3A_548, %add3A_541 : vector<16xi32>
        %add3A_550 = arith.addi %add3A_541, %xor3A_549 : vector<16xi32>
        %shift_left3A_551 = arith.constant 6 : i32
        %shift_left3A_552 = vector.broadcast %shift_left3A_551 : i32 to vector<16xi32>
        %shift_left3A_553 = arith.shli %xor3A_549, %shift_left3A_552 : vector<16xi32>
        %shift_right_logical3A_554 = arith.constant 26 : i32
        %shift_right_logical3A_555 = vector.broadcast %shift_right_logical3A_554 : i32 to vector<16xi32>
        %shift_right_logical3A_556 = arith.shrui %xor3A_549, %shift_right_logical3A_555 : vector<16xi32>
        %or3A_557 = arith.ori %shift_left3A_553, %shift_right_logical3A_556 : vector<16xi32>
        %xor3A_558 = arith.xori %or3A_557, %add3A_550 : vector<16xi32>
        %add3A_559 = arith.constant 466688987 : i32
        %add3A_560 = vector.broadcast %add3A_559 : i32 to vector<16xi32>
        %add3A_561 = arith.addi %add3A_550, %add3A_560 : vector<16xi32>
        %add3A_562 = arith.constant 5 : i32
        %add3A_563 = vector.broadcast %add3A_562 : i32 to vector<16xi32>
        %add3A_564 = arith.addi %xor3A_558, %add3A_563 : vector<16xi32>
        %xor3A_565 = arith.xori %add3A_561, %add3A_564 : vector<16xi32>
        %shift_right_logical3A_566 = arith.constant 9 : i32
        %shift_right_logical3A_567 = vector.broadcast %shift_right_logical3A_566 : i32 to vector<16xi32>
        %shift_right_logical3A_568 = arith.shrui %xor3A_353, %shift_right_logical3A_567 : vector<16xi32>
        %shift_right_logical3A_569 = arith.constant 9 : i32
        %shift_right_logical3A_570 = vector.broadcast %shift_right_logical3A_569 : i32 to vector<16xi32>
        %shift_right_logical3A_571 = arith.shrui %xor3A_565, %shift_right_logical3A_570 : vector<16xi32>
        %gt3A = arith.cmpi sgt, %shift_right_logical3A_568, %scan3A_137 : vector<16xi32>
        %select_n3A_572 = arith.select %gt3A, %shift_right_logical3A_568, %scan3A_137 : vector<16xi1>, vector<16xi32>
        %select_n3A_573 = arith.select %gt3A, %add3A_142, %scan3A_138 : vector<16xi1>, vector<16xi32>
        %gt3A_574 = arith.cmpi sgt, %shift_right_logical3A_571, %select_n3A_572 : vector<16xi32>
        %select_n3A_575 = arith.select %gt3A_574, %shift_right_logical3A_571, %select_n3A_572 : vector<16xi1>, vector<16xi32>
        %select_n3A_576 = arith.select %gt3A_574, %add3A_145, %select_n3A_573 : vector<16xi1>, vector<16xi32>
        scf.yield %select_n3A_575, %select_n3A_576 : vector<16xi32>, vector<16xi32>
      }
      %scan3A_56 = arith.constant 3125 : i32
      %add3A_57 = arith.constant 8 : i32
      %add3A_58 = vector.broadcast %add3A_57 : i32 to vector<16xi32>
      %add3A_59 = arith.addi %iota3A, %add3A_58 : vector<16xi32>
      %and3A = arith.constant 15 : i32
      %and3A_60 = vector.broadcast %and3A : i32 to vector<16xi32>
      %and3A_61 = arith.andi %add3A_59, %and3A_60 : vector<16xi32>
      %reshape3A = vector.shape_cast %and3A_61 : vector<16xi32> to vector<16x1xi32>
      %gather3A = vector.shape_cast %reshape3A : vector<16x1xi32> to vector<16xi32>
      %gather3A_62 = tpu.dynamic_gather %scan3A_55#0[%gather3A] in [0] : vector<16xi32>, vector<16xi32> -> vector<16xi32>
      %max3A = arith.maxsi %scan3A_55#0, %gather3A_62 : vector<16xi32>
      %add3A_63 = arith.constant 4 : i32
      %add3A_64 = vector.broadcast %add3A_63 : i32 to vector<16xi32>
      %add3A_65 = arith.addi %iota3A, %add3A_64 : vector<16xi32>
      %and3A_66 = arith.constant 15 : i32
      %and3A_67 = vector.broadcast %and3A_66 : i32 to vector<16xi32>
      %and3A_68 = arith.andi %add3A_65, %and3A_67 : vector<16xi32>
      %reshape3A_69 = vector.shape_cast %and3A_68 : vector<16xi32> to vector<16x1xi32>
      %gather3A_70 = vector.shape_cast %reshape3A_69 : vector<16x1xi32> to vector<16xi32>
      %gather3A_71 = tpu.dynamic_gather %max3A[%gather3A_70] in [0] : vector<16xi32>, vector<16xi32> -> vector<16xi32>
      %max3A_72 = arith.maxsi %max3A, %gather3A_71 : vector<16xi32>
      %add3A_73 = arith.constant 2 : i32
      %add3A_74 = vector.broadcast %add3A_73 : i32 to vector<16xi32>
      %add3A_75 = arith.addi %iota3A, %add3A_74 : vector<16xi32>
      %and3A_76 = arith.constant 15 : i32
      %and3A_77 = vector.broadcast %and3A_76 : i32 to vector<16xi32>
      %and3A_78 = arith.andi %add3A_75, %and3A_77 : vector<16xi32>
      %reshape3A_79 = vector.shape_cast %and3A_78 : vector<16xi32> to vector<16x1xi32>
      %gather3A_80 = vector.shape_cast %reshape3A_79 : vector<16x1xi32> to vector<16xi32>
      %gather3A_81 = tpu.dynamic_gather %max3A_72[%gather3A_80] in [0] : vector<16xi32>, vector<16xi32> -> vector<16xi32>
      %max3A_82 = arith.maxsi %max3A_72, %gather3A_81 : vector<16xi32>
      %add3A_83 = arith.constant 1 : i32
      %add3A_84 = vector.broadcast %add3A_83 : i32 to vector<16xi32>
      %add3A_85 = arith.addi %iota3A, %add3A_84 : vector<16xi32>
      %and3A_86 = arith.constant 15 : i32
      %and3A_87 = vector.broadcast %and3A_86 : i32 to vector<16xi32>
      %and3A_88 = arith.andi %add3A_85, %and3A_87 : vector<16xi32>
      %reshape3A_89 = vector.shape_cast %and3A_88 : vector<16xi32> to vector<16x1xi32>
      %gather3A_90 = vector.shape_cast %reshape3A_89 : vector<16x1xi32> to vector<16xi32>
      %gather3A_91 = tpu.dynamic_gather %max3A_82[%gather3A_90] in [0] : vector<16xi32>, vector<16xi32> -> vector<16xi32>
      %max3A_92 = arith.maxsi %max3A_82, %gather3A_91 : vector<16xi32>
      %eq3A = arith.cmpi eq, %scan3A_55#0, %max3A_92 : vector<16xi32>
      %jit3A = arith.constant 1073741824 : i32
      %broadcast_in_dim3A_93 = vector.broadcast %jit3A : i32 to vector<16xi32>
      %select_n3A = arith.select %eq3A, %scan3A_55#1, %broadcast_in_dim3A_93 : vector<16xi1>, vector<16xi32>
      %add3A_94 = arith.constant 8 : i32
      %add3A_95 = vector.broadcast %add3A_94 : i32 to vector<16xi32>
      %add3A_96 = arith.addi %iota3A, %add3A_95 : vector<16xi32>
      %and3A_97 = arith.constant 15 : i32
      %and3A_98 = vector.broadcast %and3A_97 : i32 to vector<16xi32>
      %and3A_99 = arith.andi %add3A_96, %and3A_98 : vector<16xi32>
      %reshape3A_100 = vector.shape_cast %and3A_99 : vector<16xi32> to vector<16x1xi32>
      %gather3A_101 = vector.shape_cast %reshape3A_100 : vector<16x1xi32> to vector<16xi32>
      %gather3A_102 = tpu.dynamic_gather %select_n3A[%gather3A_101] in [0] : vector<16xi32>, vector<16xi32> -> vector<16xi32>
      %min3A = arith.minsi %select_n3A, %gather3A_102 : vector<16xi32>
      %add3A_103 = arith.constant 4 : i32
      %add3A_104 = vector.broadcast %add3A_103 : i32 to vector<16xi32>
      %add3A_105 = arith.addi %iota3A, %add3A_104 : vector<16xi32>
      %and3A_106 = arith.constant 15 : i32
      %and3A_107 = vector.broadcast %and3A_106 : i32 to vector<16xi32>
      %and3A_108 = arith.andi %add3A_105, %and3A_107 : vector<16xi32>
      %reshape3A_109 = vector.shape_cast %and3A_108 : vector<16xi32> to vector<16x1xi32>
      %gather3A_110 = vector.shape_cast %reshape3A_109 : vector<16x1xi32> to vector<16xi32>
      %gather3A_111 = tpu.dynamic_gather %min3A[%gather3A_110] in [0] : vector<16xi32>, vector<16xi32> -> vector<16xi32>
      %min3A_112 = arith.minsi %min3A, %gather3A_111 : vector<16xi32>
      %add3A_113 = arith.constant 2 : i32
      %add3A_114 = vector.broadcast %add3A_113 : i32 to vector<16xi32>
      %add3A_115 = arith.addi %iota3A, %add3A_114 : vector<16xi32>
      %and3A_116 = arith.constant 15 : i32
      %and3A_117 = vector.broadcast %and3A_116 : i32 to vector<16xi32>
      %and3A_118 = arith.andi %add3A_115, %and3A_117 : vector<16xi32>
      %reshape3A_119 = vector.shape_cast %and3A_118 : vector<16xi32> to vector<16x1xi32>
      %gather3A_120 = vector.shape_cast %reshape3A_119 : vector<16x1xi32> to vector<16xi32>
      %gather3A_121 = tpu.dynamic_gather %min3A_112[%gather3A_120] in [0] : vector<16xi32>, vector<16xi32> -> vector<16xi32>
      %min3A_122 = arith.minsi %min3A_112, %gather3A_121 : vector<16xi32>
      %add3A_123 = arith.constant 1 : i32
      %add3A_124 = vector.broadcast %add3A_123 : i32 to vector<16xi32>
      %add3A_125 = arith.addi %iota3A, %add3A_124 : vector<16xi32>
      %and3A_126 = arith.constant 15 : i32
      %and3A_127 = vector.broadcast %and3A_126 : i32 to vector<16xi32>
      %and3A_128 = arith.andi %add3A_125, %and3A_127 : vector<16xi32>
      %reshape3A_129 = vector.shape_cast %and3A_128 : vector<16xi32> to vector<16x1xi32>
      %gather3A_130 = vector.shape_cast %reshape3A_129 : vector<16x1xi32> to vector<16xi32>
      %gather3A_131 = tpu.dynamic_gather %min3A_122[%gather3A_130] in [0] : vector<16xi32>, vector<16xi32> -> vector<16xi32>
      %min3A_132 = arith.minsi %min3A_122, %gather3A_131 : vector<16xi32>
      %eq3A_133 = vector.broadcast %scan3A_36 : i32 to vector<16xi32>
      %eq3A_134 = arith.cmpi eq, %iota3A, %eq3A_133 : vector<16xi32>
      %select_n3A_135 = arith.select %eq3A_134, %min3A_132, %scan3A_37 : vector<16xi1>, vector<16xi32>
      scf.yield %select_n3A_135 : vector<16xi32>
    }
    %scan3A_17 = arith.constant 16 : i32
    %swap3A_18 = arith.constant 16 : index
    %swap3A_19 = tpu.vector_load %arg3[%swap3A_18] {strides = array<i32>} : memref<48xi32, #tpu.memory_space<vmem>>, vector<16xi32>,
    %swap3A_20 = vector.shape_cast %swap3A_19 : vector<16xi32> to vector<16xi32>
    %swap3A_21 = vector.shape_cast %scan3A_16 : vector<16xi32> to vector<16xi32>
    tpu.vector_store %arg3[%swap3A_18], %swap3A_21 {strides = array<i32>} : memref<48xi32, #tpu.memory_space<vmem>>, vector<16xi32>,
    %broadcast_in_dim3A_22 = arith.constant 0 : i32
    %broadcast_in_dim3A_23 = vector.broadcast %broadcast_in_dim3A_22 : i32 to vector<16xi32>
    %scan3A_24 = arith.constant 0 : i32
    %scan3A_25 = arith.constant 16 : i32
    %scan3A_26 = arith.addi %scan3A_24, %scan3A_25 : i32
    %scan3A_27 = arith.constant 1 : i32
    %scan3A_28 = scf.for %scan3A_36 = %scan3A_24 to %scan3A_26 step %scan3A_27 iter_args(%scan3A_37 = %broadcast_in_dim3A_23) -> (vector<16xi32>)  : i32 {
      %mul3A_38 = arith.constant 48 : i32
      %mul3A_39 = arith.muli %add3A, %mul3A_38 : i32
      %add3A_40 = arith.constant 3584 : i32
      %add3A_41 = arith.addi %add3A_40, %mul3A_39 : i32
      %add3A_42 = arith.constant 32 : i32
      %add3A_43 = arith.addi %add3A_41, %add3A_42 : i32
      %add3A_44 = arith.addi %add3A_43, %scan3A_36 : i32
      %mul3A_45 = arith.constant 100000 : i32
      %mul3A_46 = arith.muli %add3A_44, %mul3A_45 : i32
      %broadcast_in_dim3A_47 = arith.constant -2 : i32
      %broadcast_in_dim3A_48 = vector.broadcast %broadcast_in_dim3A_47 : i32 to vector<16xi32>
      %broadcast_in_dim3A_49 = arith.constant 0 : i32
      %broadcast_in_dim3A_50 = vector.broadcast %broadcast_in_dim3A_49 : i32 to vector<16xi32>
      %scan3A_51 = arith.constant 0 : i32
      %scan3A_52 = arith.constant 3125 : i32
      %scan3A_53 = arith.addi %scan3A_51, %scan3A_52 : i32
      %scan3A_54 = arith.constant 1 : i32
      %scan3A_55:2 = scf.for %scan3A_136 = %scan3A_51 to %scan3A_53 step %scan3A_54 iter_args(%scan3A_137 = %broadcast_in_dim3A_48, %scan3A_138 = %broadcast_in_dim3A_50) -> (vector<16xi32>, vector<16xi32>)  : i32 {
        %mul3A_139 = arith.constant 32 : i32
        %mul3A_140 = arith.muli %scan3A_136, %mul3A_139 : i32
        %add3A_141 = vector.broadcast %mul3A_140 : i32 to vector<16xi32>
        %add3A_142 = arith.addi %add3A_141, %iota3A : vector<16xi32>
        %add3A_143 = arith.constant 16 : i32
        %add3A_144 = vector.broadcast %add3A_143 : i32 to vector<16xi32>
        %add3A_145 = arith.addi %add3A_142, %add3A_144 : vector<16xi32>
        %add3A_146 = vector.broadcast %mul3A_46 : i32 to vector<16xi32>
        %add3A_147 = arith.addi %add3A_146, %add3A_142 : vector<16xi32>
        %add3A_148 = arith.constant 1 : i32
        %add3A_149 = vector.broadcast %add3A_148 : i32 to vector<16xi32>
        %add3A_150 = arith.addi %add3A_147, %add3A_149 : vector<16xi32>
        %shift_left3A = arith.constant 13 : i32
        %shift_left3A_151 = vector.broadcast %shift_left3A : i32 to vector<16xi32>
        %shift_left3A_152 = arith.shli %add3A_150, %shift_left3A_151 : vector<16xi32>
        %shift_right_logical3A = arith.constant 19 : i32
        %shift_right_logical3A_153 = vector.broadcast %shift_right_logical3A : i32 to vector<16xi32>
        %shift_right_logical3A_154 = arith.shrui %add3A_150, %shift_right_logical3A_153 : vector<16xi32>
        %or3A = arith.ori %shift_left3A_152, %shift_right_logical3A_154 : vector<16xi32>
        %xor3A = arith.xori %or3A, %add3A_150 : vector<16xi32>
        %add3A_155 = arith.addi %add3A_150, %xor3A : vector<16xi32>
        %shift_left3A_156 = arith.constant 15 : i32
        %shift_left3A_157 = vector.broadcast %shift_left3A_156 : i32 to vector<16xi32>
        %shift_left3A_158 = arith.shli %xor3A, %shift_left3A_157 : vector<16xi32>
        %shift_right_logical3A_159 = arith.constant 17 : i32
        %shift_right_logical3A_160 = vector.broadcast %shift_right_logical3A_159 : i32 to vector<16xi32>
        %shift_right_logical3A_161 = arith.shrui %xor3A, %shift_right_logical3A_160 : vector<16xi32>
        %or3A_162 = arith.ori %shift_left3A_158, %shift_right_logical3A_161 : vector<16xi32>
        %xor3A_163 = arith.xori %or3A_162, %add3A_155 : vector<16xi32>
        %add3A_164 = arith.addi %add3A_155, %xor3A_163 : vector<16xi32>
        %shift_left3A_165 = arith.constant 26 : i32
        %shift_left3A_166 = vector.broadcast %shift_left3A_165 : i32 to vector<16xi32>
        %shift_left3A_167 = arith.shli %xor3A_163, %shift_left3A_166 : vector<16xi32>
        %shift_right_logical3A_168 = arith.constant 6 : i32
        %shift_right_logical3A_169 = vector.broadcast %shift_right_logical3A_168 : i32 to vector<16xi32>
        %shift_right_logical3A_170 = arith.shrui %xor3A_163, %shift_right_logical3A_169 : vector<16xi32>
        %or3A_171 = arith.ori %shift_left3A_167, %shift_right_logical3A_170 : vector<16xi32>
        %xor3A_172 = arith.xori %or3A_171, %add3A_164 : vector<16xi32>
        %add3A_173 = arith.addi %add3A_164, %xor3A_172 : vector<16xi32>
        %shift_left3A_174 = arith.constant 6 : i32
        %shift_left3A_175 = vector.broadcast %shift_left3A_174 : i32 to vector<16xi32>
        %shift_left3A_176 = arith.shli %xor3A_172, %shift_left3A_175 : vector<16xi32>
        %shift_right_logical3A_177 = arith.constant 26 : i32
        %shift_right_logical3A_178 = vector.broadcast %shift_right_logical3A_177 : i32 to vector<16xi32>
        %shift_right_logical3A_179 = arith.shrui %xor3A_172, %shift_right_logical3A_178 : vector<16xi32>
        %or3A_180 = arith.ori %shift_left3A_176, %shift_right_logical3A_179 : vector<16xi32>
        %xor3A_181 = arith.xori %or3A_180, %add3A_173 : vector<16xi32>
        %add3A_182 = arith.constant 1 : i32
        %add3A_183 = vector.broadcast %add3A_182 : i32 to vector<16xi32>
        %add3A_184 = arith.addi %add3A_173, %add3A_183 : vector<16xi32>
        %add3A_185 = arith.constant 466688988 : i32
        %add3A_186 = vector.broadcast %add3A_185 : i32 to vector<16xi32>
        %add3A_187 = arith.addi %xor3A_181, %add3A_186 : vector<16xi32>
        %add3A_188 = arith.addi %add3A_184, %add3A_187 : vector<16xi32>
        %shift_left3A_189 = arith.constant 17 : i32
        %shift_left3A_190 = vector.broadcast %shift_left3A_189 : i32 to vector<16xi32>
        %shift_left3A_191 = arith.shli %add3A_187, %shift_left3A_190 : vector<16xi32>
        %shift_right_logical3A_192 = arith.constant 15 : i32
        %shift_right_logical3A_193 = vector.broadcast %shift_right_logical3A_192 : i32 to vector<16xi32>
        %shift_right_logical3A_194 = arith.shrui %add3A_187, %shift_right_logical3A_193 : vector<16xi32>
        %or3A_195 = arith.ori %shift_left3A_191, %shift_right_logical3A_194 : vector<16xi32>
        %xor3A_196 = arith.xori %or3A_195, %add3A_188 : vector<16xi32>
        %add3A_197 = arith.addi %add3A_188, %xor3A_196 : vector<16xi32>
        %shift_left3A_198 = arith.constant 29 : i32
        %shift_left3A_199 = vector.broadcast %shift_left3A_198 : i32 to vector<16xi32>
        %shift_left3A_200 = arith.shli %xor3A_196, %shift_left3A_199 : vector<16xi32>
        %shift_right_logical3A_201 = arith.constant 3 : i32
        %shift_right_logical3A_202 = vector.broadcast %shift_right_logical3A_201 : i32 to vector<16xi32>
        %shift_right_logical3A_203 = arith.shrui %xor3A_196, %shift_right_logical3A_202 : vector<16xi32>
        %or3A_204 = arith.ori %shift_left3A_200, %shift_right_logical3A_203 : vector<16xi32>
        %xor3A_205 = arith.xori %or3A_204, %add3A_197 : vector<16xi32>
        %add3A_206 = arith.addi %add3A_197, %xor3A_205 : vector<16xi32>
        %shift_left3A_207 = arith.constant 16 : i32
        %shift_left3A_208 = vector.broadcast %shift_left3A_207 : i32 to vector<16xi32>
        %shift_left3A_209 = arith.shli %xor3A_205, %shift_left3A_208 : vector<16xi32>
        %shift_right_logical3A_210 = arith.constant 16 : i32
        %shift_right_logical3A_211 = vector.broadcast %shift_right_logical3A_210 : i32 to vector<16xi32>
        %shift_right_logical3A_212 = arith.shrui %xor3A_205, %shift_right_logical3A_211 : vector<16xi32>
        %or3A_213 = arith.ori %shift_left3A_209, %shift_right_logical3A_212 : vector<16xi32>
        %xor3A_214 = arith.xori %or3A_213, %add3A_206 : vector<16xi32>
        %add3A_215 = arith.addi %add3A_206, %xor3A_214 : vector<16xi32>
        %shift_left3A_216 = arith.constant 24 : i32
        %shift_left3A_217 = vector.broadcast %shift_left3A_216 : i32 to vector<16xi32>
        %shift_left3A_218 = arith.shli %xor3A_214, %shift_left3A_217 : vector<16xi32>
        %shift_right_logical3A_219 = arith.constant 8 : i32
        %shift_right_logical3A_220 = vector.broadcast %shift_right_logical3A_219 : i32 to vector<16xi32>
        %shift_right_logical3A_221 = arith.shrui %xor3A_214, %shift_right_logical3A_220 : vector<16xi32>
        %or3A_222 = arith.ori %shift_left3A_218, %shift_right_logical3A_221 : vector<16xi32>
        %xor3A_223 = arith.xori %or3A_222, %add3A_215 : vector<16xi32>
        %add3A_224 = arith.constant 466688987 : i32
        %add3A_225 = vector.broadcast %add3A_224 : i32 to vector<16xi32>
        %add3A_226 = arith.addi %add3A_215, %add3A_225 : vector<16xi32>
        %add3A_227 = arith.constant 2 : i32
        %add3A_228 = vector.broadcast %add3A_227 : i32 to vector<16xi32>
        %add3A_229 = arith.addi %xor3A_223, %add3A_228 : vector<16xi32>
        %add3A_230 = arith.addi %add3A_226, %add3A_229 : vector<16xi32>
        %shift_left3A_231 = arith.constant 13 : i32
        %shift_left3A_232 = vector.broadcast %shift_left3A_231 : i32 to vector<16xi32>
        %shift_left3A_233 = arith.shli %add3A_229, %shift_left3A_232 : vector<16xi32>
        %shift_right_logical3A_234 = arith.constant 19 : i32
        %shift_right_logical3A_235 = vector.broadcast %shift_right_logical3A_234 : i32 to vector<16xi32>
        %shift_right_logical3A_236 = arith.shrui %add3A_229, %shift_right_logical3A_235 : vector<16xi32>
        %or3A_237 = arith.ori %shift_left3A_233, %shift_right_logical3A_236 : vector<16xi32>
        %xor3A_238 = arith.xori %or3A_237, %add3A_230 : vector<16xi32>
        %add3A_239 = arith.addi %add3A_230, %xor3A_238 : vector<16xi32>
        %shift_left3A_240 = arith.constant 15 : i32
        %shift_left3A_241 = vector.broadcast %shift_left3A_240 : i32 to vector<16xi32>
        %shift_left3A_242 = arith.shli %xor3A_238, %shift_left3A_241 : vector<16xi32>
        %shift_right_logical3A_243 = arith.constant 17 : i32
        %shift_right_logical3A_244 = vector.broadcast %shift_right_logical3A_243 : i32 to vector<16xi32>
        %shift_right_logical3A_245 = arith.shrui %xor3A_238, %shift_right_logical3A_244 : vector<16xi32>
        %or3A_246 = arith.ori %shift_left3A_242, %shift_right_logical3A_245 : vector<16xi32>
        %xor3A_247 = arith.xori %or3A_246, %add3A_239 : vector<16xi32>
        %add3A_248 = arith.addi %add3A_239, %xor3A_247 : vector<16xi32>
        %shift_left3A_249 = arith.constant 26 : i32
        %shift_left3A_250 = vector.broadcast %shift_left3A_249 : i32 to vector<16xi32>
        %shift_left3A_251 = arith.shli %xor3A_247, %shift_left3A_250 : vector<16xi32>
        %shift_right_logical3A_252 = arith.constant 6 : i32
        %shift_right_logical3A_253 = vector.broadcast %shift_right_logical3A_252 : i32 to vector<16xi32>
        %shift_right_logical3A_254 = arith.shrui %xor3A_247, %shift_right_logical3A_253 : vector<16xi32>
        %or3A_255 = arith.ori %shift_left3A_251, %shift_right_logical3A_254 : vector<16xi32>
        %xor3A_256 = arith.xori %or3A_255, %add3A_248 : vector<16xi32>
        %add3A_257 = arith.addi %add3A_248, %xor3A_256 : vector<16xi32>
        %shift_left3A_258 = arith.constant 6 : i32
        %shift_left3A_259 = vector.broadcast %shift_left3A_258 : i32 to vector<16xi32>
        %shift_left3A_260 = arith.shli %xor3A_256, %shift_left3A_259 : vector<16xi32>
        %shift_right_logical3A_261 = arith.constant 26 : i32
        %shift_right_logical3A_262 = vector.broadcast %shift_right_logical3A_261 : i32 to vector<16xi32>
        %shift_right_logical3A_263 = arith.shrui %xor3A_256, %shift_right_logical3A_262 : vector<16xi32>
        %or3A_264 = arith.ori %shift_left3A_260, %shift_right_logical3A_263 : vector<16xi32>
        %xor3A_265 = arith.xori %or3A_264, %add3A_257 : vector<16xi32>
        %add3A_266 = arith.constant 4 : i32
        %add3A_267 = vector.broadcast %add3A_266 : i32 to vector<16xi32>
        %add3A_268 = arith.addi %xor3A_265, %add3A_267 : vector<16xi32>
        %add3A_269 = arith.addi %add3A_257, %add3A_268 : vector<16xi32>
        %shift_left3A_270 = arith.constant 17 : i32
        %shift_left3A_271 = vector.broadcast %shift_left3A_270 : i32 to vector<16xi32>
        %shift_left3A_272 = arith.shli %add3A_268, %shift_left3A_271 : vector<16xi32>
        %shift_right_logical3A_273 = arith.constant 15 : i32
        %shift_right_logical3A_274 = vector.broadcast %shift_right_logical3A_273 : i32 to vector<16xi32>
        %shift_right_logical3A_275 = arith.shrui %add3A_268, %shift_right_logical3A_274 : vector<16xi32>
        %or3A_276 = arith.ori %shift_left3A_272, %shift_right_logical3A_275 : vector<16xi32>
        %xor3A_277 = arith.xori %or3A_276, %add3A_269 : vector<16xi32>
        %add3A_278 = arith.addi %add3A_269, %xor3A_277 : vector<16xi32>
        %shift_left3A_279 = arith.constant 29 : i32
        %shift_left3A_280 = vector.broadcast %shift_left3A_279 : i32 to vector<16xi32>
        %shift_left3A_281 = arith.shli %xor3A_277, %shift_left3A_280 : vector<16xi32>
        %shift_right_logical3A_282 = arith.constant 3 : i32
        %shift_right_logical3A_283 = vector.broadcast %shift_right_logical3A_282 : i32 to vector<16xi32>
        %shift_right_logical3A_284 = arith.shrui %xor3A_277, %shift_right_logical3A_283 : vector<16xi32>
        %or3A_285 = arith.ori %shift_left3A_281, %shift_right_logical3A_284 : vector<16xi32>
        %xor3A_286 = arith.xori %or3A_285, %add3A_278 : vector<16xi32>
        %add3A_287 = arith.addi %add3A_278, %xor3A_286 : vector<16xi32>
        %shift_left3A_288 = arith.constant 16 : i32
        %shift_left3A_289 = vector.broadcast %shift_left3A_288 : i32 to vector<16xi32>
        %shift_left3A_290 = arith.shli %xor3A_286, %shift_left3A_289 : vector<16xi32>
        %shift_right_logical3A_291 = arith.constant 16 : i32
        %shift_right_logical3A_292 = vector.broadcast %shift_right_logical3A_291 : i32 to vector<16xi32>
        %shift_right_logical3A_293 = arith.shrui %xor3A_286, %shift_right_logical3A_292 : vector<16xi32>
        %or3A_294 = arith.ori %shift_left3A_290, %shift_right_logical3A_293 : vector<16xi32>
        %xor3A_295 = arith.xori %or3A_294, %add3A_287 : vector<16xi32>
        %add3A_296 = arith.addi %add3A_287, %xor3A_295 : vector<16xi32>
        %shift_left3A_297 = arith.constant 24 : i32
        %shift_left3A_298 = vector.broadcast %shift_left3A_297 : i32 to vector<16xi32>
        %shift_left3A_299 = arith.shli %xor3A_295, %shift_left3A_298 : vector<16xi32>
        %shift_right_logical3A_300 = arith.constant 8 : i32
        %shift_right_logical3A_301 = vector.broadcast %shift_right_logical3A_300 : i32 to vector<16xi32>
        %shift_right_logical3A_302 = arith.shrui %xor3A_295, %shift_right_logical3A_301 : vector<16xi32>
        %or3A_303 = arith.ori %shift_left3A_299, %shift_right_logical3A_302 : vector<16xi32>
        %xor3A_304 = arith.xori %or3A_303, %add3A_296 : vector<16xi32>
        %add3A_305 = arith.constant 1 : i32
        %add3A_306 = vector.broadcast %add3A_305 : i32 to vector<16xi32>
        %add3A_307 = arith.addi %add3A_296, %add3A_306 : vector<16xi32>
        %add3A_308 = arith.constant 466688991 : i32
        %add3A_309 = vector.broadcast %add3A_308 : i32 to vector<16xi32>
        %add3A_310 = arith.addi %xor3A_304, %add3A_309 : vector<16xi32>
        %add3A_311 = arith.addi %add3A_307, %add3A_310 : vector<16xi32>
        %shift_left3A_312 = arith.constant 13 : i32
        %shift_left3A_313 = vector.broadcast %shift_left3A_312 : i32 to vector<16xi32>
        %shift_left3A_314 = arith.shli %add3A_310, %shift_left3A_313 : vector<16xi32>
        %shift_right_logical3A_315 = arith.constant 19 : i32
        %shift_right_logical3A_316 = vector.broadcast %shift_right_logical3A_315 : i32 to vector<16xi32>
        %shift_right_logical3A_317 = arith.shrui %add3A_310, %shift_right_logical3A_316 : vector<16xi32>
        %or3A_318 = arith.ori %shift_left3A_314, %shift_right_logical3A_317 : vector<16xi32>
        %xor3A_319 = arith.xori %or3A_318, %add3A_311 : vector<16xi32>
        %add3A_320 = arith.addi %add3A_311, %xor3A_319 : vector<16xi32>
        %shift_left3A_321 = arith.constant 15 : i32
        %shift_left3A_322 = vector.broadcast %shift_left3A_321 : i32 to vector<16xi32>
        %shift_left3A_323 = arith.shli %xor3A_319, %shift_left3A_322 : vector<16xi32>
        %shift_right_logical3A_324 = arith.constant 17 : i32
        %shift_right_logical3A_325 = vector.broadcast %shift_right_logical3A_324 : i32 to vector<16xi32>
        %shift_right_logical3A_326 = arith.shrui %xor3A_319, %shift_right_logical3A_325 : vector<16xi32>
        %or3A_327 = arith.ori %shift_left3A_323, %shift_right_logical3A_326 : vector<16xi32>
        %xor3A_328 = arith.xori %or3A_327, %add3A_320 : vector<16xi32>
        %add3A_329 = arith.addi %add3A_320, %xor3A_328 : vector<16xi32>
        %shift_left3A_330 = arith.constant 26 : i32
        %shift_left3A_331 = vector.broadcast %shift_left3A_330 : i32 to vector<16xi32>
        %shift_left3A_332 = arith.shli %xor3A_328, %shift_left3A_331 : vector<16xi32>
        %shift_right_logical3A_333 = arith.constant 6 : i32
        %shift_right_logical3A_334 = vector.broadcast %shift_right_logical3A_333 : i32 to vector<16xi32>
        %shift_right_logical3A_335 = arith.shrui %xor3A_328, %shift_right_logical3A_334 : vector<16xi32>
        %or3A_336 = arith.ori %shift_left3A_332, %shift_right_logical3A_335 : vector<16xi32>
        %xor3A_337 = arith.xori %or3A_336, %add3A_329 : vector<16xi32>
        %add3A_338 = arith.addi %add3A_329, %xor3A_337 : vector<16xi32>
        %shift_left3A_339 = arith.constant 6 : i32
        %shift_left3A_340 = vector.broadcast %shift_left3A_339 : i32 to vector<16xi32>
        %shift_left3A_341 = arith.shli %xor3A_337, %shift_left3A_340 : vector<16xi32>
        %shift_right_logical3A_342 = arith.constant 26 : i32
        %shift_right_logical3A_343 = vector.broadcast %shift_right_logical3A_342 : i32 to vector<16xi32>
        %shift_right_logical3A_344 = arith.shrui %xor3A_337, %shift_right_logical3A_343 : vector<16xi32>
        %or3A_345 = arith.ori %shift_left3A_341, %shift_right_logical3A_344 : vector<16xi32>
        %xor3A_346 = arith.xori %or3A_345, %add3A_338 : vector<16xi32>
        %add3A_347 = arith.constant 466688987 : i32
        %add3A_348 = vector.broadcast %add3A_347 : i32 to vector<16xi32>
        %add3A_349 = arith.addi %add3A_338, %add3A_348 : vector<16xi32>
        %add3A_350 = arith.constant 5 : i32
        %add3A_351 = vector.broadcast %add3A_350 : i32 to vector<16xi32>
        %add3A_352 = arith.addi %xor3A_346, %add3A_351 : vector<16xi32>
        %xor3A_353 = arith.xori %add3A_349, %add3A_352 : vector<16xi32>
        %add3A_354 = vector.broadcast %mul3A_46 : i32 to vector<16xi32>
        %add3A_355 = arith.addi %add3A_354, %add3A_145 : vector<16xi32>
        %add3A_356 = arith.constant 1 : i32
        %add3A_357 = vector.broadcast %add3A_356 : i32 to vector<16xi32>
        %add3A_358 = arith.addi %add3A_355, %add3A_357 : vector<16xi32>
        %shift_left3A_359 = arith.constant 13 : i32
        %shift_left3A_360 = vector.broadcast %shift_left3A_359 : i32 to vector<16xi32>
        %shift_left3A_361 = arith.shli %add3A_358, %shift_left3A_360 : vector<16xi32>
        %shift_right_logical3A_362 = arith.constant 19 : i32
        %shift_right_logical3A_363 = vector.broadcast %shift_right_logical3A_362 : i32 to vector<16xi32>
        %shift_right_logical3A_364 = arith.shrui %add3A_358, %shift_right_logical3A_363 : vector<16xi32>
        %or3A_365 = arith.ori %shift_left3A_361, %shift_right_logical3A_364 : vector<16xi32>
        %xor3A_366 = arith.xori %or3A_365, %add3A_358 : vector<16xi32>
        %add3A_367 = arith.addi %add3A_358, %xor3A_366 : vector<16xi32>
        %shift_left3A_368 = arith.constant 15 : i32
        %shift_left3A_369 = vector.broadcast %shift_left3A_368 : i32 to vector<16xi32>
        %shift_left3A_370 = arith.shli %xor3A_366, %shift_left3A_369 : vector<16xi32>
        %shift_right_logical3A_371 = arith.constant 17 : i32
        %shift_right_logical3A_372 = vector.broadcast %shift_right_logical3A_371 : i32 to vector<16xi32>
        %shift_right_logical3A_373 = arith.shrui %xor3A_366, %shift_right_logical3A_372 : vector<16xi32>
        %or3A_374 = arith.ori %shift_left3A_370, %shift_right_logical3A_373 : vector<16xi32>
        %xor3A_375 = arith.xori %or3A_374, %add3A_367 : vector<16xi32>
        %add3A_376 = arith.addi %add3A_367, %xor3A_375 : vector<16xi32>
        %shift_left3A_377 = arith.constant 26 : i32
        %shift_left3A_378 = vector.broadcast %shift_left3A_377 : i32 to vector<16xi32>
        %shift_left3A_379 = arith.shli %xor3A_375, %shift_left3A_378 : vector<16xi32>
        %shift_right_logical3A_380 = arith.constant 6 : i32
        %shift_right_logical3A_381 = vector.broadcast %shift_right_logical3A_380 : i32 to vector<16xi32>
        %shift_right_logical3A_382 = arith.shrui %xor3A_375, %shift_right_logical3A_381 : vector<16xi32>
        %or3A_383 = arith.ori %shift_left3A_379, %shift_right_logical3A_382 : vector<16xi32>
        %xor3A_384 = arith.xori %or3A_383, %add3A_376 : vector<16xi32>
        %add3A_385 = arith.addi %add3A_376, %xor3A_384 : vector<16xi32>
        %shift_left3A_386 = arith.constant 6 : i32
        %shift_left3A_387 = vector.broadcast %shift_left3A_386 : i32 to vector<16xi32>
        %shift_left3A_388 = arith.shli %xor3A_384, %shift_left3A_387 : vector<16xi32>
        %shift_right_logical3A_389 = arith.constant 26 : i32
        %shift_right_logical3A_390 = vector.broadcast %shift_right_logical3A_389 : i32 to vector<16xi32>
        %shift_right_logical3A_391 = arith.shrui %xor3A_384, %shift_right_logical3A_390 : vector<16xi32>
        %or3A_392 = arith.ori %shift_left3A_388, %shift_right_logical3A_391 : vector<16xi32>
        %xor3A_393 = arith.xori %or3A_392, %add3A_385 : vector<16xi32>
        %add3A_394 = arith.constant 1 : i32
        %add3A_395 = vector.broadcast %add3A_394 : i32 to vector<16xi32>
        %add3A_396 = arith.addi %add3A_385, %add3A_395 : vector<16xi32>
        %add3A_397 = arith.constant 466688988 : i32
        %add3A_398 = vector.broadcast %add3A_397 : i32 to vector<16xi32>
        %add3A_399 = arith.addi %xor3A_393, %add3A_398 : vector<16xi32>
        %add3A_400 = arith.addi %add3A_396, %add3A_399 : vector<16xi32>
        %shift_left3A_401 = arith.constant 17 : i32
        %shift_left3A_402 = vector.broadcast %shift_left3A_401 : i32 to vector<16xi32>
        %shift_left3A_403 = arith.shli %add3A_399, %shift_left3A_402 : vector<16xi32>
        %shift_right_logical3A_404 = arith.constant 15 : i32
        %shift_right_logical3A_405 = vector.broadcast %shift_right_logical3A_404 : i32 to vector<16xi32>
        %shift_right_logical3A_406 = arith.shrui %add3A_399, %shift_right_logical3A_405 : vector<16xi32>
        %or3A_407 = arith.ori %shift_left3A_403, %shift_right_logical3A_406 : vector<16xi32>
        %xor3A_408 = arith.xori %or3A_407, %add3A_400 : vector<16xi32>
        %add3A_409 = arith.addi %add3A_400, %xor3A_408 : vector<16xi32>
        %shift_left3A_410 = arith.constant 29 : i32
        %shift_left3A_411 = vector.broadcast %shift_left3A_410 : i32 to vector<16xi32>
        %shift_left3A_412 = arith.shli %xor3A_408, %shift_left3A_411 : vector<16xi32>
        %shift_right_logical3A_413 = arith.constant 3 : i32
        %shift_right_logical3A_414 = vector.broadcast %shift_right_logical3A_413 : i32 to vector<16xi32>
        %shift_right_logical3A_415 = arith.shrui %xor3A_408, %shift_right_logical3A_414 : vector<16xi32>
        %or3A_416 = arith.ori %shift_left3A_412, %shift_right_logical3A_415 : vector<16xi32>
        %xor3A_417 = arith.xori %or3A_416, %add3A_409 : vector<16xi32>
        %add3A_418 = arith.addi %add3A_409, %xor3A_417 : vector<16xi32>
        %shift_left3A_419 = arith.constant 16 : i32
        %shift_left3A_420 = vector.broadcast %shift_left3A_419 : i32 to vector<16xi32>
        %shift_left3A_421 = arith.shli %xor3A_417, %shift_left3A_420 : vector<16xi32>
        %shift_right_logical3A_422 = arith.constant 16 : i32
        %shift_right_logical3A_423 = vector.broadcast %shift_right_logical3A_422 : i32 to vector<16xi32>
        %shift_right_logical3A_424 = arith.shrui %xor3A_417, %shift_right_logical3A_423 : vector<16xi32>
        %or3A_425 = arith.ori %shift_left3A_421, %shift_right_logical3A_424 : vector<16xi32>
        %xor3A_426 = arith.xori %or3A_425, %add3A_418 : vector<16xi32>
        %add3A_427 = arith.addi %add3A_418, %xor3A_426 : vector<16xi32>
        %shift_left3A_428 = arith.constant 24 : i32
        %shift_left3A_429 = vector.broadcast %shift_left3A_428 : i32 to vector<16xi32>
        %shift_left3A_430 = arith.shli %xor3A_426, %shift_left3A_429 : vector<16xi32>
        %shift_right_logical3A_431 = arith.constant 8 : i32
        %shift_right_logical3A_432 = vector.broadcast %shift_right_logical3A_431 : i32 to vector<16xi32>
        %shift_right_logical3A_433 = arith.shrui %xor3A_426, %shift_right_logical3A_432 : vector<16xi32>
        %or3A_434 = arith.ori %shift_left3A_430, %shift_right_logical3A_433 : vector<16xi32>
        %xor3A_435 = arith.xori %or3A_434, %add3A_427 : vector<16xi32>
        %add3A_436 = arith.constant 466688987 : i32
        %add3A_437 = vector.broadcast %add3A_436 : i32 to vector<16xi32>
        %add3A_438 = arith.addi %add3A_427, %add3A_437 : vector<16xi32>
        %add3A_439 = arith.constant 2 : i32
        %add3A_440 = vector.broadcast %add3A_439 : i32 to vector<16xi32>
        %add3A_441 = arith.addi %xor3A_435, %add3A_440 : vector<16xi32>
        %add3A_442 = arith.addi %add3A_438, %add3A_441 : vector<16xi32>
        %shift_left3A_443 = arith.constant 13 : i32
        %shift_left3A_444 = vector.broadcast %shift_left3A_443 : i32 to vector<16xi32>
        %shift_left3A_445 = arith.shli %add3A_441, %shift_left3A_444 : vector<16xi32>
        %shift_right_logical3A_446 = arith.constant 19 : i32
        %shift_right_logical3A_447 = vector.broadcast %shift_right_logical3A_446 : i32 to vector<16xi32>
        %shift_right_logical3A_448 = arith.shrui %add3A_441, %shift_right_logical3A_447 : vector<16xi32>
        %or3A_449 = arith.ori %shift_left3A_445, %shift_right_logical3A_448 : vector<16xi32>
        %xor3A_450 = arith.xori %or3A_449, %add3A_442 : vector<16xi32>
        %add3A_451 = arith.addi %add3A_442, %xor3A_450 : vector<16xi32>
        %shift_left3A_452 = arith.constant 15 : i32
        %shift_left3A_453 = vector.broadcast %shift_left3A_452 : i32 to vector<16xi32>
        %shift_left3A_454 = arith.shli %xor3A_450, %shift_left3A_453 : vector<16xi32>
        %shift_right_logical3A_455 = arith.constant 17 : i32
        %shift_right_logical3A_456 = vector.broadcast %shift_right_logical3A_455 : i32 to vector<16xi32>
        %shift_right_logical3A_457 = arith.shrui %xor3A_450, %shift_right_logical3A_456 : vector<16xi32>
        %or3A_458 = arith.ori %shift_left3A_454, %shift_right_logical3A_457 : vector<16xi32>
        %xor3A_459 = arith.xori %or3A_458, %add3A_451 : vector<16xi32>
        %add3A_460 = arith.addi %add3A_451, %xor3A_459 : vector<16xi32>
        %shift_left3A_461 = arith.constant 26 : i32
        %shift_left3A_462 = vector.broadcast %shift_left3A_461 : i32 to vector<16xi32>
        %shift_left3A_463 = arith.shli %xor3A_459, %shift_left3A_462 : vector<16xi32>
        %shift_right_logical3A_464 = arith.constant 6 : i32
        %shift_right_logical3A_465 = vector.broadcast %shift_right_logical3A_464 : i32 to vector<16xi32>
        %shift_right_logical3A_466 = arith.shrui %xor3A_459, %shift_right_logical3A_465 : vector<16xi32>
        %or3A_467 = arith.ori %shift_left3A_463, %shift_right_logical3A_466 : vector<16xi32>
        %xor3A_468 = arith.xori %or3A_467, %add3A_460 : vector<16xi32>
        %add3A_469 = arith.addi %add3A_460, %xor3A_468 : vector<16xi32>
        %shift_left3A_470 = arith.constant 6 : i32
        %shift_left3A_471 = vector.broadcast %shift_left3A_470 : i32 to vector<16xi32>
        %shift_left3A_472 = arith.shli %xor3A_468, %shift_left3A_471 : vector<16xi32>
        %shift_right_logical3A_473 = arith.constant 26 : i32
        %shift_right_logical3A_474 = vector.broadcast %shift_right_logical3A_473 : i32 to vector<16xi32>
        %shift_right_logical3A_475 = arith.shrui %xor3A_468, %shift_right_logical3A_474 : vector<16xi32>
        %or3A_476 = arith.ori %shift_left3A_472, %shift_right_logical3A_475 : vector<16xi32>
        %xor3A_477 = arith.xori %or3A_476, %add3A_469 : vector<16xi32>
        %add3A_478 = arith.constant 4 : i32
        %add3A_479 = vector.broadcast %add3A_478 : i32 to vector<16xi32>
        %add3A_480 = arith.addi %xor3A_477, %add3A_479 : vector<16xi32>
        %add3A_481 = arith.addi %add3A_469, %add3A_480 : vector<16xi32>
        %shift_left3A_482 = arith.constant 17 : i32
        %shift_left3A_483 = vector.broadcast %shift_left3A_482 : i32 to vector<16xi32>
        %shift_left3A_484 = arith.shli %add3A_480, %shift_left3A_483 : vector<16xi32>
        %shift_right_logical3A_485 = arith.constant 15 : i32
        %shift_right_logical3A_486 = vector.broadcast %shift_right_logical3A_485 : i32 to vector<16xi32>
        %shift_right_logical3A_487 = arith.shrui %add3A_480, %shift_right_logical3A_486 : vector<16xi32>
        %or3A_488 = arith.ori %shift_left3A_484, %shift_right_logical3A_487 : vector<16xi32>
        %xor3A_489 = arith.xori %or3A_488, %add3A_481 : vector<16xi32>
        %add3A_490 = arith.addi %add3A_481, %xor3A_489 : vector<16xi32>
        %shift_left3A_491 = arith.constant 29 : i32
        %shift_left3A_492 = vector.broadcast %shift_left3A_491 : i32 to vector<16xi32>
        %shift_left3A_493 = arith.shli %xor3A_489, %shift_left3A_492 : vector<16xi32>
        %shift_right_logical3A_494 = arith.constant 3 : i32
        %shift_right_logical3A_495 = vector.broadcast %shift_right_logical3A_494 : i32 to vector<16xi32>
        %shift_right_logical3A_496 = arith.shrui %xor3A_489, %shift_right_logical3A_495 : vector<16xi32>
        %or3A_497 = arith.ori %shift_left3A_493, %shift_right_logical3A_496 : vector<16xi32>
        %xor3A_498 = arith.xori %or3A_497, %add3A_490 : vector<16xi32>
        %add3A_499 = arith.addi %add3A_490, %xor3A_498 : vector<16xi32>
        %shift_left3A_500 = arith.constant 16 : i32
        %shift_left3A_501 = vector.broadcast %shift_left3A_500 : i32 to vector<16xi32>
        %shift_left3A_502 = arith.shli %xor3A_498, %shift_left3A_501 : vector<16xi32>
        %shift_right_logical3A_503 = arith.constant 16 : i32
        %shift_right_logical3A_504 = vector.broadcast %shift_right_logical3A_503 : i32 to vector<16xi32>
        %shift_right_logical3A_505 = arith.shrui %xor3A_498, %shift_right_logical3A_504 : vector<16xi32>
        %or3A_506 = arith.ori %shift_left3A_502, %shift_right_logical3A_505 : vector<16xi32>
        %xor3A_507 = arith.xori %or3A_506, %add3A_499 : vector<16xi32>
        %add3A_508 = arith.addi %add3A_499, %xor3A_507 : vector<16xi32>
        %shift_left3A_509 = arith.constant 24 : i32
        %shift_left3A_510 = vector.broadcast %shift_left3A_509 : i32 to vector<16xi32>
        %shift_left3A_511 = arith.shli %xor3A_507, %shift_left3A_510 : vector<16xi32>
        %shift_right_logical3A_512 = arith.constant 8 : i32
        %shift_right_logical3A_513 = vector.broadcast %shift_right_logical3A_512 : i32 to vector<16xi32>
        %shift_right_logical3A_514 = arith.shrui %xor3A_507, %shift_right_logical3A_513 : vector<16xi32>
        %or3A_515 = arith.ori %shift_left3A_511, %shift_right_logical3A_514 : vector<16xi32>
        %xor3A_516 = arith.xori %or3A_515, %add3A_508 : vector<16xi32>
        %add3A_517 = arith.constant 1 : i32
        %add3A_518 = vector.broadcast %add3A_517 : i32 to vector<16xi32>
        %add3A_519 = arith.addi %add3A_508, %add3A_518 : vector<16xi32>
        %add3A_520 = arith.constant 466688991 : i32
        %add3A_521 = vector.broadcast %add3A_520 : i32 to vector<16xi32>
        %add3A_522 = arith.addi %xor3A_516, %add3A_521 : vector<16xi32>
        %add3A_523 = arith.addi %add3A_519, %add3A_522 : vector<16xi32>
        %shift_left3A_524 = arith.constant 13 : i32
        %shift_left3A_525 = vector.broadcast %shift_left3A_524 : i32 to vector<16xi32>
        %shift_left3A_526 = arith.shli %add3A_522, %shift_left3A_525 : vector<16xi32>
        %shift_right_logical3A_527 = arith.constant 19 : i32
        %shift_right_logical3A_528 = vector.broadcast %shift_right_logical3A_527 : i32 to vector<16xi32>
        %shift_right_logical3A_529 = arith.shrui %add3A_522, %shift_right_logical3A_528 : vector<16xi32>
        %or3A_530 = arith.ori %shift_left3A_526, %shift_right_logical3A_529 : vector<16xi32>
        %xor3A_531 = arith.xori %or3A_530, %add3A_523 : vector<16xi32>
        %add3A_532 = arith.addi %add3A_523, %xor3A_531 : vector<16xi32>
        %shift_left3A_533 = arith.constant 15 : i32
        %shift_left3A_534 = vector.broadcast %shift_left3A_533 : i32 to vector<16xi32>
        %shift_left3A_535 = arith.shli %xor3A_531, %shift_left3A_534 : vector<16xi32>
        %shift_right_logical3A_536 = arith.constant 17 : i32
        %shift_right_logical3A_537 = vector.broadcast %shift_right_logical3A_536 : i32 to vector<16xi32>
        %shift_right_logical3A_538 = arith.shrui %xor3A_531, %shift_right_logical3A_537 : vector<16xi32>
        %or3A_539 = arith.ori %shift_left3A_535, %shift_right_logical3A_538 : vector<16xi32>
        %xor3A_540 = arith.xori %or3A_539, %add3A_532 : vector<16xi32>
        %add3A_541 = arith.addi %add3A_532, %xor3A_540 : vector<16xi32>
        %shift_left3A_542 = arith.constant 26 : i32
        %shift_left3A_543 = vector.broadcast %shift_left3A_542 : i32 to vector<16xi32>
        %shift_left3A_544 = arith.shli %xor3A_540, %shift_left3A_543 : vector<16xi32>
        %shift_right_logical3A_545 = arith.constant 6 : i32
        %shift_right_logical3A_546 = vector.broadcast %shift_right_logical3A_545 : i32 to vector<16xi32>
        %shift_right_logical3A_547 = arith.shrui %xor3A_540, %shift_right_logical3A_546 : vector<16xi32>
        %or3A_548 = arith.ori %shift_left3A_544, %shift_right_logical3A_547 : vector<16xi32>
        %xor3A_549 = arith.xori %or3A_548, %add3A_541 : vector<16xi32>
        %add3A_550 = arith.addi %add3A_541, %xor3A_549 : vector<16xi32>
        %shift_left3A_551 = arith.constant 6 : i32
        %shift_left3A_552 = vector.broadcast %shift_left3A_551 : i32 to vector<16xi32>
        %shift_left3A_553 = arith.shli %xor3A_549, %shift_left3A_552 : vector<16xi32>
        %shift_right_logical3A_554 = arith.constant 26 : i32
        %shift_right_logical3A_555 = vector.broadcast %shift_right_logical3A_554 : i32 to vector<16xi32>
        %shift_right_logical3A_556 = arith.shrui %xor3A_549, %shift_right_logical3A_555 : vector<16xi32>
        %or3A_557 = arith.ori %shift_left3A_553, %shift_right_logical3A_556 : vector<16xi32>
        %xor3A_558 = arith.xori %or3A_557, %add3A_550 : vector<16xi32>
        %add3A_559 = arith.constant 466688987 : i32
        %add3A_560 = vector.broadcast %add3A_559 : i32 to vector<16xi32>
        %add3A_561 = arith.addi %add3A_550, %add3A_560 : vector<16xi32>
        %add3A_562 = arith.constant 5 : i32
        %add3A_563 = vector.broadcast %add3A_562 : i32 to vector<16xi32>
        %add3A_564 = arith.addi %xor3A_558, %add3A_563 : vector<16xi32>
        %xor3A_565 = arith.xori %add3A_561, %add3A_564 : vector<16xi32>
        %shift_right_logical3A_566 = arith.constant 9 : i32
        %shift_right_logical3A_567 = vector.broadcast %shift_right_logical3A_566 : i32 to vector<16xi32>
        %shift_right_logical3A_568 = arith.shrui %xor3A_353, %shift_right_logical3A_567 : vector<16xi32>
        %shift_right_logical3A_569 = arith.constant 9 : i32
        %shift_right_logical3A_570 = vector.broadcast %shift_right_logical3A_569 : i32 to vector<16xi32>
        %shift_right_logical3A_571 = arith.shrui %xor3A_565, %shift_right_logical3A_570 : vector<16xi32>
        %gt3A = arith.cmpi sgt, %shift_right_logical3A_568, %scan3A_137 : vector<16xi32>
        %select_n3A_572 = arith.select %gt3A, %shift_right_logical3A_568, %scan3A_137 : vector<16xi1>, vector<16xi32>
        %select_n3A_573 = arith.select %gt3A, %add3A_142, %scan3A_138 : vector<16xi1>, vector<16xi32>
        %gt3A_574 = arith.cmpi sgt, %shift_right_logical3A_571, %select_n3A_572 : vector<16xi32>
        %select_n3A_575 = arith.select %gt3A_574, %shift_right_logical3A_571, %select_n3A_572 : vector<16xi1>, vector<16xi32>
        %select_n3A_576 = arith.select %gt3A_574, %add3A_145, %select_n3A_573 : vector<16xi1>, vector<16xi32>
        scf.yield %select_n3A_575, %select_n3A_576 : vector<16xi32>, vector<16xi32>
      }
      %scan3A_56 = arith.constant 3125 : i32
      %add3A_57 = arith.constant 8 : i32
      %add3A_58 = vector.broadcast %add3A_57 : i32 to vector<16xi32>
      %add3A_59 = arith.addi %iota3A, %add3A_58 : vector<16xi32>
      %and3A = arith.constant 15 : i32
      %and3A_60 = vector.broadcast %and3A : i32 to vector<16xi32>
      %and3A_61 = arith.andi %add3A_59, %and3A_60 : vector<16xi32>
      %reshape3A = vector.shape_cast %and3A_61 : vector<16xi32> to vector<16x1xi32>
      %gather3A = vector.shape_cast %reshape3A : vector<16x1xi32> to vector<16xi32>
      %gather3A_62 = tpu.dynamic_gather %scan3A_55#0[%gather3A] in [0] : vector<16xi32>, vector<16xi32> -> vector<16xi32>
      %max3A = arith.maxsi %scan3A_55#0, %gather3A_62 : vector<16xi32>
      %add3A_63 = arith.constant 4 : i32
      %add3A_64 = vector.broadcast %add3A_63 : i32 to vector<16xi32>
      %add3A_65 = arith.addi %iota3A, %add3A_64 : vector<16xi32>
      %and3A_66 = arith.constant 15 : i32
      %and3A_67 = vector.broadcast %and3A_66 : i32 to vector<16xi32>
      %and3A_68 = arith.andi %add3A_65, %and3A_67 : vector<16xi32>
      %reshape3A_69 = vector.shape_cast %and3A_68 : vector<16xi32> to vector<16x1xi32>
      %gather3A_70 = vector.shape_cast %reshape3A_69 : vector<16x1xi32> to vector<16xi32>
      %gather3A_71 = tpu.dynamic_gather %max3A[%gather3A_70] in [0] : vector<16xi32>, vector<16xi32> -> vector<16xi32>
      %max3A_72 = arith.maxsi %max3A, %gather3A_71 : vector<16xi32>
      %add3A_73 = arith.constant 2 : i32
      %add3A_74 = vector.broadcast %add3A_73 : i32 to vector<16xi32>
      %add3A_75 = arith.addi %iota3A, %add3A_74 : vector<16xi32>
      %and3A_76 = arith.constant 15 : i32
      %and3A_77 = vector.broadcast %and3A_76 : i32 to vector<16xi32>
      %and3A_78 = arith.andi %add3A_75, %and3A_77 : vector<16xi32>
      %reshape3A_79 = vector.shape_cast %and3A_78 : vector<16xi32> to vector<16x1xi32>
      %gather3A_80 = vector.shape_cast %reshape3A_79 : vector<16x1xi32> to vector<16xi32>
      %gather3A_81 = tpu.dynamic_gather %max3A_72[%gather3A_80] in [0] : vector<16xi32>, vector<16xi32> -> vector<16xi32>
      %max3A_82 = arith.maxsi %max3A_72, %gather3A_81 : vector<16xi32>
      %add3A_83 = arith.constant 1 : i32
      %add3A_84 = vector.broadcast %add3A_83 : i32 to vector<16xi32>
      %add3A_85 = arith.addi %iota3A, %add3A_84 : vector<16xi32>
      %and3A_86 = arith.constant 15 : i32
      %and3A_87 = vector.broadcast %and3A_86 : i32 to vector<16xi32>
      %and3A_88 = arith.andi %add3A_85, %and3A_87 : vector<16xi32>
      %reshape3A_89 = vector.shape_cast %and3A_88 : vector<16xi32> to vector<16x1xi32>
      %gather3A_90 = vector.shape_cast %reshape3A_89 : vector<16x1xi32> to vector<16xi32>
      %gather3A_91 = tpu.dynamic_gather %max3A_82[%gather3A_90] in [0] : vector<16xi32>, vector<16xi32> -> vector<16xi32>
      %max3A_92 = arith.maxsi %max3A_82, %gather3A_91 : vector<16xi32>
      %eq3A = arith.cmpi eq, %scan3A_55#0, %max3A_92 : vector<16xi32>
      %jit3A = arith.constant 1073741824 : i32
      %broadcast_in_dim3A_93 = vector.broadcast %jit3A : i32 to vector<16xi32>
      %select_n3A = arith.select %eq3A, %scan3A_55#1, %broadcast_in_dim3A_93 : vector<16xi1>, vector<16xi32>
      %add3A_94 = arith.constant 8 : i32
      %add3A_95 = vector.broadcast %add3A_94 : i32 to vector<16xi32>
      %add3A_96 = arith.addi %iota3A, %add3A_95 : vector<16xi32>
      %and3A_97 = arith.constant 15 : i32
      %and3A_98 = vector.broadcast %and3A_97 : i32 to vector<16xi32>
      %and3A_99 = arith.andi %add3A_96, %and3A_98 : vector<16xi32>
      %reshape3A_100 = vector.shape_cast %and3A_99 : vector<16xi32> to vector<16x1xi32>
      %gather3A_101 = vector.shape_cast %reshape3A_100 : vector<16x1xi32> to vector<16xi32>
      %gather3A_102 = tpu.dynamic_gather %select_n3A[%gather3A_101] in [0] : vector<16xi32>, vector<16xi32> -> vector<16xi32>
      %min3A = arith.minsi %select_n3A, %gather3A_102 : vector<16xi32>
      %add3A_103 = arith.constant 4 : i32
      %add3A_104 = vector.broadcast %add3A_103 : i32 to vector<16xi32>
      %add3A_105 = arith.addi %iota3A, %add3A_104 : vector<16xi32>
      %and3A_106 = arith.constant 15 : i32
      %and3A_107 = vector.broadcast %and3A_106 : i32 to vector<16xi32>
      %and3A_108 = arith.andi %add3A_105, %and3A_107 : vector<16xi32>
      %reshape3A_109 = vector.shape_cast %and3A_108 : vector<16xi32> to vector<16x1xi32>
      %gather3A_110 = vector.shape_cast %reshape3A_109 : vector<16x1xi32> to vector<16xi32>
      %gather3A_111 = tpu.dynamic_gather %min3A[%gather3A_110] in [0] : vector<16xi32>, vector<16xi32> -> vector<16xi32>
      %min3A_112 = arith.minsi %min3A, %gather3A_111 : vector<16xi32>
      %add3A_113 = arith.constant 2 : i32
      %add3A_114 = vector.broadcast %add3A_113 : i32 to vector<16xi32>
      %add3A_115 = arith.addi %iota3A, %add3A_114 : vector<16xi32>
      %and3A_116 = arith.constant 15 : i32
      %and3A_117 = vector.broadcast %and3A_116 : i32 to vector<16xi32>
      %and3A_118 = arith.andi %add3A_115, %and3A_117 : vector<16xi32>
      %reshape3A_119 = vector.shape_cast %and3A_118 : vector<16xi32> to vector<16x1xi32>
      %gather3A_120 = vector.shape_cast %reshape3A_119 : vector<16x1xi32> to vector<16xi32>
      %gather3A_121 = tpu.dynamic_gather %min3A_112[%gather3A_120] in [0] : vector<16xi32>, vector<16xi32> -> vector<16xi32>
      %min3A_122 = arith.minsi %min3A_112, %gather3A_121 : vector<16xi32>
      %add3A_123 = arith.constant 1 : i32
      %add3A_124 = vector.broadcast %add3A_123 : i32 to vector<16xi32>
      %add3A_125 = arith.addi %iota3A, %add3A_124 : vector<16xi32>
      %and3A_126 = arith.constant 15 : i32
      %and3A_127 = vector.broadcast %and3A_126 : i32 to vector<16xi32>
      %and3A_128 = arith.andi %add3A_125, %and3A_127 : vector<16xi32>
      %reshape3A_129 = vector.shape_cast %and3A_128 : vector<16xi32> to vector<16x1xi32>
      %gather3A_130 = vector.shape_cast %reshape3A_129 : vector<16x1xi32> to vector<16xi32>
      %gather3A_131 = tpu.dynamic_gather %min3A_122[%gather3A_130] in [0] : vector<16xi32>, vector<16xi32> -> vector<16xi32>
      %min3A_132 = arith.minsi %min3A_122, %gather3A_131 : vector<16xi32>
      %eq3A_133 = vector.broadcast %scan3A_36 : i32 to vector<16xi32>
      %eq3A_134 = arith.cmpi eq, %iota3A, %eq3A_133 : vector<16xi32>
      %select_n3A_135 = arith.select %eq3A_134, %min3A_132, %scan3A_37 : vector<16xi1>, vector<16xi32>
      scf.yield %select_n3A_135 : vector<16xi32>
    }
    %scan3A_29 = arith.constant 16 : i32
    %swap3A_30 = arith.constant 32 : index
    %swap3A_31 = tpu.vector_load %arg3[%swap3A_30] {strides = array<i32>} : memref<48xi32, #tpu.memory_space<vmem>>, vector<16xi32>,
    %swap3A_32 = vector.shape_cast %swap3A_31 : vector<16xi32> to vector<16xi32>
    %swap3A_33 = vector.shape_cast %scan3A_28 : vector<16xi32> to vector<16xi32>
    tpu.vector_store %arg3[%swap3A_30], %swap3A_33 {strides = array<i32>} : memref<48xi32, #tpu.memory_space<vmem>>, vector<16xi32>,
    %mul3A_34 = arith.constant 48 : i32
    %mul3A_35 = arith.muli %add3A, %mul3A_34 : i32
    "tpu.region"() ({
      %run_scoped3A = tpu.sem_alloc : memref<!tpu.dma_semaphore, #tpu.memory_space<semaphore_mem>>
      %dma_start3A = tpu.memref_slice %arg2[%mul3A_35] : memref<1536xi32, #tpu.memory_space<hbm>> -> memref<48xi32, #tpu.memory_space<hbm>>
      %dma_start3A_36 = tpu.memref_slice %arg2[%mul3A_35] : memref<1536xi32, #tpu.memory_space<hbm>> -> memref<48xi32, #tpu.memory_space<hbm>>
      tpu.enqueue_dma source(%arg3 : memref<48xi32, #tpu.memory_space<vmem>>) target(%dma_start3A_36 : memref<48xi32, #tpu.memory_space<hbm>>) target_semaphore(%run_scoped3A : memref<!tpu.dma_semaphore, #tpu.memory_space<semaphore_mem>>)
      %dma_wait3A = tpu.memref_slice %arg2[%mul3A_35] : memref<1536xi32, #tpu.memory_space<hbm>> -> memref<48xi32, #tpu.memory_space<hbm>>
      %dma_wait3A_37 = tpu.memref_slice %arg2[%mul3A_35] : memref<1536xi32, #tpu.memory_space<hbm>> -> memref<48xi32, #tpu.memory_space<hbm>>
      tpu.wait_dma2 semaphore(%run_scoped3A : memref<!tpu.dma_semaphore, #tpu.memory_space<semaphore_mem>>) src(%arg3 : memref<48xi32, #tpu.memory_space<vmem>>) dst(%dma_wait3A_37 : memref<48xi32, #tpu.memory_space<hbm>>)
      tpu.yield
    }) : () -> ()
    return
  }
}

module attributes {stable_mosaic.version = 14 : i64} {
  func.func @body(%arg0: i32, %arg1: memref<256x1xi32, #tpu.memory_space<vmem>>) attributes {dimension_semantics = [#tpu.dimension_semantics<arbitrary>], iteration_bounds = array<i64: 14>, scalar_prefetch = 0 : i64, scratch_operands = 0 : i64, tpu.core_type = #tpu.core_type<tc>, window_params = [{transform_indices = @transform_0, window_bounds = array<i64: 256, 1>}]} {
    %mul3A = arith.constant 256 : i32
    %mul3A_0 = arith.muli %arg0, %mul3A : i32
    %iota3A = tpu.iota {dimensions = array<i32: 0>} : vector<256x512xi32>
    %iota3A_1 = tpu.iota {dimensions = array<i32: 1>} : vector<256x512xi32>
    %add3A = vector.broadcast %mul3A_0 : i32 to vector<256x512xi32>
    %add3A_2 = arith.addi %add3A, %iota3A : vector<256x512xi32>
    %mul3A_3 = arith.constant 100000 : i32
    %mul3A_4 = vector.broadcast %mul3A_3 : i32 to vector<256x512xi32>
    %mul3A_5 = arith.muli %add3A_2, %mul3A_4 : vector<256x512xi32>
    %broadcast_in_dim3A = arith.constant -2 : i32
    %broadcast_in_dim3A_6 = vector.broadcast %broadcast_in_dim3A : i32 to vector<256x1xi32>
    %broadcast_in_dim3A_7 = arith.constant 0 : i32
    %broadcast_in_dim3A_8 = vector.broadcast %broadcast_in_dim3A_7 : i32 to vector<256x1xi32>
    %scan3A = arith.constant 0 : i32
    %scan3A_9 = arith.constant 195 : i32
    %scan3A_10 = arith.addi %scan3A, %scan3A_9 : i32
    %scan3A_11 = arith.constant 1 : i32
    %scan3A_12:2 = scf.for %scan3A_241 = %scan3A to %scan3A_10 step %scan3A_11 iter_args(%scan3A_242 = %broadcast_in_dim3A_6, %scan3A_243 = %broadcast_in_dim3A_8) -> (vector<256x1xi32>, vector<256x1xi32>)  : i32 {
      %mul3A_244 = arith.constant 512 : i32
      %mul3A_245 = arith.muli %scan3A_241, %mul3A_244 : i32
      %add3A_246 = vector.broadcast %mul3A_245 : i32 to vector<256x512xi32>
      %add3A_247 = arith.addi %iota3A_1, %add3A_246 : vector<256x512xi32>
      %add3A_248 = arith.addi %mul3A_5, %add3A_247 : vector<256x512xi32>
      %add3A_249 = arith.constant 1 : i32
      %add3A_250 = vector.broadcast %add3A_249 : i32 to vector<256x512xi32>
      %add3A_251 = arith.addi %add3A_248, %add3A_250 : vector<256x512xi32>
      %shift_left3A_252 = arith.constant 13 : i32
      %shift_left3A_253 = vector.broadcast %shift_left3A_252 : i32 to vector<256x512xi32>
      %shift_left3A_254 = arith.shli %add3A_251, %shift_left3A_253 : vector<256x512xi32>
      %shift_right_logical3A_255 = arith.constant 19 : i32
      %shift_right_logical3A_256 = vector.broadcast %shift_right_logical3A_255 : i32 to vector<256x512xi32>
      %shift_right_logical3A_257 = arith.shrui %add3A_251, %shift_right_logical3A_256 : vector<256x512xi32>
      %or3A_258 = arith.ori %shift_left3A_254, %shift_right_logical3A_257 : vector<256x512xi32>
      %xor3A_259 = arith.xori %or3A_258, %add3A_251 : vector<256x512xi32>
      %add3A_260 = arith.addi %add3A_251, %xor3A_259 : vector<256x512xi32>
      %shift_left3A_261 = arith.constant 15 : i32
      %shift_left3A_262 = vector.broadcast %shift_left3A_261 : i32 to vector<256x512xi32>
      %shift_left3A_263 = arith.shli %xor3A_259, %shift_left3A_262 : vector<256x512xi32>
      %shift_right_logical3A_264 = arith.constant 17 : i32
      %shift_right_logical3A_265 = vector.broadcast %shift_right_logical3A_264 : i32 to vector<256x512xi32>
      %shift_right_logical3A_266 = arith.shrui %xor3A_259, %shift_right_logical3A_265 : vector<256x512xi32>
      %or3A_267 = arith.ori %shift_left3A_263, %shift_right_logical3A_266 : vector<256x512xi32>
      %xor3A_268 = arith.xori %or3A_267, %add3A_260 : vector<256x512xi32>
      %add3A_269 = arith.addi %add3A_260, %xor3A_268 : vector<256x512xi32>
      %shift_left3A_270 = arith.constant 26 : i32
      %shift_left3A_271 = vector.broadcast %shift_left3A_270 : i32 to vector<256x512xi32>
      %shift_left3A_272 = arith.shli %xor3A_268, %shift_left3A_271 : vector<256x512xi32>
      %shift_right_logical3A_273 = arith.constant 6 : i32
      %shift_right_logical3A_274 = vector.broadcast %shift_right_logical3A_273 : i32 to vector<256x512xi32>
      %shift_right_logical3A_275 = arith.shrui %xor3A_268, %shift_right_logical3A_274 : vector<256x512xi32>
      %or3A_276 = arith.ori %shift_left3A_272, %shift_right_logical3A_275 : vector<256x512xi32>
      %xor3A_277 = arith.xori %or3A_276, %add3A_269 : vector<256x512xi32>
      %add3A_278 = arith.addi %add3A_269, %xor3A_277 : vector<256x512xi32>
      %shift_left3A_279 = arith.constant 6 : i32
      %shift_left3A_280 = vector.broadcast %shift_left3A_279 : i32 to vector<256x512xi32>
      %shift_left3A_281 = arith.shli %xor3A_277, %shift_left3A_280 : vector<256x512xi32>
      %shift_right_logical3A_282 = arith.constant 26 : i32
      %shift_right_logical3A_283 = vector.broadcast %shift_right_logical3A_282 : i32 to vector<256x512xi32>
      %shift_right_logical3A_284 = arith.shrui %xor3A_277, %shift_right_logical3A_283 : vector<256x512xi32>
      %or3A_285 = arith.ori %shift_left3A_281, %shift_right_logical3A_284 : vector<256x512xi32>
      %xor3A_286 = arith.xori %or3A_285, %add3A_278 : vector<256x512xi32>
      %add3A_287 = arith.constant 1 : i32
      %add3A_288 = vector.broadcast %add3A_287 : i32 to vector<256x512xi32>
      %add3A_289 = arith.addi %add3A_278, %add3A_288 : vector<256x512xi32>
      %add3A_290 = arith.constant 466688988 : i32
      %add3A_291 = vector.broadcast %add3A_290 : i32 to vector<256x512xi32>
      %add3A_292 = arith.addi %xor3A_286, %add3A_291 : vector<256x512xi32>
      %add3A_293 = arith.addi %add3A_289, %add3A_292 : vector<256x512xi32>
      %shift_left3A_294 = arith.constant 17 : i32
      %shift_left3A_295 = vector.broadcast %shift_left3A_294 : i32 to vector<256x512xi32>
      %shift_left3A_296 = arith.shli %add3A_292, %shift_left3A_295 : vector<256x512xi32>
      %shift_right_logical3A_297 = arith.constant 15 : i32
      %shift_right_logical3A_298 = vector.broadcast %shift_right_logical3A_297 : i32 to vector<256x512xi32>
      %shift_right_logical3A_299 = arith.shrui %add3A_292, %shift_right_logical3A_298 : vector<256x512xi32>
      %or3A_300 = arith.ori %shift_left3A_296, %shift_right_logical3A_299 : vector<256x512xi32>
      %xor3A_301 = arith.xori %or3A_300, %add3A_293 : vector<256x512xi32>
      %add3A_302 = arith.addi %add3A_293, %xor3A_301 : vector<256x512xi32>
      %shift_left3A_303 = arith.constant 29 : i32
      %shift_left3A_304 = vector.broadcast %shift_left3A_303 : i32 to vector<256x512xi32>
      %shift_left3A_305 = arith.shli %xor3A_301, %shift_left3A_304 : vector<256x512xi32>
      %shift_right_logical3A_306 = arith.constant 3 : i32
      %shift_right_logical3A_307 = vector.broadcast %shift_right_logical3A_306 : i32 to vector<256x512xi32>
      %shift_right_logical3A_308 = arith.shrui %xor3A_301, %shift_right_logical3A_307 : vector<256x512xi32>
      %or3A_309 = arith.ori %shift_left3A_305, %shift_right_logical3A_308 : vector<256x512xi32>
      %xor3A_310 = arith.xori %or3A_309, %add3A_302 : vector<256x512xi32>
      %add3A_311 = arith.addi %add3A_302, %xor3A_310 : vector<256x512xi32>
      %shift_left3A_312 = arith.constant 16 : i32
      %shift_left3A_313 = vector.broadcast %shift_left3A_312 : i32 to vector<256x512xi32>
      %shift_left3A_314 = arith.shli %xor3A_310, %shift_left3A_313 : vector<256x512xi32>
      %shift_right_logical3A_315 = arith.constant 16 : i32
      %shift_right_logical3A_316 = vector.broadcast %shift_right_logical3A_315 : i32 to vector<256x512xi32>
      %shift_right_logical3A_317 = arith.shrui %xor3A_310, %shift_right_logical3A_316 : vector<256x512xi32>
      %or3A_318 = arith.ori %shift_left3A_314, %shift_right_logical3A_317 : vector<256x512xi32>
      %xor3A_319 = arith.xori %or3A_318, %add3A_311 : vector<256x512xi32>
      %add3A_320 = arith.addi %add3A_311, %xor3A_319 : vector<256x512xi32>
      %shift_left3A_321 = arith.constant 24 : i32
      %shift_left3A_322 = vector.broadcast %shift_left3A_321 : i32 to vector<256x512xi32>
      %shift_left3A_323 = arith.shli %xor3A_319, %shift_left3A_322 : vector<256x512xi32>
      %shift_right_logical3A_324 = arith.constant 8 : i32
      %shift_right_logical3A_325 = vector.broadcast %shift_right_logical3A_324 : i32 to vector<256x512xi32>
      %shift_right_logical3A_326 = arith.shrui %xor3A_319, %shift_right_logical3A_325 : vector<256x512xi32>
      %or3A_327 = arith.ori %shift_left3A_323, %shift_right_logical3A_326 : vector<256x512xi32>
      %xor3A_328 = arith.xori %or3A_327, %add3A_320 : vector<256x512xi32>
      %add3A_329 = arith.constant 466688987 : i32
      %add3A_330 = vector.broadcast %add3A_329 : i32 to vector<256x512xi32>
      %add3A_331 = arith.addi %add3A_320, %add3A_330 : vector<256x512xi32>
      %add3A_332 = arith.constant 2 : i32
      %add3A_333 = vector.broadcast %add3A_332 : i32 to vector<256x512xi32>
      %add3A_334 = arith.addi %xor3A_328, %add3A_333 : vector<256x512xi32>
      %add3A_335 = arith.addi %add3A_331, %add3A_334 : vector<256x512xi32>
      %shift_left3A_336 = arith.constant 13 : i32
      %shift_left3A_337 = vector.broadcast %shift_left3A_336 : i32 to vector<256x512xi32>
      %shift_left3A_338 = arith.shli %add3A_334, %shift_left3A_337 : vector<256x512xi32>
      %shift_right_logical3A_339 = arith.constant 19 : i32
      %shift_right_logical3A_340 = vector.broadcast %shift_right_logical3A_339 : i32 to vector<256x512xi32>
      %shift_right_logical3A_341 = arith.shrui %add3A_334, %shift_right_logical3A_340 : vector<256x512xi32>
      %or3A_342 = arith.ori %shift_left3A_338, %shift_right_logical3A_341 : vector<256x512xi32>
      %xor3A_343 = arith.xori %or3A_342, %add3A_335 : vector<256x512xi32>
      %add3A_344 = arith.addi %add3A_335, %xor3A_343 : vector<256x512xi32>
      %shift_left3A_345 = arith.constant 15 : i32
      %shift_left3A_346 = vector.broadcast %shift_left3A_345 : i32 to vector<256x512xi32>
      %shift_left3A_347 = arith.shli %xor3A_343, %shift_left3A_346 : vector<256x512xi32>
      %shift_right_logical3A_348 = arith.constant 17 : i32
      %shift_right_logical3A_349 = vector.broadcast %shift_right_logical3A_348 : i32 to vector<256x512xi32>
      %shift_right_logical3A_350 = arith.shrui %xor3A_343, %shift_right_logical3A_349 : vector<256x512xi32>
      %or3A_351 = arith.ori %shift_left3A_347, %shift_right_logical3A_350 : vector<256x512xi32>
      %xor3A_352 = arith.xori %or3A_351, %add3A_344 : vector<256x512xi32>
      %add3A_353 = arith.addi %add3A_344, %xor3A_352 : vector<256x512xi32>
      %shift_left3A_354 = arith.constant 26 : i32
      %shift_left3A_355 = vector.broadcast %shift_left3A_354 : i32 to vector<256x512xi32>
      %shift_left3A_356 = arith.shli %xor3A_352, %shift_left3A_355 : vector<256x512xi32>
      %shift_right_logical3A_357 = arith.constant 6 : i32
      %shift_right_logical3A_358 = vector.broadcast %shift_right_logical3A_357 : i32 to vector<256x512xi32>
      %shift_right_logical3A_359 = arith.shrui %xor3A_352, %shift_right_logical3A_358 : vector<256x512xi32>
      %or3A_360 = arith.ori %shift_left3A_356, %shift_right_logical3A_359 : vector<256x512xi32>
      %xor3A_361 = arith.xori %or3A_360, %add3A_353 : vector<256x512xi32>
      %add3A_362 = arith.addi %add3A_353, %xor3A_361 : vector<256x512xi32>
      %shift_left3A_363 = arith.constant 6 : i32
      %shift_left3A_364 = vector.broadcast %shift_left3A_363 : i32 to vector<256x512xi32>
      %shift_left3A_365 = arith.shli %xor3A_361, %shift_left3A_364 : vector<256x512xi32>
      %shift_right_logical3A_366 = arith.constant 26 : i32
      %shift_right_logical3A_367 = vector.broadcast %shift_right_logical3A_366 : i32 to vector<256x512xi32>
      %shift_right_logical3A_368 = arith.shrui %xor3A_361, %shift_right_logical3A_367 : vector<256x512xi32>
      %or3A_369 = arith.ori %shift_left3A_365, %shift_right_logical3A_368 : vector<256x512xi32>
      %xor3A_370 = arith.xori %or3A_369, %add3A_362 : vector<256x512xi32>
      %add3A_371 = arith.constant 4 : i32
      %add3A_372 = vector.broadcast %add3A_371 : i32 to vector<256x512xi32>
      %add3A_373 = arith.addi %xor3A_370, %add3A_372 : vector<256x512xi32>
      %add3A_374 = arith.addi %add3A_362, %add3A_373 : vector<256x512xi32>
      %shift_left3A_375 = arith.constant 17 : i32
      %shift_left3A_376 = vector.broadcast %shift_left3A_375 : i32 to vector<256x512xi32>
      %shift_left3A_377 = arith.shli %add3A_373, %shift_left3A_376 : vector<256x512xi32>
      %shift_right_logical3A_378 = arith.constant 15 : i32
      %shift_right_logical3A_379 = vector.broadcast %shift_right_logical3A_378 : i32 to vector<256x512xi32>
      %shift_right_logical3A_380 = arith.shrui %add3A_373, %shift_right_logical3A_379 : vector<256x512xi32>
      %or3A_381 = arith.ori %shift_left3A_377, %shift_right_logical3A_380 : vector<256x512xi32>
      %xor3A_382 = arith.xori %or3A_381, %add3A_374 : vector<256x512xi32>
      %add3A_383 = arith.addi %add3A_374, %xor3A_382 : vector<256x512xi32>
      %shift_left3A_384 = arith.constant 29 : i32
      %shift_left3A_385 = vector.broadcast %shift_left3A_384 : i32 to vector<256x512xi32>
      %shift_left3A_386 = arith.shli %xor3A_382, %shift_left3A_385 : vector<256x512xi32>
      %shift_right_logical3A_387 = arith.constant 3 : i32
      %shift_right_logical3A_388 = vector.broadcast %shift_right_logical3A_387 : i32 to vector<256x512xi32>
      %shift_right_logical3A_389 = arith.shrui %xor3A_382, %shift_right_logical3A_388 : vector<256x512xi32>
      %or3A_390 = arith.ori %shift_left3A_386, %shift_right_logical3A_389 : vector<256x512xi32>
      %xor3A_391 = arith.xori %or3A_390, %add3A_383 : vector<256x512xi32>
      %add3A_392 = arith.addi %add3A_383, %xor3A_391 : vector<256x512xi32>
      %shift_left3A_393 = arith.constant 16 : i32
      %shift_left3A_394 = vector.broadcast %shift_left3A_393 : i32 to vector<256x512xi32>
      %shift_left3A_395 = arith.shli %xor3A_391, %shift_left3A_394 : vector<256x512xi32>
      %shift_right_logical3A_396 = arith.constant 16 : i32
      %shift_right_logical3A_397 = vector.broadcast %shift_right_logical3A_396 : i32 to vector<256x512xi32>
      %shift_right_logical3A_398 = arith.shrui %xor3A_391, %shift_right_logical3A_397 : vector<256x512xi32>
      %or3A_399 = arith.ori %shift_left3A_395, %shift_right_logical3A_398 : vector<256x512xi32>
      %xor3A_400 = arith.xori %or3A_399, %add3A_392 : vector<256x512xi32>
      %add3A_401 = arith.addi %add3A_392, %xor3A_400 : vector<256x512xi32>
      %shift_left3A_402 = arith.constant 24 : i32
      %shift_left3A_403 = vector.broadcast %shift_left3A_402 : i32 to vector<256x512xi32>
      %shift_left3A_404 = arith.shli %xor3A_400, %shift_left3A_403 : vector<256x512xi32>
      %shift_right_logical3A_405 = arith.constant 8 : i32
      %shift_right_logical3A_406 = vector.broadcast %shift_right_logical3A_405 : i32 to vector<256x512xi32>
      %shift_right_logical3A_407 = arith.shrui %xor3A_400, %shift_right_logical3A_406 : vector<256x512xi32>
      %or3A_408 = arith.ori %shift_left3A_404, %shift_right_logical3A_407 : vector<256x512xi32>
      %xor3A_409 = arith.xori %or3A_408, %add3A_401 : vector<256x512xi32>
      %add3A_410 = arith.constant 1 : i32
      %add3A_411 = vector.broadcast %add3A_410 : i32 to vector<256x512xi32>
      %add3A_412 = arith.addi %add3A_401, %add3A_411 : vector<256x512xi32>
      %add3A_413 = arith.constant 466688991 : i32
      %add3A_414 = vector.broadcast %add3A_413 : i32 to vector<256x512xi32>
      %add3A_415 = arith.addi %xor3A_409, %add3A_414 : vector<256x512xi32>
      %add3A_416 = arith.addi %add3A_412, %add3A_415 : vector<256x512xi32>
      %shift_left3A_417 = arith.constant 13 : i32
      %shift_left3A_418 = vector.broadcast %shift_left3A_417 : i32 to vector<256x512xi32>
      %shift_left3A_419 = arith.shli %add3A_415, %shift_left3A_418 : vector<256x512xi32>
      %shift_right_logical3A_420 = arith.constant 19 : i32
      %shift_right_logical3A_421 = vector.broadcast %shift_right_logical3A_420 : i32 to vector<256x512xi32>
      %shift_right_logical3A_422 = arith.shrui %add3A_415, %shift_right_logical3A_421 : vector<256x512xi32>
      %or3A_423 = arith.ori %shift_left3A_419, %shift_right_logical3A_422 : vector<256x512xi32>
      %xor3A_424 = arith.xori %or3A_423, %add3A_416 : vector<256x512xi32>
      %add3A_425 = arith.addi %add3A_416, %xor3A_424 : vector<256x512xi32>
      %shift_left3A_426 = arith.constant 15 : i32
      %shift_left3A_427 = vector.broadcast %shift_left3A_426 : i32 to vector<256x512xi32>
      %shift_left3A_428 = arith.shli %xor3A_424, %shift_left3A_427 : vector<256x512xi32>
      %shift_right_logical3A_429 = arith.constant 17 : i32
      %shift_right_logical3A_430 = vector.broadcast %shift_right_logical3A_429 : i32 to vector<256x512xi32>
      %shift_right_logical3A_431 = arith.shrui %xor3A_424, %shift_right_logical3A_430 : vector<256x512xi32>
      %or3A_432 = arith.ori %shift_left3A_428, %shift_right_logical3A_431 : vector<256x512xi32>
      %xor3A_433 = arith.xori %or3A_432, %add3A_425 : vector<256x512xi32>
      %add3A_434 = arith.addi %add3A_425, %xor3A_433 : vector<256x512xi32>
      %shift_left3A_435 = arith.constant 26 : i32
      %shift_left3A_436 = vector.broadcast %shift_left3A_435 : i32 to vector<256x512xi32>
      %shift_left3A_437 = arith.shli %xor3A_433, %shift_left3A_436 : vector<256x512xi32>
      %shift_right_logical3A_438 = arith.constant 6 : i32
      %shift_right_logical3A_439 = vector.broadcast %shift_right_logical3A_438 : i32 to vector<256x512xi32>
      %shift_right_logical3A_440 = arith.shrui %xor3A_433, %shift_right_logical3A_439 : vector<256x512xi32>
      %or3A_441 = arith.ori %shift_left3A_437, %shift_right_logical3A_440 : vector<256x512xi32>
      %xor3A_442 = arith.xori %or3A_441, %add3A_434 : vector<256x512xi32>
      %add3A_443 = arith.addi %add3A_434, %xor3A_442 : vector<256x512xi32>
      %shift_left3A_444 = arith.constant 6 : i32
      %shift_left3A_445 = vector.broadcast %shift_left3A_444 : i32 to vector<256x512xi32>
      %shift_left3A_446 = arith.shli %xor3A_442, %shift_left3A_445 : vector<256x512xi32>
      %shift_right_logical3A_447 = arith.constant 26 : i32
      %shift_right_logical3A_448 = vector.broadcast %shift_right_logical3A_447 : i32 to vector<256x512xi32>
      %shift_right_logical3A_449 = arith.shrui %xor3A_442, %shift_right_logical3A_448 : vector<256x512xi32>
      %or3A_450 = arith.ori %shift_left3A_446, %shift_right_logical3A_449 : vector<256x512xi32>
      %xor3A_451 = arith.xori %or3A_450, %add3A_443 : vector<256x512xi32>
      %add3A_452 = arith.constant 466688987 : i32
      %add3A_453 = vector.broadcast %add3A_452 : i32 to vector<256x512xi32>
      %add3A_454 = arith.addi %add3A_443, %add3A_453 : vector<256x512xi32>
      %add3A_455 = arith.constant 5 : i32
      %add3A_456 = vector.broadcast %add3A_455 : i32 to vector<256x512xi32>
      %add3A_457 = arith.addi %xor3A_451, %add3A_456 : vector<256x512xi32>
      %xor3A_458 = arith.xori %add3A_454, %add3A_457 : vector<256x512xi32>
      %shift_right_logical3A_459 = arith.constant 9 : i32
      %shift_right_logical3A_460 = vector.broadcast %shift_right_logical3A_459 : i32 to vector<256x512xi32>
      %shift_right_logical3A_461 = arith.shrui %xor3A_458, %shift_right_logical3A_460 : vector<256x512xi32>
      %reduce_max3A_462 = arith.constant dense<-2147483648> : vector<256xi32>
      %reduce_max3A_463 = vector.multi_reduction <maxsi>, %shift_right_logical3A_461, %reduce_max3A_462 [1] : vector<256x512xi32> to vector<256xi32>
      %broadcast_in_dim3A_464 = vector.shape_cast %reduce_max3A_463 : vector<256xi32> to vector<256x1xi32>
      %eq3A_465 = vector.broadcast %broadcast_in_dim3A_464 : vector<256x1xi32> to vector<256x512xi32>
      %eq3A_466 = arith.cmpi eq, %shift_right_logical3A_461, %eq3A_465 : vector<256x512xi32>
      %jit3A_467 = arith.constant 1073741824 : i32
      %broadcast_in_dim3A_468 = vector.broadcast %jit3A_467 : i32 to vector<256x512xi32>
      %select_n3A_469 = arith.select %eq3A_466, %add3A_247, %broadcast_in_dim3A_468 : vector<256x512xi1>, vector<256x512xi32>
      %reduce_min3A_470 = arith.constant dense<2147483647> : vector<256xi32>
      %reduce_min3A_471 = vector.multi_reduction <minsi>, %select_n3A_469, %reduce_min3A_470 [1] : vector<256x512xi32> to vector<256xi32>
      %broadcast_in_dim3A_472 = vector.shape_cast %reduce_min3A_471 : vector<256xi32> to vector<256x1xi32>
      %gt3A_473 = arith.cmpi sgt, %broadcast_in_dim3A_464, %scan3A_242 : vector<256x1xi32>
      %select_n3A_474 = arith.select %gt3A_473, %broadcast_in_dim3A_464, %scan3A_242 : vector<256x1xi1>, vector<256x1xi32>
      %select_n3A_475 = arith.select %gt3A_473, %broadcast_in_dim3A_472, %scan3A_243 : vector<256x1xi1>, vector<256x1xi32>
      scf.yield %select_n3A_474, %select_n3A_475 : vector<256x1xi32>, vector<256x1xi32>
    }
    %scan3A_13 = arith.constant 195 : i32
    %add3A_14 = arith.constant 99840 : i32
    %add3A_15 = vector.broadcast %add3A_14 : i32 to vector<256x512xi32>
    %add3A_16 = arith.addi %iota3A_1, %add3A_15 : vector<256x512xi32>
    %add3A_17 = arith.addi %mul3A_5, %add3A_16 : vector<256x512xi32>
    %add3A_18 = arith.constant 1 : i32
    %add3A_19 = vector.broadcast %add3A_18 : i32 to vector<256x512xi32>
    %add3A_20 = arith.addi %add3A_17, %add3A_19 : vector<256x512xi32>
    %shift_left3A = arith.constant 13 : i32
    %shift_left3A_21 = vector.broadcast %shift_left3A : i32 to vector<256x512xi32>
    %shift_left3A_22 = arith.shli %add3A_20, %shift_left3A_21 : vector<256x512xi32>
    %shift_right_logical3A = arith.constant 19 : i32
    %shift_right_logical3A_23 = vector.broadcast %shift_right_logical3A : i32 to vector<256x512xi32>
    %shift_right_logical3A_24 = arith.shrui %add3A_20, %shift_right_logical3A_23 : vector<256x512xi32>
    %or3A = arith.ori %shift_left3A_22, %shift_right_logical3A_24 : vector<256x512xi32>
    %xor3A = arith.xori %or3A, %add3A_20 : vector<256x512xi32>
    %add3A_25 = arith.addi %add3A_20, %xor3A : vector<256x512xi32>
    %shift_left3A_26 = arith.constant 15 : i32
    %shift_left3A_27 = vector.broadcast %shift_left3A_26 : i32 to vector<256x512xi32>
    %shift_left3A_28 = arith.shli %xor3A, %shift_left3A_27 : vector<256x512xi32>
    %shift_right_logical3A_29 = arith.constant 17 : i32
    %shift_right_logical3A_30 = vector.broadcast %shift_right_logical3A_29 : i32 to vector<256x512xi32>
    %shift_right_logical3A_31 = arith.shrui %xor3A, %shift_right_logical3A_30 : vector<256x512xi32>
    %or3A_32 = arith.ori %shift_left3A_28, %shift_right_logical3A_31 : vector<256x512xi32>
    %xor3A_33 = arith.xori %or3A_32, %add3A_25 : vector<256x512xi32>
    %add3A_34 = arith.addi %add3A_25, %xor3A_33 : vector<256x512xi32>
    %shift_left3A_35 = arith.constant 26 : i32
    %shift_left3A_36 = vector.broadcast %shift_left3A_35 : i32 to vector<256x512xi32>
    %shift_left3A_37 = arith.shli %xor3A_33, %shift_left3A_36 : vector<256x512xi32>
    %shift_right_logical3A_38 = arith.constant 6 : i32
    %shift_right_logical3A_39 = vector.broadcast %shift_right_logical3A_38 : i32 to vector<256x512xi32>
    %shift_right_logical3A_40 = arith.shrui %xor3A_33, %shift_right_logical3A_39 : vector<256x512xi32>
    %or3A_41 = arith.ori %shift_left3A_37, %shift_right_logical3A_40 : vector<256x512xi32>
    %xor3A_42 = arith.xori %or3A_41, %add3A_34 : vector<256x512xi32>
    %add3A_43 = arith.addi %add3A_34, %xor3A_42 : vector<256x512xi32>
    %shift_left3A_44 = arith.constant 6 : i32
    %shift_left3A_45 = vector.broadcast %shift_left3A_44 : i32 to vector<256x512xi32>
    %shift_left3A_46 = arith.shli %xor3A_42, %shift_left3A_45 : vector<256x512xi32>
    %shift_right_logical3A_47 = arith.constant 26 : i32
    %shift_right_logical3A_48 = vector.broadcast %shift_right_logical3A_47 : i32 to vector<256x512xi32>
    %shift_right_logical3A_49 = arith.shrui %xor3A_42, %shift_right_logical3A_48 : vector<256x512xi32>
    %or3A_50 = arith.ori %shift_left3A_46, %shift_right_logical3A_49 : vector<256x512xi32>
    %xor3A_51 = arith.xori %or3A_50, %add3A_43 : vector<256x512xi32>
    %add3A_52 = arith.constant 1 : i32
    %add3A_53 = vector.broadcast %add3A_52 : i32 to vector<256x512xi32>
    %add3A_54 = arith.addi %add3A_43, %add3A_53 : vector<256x512xi32>
    %add3A_55 = arith.constant 466688988 : i32
    %add3A_56 = vector.broadcast %add3A_55 : i32 to vector<256x512xi32>
    %add3A_57 = arith.addi %xor3A_51, %add3A_56 : vector<256x512xi32>
    %add3A_58 = arith.addi %add3A_54, %add3A_57 : vector<256x512xi32>
    %shift_left3A_59 = arith.constant 17 : i32
    %shift_left3A_60 = vector.broadcast %shift_left3A_59 : i32 to vector<256x512xi32>
    %shift_left3A_61 = arith.shli %add3A_57, %shift_left3A_60 : vector<256x512xi32>
    %shift_right_logical3A_62 = arith.constant 15 : i32
    %shift_right_logical3A_63 = vector.broadcast %shift_right_logical3A_62 : i32 to vector<256x512xi32>
    %shift_right_logical3A_64 = arith.shrui %add3A_57, %shift_right_logical3A_63 : vector<256x512xi32>
    %or3A_65 = arith.ori %shift_left3A_61, %shift_right_logical3A_64 : vector<256x512xi32>
    %xor3A_66 = arith.xori %or3A_65, %add3A_58 : vector<256x512xi32>
    %add3A_67 = arith.addi %add3A_58, %xor3A_66 : vector<256x512xi32>
    %shift_left3A_68 = arith.constant 29 : i32
    %shift_left3A_69 = vector.broadcast %shift_left3A_68 : i32 to vector<256x512xi32>
    %shift_left3A_70 = arith.shli %xor3A_66, %shift_left3A_69 : vector<256x512xi32>
    %shift_right_logical3A_71 = arith.constant 3 : i32
    %shift_right_logical3A_72 = vector.broadcast %shift_right_logical3A_71 : i32 to vector<256x512xi32>
    %shift_right_logical3A_73 = arith.shrui %xor3A_66, %shift_right_logical3A_72 : vector<256x512xi32>
    %or3A_74 = arith.ori %shift_left3A_70, %shift_right_logical3A_73 : vector<256x512xi32>
    %xor3A_75 = arith.xori %or3A_74, %add3A_67 : vector<256x512xi32>
    %add3A_76 = arith.addi %add3A_67, %xor3A_75 : vector<256x512xi32>
    %shift_left3A_77 = arith.constant 16 : i32
    %shift_left3A_78 = vector.broadcast %shift_left3A_77 : i32 to vector<256x512xi32>
    %shift_left3A_79 = arith.shli %xor3A_75, %shift_left3A_78 : vector<256x512xi32>
    %shift_right_logical3A_80 = arith.constant 16 : i32
    %shift_right_logical3A_81 = vector.broadcast %shift_right_logical3A_80 : i32 to vector<256x512xi32>
    %shift_right_logical3A_82 = arith.shrui %xor3A_75, %shift_right_logical3A_81 : vector<256x512xi32>
    %or3A_83 = arith.ori %shift_left3A_79, %shift_right_logical3A_82 : vector<256x512xi32>
    %xor3A_84 = arith.xori %or3A_83, %add3A_76 : vector<256x512xi32>
    %add3A_85 = arith.addi %add3A_76, %xor3A_84 : vector<256x512xi32>
    %shift_left3A_86 = arith.constant 24 : i32
    %shift_left3A_87 = vector.broadcast %shift_left3A_86 : i32 to vector<256x512xi32>
    %shift_left3A_88 = arith.shli %xor3A_84, %shift_left3A_87 : vector<256x512xi32>
    %shift_right_logical3A_89 = arith.constant 8 : i32
    %shift_right_logical3A_90 = vector.broadcast %shift_right_logical3A_89 : i32 to vector<256x512xi32>
    %shift_right_logical3A_91 = arith.shrui %xor3A_84, %shift_right_logical3A_90 : vector<256x512xi32>
    %or3A_92 = arith.ori %shift_left3A_88, %shift_right_logical3A_91 : vector<256x512xi32>
    %xor3A_93 = arith.xori %or3A_92, %add3A_85 : vector<256x512xi32>
    %add3A_94 = arith.constant 466688987 : i32
    %add3A_95 = vector.broadcast %add3A_94 : i32 to vector<256x512xi32>
    %add3A_96 = arith.addi %add3A_85, %add3A_95 : vector<256x512xi32>
    %add3A_97 = arith.constant 2 : i32
    %add3A_98 = vector.broadcast %add3A_97 : i32 to vector<256x512xi32>
    %add3A_99 = arith.addi %xor3A_93, %add3A_98 : vector<256x512xi32>
    %add3A_100 = arith.addi %add3A_96, %add3A_99 : vector<256x512xi32>
    %shift_left3A_101 = arith.constant 13 : i32
    %shift_left3A_102 = vector.broadcast %shift_left3A_101 : i32 to vector<256x512xi32>
    %shift_left3A_103 = arith.shli %add3A_99, %shift_left3A_102 : vector<256x512xi32>
    %shift_right_logical3A_104 = arith.constant 19 : i32
    %shift_right_logical3A_105 = vector.broadcast %shift_right_logical3A_104 : i32 to vector<256x512xi32>
    %shift_right_logical3A_106 = arith.shrui %add3A_99, %shift_right_logical3A_105 : vector<256x512xi32>
    %or3A_107 = arith.ori %shift_left3A_103, %shift_right_logical3A_106 : vector<256x512xi32>
    %xor3A_108 = arith.xori %or3A_107, %add3A_100 : vector<256x512xi32>
    %add3A_109 = arith.addi %add3A_100, %xor3A_108 : vector<256x512xi32>
    %shift_left3A_110 = arith.constant 15 : i32
    %shift_left3A_111 = vector.broadcast %shift_left3A_110 : i32 to vector<256x512xi32>
    %shift_left3A_112 = arith.shli %xor3A_108, %shift_left3A_111 : vector<256x512xi32>
    %shift_right_logical3A_113 = arith.constant 17 : i32
    %shift_right_logical3A_114 = vector.broadcast %shift_right_logical3A_113 : i32 to vector<256x512xi32>
    %shift_right_logical3A_115 = arith.shrui %xor3A_108, %shift_right_logical3A_114 : vector<256x512xi32>
    %or3A_116 = arith.ori %shift_left3A_112, %shift_right_logical3A_115 : vector<256x512xi32>
    %xor3A_117 = arith.xori %or3A_116, %add3A_109 : vector<256x512xi32>
    %add3A_118 = arith.addi %add3A_109, %xor3A_117 : vector<256x512xi32>
    %shift_left3A_119 = arith.constant 26 : i32
    %shift_left3A_120 = vector.broadcast %shift_left3A_119 : i32 to vector<256x512xi32>
    %shift_left3A_121 = arith.shli %xor3A_117, %shift_left3A_120 : vector<256x512xi32>
    %shift_right_logical3A_122 = arith.constant 6 : i32
    %shift_right_logical3A_123 = vector.broadcast %shift_right_logical3A_122 : i32 to vector<256x512xi32>
    %shift_right_logical3A_124 = arith.shrui %xor3A_117, %shift_right_logical3A_123 : vector<256x512xi32>
    %or3A_125 = arith.ori %shift_left3A_121, %shift_right_logical3A_124 : vector<256x512xi32>
    %xor3A_126 = arith.xori %or3A_125, %add3A_118 : vector<256x512xi32>
    %add3A_127 = arith.addi %add3A_118, %xor3A_126 : vector<256x512xi32>
    %shift_left3A_128 = arith.constant 6 : i32
    %shift_left3A_129 = vector.broadcast %shift_left3A_128 : i32 to vector<256x512xi32>
    %shift_left3A_130 = arith.shli %xor3A_126, %shift_left3A_129 : vector<256x512xi32>
    %shift_right_logical3A_131 = arith.constant 26 : i32
    %shift_right_logical3A_132 = vector.broadcast %shift_right_logical3A_131 : i32 to vector<256x512xi32>
    %shift_right_logical3A_133 = arith.shrui %xor3A_126, %shift_right_logical3A_132 : vector<256x512xi32>
    %or3A_134 = arith.ori %shift_left3A_130, %shift_right_logical3A_133 : vector<256x512xi32>
    %xor3A_135 = arith.xori %or3A_134, %add3A_127 : vector<256x512xi32>
    %add3A_136 = arith.constant 4 : i32
    %add3A_137 = vector.broadcast %add3A_136 : i32 to vector<256x512xi32>
    %add3A_138 = arith.addi %xor3A_135, %add3A_137 : vector<256x512xi32>
    %add3A_139 = arith.addi %add3A_127, %add3A_138 : vector<256x512xi32>
    %shift_left3A_140 = arith.constant 17 : i32
    %shift_left3A_141 = vector.broadcast %shift_left3A_140 : i32 to vector<256x512xi32>
    %shift_left3A_142 = arith.shli %add3A_138, %shift_left3A_141 : vector<256x512xi32>
    %shift_right_logical3A_143 = arith.constant 15 : i32
    %shift_right_logical3A_144 = vector.broadcast %shift_right_logical3A_143 : i32 to vector<256x512xi32>
    %shift_right_logical3A_145 = arith.shrui %add3A_138, %shift_right_logical3A_144 : vector<256x512xi32>
    %or3A_146 = arith.ori %shift_left3A_142, %shift_right_logical3A_145 : vector<256x512xi32>
    %xor3A_147 = arith.xori %or3A_146, %add3A_139 : vector<256x512xi32>
    %add3A_148 = arith.addi %add3A_139, %xor3A_147 : vector<256x512xi32>
    %shift_left3A_149 = arith.constant 29 : i32
    %shift_left3A_150 = vector.broadcast %shift_left3A_149 : i32 to vector<256x512xi32>
    %shift_left3A_151 = arith.shli %xor3A_147, %shift_left3A_150 : vector<256x512xi32>
    %shift_right_logical3A_152 = arith.constant 3 : i32
    %shift_right_logical3A_153 = vector.broadcast %shift_right_logical3A_152 : i32 to vector<256x512xi32>
    %shift_right_logical3A_154 = arith.shrui %xor3A_147, %shift_right_logical3A_153 : vector<256x512xi32>
    %or3A_155 = arith.ori %shift_left3A_151, %shift_right_logical3A_154 : vector<256x512xi32>
    %xor3A_156 = arith.xori %or3A_155, %add3A_148 : vector<256x512xi32>
    %add3A_157 = arith.addi %add3A_148, %xor3A_156 : vector<256x512xi32>
    %shift_left3A_158 = arith.constant 16 : i32
    %shift_left3A_159 = vector.broadcast %shift_left3A_158 : i32 to vector<256x512xi32>
    %shift_left3A_160 = arith.shli %xor3A_156, %shift_left3A_159 : vector<256x512xi32>
    %shift_right_logical3A_161 = arith.constant 16 : i32
    %shift_right_logical3A_162 = vector.broadcast %shift_right_logical3A_161 : i32 to vector<256x512xi32>
    %shift_right_logical3A_163 = arith.shrui %xor3A_156, %shift_right_logical3A_162 : vector<256x512xi32>
    %or3A_164 = arith.ori %shift_left3A_160, %shift_right_logical3A_163 : vector<256x512xi32>
    %xor3A_165 = arith.xori %or3A_164, %add3A_157 : vector<256x512xi32>
    %add3A_166 = arith.addi %add3A_157, %xor3A_165 : vector<256x512xi32>
    %shift_left3A_167 = arith.constant 24 : i32
    %shift_left3A_168 = vector.broadcast %shift_left3A_167 : i32 to vector<256x512xi32>
    %shift_left3A_169 = arith.shli %xor3A_165, %shift_left3A_168 : vector<256x512xi32>
    %shift_right_logical3A_170 = arith.constant 8 : i32
    %shift_right_logical3A_171 = vector.broadcast %shift_right_logical3A_170 : i32 to vector<256x512xi32>
    %shift_right_logical3A_172 = arith.shrui %xor3A_165, %shift_right_logical3A_171 : vector<256x512xi32>
    %or3A_173 = arith.ori %shift_left3A_169, %shift_right_logical3A_172 : vector<256x512xi32>
    %xor3A_174 = arith.xori %or3A_173, %add3A_166 : vector<256x512xi32>
    %add3A_175 = arith.constant 1 : i32
    %add3A_176 = vector.broadcast %add3A_175 : i32 to vector<256x512xi32>
    %add3A_177 = arith.addi %add3A_166, %add3A_176 : vector<256x512xi32>
    %add3A_178 = arith.constant 466688991 : i32
    %add3A_179 = vector.broadcast %add3A_178 : i32 to vector<256x512xi32>
    %add3A_180 = arith.addi %xor3A_174, %add3A_179 : vector<256x512xi32>
    %add3A_181 = arith.addi %add3A_177, %add3A_180 : vector<256x512xi32>
    %shift_left3A_182 = arith.constant 13 : i32
    %shift_left3A_183 = vector.broadcast %shift_left3A_182 : i32 to vector<256x512xi32>
    %shift_left3A_184 = arith.shli %add3A_180, %shift_left3A_183 : vector<256x512xi32>
    %shift_right_logical3A_185 = arith.constant 19 : i32
    %shift_right_logical3A_186 = vector.broadcast %shift_right_logical3A_185 : i32 to vector<256x512xi32>
    %shift_right_logical3A_187 = arith.shrui %add3A_180, %shift_right_logical3A_186 : vector<256x512xi32>
    %or3A_188 = arith.ori %shift_left3A_184, %shift_right_logical3A_187 : vector<256x512xi32>
    %xor3A_189 = arith.xori %or3A_188, %add3A_181 : vector<256x512xi32>
    %add3A_190 = arith.addi %add3A_181, %xor3A_189 : vector<256x512xi32>
    %shift_left3A_191 = arith.constant 15 : i32
    %shift_left3A_192 = vector.broadcast %shift_left3A_191 : i32 to vector<256x512xi32>
    %shift_left3A_193 = arith.shli %xor3A_189, %shift_left3A_192 : vector<256x512xi32>
    %shift_right_logical3A_194 = arith.constant 17 : i32
    %shift_right_logical3A_195 = vector.broadcast %shift_right_logical3A_194 : i32 to vector<256x512xi32>
    %shift_right_logical3A_196 = arith.shrui %xor3A_189, %shift_right_logical3A_195 : vector<256x512xi32>
    %or3A_197 = arith.ori %shift_left3A_193, %shift_right_logical3A_196 : vector<256x512xi32>
    %xor3A_198 = arith.xori %or3A_197, %add3A_190 : vector<256x512xi32>
    %add3A_199 = arith.addi %add3A_190, %xor3A_198 : vector<256x512xi32>
    %shift_left3A_200 = arith.constant 26 : i32
    %shift_left3A_201 = vector.broadcast %shift_left3A_200 : i32 to vector<256x512xi32>
    %shift_left3A_202 = arith.shli %xor3A_198, %shift_left3A_201 : vector<256x512xi32>
    %shift_right_logical3A_203 = arith.constant 6 : i32
    %shift_right_logical3A_204 = vector.broadcast %shift_right_logical3A_203 : i32 to vector<256x512xi32>
    %shift_right_logical3A_205 = arith.shrui %xor3A_198, %shift_right_logical3A_204 : vector<256x512xi32>
    %or3A_206 = arith.ori %shift_left3A_202, %shift_right_logical3A_205 : vector<256x512xi32>
    %xor3A_207 = arith.xori %or3A_206, %add3A_199 : vector<256x512xi32>
    %add3A_208 = arith.addi %add3A_199, %xor3A_207 : vector<256x512xi32>
    %shift_left3A_209 = arith.constant 6 : i32
    %shift_left3A_210 = vector.broadcast %shift_left3A_209 : i32 to vector<256x512xi32>
    %shift_left3A_211 = arith.shli %xor3A_207, %shift_left3A_210 : vector<256x512xi32>
    %shift_right_logical3A_212 = arith.constant 26 : i32
    %shift_right_logical3A_213 = vector.broadcast %shift_right_logical3A_212 : i32 to vector<256x512xi32>
    %shift_right_logical3A_214 = arith.shrui %xor3A_207, %shift_right_logical3A_213 : vector<256x512xi32>
    %or3A_215 = arith.ori %shift_left3A_211, %shift_right_logical3A_214 : vector<256x512xi32>
    %xor3A_216 = arith.xori %or3A_215, %add3A_208 : vector<256x512xi32>
    %add3A_217 = arith.constant 466688987 : i32
    %add3A_218 = vector.broadcast %add3A_217 : i32 to vector<256x512xi32>
    %add3A_219 = arith.addi %add3A_208, %add3A_218 : vector<256x512xi32>
    %add3A_220 = arith.constant 5 : i32
    %add3A_221 = vector.broadcast %add3A_220 : i32 to vector<256x512xi32>
    %add3A_222 = arith.addi %xor3A_216, %add3A_221 : vector<256x512xi32>
    %xor3A_223 = arith.xori %add3A_219, %add3A_222 : vector<256x512xi32>
    %shift_right_logical3A_224 = arith.constant 9 : i32
    %shift_right_logical3A_225 = vector.broadcast %shift_right_logical3A_224 : i32 to vector<256x512xi32>
    %shift_right_logical3A_226 = arith.shrui %xor3A_223, %shift_right_logical3A_225 : vector<256x512xi32>
    %lt3A = arith.constant 100000 : i32
    %lt3A_227 = vector.broadcast %lt3A : i32 to vector<256x512xi32>
    %lt3A_228 = arith.cmpi slt, %add3A_16, %lt3A_227 : vector<256x512xi32>
    %jit3A = arith.constant -1 : i32
    %broadcast_in_dim3A_229 = vector.broadcast %jit3A : i32 to vector<256x512xi32>
    %select_n3A = arith.select %lt3A_228, %shift_right_logical3A_226, %broadcast_in_dim3A_229 : vector<256x512xi1>, vector<256x512xi32>
    %reduce_max3A = arith.constant dense<-2147483648> : vector<256xi32>
    %reduce_max3A_230 = vector.multi_reduction <maxsi>, %select_n3A, %reduce_max3A [1] : vector<256x512xi32> to vector<256xi32>
    %broadcast_in_dim3A_231 = vector.shape_cast %reduce_max3A_230 : vector<256xi32> to vector<256x1xi32>
    %eq3A = vector.broadcast %broadcast_in_dim3A_231 : vector<256x1xi32> to vector<256x512xi32>
    %eq3A_232 = arith.cmpi eq, %select_n3A, %eq3A : vector<256x512xi32>
    %jit3A_233 = arith.constant 1073741824 : i32
    %broadcast_in_dim3A_234 = vector.broadcast %jit3A_233 : i32 to vector<256x512xi32>
    %select_n3A_235 = arith.select %eq3A_232, %add3A_16, %broadcast_in_dim3A_234 : vector<256x512xi1>, vector<256x512xi32>
    %reduce_min3A = arith.constant dense<2147483647> : vector<256xi32>
    %reduce_min3A_236 = vector.multi_reduction <minsi>, %select_n3A_235, %reduce_min3A [1] : vector<256x512xi32> to vector<256xi32>
    %broadcast_in_dim3A_237 = vector.shape_cast %reduce_min3A_236 : vector<256xi32> to vector<256x1xi32>
    %gt3A = arith.cmpi sgt, %broadcast_in_dim3A_231, %scan3A_12#0 : vector<256x1xi32>
    %select_n3A_238 = arith.select %gt3A, %broadcast_in_dim3A_237, %scan3A_12#1 : vector<256x1xi1>, vector<256x1xi32>
    %swap3A = arith.constant 0 : index
    %swap3A_239 = arith.constant 0 : index
    %swap3A_240 = vector.load %arg1[%swap3A, %swap3A_239] : memref<256x1xi32, #tpu.memory_space<vmem>>, vector<256x1xi32>
    tpu.vector_store %arg1[%swap3A, %swap3A_239], %select_n3A_238 {strides = array<i32>} : memref<256x1xi32, #tpu.memory_space<vmem>>, vector<256x1xi32>,
    return
  }
  func.func @transform_0(%arg0: i32) -> (i32, i32) {
    %c0_i32 = arith.constant 0 : i32
    %c0_i32_0 = arith.constant 0 : i32
    return %arg0, %c0_i32 : i32, i32
  }
}

</mosaic_0001>

<sc_bundles>
// kernel: kernel.12.cloned.1.call-start
scs
__scs_entry_jumppad:
0x0: {  	(pc) =	sbr.rel $0x88, $3  }
0x1: {  	(tag) =	ssettag $0x0;
	lr =	simm.s32 $0x1  }
0x2: {  	[smem:$0x3F9D] =	sst lr;
	_ =	strace $0xD0000000  }
0x3: {  	_ = 	snop  }
0x4: {  	_ = 	snop  }
0x5: {  	_ = 	snop  }
0x6: {  	_ = 	snop  }
0x7: {  	_ = 	snop  }
__scs_overlays_trampoline_lowered:
0x8: {  	[smem:$0x3FAC] =	sst s0  }
0x9: {  	[smem:$0x3FAD] =	sst s1  }
0xa: {  	[smem:$0x3FAE] =	sst s2  }
0xb: {  	[smem:$0x3FAF] =	sst s3  }
0xc: {  	[smem:$0x3FB0] =	sst s4  }
0xd: {  	[smem:$0x3FB1] =	sst s5  }
0xe: {  	[smem:$0x3FB2] =	sst s6  }
0xf: {  	[smem:$0x3FB3] =	sst s7  }
0x10: {  	[smem:$0x3FB4] =	sst s8  }
0x11: {  	[smem:$0x3FB5] =	sst s9;
	s0 =	simm.s32 @!p0 $0x0  }
0x12: {  	s1 =	sld [smem:$0x3F9B];
	s0 =	simm.s32 @p0 $0x1  }
0x13: {  	[smem:$0x3FB6] =	sst s0;
	s0 =	simm.s32 @!p1 $0x0  }
0x14: {  	s2 =	sld [smem:$0x3F9A];
	s0 =	simm.s32 @p1 $0x1  }
0x15: {  	[smem:$0x3FB7] =	sst s0;
	s0 =	simm.s32 @!p2 $0x0  }
0x16: {  	s3 =	sld [smem:$0x3FDB];
	s0 =	simm.s32 @p2 $0x1  }
0x17: {  	s4 =	simm.s32 $0x1BF5;
	[smem:$0x3FB9] =	sst s0  }
0x18: {  	s0 =	sld [smem:$0x3F9C];
	_ =	swait.ge [sflag:s4], $0x0  }
0x19: {  	s7 =	sld [smem:$0x3F9D]  }
0x1a: {  	s8 =	sadd.s32 $0xFFFFE003, lr  }
0x1b: {  	s9 =	sadd.s32 $0xFFFFFEF7, lr;
	s5 =	simm.s32 $0xFFFFFFFF;
	p2 =	slt.u32 s8, $0xFFFFF086  }
0x1c: {  	p1 =	slt.u32 s9, $0xF7A;
	s5 =	simm.s32 @!p2 $0x0  }
0x1d: {  	s5 =	simm.s32 @p1 $0x1;
	p0 =	seq.s32 s7, s2  }
0x1e: {  	s7 =	smul.u32 @!p0 $0xF7A, s2;
	p2 =	seq.s32 @!p0 s5, $0x0  }
0x1f: {  	s9 =	smul.u32 $0xF7A, s1;
	s8 =	simm.s32 @!p0 $0x1BF5;
	p2 =	por !p2, p0  }
0x20: {  	[sflag:s8] =	ssyncset.s32 @!p0 $0xFFFFF086;
	s6 =	sadd.s32 @!p0 s3, s7;
	s7 =	simm.s32 @!p0 $0x108  }
0x21: {  	s3 =	sadd.s32 s3, s9;
	s6 =	sadd.s32 @!p0 $0x88, s6;
	s7 =	simm.s32 @p2 $0x1082  }
0x22: {  	[simem:s7], [sflag:s8] =	dma.local @!p0 [hbm:s6], $0xF7A  }
0x23: {  	s9 =	sor.u32 $0xD0000000, s2;
	s6 =	simm.s32 $0x108;
	_ =	swait.ge @!p0 [sflag:s8], $0x0  }
0x24: {  	s3 =	sadd.s32 $0x88, s3;
	s6 =	simm.s32 @!p1 $0x1082;
	[sflag:s4] =	ssyncset.s32 $0xFFFFF086  }
0x25: {  	[simem:s6], [sflag:s4] =	dma.local [hbm:s3], $0xF7A  }
0x26: {  	[smem:$0x3F9D] =	sst s1;
	(tag) =	ssettag s2;
	_ =	strace s9  }
0x27: {  	s1 =	sld [smem:$0x3FAD]  }
0x28: {  	s2 =	sld [smem:$0x3FAE]  }
0x29: {  	s4 =	sld [smem:$0x3FB0]  }
0x2a: {  	p0 =	seq.s32 s5, $0x0;
	s5 =	sld [smem:$0x3FB1]  }
0x2b: {  	s6 =	sld [smem:$0x3FB2]  }
0x2c: {  	s7 =	sld [smem:$0x3FB3]  }
0x2d: {  	s3 =	simm.s32 $0x108;
	s8 =	sld [smem:$0x3FB4]  }
0x2e: {  	s3 =	simm.s32 @!p0 $0x1082;
	s9 =	sld [smem:$0x3FB5]  }
0x2f: {  	lr =	sadd.s32 s0, s3;
	s0 =	sld [smem:$0x3FAC]  }
0x30: {  	s3 =	sld [smem:$0x3FAF]  }
0x31: {  	[smem:$0x3FB8] =	sst s10  }
0x32: {  	s10 =	sld [smem:$0x3FB6];
	_ =	sdelay $0x3  }
0x33: {  	p0 =	seq.s32 s10, $0x1;
	s10 =	sld [smem:$0x3FB8];
	_ =	sdelay $0x3  }
0x34: {  	[smem:$0x3FB8] =	sst s10  }
0x35: {  	s10 =	sld [smem:$0x3FB7];
	_ =	sdelay $0x3  }
0x36: {  	p1 =	seq.s32 s10, $0x1;
	s10 =	sld [smem:$0x3FB8];
	_ =	sdelay $0x3  }
0x37: {  	[smem:$0x3FB8] =	sst s10  }
0x38: {  	s10 =	sld [smem:$0x3FB9]  }
0x39: {  	_ = 	snop;
	(pc) =	sbr.ind lr, $3  }
0x3a: {  	_ = 	snop  }
0x3b: {  	_ = 	snop  }
0x3c: {  	p2 =	seq.s32 s10, $0x1;
	s10 =	sld [smem:$0x3FB8]  }
0x3d: {  	_ =	shalt  }
0x3e: {  	_ =	shalt  }
0x3f: {  	_ =	shalt  }
0x40: {  	_ =	shalt  }
0x41: {  	_ =	shalt  }
0x42: {  	_ =	shalt  }
0x43: {  	_ =	shalt  }
0x44: {  	_ =	shalt  }
0x45: {  	_ =	shalt  }
0x46: {  	_ =	shalt  }
0x47: {  	_ =	shalt  }
0x48: {  	_ =	shalt  }
0x49: {  	_ =	shalt  }
0x4a: {  	_ =	shalt  }
0x4b: {  	_ =	shalt  }
0x4c: {  	_ =	shalt  }
0x4d: {  	_ =	shalt  }
0x4e: {  	_ =	shalt  }
0x4f: {  	_ =	shalt  }
0x50: {  	_ =	shalt  }
0x51: {  	_ =	shalt  }
0x52: {  	_ =	shalt  }
0x53: {  	_ =	shalt  }
0x54: {  	_ =	shalt  }
0x55: {  	_ =	shalt  }
0x56: {  	_ =	shalt  }
0x57: {  	_ =	shalt  }
0x58: {  	_ =	shalt  }
0x59: {  	_ =	shalt  }
0x5a: {  	_ =	shalt  }
0x5b: {  	_ =	shalt  }
0x5c: {  	_ =	shalt  }
0x5d: {  	_ =	shalt  }
0x5e: {  	_ =	shalt  }
0x5f: {  	_ =	shalt  }
0x60: {  	_ =	shalt  }
0x61: {  	_ =	shalt  }
0x62: {  	_ =	shalt  }
0x63: {  	_ =	shalt  }
0x64: {  	_ =	shalt  }
0x65: {  	_ =	shalt  }
0x66: {  	_ =	shalt  }
0x67: {  	_ =	shalt  }
0x68: {  	_ =	shalt  }
0x69: {  	_ =	shalt  }
0x6a: {  	_ =	shalt  }
0x6b: {  	_ =	shalt  }
0x6c: {  	_ =	shalt  }
0x6d: {  	_ =	shalt  }
0x6e: {  	_ =	shalt  }
0x6f: {  	_ =	shalt  }
0x70: {  	_ =	shalt  }
0x71: {  	_ =	shalt  }
0x72: {  	_ =	shalt  }
0x73: {  	_ =	shalt  }
0x74: {  	_ =	shalt  }
0x75: {  	_ =	shalt  }
0x76: {  	_ =	shalt  }
0x77: {  	_ =	shalt  }
0x78: {  	_ =	shalt  }
0x79: {  	_ =	shalt  }
0x7a: {  	_ =	shalt  }
0x7b: {  	_ =	shalt  }
0x7c: {  	_ =	shalt  }
0x7d: {  	_ =	shalt  }
0x7e: {  	_ =	shalt  }
0x7f: {  	_ =	shalt  }
0x80: {  	_ =	shalt  }
0x81: {  	_ =	shalt  }
0x82: {  	_ =	shalt  }
0x83: {  	_ =	shalt  }
0x84: {  	_ =	shalt  }
0x85: {  	_ =	shalt  }
0x86: {  	_ =	shalt  }
0x87: {  	_ =	shalt  }
.Lfunc_end0:
.L_simem_size_0:
called_computation.3_lowered:
.L_overlay_start_0:
0x88: {  	s2 =	sld [smem:$0x3FD9]  }
0x89: {  	s3 =	sld [smem:$0x3FFE];
	_ =	sdelay $0x1  }
0x8a: {  	s1 =	srdreg.scid  }
0x8b: {  	s0 =	sand.u32 $0x1, s1  }
0x8c: {  	s15 =	sshll.u32 s0, $0xA;
	s2 =	sadd.s32 s3, s2  }
0x8d: {  	s2 =	sadd.s32 s2, s15  }
0x8e: {  	[smem:$0x3FC4] =	sst s2  }
0x8f: {  	_ = 	snop  }
0x90: {  	s2 =	sld [smem:$0x3FD0];
	_ =	sdelay $0x2  }
0x91: {  	s16 =	simm.s32 $0xB;
	s4 =	simm.s32 $0x10  }
0x92: {  	[smem:s4], [sflag:s16] =	dma.local [hbm:s2], $0x1  }
0x93: {  	_ =	swait.eq [sflag:s16], $0x1  }
0x94: {  	[sflag:s16] =	ssyncset.done $0x0  }
0x95: {  	[sflag:s16] =	ssyncadd.s32 $0xFFFFFFFF  }
0x96: {  	s17 =	sld [smem:$0x11];
	(tm) =	ssettm $0x1  }
0x97: {  	s18 =	sld [smem:$0x3FFB];
	_ =	sdelay $0x3  }
0x98: {  	_ =	strace s18  }
0x99: {  	s2 =	sld [smem:$0x3FFC];
	_ =	sdelay $0x3  }
0x9a: {  	_ =	strace s2  }
0x9b: {  	s2 =	sld [smem:$0x3FFD];
	_ =	sdelay $0x3  }
0x9c: {  	_ =	strace s2  }
0x9d: {  	_ =	strace $0x8FFFFFFF  }
0x9e: {  	s19 =	sld [smem:$0x3FDB];
	_ =	sdelay $0x1  }
0x9f: {  	s20 =	simm.s32 $_scs_section_size  }
0xa0: {  	s5 =	simm.s32 $_size__tile_overlayer_lowered;
	s6 =	simm.s32 $_tile_overlayer_lowered  }
0xa1: {  	s7 =	simm.s32 $0x1BFF;
	s21 =	sshll.u32 s6, $0x1;
	s4 =	sadd.s32 s20, s19  }
0xa2: {  	s22 =	simm.s32 $0x0;
	s5 =	sshll.u32 s5, $0x1;
	s6 =	sadd.s32 s21, s4  }
0xa3: {  	[timem:s22], [sflag:s7] =	dma.local [hbm:s6], s5  }
0xa4: {  	_ =	swait.ge [sflag:s7], s5  }
0xa5: {  	s5 =	ssub.s32 $0x0, s5;
	[sflag:s7] =	ssyncset.done $0x0  }
0xa6: {  	[sflag:s7] =	ssyncadd.s32 s5;
	_ =	sdelay $0x1  }
0xa7: {  	s23 =	simm.s32 $0x1B8B  }
0xa8: {  	_ =	swait.ge [sflag:s23], $0x1  }
0xa9: {  	[sflag:s23] =	ssyncset.done $0x0  }
0xaa: {  	[sflag:s23] =	ssyncadd.s32 $0xFFFFFFFF  }
0xab: {  	s5 =	sld [smem:$0x0]  }
0xac: {  	s6 =	sand.u32 $0xFFFFFFFE, s1  }
0xad: {  	p0 =	sne.s32 s1, s6  }
0xae: {  	s6 =	sshll.u32 @p0 s6, $0xE  }
0xaf: {  	s6 =	sadd.s32 @p0 $0x11B8D, s6;
	s7 =	sshll.u32 @p0 s5, $0x11  }
0xb0: {  	s6 =	sor.u32 @p0 s7, s6  }
0xb1: {  	[sflag:s6] =	ssyncadd.remote.s32 @p0 $0x1;
	_ =	sdelay $0x1  }
0xb2: {  	s6 =	simm.s32 @p0 $0x1B8D  }
0xb3: {  	_ =	swait.eq @p0 [sflag:s6], $0x1  }
0xb4: {  	[sflag:s6] =	ssyncadd.s32 @p0 $0xFFFFFFFF  }
0xb5: {  	s7 =	sshll.u32 @!p0 s1, $0xE  }
0xb6: {  	s7 =	sor.u32 @!p0 $0x4000, s7;
	s6 =	simm.s32 @!p0 $0x1B8D  }
0xb7: {  	s5 =	sshll.u32 @!p0 s5, $0x11;
	s7 =	sadd.s32 @!p0 $0x11B8D, s7;
	_ =	swait.eq @!p0 [sflag:s6], $0x1  }
0xb8: {  	s5 =	sor.u32 @!p0 s5, s7;
	[sflag:s6] =	ssyncadd.s32 @!p0 $0xFFFFFFFF  }
0xb9: {  	s25 =	simm.s32 $0x1B8E;
	s24 =	sld [smem:$0x3FFE];
	[sflag:s5] =	ssyncadd.remote.s32 @!p0 $0x1  }
0xba: {  	s26 =	simm.s32 $execute0_lowered;
	[smem:$0x3FD2] =	sst s25  }
0xbb: {  	s6 =	sshll.u32 s26, $0x1;
	_ =	strace $0x8000004C;
	[dreg:$0x1] =	wrdreg $0xFFFFFFFF  }
0xbc: {  	s28 =	simm.s32 $_size_execute0_lowered;
	s4 =	sadd.s32 s4, s6;
	[dreg:$0x0] =	wrdreg $0x0  }
0xbd: {  	s6 =	sshll.u32 s28, $0x1;
	[dreg:$0x2] =	wrdreg s4  }
0xbe: {  	[dreg:$0x3] =	wrdreg s6  }
0xbf: {  	[dreg:$0x4] =	wrdreg $0xC0  }
0xc0: {  	_ =	task [dreg:s22], $0x5FFFF  }
0xc1: {  	[dreg:$0x1] =	wrdreg $0xFFFFFFFF  }
0xc2: {  	[dreg:$0x0] =	wrdreg $0x60  }
0xc3: {  	[dreg:$0x2] =	wrdreg s24  }
0xc4: {  	[dreg:$0x3] =	wrdreg s17  }
0xc5: {  	[dreg:$0x4] =	wrdreg $0xA  }
0xc6: {  	_ =	task.clear_ibuf [dreg:s22], $0x5FFFF;
	_ =	strace $0x9000004C  }
0xc7: {  	s29 =	simm.s32 $0xA;
	_ =	strace $0x8000004E  }
0xc8: {  	_ =	swait.ge [sflag:s29], $0x1  }
0xc9: {  	[sflag:s29] =	ssyncadd.s32 $0xFFFFFFFF  }
0xca: {  	_ =	strace $0x9000004E  }
0xcb: {  	_ =	sfence  }
0xcc: {  	s30 =	sld [smem:$0x0];
	_ =	sdelay $0x2  }
0xcd: {  	s31 =	sshll.u32 s1, $0xD;
	s1 =	sshrl.u32 s1, $0x2  }
0xce: {  	s4 =	sand.u32 $0x4000, s31;
	s1 =	sadd.s32 s1, s30  }
0xcf: {  	s0 =	sor.u32 s4, s0;
	s1 =	sshll.u32 s1, $0x11  }
0xd0: {  	s0 =	sor.u32 s1, s0  }
0xd1: {  	s0 =	sadd.s32 $0x8F2B, s0  }
0xd2: {  	[sflag:s0] =	ssyncadd.remote.s32 $0x1  }
0xd3: {  	_ =	sfence.sel $0xFFFF  }
0xd4: {  	[dreg:$0x0] =	wrdreg $0xFFFFFFFF;
	(pc) =	sbr.abs _section_cstart, $3  }
0xd5: {  	[dreg:$0x1] =	wrdreg $0xFFFFFFFF  }
0xd6: {  	_ =	task.clear_ibuf [dreg:s22], $0x2FFFF;
	_ =	strace $0x9FFFFFFF  }
0xd7: {  	(tm) =	ssettm $0x7FFFFFFF  }
tec
execute0_lowered:
.L_overlay_start_1:
0x0: {  	(tag) =	ssettag $0x1  }
0x1: {  	s1 =	srdreg.scid;
	s4 =	rddreg [dreg:$0x0]  }
0x2: {  	s0 =	stileid.u32;
	s8 =	rddreg [dreg:$0x1];
	v0 =	vlaneseq.u32;
	vm0 =	vcmask $0x300;
	v5 =	vimm.s32 $0x0  }
0x3: {  	s2 =	simm.s32 $0x0;
	vm5 =	vcmask $0x704;
	vm6 =	vcmask $0xB08;
	vm7 =	vcmask $0xF0C;
	s11 =	simm.s32 $0x280;
	s12 =	simm.s32 $0x480  }
0x4: {  	vm8 =	vcmask $0x1310;
	vm9 =	vcmask $0x1714;
	vm10 =	vcmask $0x1B18;
	s13 =	simm.s32 $0x300;
	s14 =	simm.s32 $0x500;
	s15 =	simm.s32 $0x380  }
0x5: {  	vm11 =	vcmask $0x1F1C;
	vm12 =	vcmask $0x2320;
	vm13 =	vcmask $0x2724;
	s16 =	simm.s32 $0x580;
	s7 =	sand.u32 $0x1, s1;
	s31 =	sshll.u32 s0, $0x1  }
0x6: {  	vm14 =	vcmask $0x2B28;
	s18 =	simm.s32 $0x780;
	[smem:$0x7FF] =	sst s2;
	v0 =	vmul.u32 $0x186A0, v0;
	v8 =	vsel vm0, $0x1B77400, v5;
	s6 =	sor.u32 s7, s31  }
0x7: {  	vm15 =	vcmask $0x2F2C;
	s1 =	rddreg [dreg:$0x2];
	_ =	strace $0x8000004D;
	v9 =	vsel vm5, $0x1B8FAA0, v8;
	s5 =	smul.u32 $0x14, s6  }
0x8: {  	v1 =	vadd.s32 $0x186A00, v0;
	v2 =	vadd.s32 $0x30D400, v0;
	v10 =	vsel vm6, $0x1BA8140, v9  }
0x9: {  	s3 =	sadd.s32 $0x5C800, s4;
	v3 =	vadd.s32 $0x493E00, v0;
	s9 =	smul.u32 $0x1770, s6;
	v11 =	vsel vm7, $0x1BC07E0, v10  }
0xa: {  	v4 =	vadd.s32 $0x61A800, v0;
	v6 =	vadd.s32 $0x7A1200, v0;
	v12 =	vsel vm8, $0x1BD8E80, v11  }
0xb: {  	v7 =	vadd.s32 $0x927C00, v0;
	v8 =	vadd.s32 $0xAAE600, v0;
	v13 =	vsel vm9, $0x1BF1520, v12  }
0xc: {  	s6 =	simm.s32 $0x600;
	v9 =	vadd.s32 $0xDBBA00, v0;
	v17 =	vadd.s32 $0x186A000, v0;
	v14 =	vsel vm10, $0x1C09BC0, v13  }
0xd: {  	v18 =	vadd.s32 $0x19F0A00, v0;
	v10 =	vadd.s32 $0xF42400, v0;
	v15 =	vsel vm11, $0x1C22260, v14  }
0xe: {  	s7 =	ssub.s32 $0x2, s7;
	s5 =	sadd.s32 s5, s4;
	s4 =	sadd.s32 $0x3F0200, s4;
	v11 =	vadd.s32 $0x10C8E00, v0;
	v16 =	vsel vm12, $0x1C3A900, v15  }
0xf: {  	s17 =	simm.s32 $0x1;
	s10 =	sshrl.u32 s7, $0x1;
	s5 =	sadd.s32 $0x3F0400, s5;
	v12 =	vadd.s32 $0x124F800, v0;
	v16 =	vsel vm13, $0x1C52FA0, v16  }
0x10: {  	s19 =	simm.s32 $0x0;
	s10 =	ssub.s32 s7, s10;
	s7 =	sadd.s32 s8, s9;
	v13 =	vadd.s32 $0x13D6200, v0;
	v14 =	vadd.s32 $0x155CC00, v0;
	v19 =	vsel vm14, $0x1C6B640, v16  }
0x11: {  	s8 =	smax.u32 s10, $0x1;
	s9 =	simm.s32 $0x2;
	s10 =	simm.s32 $0x80;
	v15 =	vadd.s32 $0x16E3600, v0;
	v16 =	vadd.s32 $0xC35000, v0;
	v19 =	vsel vm15, $0x1C83CE0, v19  }
.LBB2_1:
0x12: {  	[tilespmem:s2], [sflag:$0x2] =	stream.linear.gather [hbm4b:s5+s2], $0xA0, $0x38;
	[tilespmem:$0xC380] =	vst v63  }
0x13: {  	_ =	swait.ge [sflag:s9], $0xA0  }
0x14: {  	[sflag:s9] =	ssyncset.done $0x0  }
0x15: {  	[sflag:s9] =	ssyncadd.s32 $0xFFFFFF60  }
0x16: {  	[tilespmem:s6], [sflag:$0x2] =	stream.linear.gather [hbm4b:s4+s2], $0x180, $0x38;
	[tilespmem:$0xC380] =	vst v63  }
0x17: {  	_ =	swait.ge [sflag:s9], $0x180  }
0x18: {  	[sflag:s9] =	ssyncset.done $0x0  }
0x19: {  	[sflag:s9] =	ssyncadd.s32 $0xFFFFFE80  }
0x1a: {  	[tilespmem:$0x100] =	vst v0  }
0x1b: {  	[tilespmem:$0x110] =	vst v1  }
0x1c: {  	[tilespmem:$0x120] =	vst v2  }
0x1d: {  	[tilespmem:$0x130] =	vst v3  }
0x1e: {  	[tilespmem:$0x140] =	vst v4  }
0x1f: {  	[tilespmem:$0x150] =	vst v6  }
0x20: {  	[tilespmem:$0x160] =	vst v7  }
0x21: {  	[tilespmem:$0x170] =	vst v8  }
0x22: {  	[tilespmem:$0x180] =	vst v16  }
0x23: {  	[tilespmem:$0x190] =	vst v9  }
0x24: {  	[tilespmem:$0x1A0] =	vst v10  }
0x25: {  	[tilespmem:$0x1B0] =	vst v11  }
0x26: {  	[tilespmem:$0x1C0] =	vst v12  }
0x27: {  	[tilespmem:$0x1D0] =	vst v13  }
0x28: {  	[tilespmem:$0x1E0] =	vst v14  }
0x29: {  	[tilespmem:$0x1F0] =	vst v15  }
0x2a: {  	[tilespmem:$0x200] =	vst v17  }
0x2b: {  	[tilespmem:$0x210] =	vst v18  }
0x2c: {  	[tilespmem:$0x220] =	vst v19  }
0x2d: {  	[tilespmem:$0x230] =	vst v5  }
0x2e: {  	[tilespmem:$0x240] =	vst v5  }
0x2f: {  	[tilespmem:$0x250] =	vst v5  }
0x30: {  	[tilespmem:$0x260] =	vst v5  }
0x31: {  	[tilespmem:$0x270] =	vst v5  }
0x32: {  	v20 =	vld.msk [tilespmem:s2+$0x0 ss:$0x0], $0xffff  }
0x33: {  	v21 =	vld [tilespmem:$0x1A0]  }
0x34: {  	v22 =	vld [tilespmem:$0x190]  }
0x35: {  	v54 =	vld [tilespmem:$0x150]  }
0x36: {  	v58 =	vld [tilespmem:$0x240]  }
0x37: {  	v23 =	vld [tilespmem:$0x1E0]  }
0x38: {  	v24 =	vld [tilespmem:$0x170];
	v21 =	vadd.s32 v20, v21  }
0x39: {  	v25 =	vld [tilespmem:$0x140];
	v22 =	vadd.s32 v20, v22;
	[tilespmem:$0x320] =	vst v21  }
0x3a: {  	v26 =	vld [tilespmem:$0x270];
	v57 =	vadd.s32 v20, v54;
	[tilespmem:$0x310] =	vst v22  }
0x3b: {  	v27 =	vld [tilespmem:$0x1F0];
	v61 =	vadd.s32 v20, v58;
	[tilespmem:$0x2D0] =	vst v57  }
0x3c: {  	v59 =	vld [tilespmem:$0x210];
	v21 =	vadd.s32 v20, v23;
	[tilespmem:$0x3C0] =	vst v61  }
0x3d: {  	v23 =	vld [tilespmem:$0x120];
	v22 =	vadd.s32 v20, v24;
	[tilespmem:$0x360] =	vst v21  }
0x3e: {  	v51 =	vld [tilespmem:$0x1D0];
	v21 =	vadd.s32 v20, v25;
	[tilespmem:$0x2F0] =	vst v22  }
0x3f: {  	v52 =	vld [tilespmem:$0x250];
	v22 =	vadd.s32 v20, v26;
	[tilespmem:$0x2C0] =	vst v21  }
0x40: {  	v21 =	vadd.s32 v20, v27;
	[tilespmem:$0x3F0] =	vst v22;
	v22 =	vld [tilespmem:$0x1C0]  }
0x41: {  	v63 =	vadd.s32 v20, v59;
	[tilespmem:$0x370] =	vst v21;
	v21 =	vld [tilespmem:$0x160]  }
0x42: {  	v53 =	vld [tilespmem:$0x100];
	[tilespmem:$0x390] =	vst v63;
	v23 =	vadd.s32 v20, v23  }
0x43: {  	v24 =	vadd.s32 v20, v51;
	[tilespmem:$0x2A0] =	vst v23;
	v23 =	vld [tilespmem:$0x200]  }
0x44: {  	v55 =	vld [tilespmem:$0x180];
	v25 =	vadd.s32 v20, v52;
	[tilespmem:$0x350] =	vst v24  }
0x45: {  	v56 =	vld [tilespmem:$0x130];
	[tilespmem:$0x3D0] =	vst v25;
	v22 =	vadd.s32 v20, v22  }
0x46: {  	v21 =	vadd.s32 v20, v21;
	[tilespmem:$0x340] =	vst v22;
	v22 =	vld [tilespmem:$0x260]  }
0x47: {  	v26 =	vadd.s32 v20, v53;
	[tilespmem:$0x2E0] =	vst v21;
	v21 =	vld [tilespmem:$0x220]  }
0x48: {  	v60 =	vld [tilespmem:$0x1B0];
	[tilespmem:$0x280] =	vst v26;
	v23 =	vadd.s32 v20, v23  }
0x49: {  	v24 =	vadd.s32 v20, v55;
	[tilespmem:$0x380] =	vst v23;
	v23 =	vld [tilespmem:$0x230]  }
0x4a: {  	v62 =	vld [tilespmem:$0x110];
	v25 =	vadd.s32 v20, v56;
	[tilespmem:$0x300] =	vst v24  }
0x4b: {  	[tilespmem:$0x2B0] =	vst v25;
	v22 =	vadd.s32 v20, v22  }
0x4c: {  	[tilespmem:$0x3E0] =	vst v22;
	v21 =	vadd.s32 v20, v21  }
0x4d: {  	[tilespmem:$0x3A0] =	vst v21;
	v21 =	vadd.s32 v20, v60  }
0x4e: {  	[tilespmem:$0x330] =	vst v21;
	v22 =	vadd.s32 v20, v23  }
0x4f: {  	v20 =	vadd.s32 v20, v62;
	[tilespmem:$0x3B0] =	vst v22  }
0x50: {  	[tilespmem:$0x290] =	vst v20  }
0x51: {  	[tilespmem:s12], [sflag:$0x1] =	stream.indirect.gather [hbm4b:s3+s10], $0x1, s11, s10, $0xb8;
	[tilespmem:$0xC380] =	vst v63  }
0x52: {  	_ = 	snop  }
0x53: {  	[tilespmem:s14], [sflag:$0x1] =	stream.indirect.gather [hbm4b:s3+s10], $0x1, s13, s10, $0xb8;
	[tilespmem:$0xC380] =	vst v63  }
0x54: {  	_ = 	snop  }
0x55: {  	[tilespmem:s16], [sflag:$0x1] =	stream.indirect.gather [hbm4b:s3+s10], $0x1, s15, s10, $0xb8;
	[tilespmem:$0xC380] =	vst v63  }
0x56: {  	_ =	swait.ge [sflag:s17], $0x80  }
0x57: {  	[sflag:s17] =	ssyncset.done $0x0  }
0x58: {  	[sflag:s17] =	ssyncadd.s32 $0xFFFFFF80  }
0x59: {  	_ =	swait.ge [sflag:s17], $0x80  }
0x5a: {  	[sflag:s17] =	ssyncset.done $0x0  }
0x5b: {  	[sflag:s17] =	ssyncadd.s32 $0xFFFFFF80  }
0x5c: {  	_ =	swait.ge [sflag:s17], $0x80  }
0x5d: {  	[sflag:s17] =	ssyncset.done $0x0  }
0x5e: {  	[sflag:s17] =	ssyncadd.s32 $0xFFFFFF80  }
0x5f: {  	v20 =	vld [tilespmem:$0x480]  }
0x60: {  	v21 =	vld [tilespmem:$0x600];
	_ =	sdelay $0x4  }
0x61: {  	v20 =	vadd.f32 v21, v20  }
0x62: {  	s20 =	simm.s32 $0x810  }
0x63: {  	[tilespmem:s20+$0xFFFFFF70] =	vst v20  }
0x64: {  	v20 =	vld [tilespmem:$0x490]  }
0x65: {  	v21 =	vld [tilespmem:$0x610];
	_ =	sdelay $0x4  }
0x66: {  	v20 =	vadd.f32 v21, v20;
	_ =	sdelay $0x1  }
0x67: {  	[tilespmem:s20+$0xFFFFFF80] =	vst v20  }
0x68: {  	v20 =	vld [tilespmem:$0x4A0]  }
0x69: {  	v21 =	vld [tilespmem:$0x620];
	_ =	sdelay $0x4  }
0x6a: {  	v20 =	vadd.f32 v21, v20;
	_ =	sdelay $0x1  }
0x6b: {  	[tilespmem:s20+$0xFFFFFF90] =	vst v20  }
0x6c: {  	v20 =	vld [tilespmem:$0x4B0]  }
0x6d: {  	v21 =	vld [tilespmem:$0x630];
	_ =	sdelay $0x4  }
0x6e: {  	v20 =	vadd.f32 v21, v20;
	_ =	sdelay $0x1  }
0x6f: {  	[tilespmem:s20+$0xFFFFFFA0] =	vst v20  }
0x70: {  	v20 =	vld [tilespmem:$0x4C0]  }
0x71: {  	v21 =	vld [tilespmem:$0x640];
	_ =	sdelay $0x4  }
0x72: {  	v20 =	vadd.f32 v21, v20;
	_ =	sdelay $0x1  }
0x73: {  	[tilespmem:s20+$0xFFFFFFB0] =	vst v20  }
0x74: {  	v20 =	vld [tilespmem:$0x4D0]  }
0x75: {  	v21 =	vld [tilespmem:$0x650];
	_ =	sdelay $0x4  }
0x76: {  	v20 =	vadd.f32 v21, v20;
	_ =	sdelay $0x1  }
0x77: {  	[tilespmem:s20+$0xFFFFFFC0] =	vst v20  }
0x78: {  	v20 =	vld [tilespmem:$0x4E0]  }
0x79: {  	v21 =	vld [tilespmem:$0x660];
	_ =	sdelay $0x4  }
0x7a: {  	v20 =	vadd.f32 v21, v20;
	_ =	sdelay $0x1  }
0x7b: {  	[tilespmem:s20+$0xFFFFFFD0] =	vst v20  }
0x7c: {  	v20 =	vld [tilespmem:$0x4F0]  }
0x7d: {  	v21 =	vld [tilespmem:$0x670];
	_ =	sdelay $0x4  }
0x7e: {  	v20 =	vadd.f32 v21, v20;
	_ =	sdelay $0x1  }
0x7f: {  	[tilespmem:s20+$0xFFFFFFE0] =	vst v20  }
0x80: {  	v20 =	vld [tilespmem:$0x500]  }
0x81: {  	v21 =	vld [tilespmem:$0x680];
	_ =	sdelay $0x4  }
0x82: {  	v20 =	vadd.f32 v21, v20  }
0x83: {  	s25 =	sand.u32 $0x1FFFC, s2  }
0x84: {  	[tilespmem:s25+$0x800] =	vst v20  }
0x85: {  	v20 =	vld [tilespmem:$0x510]  }
0x86: {  	v21 =	vld [tilespmem:$0x690];
	_ =	sdelay $0x4  }
0x87: {  	v20 =	vadd.f32 v21, v20;
	_ =	sdelay $0x1  }
0x88: {  	[tilespmem:s20+$0x0] =	vst v20  }
0x89: {  	v20 =	vld [tilespmem:$0x520]  }
0x8a: {  	v21 =	vld [tilespmem:$0x6A0];
	_ =	sdelay $0x4  }
0x8b: {  	v20 =	vadd.f32 v21, v20;
	_ =	sdelay $0x1  }
0x8c: {  	[tilespmem:s20+$0x10] =	vst v20  }
0x8d: {  	v20 =	vld [tilespmem:$0x530]  }
0x8e: {  	v21 =	vld [tilespmem:$0x6B0];
	_ =	sdelay $0x4  }
0x8f: {  	v20 =	vadd.f32 v21, v20;
	_ =	sdelay $0x1  }
0x90: {  	[tilespmem:s20+$0x20] =	vst v20  }
0x91: {  	s22 =	simm.s32 $0x12C;
	s23 =	simm.s32 $0x0;
	s21 =	simm.s32 $0x810;
	v20 =	vld [tilespmem:$0x540]  }
.LBB2_2:
0x92: {  	p0 =	sne.s32 s22, $0xBA54;
	v21 =	vld [tilespmem:$0x6C0];
	s23 =	sadd.s32 $0x1, s23;
	s20 =	sadd.s32 $0x12C, s20  }
0x93: {  	s24 =	smov.u32 s22;
	s22 =	sadd.s32 $0x12C, s22;
	_ =	sdelay $0x3  }
0x94: {  	v20 =	vadd.f32 v21, v20;
	_ =	sdelay $0x1  }
0x95: {  	[tilespmem:s21+$0x30] =	vst v20  }
0x96: {  	v20 =	vld [tilespmem:$0x550]  }
0x97: {  	v21 =	vld [tilespmem:$0x6D0];
	_ =	sdelay $0x4  }
0x98: {  	v20 =	vadd.f32 v21, v20;
	_ =	sdelay $0x1  }
0x99: {  	[tilespmem:s21+$0x40] =	vst v20  }
0x9a: {  	v20 =	vld [tilespmem:$0x560]  }
0x9b: {  	v21 =	vld [tilespmem:$0x6E0];
	_ =	sdelay $0x4  }
0x9c: {  	v20 =	vadd.f32 v21, v20;
	_ =	sdelay $0x1  }
0x9d: {  	[tilespmem:s21+$0x50] =	vst v20  }
0x9e: {  	v20 =	vld [tilespmem:$0x570]  }
0x9f: {  	v21 =	vld [tilespmem:$0x6F0];
	_ =	sdelay $0x4  }
0xa0: {  	v20 =	vadd.f32 v21, v20;
	_ =	sdelay $0x1  }
0xa1: {  	[tilespmem:s21+$0x60] =	vst v20  }
0xa2: {  	v20 =	vld [tilespmem:$0x580]  }
0xa3: {  	v21 =	vld [tilespmem:$0x700];
	_ =	sdelay $0x4  }
0xa4: {  	v20 =	vadd.f32 v21, v20;
	_ =	sdelay $0x1  }
0xa5: {  	[tilespmem:s25+$0x880] =	vst v20  }
0xa6: {  	v20 =	vld [tilespmem:$0x590]  }
0xa7: {  	v21 =	vld [tilespmem:$0x710];
	_ =	sdelay $0x4  }
0xa8: {  	v20 =	vadd.f32 v21, v20;
	_ =	sdelay $0x1  }
0xa9: {  	[tilespmem:s21+$0x80] =	vst v20  }
0xaa: {  	v20 =	vld [tilespmem:$0x5A0]  }
0xab: {  	v21 =	vld [tilespmem:$0x720];
	_ =	sdelay $0x4  }
0xac: {  	v20 =	vadd.f32 v21, v20;
	_ =	sdelay $0x1  }
0xad: {  	[tilespmem:s21+$0x90] =	vst v20;
	s21 =	smov.u32 s20  }
0xae: {  	v20 =	vld [tilespmem:$0x200]  }
0xaf: {  	v21 =	vld.msk [tilespmem:s23+$0x0 ss:$0x0], $0xffff  }
0xb0: {  	v22 =	vld [tilespmem:$0x1A0]  }
0xb1: {  	v23 =	vld [tilespmem:$0x170]  }
0xb2: {  	v24 =	vld [tilespmem:$0x190]  }
0xb3: {  	v25 =	vld [tilespmem:$0x1E0]  }
0xb4: {  	v26 =	vld [tilespmem:$0x140]  }
0xb5: {  	v22 =	vadd.s32 v21, v22;
	v27 =	vld [tilespmem:$0x270]  }
0xb6: {  	v28 =	vld [tilespmem:$0x1F0]  }
0xb7: {  	v29 =	vld [tilespmem:$0x160];
	v24 =	vadd.s32 v21, v24  }
0xb8: {  	v23 =	vadd.s32 v21, v23;
	v30 =	vld [tilespmem:$0x1C0];
	v25 =	vadd.s32 v21, v25  }
0xb9: {  	v20 =	vadd.s32 v21, v20;
	v26 =	vadd.s32 v21, v26  }
0xba: {  	v31 =	vld [tilespmem:$0x120];
	[tilespmem:$0x320] =	vst v22;
	v22 =	vadd.s32 v21, v27  }
0xbb: {  	[tilespmem:$0x310] =	vst v24;
	v24 =	vld [tilespmem:$0x1D0];
	v27 =	vadd.s32 v21, v28  }
0xbc: {  	[tilespmem:$0x360] =	vst v25;
	v25 =	vld [tilespmem:$0x250]  }
0xbd: {  	v28 =	vld [tilespmem:$0x100];
	[tilespmem:$0x2F0] =	vst v23  }
0xbe: {  	[tilespmem:$0x2C0] =	vst v26;
	v23 =	vld [tilespmem:$0x180]  }
0xbf: {  	v26 =	vadd.s32 v21, v31;
	v31 =	vld [tilespmem:$0x150];
	[tilespmem:$0x3F0] =	vst v22  }
0xc0: {  	v22 =	vld [tilespmem:$0x130];
	v24 =	vadd.s32 v21, v24;
	[tilespmem:$0x370] =	vst v27  }
0xc1: {  	v27 =	vld [tilespmem:$0x110];
	[tilespmem:$0x2A0] =	vst v26;
	v25 =	vadd.s32 v21, v25  }
0xc2: {  	v26 =	vadd.s32 v21, v28;
	[tilespmem:$0x350] =	vst v24;
	v24 =	vld [tilespmem:$0x210]  }
0xc3: {  	[tilespmem:$0x3D0] =	vst v25  }
0xc4: {  	[tilespmem:$0x280] =	vst v26;
	v25 =	vadd.s32 v21, v31;
	v26 =	vld [tilespmem:$0x220]  }
0xc5: {  	[tilespmem:$0x2D0] =	vst v25;
	v25 =	vadd.s32 v21, v30;
	v28 =	vld [tilespmem:$0x240]  }
0xc6: {  	v29 =	vadd.s32 v21, v29;
	[tilespmem:$0x340] =	vst v25;
	v25 =	vld [tilespmem:$0x260]  }
0xc7: {  	[tilespmem:$0x2E0] =	vst v29;
	v24 =	vadd.s32 v21, v24;
	v29 =	vld [tilespmem:$0x230]  }
0xc8: {  	v23 =	vadd.s32 v21, v23;
	v30 =	vld [tilespmem:$0x1B0];
	[tilespmem:$0x380] =	vst v20  }
0xc9: {  	v20 =	vadd.s32 v21, v22;
	[tilespmem:$0x300] =	vst v23  }
0xca: {  	[tilespmem:$0x2B0] =	vst v20;
	v20 =	vadd.s32 v21, v28  }
0xcb: {  	[tilespmem:$0x3C0] =	vst v20;
	v20 =	vadd.s32 v21, v25  }
0xcc: {  	v22 =	vadd.s32 v21, v26;
	v23 =	vadd.s32 v21, v29;
	[tilespmem:$0x3E0] =	vst v20  }
0xcd: {  	v20 =	vadd.s32 v21, v27;
	v21 =	vadd.s32 v21, v30;
	[tilespmem:$0x390] =	vst v24  }
0xce: {  	[tilespmem:$0x3A0] =	vst v22  }
0xcf: {  	[tilespmem:$0x3B0] =	vst v23  }
0xd0: {  	[tilespmem:$0x330] =	vst v21  }
0xd1: {  	[tilespmem:$0x290] =	vst v20  }
0xd2: {  	[tilespmem:s12], [sflag:$0x1] =	stream.indirect.gather [hbm4b:s3+s10], $0x1, s11, s10, $0xb8;
	[tilespmem:$0xC380] =	vst v63  }
0xd3: {  	_ = 	snop  }
0xd4: {  	[tilespmem:s14], [sflag:$0x1] =	stream.indirect.gather [hbm4b:s3+s10], $0x1, s13, s10, $0xb8;
	[tilespmem:$0xC380] =	vst v63  }
0xd5: {  	_ = 	snop  }
0xd6: {  	[tilespmem:s16], [sflag:$0x1] =	stream.indirect.gather [hbm4b:s3+s10], $0x1, s15, s10, $0xb8;
	[tilespmem:$0xC380] =	vst v63  }
0xd7: {  	_ =	swait.ge [sflag:s17], $0x80  }
0xd8: {  	[sflag:s17] =	ssyncset.done $0x0  }
0xd9: {  	[sflag:s17] =	ssyncadd.s32 $0xFFFFFF80  }
0xda: {  	_ =	swait.ge [sflag:s17], $0x80  }
0xdb: {  	[sflag:s17] =	ssyncset.done $0x0  }
0xdc: {  	[sflag:s17] =	ssyncadd.s32 $0xFFFFFF80  }
0xdd: {  	_ =	swait.ge [sflag:s17], $0x80  }
0xde: {  	[sflag:s17] =	ssyncset.done $0x0  }
0xdf: {  	[sflag:s17] =	ssyncadd.s32 $0xFFFFFF80  }
0xe0: {  	v20 =	vld [tilespmem:$0x480]  }
0xe1: {  	v21 =	vld [tilespmem:$0x600];
	_ =	sdelay $0x4  }
0xe2: {  	v20 =	vadd.f32 v21, v20;
	_ =	sdelay $0x1  }
0xe3: {  	[tilespmem:s20+$0xFFFFFF70] =	vst v20  }
0xe4: {  	v20 =	vld [tilespmem:$0x490]  }
0xe5: {  	v21 =	vld [tilespmem:$0x610];
	_ =	sdelay $0x4  }
0xe6: {  	v20 =	vadd.f32 v21, v20;
	_ =	sdelay $0x1  }
0xe7: {  	[tilespmem:s20+$0xFFFFFF80] =	vst v20  }
0xe8: {  	v20 =	vld [tilespmem:$0x4A0]  }
0xe9: {  	v21 =	vld [tilespmem:$0x620];
	_ =	sdelay $0x4  }
0xea: {  	v20 =	vadd.f32 v21, v20;
	_ =	sdelay $0x1  }
0xeb: {  	[tilespmem:s20+$0xFFFFFF90] =	vst v20  }
0xec: {  	v20 =	vld [tilespmem:$0x4B0]  }
0xed: {  	v21 =	vld [tilespmem:$0x630];
	_ =	sdelay $0x4  }
0xee: {  	v20 =	vadd.f32 v21, v20;
	_ =	sdelay $0x1  }
0xef: {  	[tilespmem:s20+$0xFFFFFFA0] =	vst v20  }
0xf0: {  	v20 =	vld [tilespmem:$0x4C0]  }
0xf1: {  	v21 =	vld [tilespmem:$0x640];
	_ =	sdelay $0x4  }
0xf2: {  	v20 =	vadd.f32 v21, v20;
	_ =	sdelay $0x1  }
0xf3: {  	[tilespmem:s20+$0xFFFFFFB0] =	vst v20  }
0xf4: {  	v20 =	vld [tilespmem:$0x4D0]  }
0xf5: {  	v21 =	vld [tilespmem:$0x650];
	_ =	sdelay $0x4  }
0xf6: {  	v20 =	vadd.f32 v21, v20;
	_ =	sdelay $0x1  }
0xf7: {  	[tilespmem:s20+$0xFFFFFFC0] =	vst v20  }
0xf8: {  	v20 =	vld [tilespmem:$0x4E0]  }
0xf9: {  	v21 =	vld [tilespmem:$0x660];
	_ =	sdelay $0x4  }
0xfa: {  	v20 =	vadd.f32 v21, v20;
	_ =	sdelay $0x1  }
0xfb: {  	[tilespmem:s20+$0xFFFFFFD0] =	vst v20  }
0xfc: {  	v20 =	vld [tilespmem:$0x4F0]  }
0xfd: {  	v21 =	vld [tilespmem:$0x670];
	_ =	sdelay $0x4  }
0xfe: {  	v20 =	vadd.f32 v21, v20;
	_ =	sdelay $0x1  }
0xff: {  	[tilespmem:s20+$0xFFFFFFE0] =	vst v20  }
0x100: {  	v20 =	vld [tilespmem:$0x500]  }
0x101: {  	v21 =	vld [tilespmem:$0x680];
	_ =	sdelay $0x4  }
0x102: {  	v20 =	vadd.f32 v21, v20  }
0x103: {  	s25 =	sand.u32 $0x1FFFC, s24  }
0x104: {  	[tilespmem:s25+$0x800] =	vst v20  }
0x105: {  	v20 =	vld [tilespmem:$0x510]  }
0x106: {  	v21 =	vld [tilespmem:$0x690];
	_ =	sdelay $0x4  }
0x107: {  	v20 =	vadd.f32 v21, v20;
	_ =	sdelay $0x1  }
0x108: {  	[tilespmem:s20+$0x0] =	vst v20  }
0x109: {  	v20 =	vld [tilespmem:$0x520]  }
0x10a: {  	v21 =	vld [tilespmem:$0x6A0];
	_ =	sdelay $0x4  }
0x10b: {  	v20 =	vadd.f32 v21, v20;
	_ =	sdelay $0x1  }
0x10c: {  	[tilespmem:s20+$0x10] =	vst v20  }
0x10d: {  	v20 =	vld [tilespmem:$0x530]  }
0x10e: {  	v21 =	vld [tilespmem:$0x6B0];
	_ =	sdelay $0x3  }
.Ltmp0:
0x10f: {  	(pc) =	sbr.rel @p0 .LBB2_2-.Ltmp0, $3  }
0x110: {  	v20 =	vadd.f32 v21, v20;
	_ =	sdelay $0x1  }
0x111: {  	[tilespmem:s20+$0x20] =	vst v20  }
0x112: {  	v20 =	vld [tilespmem:$0x540]  }
0x113: {  	v21 =	vld [tilespmem:$0x6C0];
	_ =	sdelay $0x4  }
0x114: {  	v20 =	vadd.f32 v21, v20;
	_ =	sdelay $0x1  }
0x115: {  	[tilespmem:s21+$0x30] =	vst v20  }
0x116: {  	v20 =	vld [tilespmem:$0x550]  }
0x117: {  	v58 =	vld [tilespmem:$0x6D0];
	_ =	sdelay $0x4  }
0x118: {  	v20 =	vadd.f32 v58, v20;
	_ =	sdelay $0x1  }
0x119: {  	[tilespmem:s21+$0x40] =	vst v20  }
0x11a: {  	v20 =	vld [tilespmem:$0x560]  }
0x11b: {  	v59 =	vld [tilespmem:$0x6E0];
	_ =	sdelay $0x4  }
0x11c: {  	v20 =	vadd.f32 v59, v20;
	_ =	sdelay $0x1  }
0x11d: {  	[tilespmem:s21+$0x50] =	vst v20  }
0x11e: {  	v20 =	vld [tilespmem:$0x570]  }
0x11f: {  	v60 =	vld [tilespmem:$0x6F0];
	_ =	sdelay $0x4  }
0x120: {  	v20 =	vadd.f32 v60, v20;
	_ =	sdelay $0x1  }
0x121: {  	[tilespmem:s21+$0x60] =	vst v20  }
0x122: {  	v20 =	vld [tilespmem:$0x580]  }
0x123: {  	v61 =	vld [tilespmem:$0x700];
	_ =	sdelay $0x4  }
0x124: {  	v20 =	vadd.f32 v61, v20;
	_ =	sdelay $0x1  }
0x125: {  	[tilespmem:s25+$0x880] =	vst v20  }
0x126: {  	v20 =	vld [tilespmem:$0x590]  }
0x127: {  	v62 =	vld [tilespmem:$0x710];
	_ =	sdelay $0x4  }
0x128: {  	v20 =	vadd.f32 v62, v20;
	_ =	sdelay $0x1  }
0x129: {  	[tilespmem:s21+$0x80] =	vst v20  }
0x12a: {  	v20 =	vld [tilespmem:$0x5A0]  }
0x12b: {  	v63 =	vld [tilespmem:$0x720];
	_ =	sdelay $0x4  }
0x12c: {  	s19 =	sadd.s32 $0x1, s19;
	v20 =	vadd.f32 v63, v20  }
0x12d: {  	p0 =	sne.s32 s19, s8  }
.Ltmp1:
0x12e: {  	[tilespmem:s21+$0x90] =	vst v20;
	(pc) =	sbr.rel @p0 .LBB2_1-.Ltmp1, $4  }
0x12f: {  	[hbm4b:s7+s2] =	stream.linear.scatter [tilespmem:s18], [sflag:$0x2], $0xBB80, $0x38;
	[tilespmem:$0xC380] =	vst v63  }
0x130: {  	_ =	swait.ge [sflag:s9], $0xBB80  }
0x131: {  	[sflag:s9] =	ssyncset.done $0x0  }
0x132: {  	[sflag:s9] =	ssyncadd.s32 $0xFFFF4480  }
0x133: {  	_ =	sfence.sel $0x180000  }
0x134: {  	[bflag:$0x0] =	sbarrier.arrive $0xFFFF  }
0x135: {  	p0 =	sne.s32 s0, $0x0;
	_ =	strace $0x9000004D  }
0x136: {  	s0 =	sadd.s32 @!p0 $0x100000, s1;
	[bflag:$0x2] =	sbarrier.arrive $0xFFFF  }
0x137: {  	[sflag:s0] =	ssyncadd.tile.s32 @!p0 $0x1;
	_ =	shalt  }
.Lfunc_end2:
_tile_overlayer_lowered:
.L_overlay_start_2:
0x138: {  	(tag) =	ssettag $0x2  }
0x139: {  	s0 =	rddreg [dreg:$0x0];
	s2 =	stileid.u32  }
0x13a: {  	s1 =	rddreg [dreg:$0x1];
	p0 =	sne.s32 s2, $0x0  }
0x13b: {  	s3 =	rddreg [dreg:$0x2];
	[bflag:$0x3] =	sbarrier.arrive $0xFFFF;
	s2 =	simm.s32 @!p0 $0x1C02  }
0x13c: {  	[timem:s3], [sflag:s2] =	dma.local @!p0 [hbm:s0], s1  }
0x13d: {  	s0 =	simm.s32 @!p0 $0x2  }
0x13e: {  	_ =	swait.ge @!p0 [sflag:s0], s1  }
0x13f: {  	s1 =	ssub.s32 @!p0 $0x0, s1;
	[sflag:s0] =	ssyncset.done @!p0 $0x0  }
0x140: {  	[sflag:s0] =	ssyncadd.s32 @!p0 s1  }
0x141: {  	[bflag:$0x3] =	sbarrier.arrive $0xFFFF  }
0x142: {  	_ =	shalt  }

// kernel: kernel.6.cloned.1.call-start
scs
__scs_entry_jumppad:
0x0: {  	(pc) =	sbr.rel $0x88, $3  }
0x1: {  	(tag) =	ssettag $0x0;
	lr =	simm.s32 $0x1  }
0x2: {  	[smem:$0x3F9D] =	sst lr;
	_ =	strace $0xD0000000  }
0x3: {  	_ = 	snop  }
0x4: {  	_ = 	snop  }
0x5: {  	_ = 	snop  }
0x6: {  	_ = 	snop  }
0x7: {  	_ = 	snop  }
__scs_overlays_trampoline_lowered:
0x8: {  	[smem:$0x3FAC] =	sst s0  }
0x9: {  	[smem:$0x3FAD] =	sst s1  }
0xa: {  	[smem:$0x3FAE] =	sst s2  }
0xb: {  	[smem:$0x3FAF] =	sst s3  }
0xc: {  	[smem:$0x3FB0] =	sst s4  }
0xd: {  	[smem:$0x3FB1] =	sst s5  }
0xe: {  	[smem:$0x3FB2] =	sst s6  }
0xf: {  	[smem:$0x3FB3] =	sst s7  }
0x10: {  	[smem:$0x3FB4] =	sst s8  }
0x11: {  	[smem:$0x3FB5] =	sst s9;
	s0 =	simm.s32 @!p0 $0x0  }
0x12: {  	s1 =	sld [smem:$0x3F9B];
	s0 =	simm.s32 @p0 $0x1  }
0x13: {  	[smem:$0x3FB6] =	sst s0;
	s0 =	simm.s32 @!p1 $0x0  }
0x14: {  	s2 =	sld [smem:$0x3F9A];
	s0 =	simm.s32 @p1 $0x1  }
0x15: {  	[smem:$0x3FB7] =	sst s0;
	s0 =	simm.s32 @!p2 $0x0  }
0x16: {  	s3 =	sld [smem:$0x3FDB];
	s0 =	simm.s32 @p2 $0x1  }
0x17: {  	s4 =	simm.s32 $0x1BF5;
	[smem:$0x3FB9] =	sst s0  }
0x18: {  	s0 =	sld [smem:$0x3F9C];
	_ =	swait.ge [sflag:s4], $0x0  }
0x19: {  	s7 =	sld [smem:$0x3F9D]  }
0x1a: {  	s8 =	sadd.s32 $0xFFFFE003, lr  }
0x1b: {  	s9 =	sadd.s32 $0xFFFFFEF7, lr;
	s5 =	simm.s32 $0xFFFFFFFF;
	p2 =	slt.u32 s8, $0xFFFFF086  }
0x1c: {  	p1 =	slt.u32 s9, $0xF7A;
	s5 =	simm.s32 @!p2 $0x0  }
0x1d: {  	s5 =	simm.s32 @p1 $0x1;
	p0 =	seq.s32 s7, s2  }
0x1e: {  	s7 =	smul.u32 @!p0 $0xF7A, s2;
	p2 =	seq.s32 @!p0 s5, $0x0  }
0x1f: {  	s9 =	smul.u32 $0xF7A, s1;
	s8 =	simm.s32 @!p0 $0x1BF5;
	p2 =	por !p2, p0  }
0x20: {  	[sflag:s8] =	ssyncset.s32 @!p0 $0xFFFFF086;
	s6 =	sadd.s32 @!p0 s3, s7;
	s7 =	simm.s32 @!p0 $0x108  }
0x21: {  	s3 =	sadd.s32 s3, s9;
	s6 =	sadd.s32 @!p0 $0x88, s6;
	s7 =	simm.s32 @p2 $0x1082  }
0x22: {  	[simem:s7], [sflag:s8] =	dma.local @!p0 [hbm:s6], $0xF7A  }
0x23: {  	s9 =	sor.u32 $0xD0000000, s2;
	s6 =	simm.s32 $0x108;
	_ =	swait.ge @!p0 [sflag:s8], $0x0  }
0x24: {  	s3 =	sadd.s32 $0x88, s3;
	s6 =	simm.s32 @!p1 $0x1082;
	[sflag:s4] =	ssyncset.s32 $0xFFFFF086  }
0x25: {  	[simem:s6], [sflag:s4] =	dma.local [hbm:s3], $0xF7A  }
0x26: {  	[smem:$0x3F9D] =	sst s1;
	(tag) =	ssettag s2;
	_ =	strace s9  }
0x27: {  	s1 =	sld [smem:$0x3FAD]  }
0x28: {  	s2 =	sld [smem:$0x3FAE]  }
0x29: {  	s4 =	sld [smem:$0x3FB0]  }
0x2a: {  	p0 =	seq.s32 s5, $0x0;
	s5 =	sld [smem:$0x3FB1]  }
0x2b: {  	s6 =	sld [smem:$0x3FB2]  }
0x2c: {  	s7 =	sld [smem:$0x3FB3]  }
0x2d: {  	s3 =	simm.s32 $0x108;
	s8 =	sld [smem:$0x3FB4]  }
0x2e: {  	s3 =	simm.s32 @!p0 $0x1082;
	s9 =	sld [smem:$0x3FB5]  }
0x2f: {  	lr =	sadd.s32 s0, s3;
	s0 =	sld [smem:$0x3FAC]  }
0x30: {  	s3 =	sld [smem:$0x3FAF]  }
0x31: {  	[smem:$0x3FB8] =	sst s10  }
0x32: {  	s10 =	sld [smem:$0x3FB6];
	_ =	sdelay $0x3  }
0x33: {  	p0 =	seq.s32 s10, $0x1;
	s10 =	sld [smem:$0x3FB8];
	_ =	sdelay $0x3  }
0x34: {  	[smem:$0x3FB8] =	sst s10  }
0x35: {  	s10 =	sld [smem:$0x3FB7];
	_ =	sdelay $0x3  }
0x36: {  	p1 =	seq.s32 s10, $0x1;
	s10 =	sld [smem:$0x3FB8];
	_ =	sdelay $0x3  }
0x37: {  	[smem:$0x3FB8] =	sst s10  }
0x38: {  	s10 =	sld [smem:$0x3FB9]  }
0x39: {  	_ = 	snop;
	(pc) =	sbr.ind lr, $3  }
0x3a: {  	_ = 	snop  }
0x3b: {  	_ = 	snop  }
0x3c: {  	p2 =	seq.s32 s10, $0x1;
	s10 =	sld [smem:$0x3FB8]  }
0x3d: {  	_ =	shalt  }
0x3e: {  	_ =	shalt  }
0x3f: {  	_ =	shalt  }
0x40: {  	_ =	shalt  }
0x41: {  	_ =	shalt  }
0x42: {  	_ =	shalt  }
0x43: {  	_ =	shalt  }
0x44: {  	_ =	shalt  }
0x45: {  	_ =	shalt  }
0x46: {  	_ =	shalt  }
0x47: {  	_ =	shalt  }
0x48: {  	_ =	shalt  }
0x49: {  	_ =	shalt  }
0x4a: {  	_ =	shalt  }
0x4b: {  	_ =	shalt  }
0x4c: {  	_ =	shalt  }
0x4d: {  	_ =	shalt  }
0x4e: {  	_ =	shalt  }
0x4f: {  	_ =	shalt  }
0x50: {  	_ =	shalt  }
0x51: {  	_ =	shalt  }
0x52: {  	_ =	shalt  }
0x53: {  	_ =	shalt  }
0x54: {  	_ =	shalt  }
0x55: {  	_ =	shalt  }
0x56: {  	_ =	shalt  }
0x57: {  	_ =	shalt  }
0x58: {  	_ =	shalt  }
0x59: {  	_ =	shalt  }
0x5a: {  	_ =	shalt  }
0x5b: {  	_ =	shalt  }
0x5c: {  	_ =	shalt  }
0x5d: {  	_ =	shalt  }
0x5e: {  	_ =	shalt  }
0x5f: {  	_ =	shalt  }
0x60: {  	_ =	shalt  }
0x61: {  	_ =	shalt  }
0x62: {  	_ =	shalt  }
0x63: {  	_ =	shalt  }
0x64: {  	_ =	shalt  }
0x65: {  	_ =	shalt  }
0x66: {  	_ =	shalt  }
0x67: {  	_ =	shalt  }
0x68: {  	_ =	shalt  }
0x69: {  	_ =	shalt  }
0x6a: {  	_ =	shalt  }
0x6b: {  	_ =	shalt  }
0x6c: {  	_ =	shalt  }
0x6d: {  	_ =	shalt  }
0x6e: {  	_ =	shalt  }
0x6f: {  	_ =	shalt  }
0x70: {  	_ =	shalt  }
0x71: {  	_ =	shalt  }
0x72: {  	_ =	shalt  }
0x73: {  	_ =	shalt  }
0x74: {  	_ =	shalt  }
0x75: {  	_ =	shalt  }
0x76: {  	_ =	shalt  }
0x77: {  	_ =	shalt  }
0x78: {  	_ =	shalt  }
0x79: {  	_ =	shalt  }
0x7a: {  	_ =	shalt  }
0x7b: {  	_ =	shalt  }
0x7c: {  	_ =	shalt  }
0x7d: {  	_ =	shalt  }
0x7e: {  	_ =	shalt  }
0x7f: {  	_ =	shalt  }
0x80: {  	_ =	shalt  }
0x81: {  	_ =	shalt  }
0x82: {  	_ =	shalt  }
0x83: {  	_ =	shalt  }
0x84: {  	_ =	shalt  }
0x85: {  	_ =	shalt  }
0x86: {  	_ =	shalt  }
0x87: {  	_ =	shalt  }
.Lfunc_end0:
.L_simem_size_0:
called_computation.1_lowered:
.L_overlay_start_0:
0x88: {  	s2 =	sld [smem:$0x3FD9]  }
0x89: {  	s3 =	sld [smem:$0x3FFE];
	_ =	sdelay $0x1  }
0x8a: {  	s1 =	srdreg.scid  }
0x8b: {  	s0 =	sand.u32 $0x1, s1  }
0x8c: {  	s15 =	sshll.u32 s0, $0xA;
	s2 =	sadd.s32 s3, s2  }
0x8d: {  	s2 =	sadd.s32 s2, s15  }
0x8e: {  	[smem:$0x3FC4] =	sst s2  }
0x8f: {  	_ = 	snop  }
0x90: {  	s2 =	sld [smem:$0x3FD0];
	_ =	sdelay $0x2  }
0x91: {  	s16 =	simm.s32 $0xB;
	s4 =	simm.s32 $0x10  }
0x92: {  	[smem:s4], [sflag:s16] =	dma.local [hbm:s2], $0x1  }
0x93: {  	_ =	swait.eq [sflag:s16], $0x1  }
0x94: {  	[sflag:s16] =	ssyncset.done $0x0  }
0x95: {  	[sflag:s16] =	ssyncadd.s32 $0xFFFFFFFF  }
0x96: {  	s17 =	sld [smem:$0x11];
	(tm) =	ssettm $0x1  }
0x97: {  	s18 =	sld [smem:$0x3FFB];
	_ =	sdelay $0x3  }
0x98: {  	_ =	strace s18  }
0x99: {  	s3 =	sld [smem:$0x3FFC];
	_ =	sdelay $0x3  }
0x9a: {  	_ =	strace s3  }
0x9b: {  	s3 =	sld [smem:$0x3FFD];
	_ =	sdelay $0x3  }
0x9c: {  	_ =	strace s3  }
0x9d: {  	_ =	strace $0x8FFFFFFF  }
0x9e: {  	s19 =	sld [smem:$0x3FDB];
	_ =	sdelay $0x1  }
0x9f: {  	s20 =	simm.s32 $_scs_section_size  }
0xa0: {  	s5 =	simm.s32 $_size__tile_overlayer_lowered;
	s6 =	simm.s32 $_tile_overlayer_lowered  }
0xa1: {  	s23 =	simm.s32 $0x1BFF;
	s22 =	sshll.u32 s6, $0x1;
	s3 =	sadd.s32 s20, s19  }
0xa2: {  	s7 =	simm.s32 $0x0;
	s21 =	sshll.u32 s5, $0x1;
	s5 =	sadd.s32 s22, s3  }
0xa3: {  	[timem:s7], [sflag:s23] =	dma.local [hbm:s5], s21  }
0xa4: {  	_ =	swait.ge [sflag:s23], s21  }
0xa5: {  	s4 =	ssub.s32 $0x0, s21;
	[sflag:s23] =	ssyncset.done $0x0  }
0xa6: {  	[sflag:s23] =	ssyncadd.s32 s4;
	_ =	sdelay $0x1  }
0xa7: {  	s24 =	simm.s32 $0x1B8B  }
0xa8: {  	_ =	swait.ge [sflag:s24], $0x1  }
0xa9: {  	[sflag:s24] =	ssyncset.done $0x0  }
0xaa: {  	s25 =	simm.s32 $0x1B8E;
	[sflag:s24] =	ssyncadd.s32 $0xFFFFFFFF  }
0xab: {  	s26 =	simm.s32 $execute0_lowered;
	[smem:$0x3FD2] =	sst s25  }
0xac: {  	s4 =	sshll.u32 s26, $0x1;
	_ =	strace $0x80000046;
	[dreg:$0x1] =	wrdreg $0xFFFFFFFF  }
0xad: {  	s28 =	simm.s32 $_size_execute0_lowered;
	s3 =	sadd.s32 s3, s4;
	[dreg:$0x0] =	wrdreg $0x0  }
0xae: {  	s4 =	sshll.u32 s28, $0x1;
	[dreg:$0x2] =	wrdreg s3  }
0xaf: {  	[dreg:$0x3] =	wrdreg s4  }
0xb0: {  	[dreg:$0x4] =	wrdreg $0xC0  }
0xb1: {  	_ =	task [dreg:s7], $0x5FFFF  }
0xb2: {  	[dreg:$0x1] =	wrdreg $0xFFFFFFFF  }
0xb3: {  	[dreg:$0x0] =	wrdreg $0x60  }
0xb4: {  	[dreg:$0x2] =	wrdreg s17  }
0xb5: {  	[dreg:$0x3] =	wrdreg $0xA  }
0xb6: {  	_ =	task.clear_ibuf [dreg:s7], $0x4FFFF;
	_ =	strace $0x90000046  }
0xb7: {  	s29 =	simm.s32 $0xA;
	_ =	strace $0x80000048  }
0xb8: {  	_ =	swait.ge [sflag:s29], $0x1  }
0xb9: {  	[sflag:s29] =	ssyncadd.s32 $0xFFFFFFFF  }
0xba: {  	_ =	strace $0x90000048  }
0xbb: {  	_ =	sfence  }
0xbc: {  	s30 =	sld [smem:$0x0];
	_ =	sdelay $0x2  }
0xbd: {  	s31 =	sshll.u32 s1, $0xD;
	s1 =	sshrl.u32 s1, $0x2  }
0xbe: {  	s3 =	sand.u32 $0x4000, s31;
	s1 =	sadd.s32 s1, s30  }
0xbf: {  	s0 =	sor.u32 s3, s0;
	s1 =	sshll.u32 s1, $0x11  }
0xc0: {  	s0 =	sor.u32 s1, s0  }
0xc1: {  	s0 =	sadd.s32 $0x8F2B, s0  }
0xc2: {  	[sflag:s0] =	ssyncadd.remote.s32 $0x1  }
0xc3: {  	_ =	sfence.sel $0xFFFF  }
0xc4: {  	[dreg:$0x0] =	wrdreg $0xFFFFFFFF;
	(pc) =	sbr.abs _section_cstart, $3  }
0xc5: {  	[dreg:$0x1] =	wrdreg $0xFFFFFFFF  }
0xc6: {  	_ =	task.clear_ibuf [dreg:s7], $0x2FFFF;
	_ =	strace $0x9FFFFFFF  }
0xc7: {  	(tm) =	ssettm $0x7FFFFFFF  }
tec
execute0_lowered:
.L_overlay_start_1:
0x0: {  	(tag) =	ssettag $0x1  }
0x1: {  	v0 =	vimm.s32 $0x76543210;
	v1 =	vimm.s32 $0xFEDCBA98  }
0x2: {  	v2 =	vimm.s32 $0x3210FEDC;
	v3 =	vimm.s32 $0xBA987654;
	v4 =	vimm.s32 $0x10FEDCBA  }
0x3: {  	v5 =	vimm.s32 $0x98765432;
	v6 =	vimm.s32 $0xFEDCBA9;
	v7 =	vimm.s32 $0x87654321  }
0x4: {  	v0 =	vunpack.c.l.s4.s8 v0;
	v1 =	vunpack.c.l.s4.s8 v1;
	v2 =	vunpack.c.l.s4.s8 v2  }
0x5: {  	s1 =	srdreg.scid;
	v3 =	vunpack.c.l.s4.s8 v3;
	v4 =	vunpack.c.l.s4.s8 v4;
	v5 =	vunpack.c.l.s4.s8 v5  }
0x6: {  	s0 =	stileid.u32;
	s6 =	rddreg [dreg:$0x0];
	s9 =	simm.s32 $0x0;
	v6 =	vunpack.c.l.s4.s8 v6;
	v7 =	vunpack.c.l.s4.s8 v7;
	v2 =	vunpack.c.0.s8.s32 v2  }
0x7: {  	s3 =	sand.u32 $0x1, s1;
	s2 =	sshll.u32 s0, $0x1;
	s1 =	rddreg [dreg:$0x1];
	v3 =	vunpack.c.0.s8.s32 v3;
	v4 =	vunpack.c.0.s8.s32 v4;
	v5 =	vunpack.c.0.s8.s32 v5  }
0x8: {  	s4 =	sor.u32 s3, s2;
	s2 =	simm.s32 $0x0;
	s3 =	ssub.s32 $0x2, s3;
	v1 =	vunpack.c.0.s8.s32 v1;
	v6 =	vunpack.c.0.s8.s32 v6;
	v7 =	vunpack.c.0.s8.s32 v7  }
0x9: {  	s5 =	smul.u32 $0x30, s4;
	[smem:$0x7FF] =	sst s2;
	s7 =	sshrl.u32 s3, $0x1;
	v3 =	vcombine.low v3, v2;
	v2 =	vunpack.c.0.s8.s32 v0;
	v4 =	vcombine.low v5, v4  }
0xa: {  	s8 =	smul.u32 $0x6, s4;
	_ =	strace $0x80000047;
	s7 =	ssub.s32 s3, s7;
	v0 =	vlaneseq.u32;
	v5 =	vand.u32 $0xF, v1;
	v6 =	vcombine.low v7, v6  }
0xb: {  	s3 =	sadd.s32 $0xE00, s5;
	s4 =	sadd.s32 $0xE10, s5;
	s5 =	sadd.s32 $0xE20, s5;
	v1 =	vor.u32 $0x10, v0;
	v2 =	vcombine.low v5, v2  }
0xc: {  	s6 =	sadd.s32 s6, s8;
	s7 =	smax.u32 s7, $0x1;
	s8 =	simm.s32 $0x1;
	v3 =	vand.u32 $0xF, v3;
	v4 =	vand.u32 $0xF, v4;
	v5 =	vand.u32 $0xF, v6  }
.LBB2_1:
0xd: {  	v6 =	vimm.s32 $0x0;
	s10 =	simm.s32 $0x0  }
.LBB2_2:
0xe: {  	s11 =	sadd.s32 s3, s10  }
0xf: {  	s11 =	smul.u32 $0x186A0, s11;
	_ =	sdelay $0x1  }
0x10: {  	v7 =	vmov s11  }
0x11: {  	v7 =	vor.u32 $0x1, v7  }
0x12: {  	s31 =	simm.s32 $0x0;
	v11 =	vbroadcast v7, $0x0  }
0x13: {  	v7 =	vor.u32 s31, v1  }
0x14: {  	v8 =	vor.u32 s31, v0;
	v9 =	vadd.s32 v7, v11  }
0x15: {  	v10 =	vadd.s32 v8, v11;
	v12 =	vshrl.u32 v9, $0x13;
	v13 =	vshll.u32 v9, $0xD  }
0x16: {  	v14 =	vshrl.u32 v10, $0x13;
	v15 =	vshll.u32 v10, $0xD;
	v12 =	vor.u32 v12, v13  }
0x17: {  	v13 =	vor.u32 v14, v15;
	v12 =	vxor.u32 v9, v12  }
0x18: {  	v13 =	vxor.u32 v10, v13;
	v14 =	vadd.s32 v9, v12;
	v9 =	vshrl.u32 v12, $0x11  }
0x19: {  	v12 =	vshll.u32 v12, $0xF;
	v15 =	vshrl.u32 v13, $0x11;
	v16 =	vshll.u32 v13, $0xF  }
0x1a: {  	v10 =	vadd.s32 v10, v13;
	v12 =	vor.u32 v9, v12;
	v13 =	vor.u32 v15, v16  }
0x1b: {  	v9 =	vimm.s32 $0xFFFFFFFE;
	v12 =	vxor.u32 v14, v12;
	v15 =	vxor.u32 v10, v13  }
0x1c: {  	v13 =	vadd.s32 v14, v12;
	v16 =	vshrl.u32 v12, $0x6;
	v14 =	vshrl.u32 v15, $0x6  }
0x1d: {  	v17 =	vshll.u32 v15, $0x1A;
	v18 =	vshll.u32 v12, $0x1A;
	v12 =	vadd.s32 v10, v15  }
0x1e: {  	s11 =	simm.s32 $0x20;
	v10 =	vimm.s32 $0x0;
	v14 =	vor.u32 v14, v17;
	v15 =	vor.u32 v16, v18  }
.LBB2_3:
0x1f: {  	p0 =	sne.s32 s11, $0x18680;
	v14 =	vxor.u32 v12, v14;
	v15 =	vxor.u32 v13, v15  }
0x20: {  	v16 =	vadd.s32 v13, v15;
	v13 =	vshrl.u32 v15, $0x1A;
	v15 =	vshll.u32 v15, $0x6  }
0x21: {  	v17 =	vshrl.u32 v14, $0x1A;
	v18 =	vshll.u32 v14, $0x6;
	v13 =	vor.u32 v13, v15  }
0x22: {  	v14 =	vadd.s32 v12, v14;
	v15 =	vor.u32 v17, v18;
	v13 =	vxor.u32 v16, v13  }
0x23: {  	v12 =	vor.u32 s11, v1;
	v15 =	vxor.u32 v14, v15;
	v17 =	vadd.s32 $0x1BD11BDC, v13  }
0x24: {  	v13 =	vor.u32 s11, v0;
	v15 =	vadd.s32 $0x1BD11BDC, v15;
	v16 =	vadd.s32 v17, v16  }
0x25: {  	v14 =	vadd.s32 v15, v14;
	v18 =	vshrl.u32 v17, $0xF;
	v17 =	vshll.u32 v17, $0x11  }
0x26: {  	v19 =	vshrl.u32 v15, $0xF;
	v15 =	vshll.u32 v15, $0x11;
	v16 =	vadd.s32 $0x1, v16  }
0x27: {  	v14 =	vadd.s32 $0x1, v14;
	v19 =	vor.u32 v19, v15;
	v17 =	vor.u32 v18, v17  }
0x28: {  	v15 =	vadd.s32 v12, v11;
	v18 =	vxor.u32 v14, v19;
	v17 =	vxor.u32 v16, v17  }
0x29: {  	v16 =	vadd.s32 v16, v17;
	v19 =	vshrl.u32 v17, $0x3;
	v17 =	vshll.u32 v17, $0x1D  }
0x2a: {  	v20 =	vshrl.u32 v18, $0x3;
	v21 =	vshll.u32 v18, $0x1D;
	v17 =	vor.u32 v19, v17  }
0x2b: {  	v14 =	vadd.s32 v14, v18;
	v18 =	vor.u32 v20, v21;
	v17 =	vxor.u32 v16, v17  }
0x2c: {  	v18 =	vxor.u32 v14, v18;
	v16 =	vadd.s32 v16, v17;
	v19 =	vshrl.u32 v17, $0x10  }
0x2d: {  	v20 =	vshrl.u32 v18, $0x10;
	v21 =	vshll.u32 v18, $0x10;
	v17 =	vshll.u32 v17, $0x10  }
0x2e: {  	v18 =	vadd.s32 v14, v18;
	v20 =	vor.u32 v20, v21;
	v17 =	vor.u32 v19, v17  }
0x2f: {  	v14 =	vadd.s32 v13, v11;
	v19 =	vxor.u32 v18, v20;
	v17 =	vxor.u32 v16, v17  }
0x30: {  	v16 =	vadd.s32 v16, v17;
	v20 =	vshrl.u32 v17, $0x8;
	v17 =	vshll.u32 v17, $0x18  }
0x31: {  	v21 =	vshrl.u32 v19, $0x8;
	v22 =	vshll.u32 v19, $0x18;
	v17 =	vor.u32 v20, v17  }
0x32: {  	v18 =	vadd.s32 v18, v19;
	v19 =	vor.u32 v21, v22;
	v17 =	vxor.u32 v16, v17  }
0x33: {  	v20 =	vshrl.u32 v15, $0x13;
	v19 =	vxor.u32 v18, v19;
	v17 =	vadd.s32 $0x2, v17  }
0x34: {  	v21 =	vshll.u32 v15, $0xD;
	v19 =	vadd.s32 $0x2, v19;
	v16 =	vadd.s32 v17, v16  }
0x35: {  	v18 =	vadd.s32 v19, v18;
	v22 =	vshrl.u32 v17, $0x13;
	v17 =	vshll.u32 v17, $0xD  }
0x36: {  	v23 =	vshrl.u32 v19, $0x13;
	v19 =	vshll.u32 v19, $0xD;
	v16 =	vadd.s32 $0x1BD11BDB, v16  }
0x37: {  	v18 =	vadd.s32 $0x1BD11BDB, v18;
	v19 =	vor.u32 v23, v19;
	v17 =	vor.u32 v22, v17  }
0x38: {  	v22 =	vshrl.u32 v14, $0x13;
	v19 =	vxor.u32 v18, v19;
	v17 =	vxor.u32 v16, v17  }
0x39: {  	v16 =	vadd.s32 v16, v17;
	v23 =	vshrl.u32 v17, $0x11;
	v17 =	vshll.u32 v17, $0xF  }
0x3a: {  	v24 =	vshrl.u32 v19, $0x11;
	v25 =	vshll.u32 v19, $0xF;
	v17 =	vor.u32 v23, v17  }
0x3b: {  	v18 =	vadd.s32 v18, v19;
	v19 =	vor.u32 v24, v25;
	v17 =	vxor.u32 v16, v17  }
0x3c: {  	v19 =	vxor.u32 v18, v19;
	v16 =	vadd.s32 v16, v17;
	v23 =	vshrl.u32 v17, $0x6  }
0x3d: {  	v24 =	vshrl.u32 v19, $0x6;
	v25 =	vshll.u32 v19, $0x1A;
	v17 =	vshll.u32 v17, $0x1A  }
0x3e: {  	v18 =	vadd.s32 v18, v19;
	v19 =	vor.u32 v24, v25;
	v17 =	vor.u32 v23, v17  }
0x3f: {  	v23 =	vshll.u32 v14, $0xD;
	v19 =	vxor.u32 v18, v19;
	v17 =	vxor.u32 v16, v17  }
0x40: {  	v16 =	vadd.s32 v16, v17;
	v24 =	vshrl.u32 v17, $0x1A;
	v17 =	vshll.u32 v17, $0x6  }
0x41: {  	v25 =	vshrl.u32 v19, $0x1A;
	v26 =	vshll.u32 v19, $0x6;
	v17 =	vor.u32 v24, v17  }
0x42: {  	v18 =	vadd.s32 v18, v19;
	v19 =	vor.u32 v25, v26;
	v17 =	vxor.u32 v16, v17  }
0x43: {  	v20 =	vor.u32 v20, v21;
	v19 =	vxor.u32 v18, v19;
	v17 =	vadd.s32 $0x4, v17  }
0x44: {  	v19 =	vadd.s32 $0x4, v19;
	v16 =	vadd.s32 v16, v17;
	v21 =	vshrl.u32 v17, $0xF  }
0x45: {  	v24 =	vshrl.u32 v19, $0xF;
	v25 =	vshll.u32 v19, $0x11;
	v17 =	vshll.u32 v17, $0x11  }
0x46: {  	v18 =	vadd.s32 v18, v19;
	v19 =	vor.u32 v24, v25;
	v17 =	vor.u32 v21, v17  }
0x47: {  	v21 =	vor.u32 v22, v23;
	v19 =	vxor.u32 v18, v19;
	v17 =	vxor.u32 v16, v17  }
0x48: {  	v16 =	vadd.s32 v16, v17;
	v22 =	vshrl.u32 v17, $0x3;
	v17 =	vshll.u32 v17, $0x1D  }
0x49: {  	v23 =	vshrl.u32 v19, $0x3;
	v24 =	vshll.u32 v19, $0x1D;
	v17 =	vor.u32 v22, v17  }
0x4a: {  	v18 =	vadd.s32 v18, v19;
	v19 =	vor.u32 v23, v24;
	v17 =	vxor.u32 v16, v17  }
0x4b: {  	v19 =	vxor.u32 v18, v19;
	v16 =	vadd.s32 v16, v17;
	v22 =	vshrl.u32 v17, $0x10  }
0x4c: {  	v23 =	vshrl.u32 v19, $0x10;
	v24 =	vshll.u32 v19, $0x10;
	v17 =	vshll.u32 v17, $0x10  }
0x4d: {  	v18 =	vadd.s32 v18, v19;
	v19 =	vor.u32 v23, v24;
	v17 =	vor.u32 v22, v17  }
0x4e: {  	v20 =	vxor.u32 v15, v20;
	v19 =	vxor.u32 v18, v19;
	v17 =	vxor.u32 v16, v17  }
0x4f: {  	v16 =	vadd.s32 v16, v17;
	v22 =	vshrl.u32 v17, $0x8;
	v17 =	vshll.u32 v17, $0x18  }
0x50: {  	v23 =	vshrl.u32 v19, $0x8;
	v24 =	vshll.u32 v19, $0x18;
	v17 =	vor.u32 v22, v17  }
0x51: {  	v18 =	vadd.s32 v18, v19;
	v19 =	vor.u32 v23, v24;
	v17 =	vxor.u32 v16, v17  }
0x52: {  	v21 =	vxor.u32 v14, v21;
	v19 =	vxor.u32 v18, v19;
	v17 =	vadd.s32 $0x1BD11BDF, v17  }
0x53: {  	v19 =	vadd.s32 $0x1BD11BDF, v19;
	v16 =	vadd.s32 v17, v16;
	v22 =	vshrl.u32 v17, $0x13  }
0x54: {  	v18 =	vadd.s32 v19, v18;
	v23 =	vshrl.u32 v19, $0x13;
	v17 =	vshll.u32 v17, $0xD  }
0x55: {  	v19 =	vshll.u32 v19, $0xD;
	v16 =	vadd.s32 $0x1, v16;
	v17 =	vor.u32 v22, v17  }
0x56: {  	v18 =	vadd.s32 $0x1, v18;
	v19 =	vor.u32 v23, v19;
	v17 =	vxor.u32 v16, v17  }
0x57: {  	v19 =	vxor.u32 v18, v19;
	v16 =	vadd.s32 v16, v17;
	v22 =	vshrl.u32 v17, $0x11  }
0x58: {  	v23 =	vshrl.u32 v19, $0x11;
	v24 =	vshll.u32 v19, $0xF;
	v17 =	vshll.u32 v17, $0xF  }
0x59: {  	v18 =	vadd.s32 v18, v19;
	v19 =	vor.u32 v23, v24;
	v17 =	vor.u32 v22, v17  }
0x5a: {  	v15 =	vadd.s32 v15, v20;
	v19 =	vxor.u32 v18, v19;
	v17 =	vxor.u32 v16, v17  }
0x5b: {  	v22 =	vshrl.u32 v19, $0x6;
	v23 =	vshll.u32 v19, $0x1A;
	v24 =	vshrl.u32 v17, $0x6  }
0x5c: {  	v18 =	vadd.s32 v18, v19;
	v19 =	vor.u32 v22, v23;
	v22 =	vshll.u32 v17, $0x1A  }
0x5d: {  	v16 =	vadd.s32 v16, v17;
	v19 =	vxor.u32 v18, v19;
	v17 =	vor.u32 v24, v22  }
0x5e: {  	v22 =	vshrl.u32 v19, $0x1A;
	v23 =	vshll.u32 v19, $0x6;
	v17 =	vxor.u32 v16, v17  }
0x5f: {  	v18 =	vadd.s32 v18, v19;
	v19 =	vor.u32 v22, v23;
	v16 =	vadd.s32 v16, v17  }
0x60: {  	v22 =	vshrl.u32 v17, $0x1A;
	v17 =	vshll.u32 v17, $0x6;
	v19 =	vxor.u32 v18, v19  }
0x61: {  	v18 =	vadd.s32 $0x1BD11BDB, v18;
	v17 =	vor.u32 v22, v17;
	v19 =	vadd.s32 $0x5, v19  }
0x62: {  	v22 =	vshrl.u32 v20, $0x11;
	v17 =	vxor.u32 v16, v17;
	v18 =	vxor.u32 v18, v19  }
0x63: {  	v16 =	vadd.s32 $0x1BD11BDB, v16;
	v17 =	vadd.s32 $0x5, v17;
	v18 =	vshrl.u32 v18, $0x9  }
0x64: {  	v19 =	vshll.u32 v20, $0xF;
	v16 =	vxor.u32 v16, v17;
	vm0 =	vgt.s32 v18, v9  }
0x65: {  	v16 =	vshrl.u32 v16, $0x9;
	v9 =	vsel vm0, v18, v9;
	v10 =	vsel vm0, v8, v10;
	v8 =	vmovc v13  }
0x66: {  	v13 =	vshrl.u32 v21, $0x11;
	vm0 =	vgt.u32 v16, v9;
	v9 =	vmax.u32 v16, v9  }
.Ltmp0:
0x67: {  	v17 =	vor.u32 v22, v19;
	v16 =	vshll.u32 v21, $0xF;
	v10 =	vsel vm0, v7, v10;
	v7 =	vmovc v12;
	(pc) =	sbr.rel @p0 .LBB2_3-.Ltmp0, $4  }
0x68: {  	v12 =	vadd.s32 v14, v21;
	v13 =	vor.u32 v13, v16;
	v14 =	vxor.u32 v15, v17  }
0x69: {  	v16 =	vxor.u32 v12, v13;
	v13 =	vadd.s32 v15, v14;
	v15 =	vshrl.u32 v14, $0x6  }
0x6a: {  	v19 =	vshll.u32 v14, $0x1A;
	v17 =	vshrl.u32 v16, $0x6;
	v18 =	vshll.u32 v16, $0x1A  }
0x6b: {  	s11 =	sadd.s32 $0x20, s11;
	v12 =	vadd.s32 v12, v16;
	v15 =	vor.u32 v15, v19;
	v14 =	vor.u32 v17, v18  }
0x6c: {  	v11 =	vxor.u32 v12, v14;
	v41 =	vxor.u32 v13, v15  }
0x6d: {  	v13 =	vadd.s32 v13, v41;
	v15 =	vshrl.u32 v41, $0x1A;
	v14 =	vshll.u32 v41, $0x6  }
0x6e: {  	v16 =	vshrl.u32 v11, $0x1A;
	v17 =	vshll.u32 v11, $0x6;
	v14 =	vor.u32 v15, v14  }
0x6f: {  	v11 =	vadd.s32 v12, v11;
	v42 =	vor.u32 v16, v17;
	v14 =	vxor.u32 v13, v14  }
0x70: {  	v12 =	vxor.u32 v11, v42;
	v14 =	vadd.s32 $0x1BD11BDC, v14  }
0x71: {  	v12 =	vadd.s32 $0x1BD11BDC, v12;
	v13 =	vadd.s32 v14, v13  }
0x72: {  	v11 =	vadd.s32 v12, v11;
	v43 =	vshrl.u32 v14, $0xF;
	v14 =	vshll.u32 v14, $0x11  }
0x73: {  	v44 =	vshrl.u32 v12, $0xF;
	v12 =	vshll.u32 v12, $0x11;
	v13 =	vadd.s32 $0x1, v13  }
0x74: {  	v11 =	vadd.s32 $0x1, v11;
	v12 =	vor.u32 v44, v12;
	v14 =	vor.u32 v43, v14  }
0x75: {  	v12 =	vxor.u32 v11, v12;
	v14 =	vxor.u32 v13, v14  }
0x76: {  	v13 =	vadd.s32 v13, v14;
	v45 =	vshrl.u32 v14, $0x3;
	v14 =	vshll.u32 v14, $0x1D  }
0x77: {  	v46 =	vshrl.u32 v12, $0x3;
	v47 =	vshll.u32 v12, $0x1D;
	v14 =	vor.u32 v45, v14  }
0x78: {  	v11 =	vadd.s32 v11, v12;
	v48 =	vor.u32 v46, v47;
	v14 =	vxor.u32 v13, v14  }
0x79: {  	v12 =	vxor.u32 v11, v48;
	v13 =	vadd.s32 v13, v14;
	v49 =	vshrl.u32 v14, $0x10  }
0x7a: {  	v50 =	vshrl.u32 v12, $0x10;
	v51 =	vshll.u32 v12, $0x10;
	v14 =	vshll.u32 v14, $0x10  }
0x7b: {  	v11 =	vadd.s32 v11, v12;
	v52 =	vor.u32 v50, v51;
	v14 =	vor.u32 v49, v14  }
0x7c: {  	v12 =	vxor.u32 v11, v52;
	v14 =	vxor.u32 v13, v14  }
0x7d: {  	v13 =	vadd.s32 v13, v14;
	v53 =	vshrl.u32 v14, $0x8;
	v14 =	vshll.u32 v14, $0x18  }
0x7e: {  	v54 =	vshrl.u32 v12, $0x8;
	v55 =	vshll.u32 v12, $0x18;
	v14 =	vor.u32 v53, v14  }
0x7f: {  	v11 =	vadd.s32 v11, v12;
	v56 =	vor.u32 v54, v55;
	v14 =	vxor.u32 v13, v14  }
0x80: {  	v12 =	vxor.u32 v11, v56;
	v14 =	vadd.s32 $0x2, v14  }
0x81: {  	v12 =	vadd.s32 $0x2, v12;
	v13 =	vadd.s32 v14, v13  }
0x82: {  	v11 =	vadd.s32 v12, v11;
	v57 =	vshrl.u32 v14, $0x13;
	v14 =	vshll.u32 v14, $0xD  }
0x83: {  	v58 =	vshrl.u32 v12, $0x13;
	v12 =	vshll.u32 v12, $0xD;
	v13 =	vadd.s32 $0x1BD11BDB, v13  }
0x84: {  	v11 =	vadd.s32 $0x1BD11BDB, v11;
	v12 =	vor.u32 v58, v12;
	v14 =	vor.u32 v57, v14  }
0x85: {  	v12 =	vxor.u32 v11, v12;
	v14 =	vxor.u32 v13, v14  }
0x86: {  	v13 =	vadd.s32 v13, v14;
	v59 =	vshrl.u32 v14, $0x11;
	v14 =	vshll.u32 v14, $0xF  }
0x87: {  	v60 =	vshrl.u32 v12, $0x11;
	v61 =	vshll.u32 v12, $0xF;
	v14 =	vor.u32 v59, v14  }
0x88: {  	v11 =	vadd.s32 v11, v12;
	v62 =	vor.u32 v60, v61;
	v14 =	vxor.u32 v13, v14  }
0x89: {  	v12 =	vxor.u32 v11, v62;
	v13 =	vadd.s32 v13, v14;
	v63 =	vshrl.u32 v14, $0x6  }
0x8a: {  	v20 =	vshrl.u32 v12, $0x6;
	v21 =	vshll.u32 v12, $0x1A;
	v14 =	vshll.u32 v14, $0x1A  }
0x8b: {  	v11 =	vadd.s32 v11, v12;
	v22 =	vor.u32 v20, v21;
	v14 =	vor.u32 v63, v14  }
0x8c: {  	v12 =	vxor.u32 v11, v22;
	v14 =	vxor.u32 v13, v14  }
0x8d: {  	v13 =	vadd.s32 v13, v14;
	v23 =	vshrl.u32 v14, $0x1A;
	v14 =	vshll.u32 v14, $0x6  }
0x8e: {  	v24 =	vshrl.u32 v12, $0x1A;
	v25 =	vshll.u32 v12, $0x6;
	v14 =	vor.u32 v23, v14  }
0x8f: {  	v11 =	vadd.s32 v11, v12;
	v26 =	vor.u32 v24, v25;
	v14 =	vxor.u32 v13, v14  }
0x90: {  	v12 =	vxor.u32 v11, v26;
	v14 =	vadd.s32 $0x4, v14  }
0x91: {  	v12 =	vadd.s32 $0x4, v12;
	v13 =	vadd.s32 v13, v14;
	v27 =	vshrl.u32 v14, $0xF  }
0x92: {  	v28 =	vshrl.u32 v12, $0xF;
	v29 =	vshll.u32 v12, $0x11;
	v14 =	vshll.u32 v14, $0x11  }
0x93: {  	v11 =	vadd.s32 v11, v12;
	v30 =	vor.u32 v28, v29;
	v14 =	vor.u32 v27, v14  }
0x94: {  	v12 =	vxor.u32 v11, v30;
	v14 =	vxor.u32 v13, v14  }
0x95: {  	v13 =	vadd.s32 v13, v14;
	v31 =	vshrl.u32 v14, $0x3;
	v14 =	vshll.u32 v14, $0x1D  }
0x96: {  	v32 =	vshrl.u32 v12, $0x3;
	v33 =	vshll.u32 v12, $0x1D;
	v14 =	vor.u32 v31, v14  }
0x97: {  	v11 =	vadd.s32 v11, v12;
	v34 =	vor.u32 v32, v33;
	v14 =	vxor.u32 v13, v14  }
0x98: {  	v12 =	vxor.u32 v11, v34;
	v13 =	vadd.s32 v13, v14;
	v35 =	vshrl.u32 v14, $0x10  }
0x99: {  	v36 =	vshrl.u32 v12, $0x10;
	v37 =	vshll.u32 v12, $0x10;
	v14 =	vshll.u32 v14, $0x10  }
0x9a: {  	v11 =	vadd.s32 v11, v12;
	v38 =	vor.u32 v36, v37;
	v14 =	vor.u32 v35, v14  }
0x9b: {  	v12 =	vxor.u32 v11, v38;
	v14 =	vxor.u32 v13, v14  }
0x9c: {  	v13 =	vadd.s32 v13, v14;
	v39 =	vshrl.u32 v14, $0x8;
	v14 =	vshll.u32 v14, $0x18  }
0x9d: {  	v40 =	vshrl.u32 v12, $0x8;
	v41 =	vshll.u32 v12, $0x18;
	v14 =	vor.u32 v39, v14  }
0x9e: {  	v11 =	vadd.s32 v11, v12;
	v42 =	vor.u32 v40, v41;
	v14 =	vxor.u32 v13, v14  }
0x9f: {  	v12 =	vxor.u32 v11, v42;
	v14 =	vadd.s32 $0x1BD11BDF, v14  }
0xa0: {  	v12 =	vadd.s32 $0x1BD11BDF, v12;
	v13 =	vadd.s32 v14, v13;
	v43 =	vshrl.u32 v14, $0x13  }
0xa1: {  	v11 =	vadd.s32 v12, v11;
	v44 =	vshrl.u32 v12, $0x13;
	v14 =	vshll.u32 v14, $0xD  }
0xa2: {  	v12 =	vshll.u32 v12, $0xD;
	v13 =	vadd.s32 $0x1, v13;
	v14 =	vor.u32 v43, v14  }
0xa3: {  	v11 =	vadd.s32 $0x1, v11;
	v12 =	vor.u32 v44, v12;
	v14 =	vxor.u32 v13, v14  }
0xa4: {  	v12 =	vxor.u32 v11, v12;
	v13 =	vadd.s32 v13, v14;
	v45 =	vshrl.u32 v14, $0x11  }
0xa5: {  	v46 =	vshrl.u32 v12, $0x11;
	v47 =	vshll.u32 v12, $0xF;
	v14 =	vshll.u32 v14, $0xF  }
0xa6: {  	v11 =	vadd.s32 v11, v12;
	v48 =	vor.u32 v46, v47;
	v14 =	vor.u32 v45, v14  }
0xa7: {  	v12 =	vxor.u32 v11, v48;
	v14 =	vxor.u32 v13, v14  }
0xa8: {  	v49 =	vshrl.u32 v12, $0x6;
	v50 =	vshll.u32 v12, $0x1A;
	v51 =	vshrl.u32 v14, $0x6  }
0xa9: {  	v11 =	vadd.s32 v11, v12;
	v53 =	vshll.u32 v14, $0x1A;
	v52 =	vor.u32 v49, v50  }
0xaa: {  	v13 =	vadd.s32 v13, v14;
	v54 =	vor.u32 v51, v53;
	v12 =	vxor.u32 v11, v52  }
0xab: {  	v14 =	vxor.u32 v13, v54;
	v55 =	vshrl.u32 v12, $0x1A;
	v56 =	vshll.u32 v12, $0x6  }
0xac: {  	v11 =	vadd.s32 v11, v12;
	v13 =	vadd.s32 v13, v14;
	v57 =	vor.u32 v55, v56  }
0xad: {  	v58 =	vshrl.u32 v14, $0x1A;
	v14 =	vshll.u32 v14, $0x6;
	v12 =	vxor.u32 v11, v57  }
0xae: {  	v14 =	vor.u32 v58, v14;
	v11 =	vadd.s32 $0x1BD11BDB, v11;
	v12 =	vadd.s32 $0x5, v12  }
0xaf: {  	v59 =	vxor.u32 v13, v14;
	v11 =	vxor.u32 v11, v12  }
0xb0: {  	v13 =	vadd.s32 $0x1BD11BDB, v13;
	v12 =	vadd.s32 $0x5, v59;
	v11 =	vshrl.u32 v11, $0x9  }
0xb1: {  	v12 =	vxor.u32 v13, v12;
	vm0 =	vgt.s32 v11, v9  }
0xb2: {  	v12 =	vshrl.u32 v12, $0x9;
	v9 =	vsel vm0, v11, v9  }
0xb3: {  	v11 =	vmax.u32 v12, v9  }
0xb4: {  	v60 =	vperm.xlane v11, v2;
	_ =	sdelay $0x1  }
0xb5: {  	vm1 =	vgt.s32 v11, v60  }
0xb6: {  	v13 =	vsel vm1, v11, v60  }
0xb7: {  	v61 =	vperm.xlane v13, v3;
	_ =	sdelay $0x1  }
0xb8: {  	vm1 =	vgt.s32 v13, v61  }
0xb9: {  	v13 =	vsel vm1, v13, v61  }
0xba: {  	v14 =	vperm.xlane v13, v4;
	_ =	sdelay $0x1  }
0xbb: {  	vm1 =	vgt.s32 v13, v14  }
0xbc: {  	v13 =	vsel vm1, v13, v14  }
0xbd: {  	v14 =	vperm.xlane v13, v5;
	_ =	sdelay $0x1  }
0xbe: {  	vm1 =	vgt.s32 v13, v14  }
0xbf: {  	v8 =	vsel vm0, v8, v10;
	vm13 =	vgt.u32 v12, v9;
	v62 =	vsel vm1, v13, v14  }
0xc0: {  	v7 =	vsel vm13, v7, v8;
	vm14 =	veq.s32 v11, v62  }
0xc1: {  	v7 =	vnsel vm14, $0x40000000, v7  }
0xc2: {  	v8 =	vperm.xlane v7, v2;
	_ =	sdelay $0x1  }
0xc3: {  	vm0 =	vlt.s32 v7, v8  }
0xc4: {  	v7 =	vsel vm0, v7, v8  }
0xc5: {  	v8 =	vperm.xlane v7, v3;
	_ =	sdelay $0x1  }
0xc6: {  	vm0 =	vlt.s32 v7, v8  }
0xc7: {  	v7 =	vsel vm0, v7, v8  }
0xc8: {  	v8 =	vperm.xlane v7, v4;
	_ =	sdelay $0x1  }
0xc9: {  	v63 =	vmov s10;
	s10 =	sadd.s32 $0x1, s10;
	vm0 =	vlt.s32 v7, v8  }
0xca: {  	p0 =	sne.s32 s10, $0x10;
	v7 =	vsel vm0, v7, v8  }
.Ltmp1:
0xcb: {  	v8 =	vperm.xlane v7, v5;
	(pc) =	sbr.rel @p0 .LBB2_2-.Ltmp1, $4  }
0xcc: {  	_ = 	snop  }
0xcd: {  	vm0 =	vlt.s32 v7, v8  }
0xce: {  	vm15 =	veq.s32 v63, v0;
	v7 =	vsel vm0, v7, v8  }
0xcf: {  	v6 =	vsel vm15, v7, v6  }
0xd0: {  	[tilespmem:$0x0] =	vst v6;
	s10 =	simm.s32 $0x0;
	v6 =	vimm.s32 $0x0;
	s11 =	simm.s32 $0x0  }
.LBB2_6:
0xd1: {  	s12 =	sadd.s32 s4, s11  }
0xd2: {  	s12 =	smul.u32 $0x186A0, s12;
	_ =	sdelay $0x1  }
0xd3: {  	v7 =	vmov s12  }
0xd4: {  	v7 =	vor.u32 $0x1, v7  }
0xd5: {  	v11 =	vbroadcast v7, $0x0  }
0xd6: {  	v7 =	vor.u32 s10, v1  }
0xd7: {  	v8 =	vor.u32 s10, v0;
	v9 =	vadd.s32 v7, v11  }
0xd8: {  	v10 =	vadd.s32 v8, v11;
	v12 =	vshrl.u32 v9, $0x13;
	v13 =	vshll.u32 v9, $0xD  }
0xd9: {  	v14 =	vshrl.u32 v10, $0x13;
	v15 =	vshll.u32 v10, $0xD;
	v12 =	vor.u32 v12, v13  }
0xda: {  	v13 =	vor.u32 v14, v15;
	v12 =	vxor.u32 v9, v12  }
0xdb: {  	v13 =	vxor.u32 v10, v13;
	v14 =	vadd.s32 v9, v12;
	v9 =	vshrl.u32 v12, $0x11  }
0xdc: {  	v12 =	vshll.u32 v12, $0xF;
	v15 =	vshrl.u32 v13, $0x11;
	v16 =	vshll.u32 v13, $0xF  }
0xdd: {  	v10 =	vadd.s32 v10, v13;
	v12 =	vor.u32 v9, v12;
	v13 =	vor.u32 v15, v16  }
0xde: {  	v9 =	vimm.s32 $0xFFFFFFFE;
	v12 =	vxor.u32 v14, v12;
	v15 =	vxor.u32 v10, v13  }
0xdf: {  	v13 =	vadd.s32 v14, v12;
	v16 =	vshrl.u32 v12, $0x6;
	v14 =	vshrl.u32 v15, $0x6  }
0xe0: {  	v17 =	vshll.u32 v15, $0x1A;
	v18 =	vshll.u32 v12, $0x1A;
	v12 =	vadd.s32 v10, v15  }
0xe1: {  	s12 =	simm.s32 $0x20;
	v10 =	vimm.s32 $0x0;
	v14 =	vor.u32 v14, v17;
	v15 =	vor.u32 v16, v18  }
.LBB2_7:
0xe2: {  	p0 =	sne.s32 s12, $0x18680;
	v14 =	vxor.u32 v12, v14;
	v15 =	vxor.u32 v13, v15  }
0xe3: {  	v16 =	vadd.s32 v13, v15;
	v13 =	vshrl.u32 v15, $0x1A;
	v15 =	vshll.u32 v15, $0x6  }
0xe4: {  	v17 =	vshrl.u32 v14, $0x1A;
	v18 =	vshll.u32 v14, $0x6;
	v13 =	vor.u32 v13, v15  }
0xe5: {  	v14 =	vadd.s32 v12, v14;
	v15 =	vor.u32 v17, v18;
	v13 =	vxor.u32 v16, v13  }
0xe6: {  	v12 =	vor.u32 s12, v1;
	v15 =	vxor.u32 v14, v15;
	v17 =	vadd.s32 $0x1BD11BDC, v13  }
0xe7: {  	v13 =	vor.u32 s12, v0;
	v15 =	vadd.s32 $0x1BD11BDC, v15;
	v16 =	vadd.s32 v17, v16  }
0xe8: {  	v14 =	vadd.s32 v15, v14;
	v18 =	vshrl.u32 v17, $0xF;
	v17 =	vshll.u32 v17, $0x11  }
0xe9: {  	v19 =	vshrl.u32 v15, $0xF;
	v15 =	vshll.u32 v15, $0x11;
	v16 =	vadd.s32 $0x1, v16  }
0xea: {  	v14 =	vadd.s32 $0x1, v14;
	v19 =	vor.u32 v19, v15;
	v17 =	vor.u32 v18, v17  }
0xeb: {  	v15 =	vadd.s32 v12, v11;
	v18 =	vxor.u32 v14, v19;
	v17 =	vxor.u32 v16, v17  }
0xec: {  	v16 =	vadd.s32 v16, v17;
	v19 =	vshrl.u32 v17, $0x3;
	v17 =	vshll.u32 v17, $0x1D  }
0xed: {  	v20 =	vshrl.u32 v18, $0x3;
	v21 =	vshll.u32 v18, $0x1D;
	v17 =	vor.u32 v19, v17  }
0xee: {  	v14 =	vadd.s32 v14, v18;
	v18 =	vor.u32 v20, v21;
	v17 =	vxor.u32 v16, v17  }
0xef: {  	v18 =	vxor.u32 v14, v18;
	v16 =	vadd.s32 v16, v17;
	v19 =	vshrl.u32 v17, $0x10  }
0xf0: {  	v20 =	vshrl.u32 v18, $0x10;
	v21 =	vshll.u32 v18, $0x10;
	v17 =	vshll.u32 v17, $0x10  }
0xf1: {  	v18 =	vadd.s32 v14, v18;
	v20 =	vor.u32 v20, v21;
	v17 =	vor.u32 v19, v17  }
0xf2: {  	v14 =	vadd.s32 v13, v11;
	v19 =	vxor.u32 v18, v20;
	v17 =	vxor.u32 v16, v17  }
0xf3: {  	v16 =	vadd.s32 v16, v17;
	v20 =	vshrl.u32 v17, $0x8;
	v17 =	vshll.u32 v17, $0x18  }
0xf4: {  	v21 =	vshrl.u32 v19, $0x8;
	v22 =	vshll.u32 v19, $0x18;
	v17 =	vor.u32 v20, v17  }
0xf5: {  	v18 =	vadd.s32 v18, v19;
	v19 =	vor.u32 v21, v22;
	v17 =	vxor.u32 v16, v17  }
0xf6: {  	v20 =	vshrl.u32 v15, $0x13;
	v19 =	vxor.u32 v18, v19;
	v17 =	vadd.s32 $0x2, v17  }
0xf7: {  	v21 =	vshll.u32 v15, $0xD;
	v19 =	vadd.s32 $0x2, v19;
	v16 =	vadd.s32 v17, v16  }
0xf8: {  	v18 =	vadd.s32 v19, v18;
	v22 =	vshrl.u32 v17, $0x13;
	v17 =	vshll.u32 v17, $0xD  }
0xf9: {  	v23 =	vshrl.u32 v19, $0x13;
	v19 =	vshll.u32 v19, $0xD;
	v16 =	vadd.s32 $0x1BD11BDB, v16  }
0xfa: {  	v18 =	vadd.s32 $0x1BD11BDB, v18;
	v19 =	vor.u32 v23, v19;
	v17 =	vor.u32 v22, v17  }
0xfb: {  	v22 =	vshrl.u32 v14, $0x13;
	v19 =	vxor.u32 v18, v19;
	v17 =	vxor.u32 v16, v17  }
0xfc: {  	v16 =	vadd.s32 v16, v17;
	v23 =	vshrl.u32 v17, $0x11;
	v17 =	vshll.u32 v17, $0xF  }
0xfd: {  	v24 =	vshrl.u32 v19, $0x11;
	v25 =	vshll.u32 v19, $0xF;
	v17 =	vor.u32 v23, v17  }
0xfe: {  	v18 =	vadd.s32 v18, v19;
	v19 =	vor.u32 v24, v25;
	v17 =	vxor.u32 v16, v17  }
0xff: {  	v19 =	vxor.u32 v18, v19;
	v16 =	vadd.s32 v16, v17;
	v23 =	vshrl.u32 v17, $0x6  }
0x100: {  	v24 =	vshrl.u32 v19, $0x6;
	v25 =	vshll.u32 v19, $0x1A;
	v17 =	vshll.u32 v17, $0x1A  }
0x101: {  	v18 =	vadd.s32 v18, v19;
	v19 =	vor.u32 v24, v25;
	v17 =	vor.u32 v23, v17  }
0x102: {  	v23 =	vshll.u32 v14, $0xD;
	v19 =	vxor.u32 v18, v19;
	v17 =	vxor.u32 v16, v17  }
0x103: {  	v16 =	vadd.s32 v16, v17;
	v24 =	vshrl.u32 v17, $0x1A;
	v17 =	vshll.u32 v17, $0x6  }
0x104: {  	v25 =	vshrl.u32 v19, $0x1A;
	v26 =	vshll.u32 v19, $0x6;
	v17 =	vor.u32 v24, v17  }
0x105: {  	v18 =	vadd.s32 v18, v19;
	v19 =	vor.u32 v25, v26;
	v17 =	vxor.u32 v16, v17  }
0x106: {  	v20 =	vor.u32 v20, v21;
	v19 =	vxor.u32 v18, v19;
	v17 =	vadd.s32 $0x4, v17  }
0x107: {  	v19 =	vadd.s32 $0x4, v19;
	v16 =	vadd.s32 v16, v17;
	v21 =	vshrl.u32 v17, $0xF  }
0x108: {  	v24 =	vshrl.u32 v19, $0xF;
	v25 =	vshll.u32 v19, $0x11;
	v17 =	vshll.u32 v17, $0x11  }
0x109: {  	v18 =	vadd.s32 v18, v19;
	v19 =	vor.u32 v24, v25;
	v17 =	vor.u32 v21, v17  }
0x10a: {  	v21 =	vor.u32 v22, v23;
	v19 =	vxor.u32 v18, v19;
	v17 =	vxor.u32 v16, v17  }
0x10b: {  	v16 =	vadd.s32 v16, v17;
	v22 =	vshrl.u32 v17, $0x3;
	v17 =	vshll.u32 v17, $0x1D  }
0x10c: {  	v23 =	vshrl.u32 v19, $0x3;
	v24 =	vshll.u32 v19, $0x1D;
	v17 =	vor.u32 v22, v17  }
0x10d: {  	v18 =	vadd.s32 v18, v19;
	v19 =	vor.u32 v23, v24;
	v17 =	vxor.u32 v16, v17  }
0x10e: {  	v19 =	vxor.u32 v18, v19;
	v16 =	vadd.s32 v16, v17;
	v22 =	vshrl.u32 v17, $0x10  }
0x10f: {  	v23 =	vshrl.u32 v19, $0x10;
	v24 =	vshll.u32 v19, $0x10;
	v17 =	vshll.u32 v17, $0x10  }
0x110: {  	v18 =	vadd.s32 v18, v19;
	v19 =	vor.u32 v23, v24;
	v17 =	vor.u32 v22, v17  }
0x111: {  	v20 =	vxor.u32 v15, v20;
	v19 =	vxor.u32 v18, v19;
	v17 =	vxor.u32 v16, v17  }
0x112: {  	v16 =	vadd.s32 v16, v17;
	v22 =	vshrl.u32 v17, $0x8;
	v17 =	vshll.u32 v17, $0x18  }
0x113: {  	v23 =	vshrl.u32 v19, $0x8;
	v24 =	vshll.u32 v19, $0x18;
	v17 =	vor.u32 v22, v17  }
0x114: {  	v18 =	vadd.s32 v18, v19;
	v19 =	vor.u32 v23, v24;
	v17 =	vxor.u32 v16, v17  }
0x115: {  	v21 =	vxor.u32 v14, v21;
	v19 =	vxor.u32 v18, v19;
	v17 =	vadd.s32 $0x1BD11BDF, v17  }
0x116: {  	v19 =	vadd.s32 $0x1BD11BDF, v19;
	v16 =	vadd.s32 v17, v16;
	v22 =	vshrl.u32 v17, $0x13  }
0x117: {  	v18 =	vadd.s32 v19, v18;
	v23 =	vshrl.u32 v19, $0x13;
	v17 =	vshll.u32 v17, $0xD  }
0x118: {  	v19 =	vshll.u32 v19, $0xD;
	v16 =	vadd.s32 $0x1, v16;
	v17 =	vor.u32 v22, v17  }
0x119: {  	v18 =	vadd.s32 $0x1, v18;
	v19 =	vor.u32 v23, v19;
	v17 =	vxor.u32 v16, v17  }
0x11a: {  	v19 =	vxor.u32 v18, v19;
	v16 =	vadd.s32 v16, v17;
	v22 =	vshrl.u32 v17, $0x11  }
0x11b: {  	v23 =	vshrl.u32 v19, $0x11;
	v24 =	vshll.u32 v19, $0xF;
	v17 =	vshll.u32 v17, $0xF  }
0x11c: {  	v18 =	vadd.s32 v18, v19;
	v19 =	vor.u32 v23, v24;
	v17 =	vor.u32 v22, v17  }
0x11d: {  	v15 =	vadd.s32 v15, v20;
	v19 =	vxor.u32 v18, v19;
	v17 =	vxor.u32 v16, v17  }
0x11e: {  	v22 =	vshrl.u32 v19, $0x6;
	v23 =	vshll.u32 v19, $0x1A;
	v24 =	vshrl.u32 v17, $0x6  }
0x11f: {  	v18 =	vadd.s32 v18, v19;
	v19 =	vor.u32 v22, v23;
	v22 =	vshll.u32 v17, $0x1A  }
0x120: {  	v16 =	vadd.s32 v16, v17;
	v19 =	vxor.u32 v18, v19;
	v17 =	vor.u32 v24, v22  }
0x121: {  	v22 =	vshrl.u32 v19, $0x1A;
	v23 =	vshll.u32 v19, $0x6;
	v17 =	vxor.u32 v16, v17  }
0x122: {  	v18 =	vadd.s32 v18, v19;
	v19 =	vor.u32 v22, v23;
	v16 =	vadd.s32 v16, v17  }
0x123: {  	v22 =	vshrl.u32 v17, $0x1A;
	v17 =	vshll.u32 v17, $0x6;
	v19 =	vxor.u32 v18, v19  }
0x124: {  	v18 =	vadd.s32 $0x1BD11BDB, v18;
	v17 =	vor.u32 v22, v17;
	v19 =	vadd.s32 $0x5, v19  }
0x125: {  	v22 =	vshrl.u32 v20, $0x11;
	v17 =	vxor.u32 v16, v17;
	v18 =	vxor.u32 v18, v19  }
0x126: {  	v16 =	vadd.s32 $0x1BD11BDB, v16;
	v17 =	vadd.s32 $0x5, v17;
	v18 =	vshrl.u32 v18, $0x9  }
0x127: {  	v19 =	vshll.u32 v20, $0xF;
	v16 =	vxor.u32 v16, v17;
	vm0 =	vgt.s32 v18, v9  }
0x128: {  	v16 =	vshrl.u32 v16, $0x9;
	v9 =	vsel vm0, v18, v9;
	v10 =	vsel vm0, v8, v10;
	v8 =	vmovc v13  }
0x129: {  	v13 =	vshrl.u32 v21, $0x11;
	vm0 =	vgt.u32 v16, v9;
	v9 =	vmax.u32 v16, v9  }
.Ltmp2:
0x12a: {  	v17 =	vor.u32 v22, v19;
	v16 =	vshll.u32 v21, $0xF;
	v10 =	vsel vm0, v7, v10;
	v7 =	vmovc v12;
	(pc) =	sbr.rel @p0 .LBB2_7-.Ltmp2, $4  }
0x12b: {  	v12 =	vadd.s32 v14, v21;
	v13 =	vor.u32 v13, v16;
	v14 =	vxor.u32 v15, v17  }
0x12c: {  	v16 =	vxor.u32 v12, v13;
	v13 =	vadd.s32 v15, v14;
	v15 =	vshrl.u32 v14, $0x6  }
0x12d: {  	v19 =	vshll.u32 v14, $0x1A;
	v17 =	vshrl.u32 v16, $0x6;
	v18 =	vshll.u32 v16, $0x1A  }
0x12e: {  	s12 =	sadd.s32 $0x20, s12;
	v12 =	vadd.s32 v12, v16;
	v15 =	vor.u32 v15, v19;
	v14 =	vor.u32 v17, v18  }
0x12f: {  	v11 =	vxor.u32 v12, v14;
	v41 =	vxor.u32 v13, v15  }
0x130: {  	v13 =	vadd.s32 v13, v41;
	v15 =	vshrl.u32 v41, $0x1A;
	v14 =	vshll.u32 v41, $0x6  }
0x131: {  	v16 =	vshrl.u32 v11, $0x1A;
	v17 =	vshll.u32 v11, $0x6;
	v14 =	vor.u32 v15, v14  }
0x132: {  	v11 =	vadd.s32 v12, v11;
	v42 =	vor.u32 v16, v17;
	v14 =	vxor.u32 v13, v14  }
0x133: {  	v12 =	vxor.u32 v11, v42;
	v14 =	vadd.s32 $0x1BD11BDC, v14  }
0x134: {  	v12 =	vadd.s32 $0x1BD11BDC, v12;
	v13 =	vadd.s32 v14, v13  }
0x135: {  	v11 =	vadd.s32 v12, v11;
	v43 =	vshrl.u32 v14, $0xF;
	v14 =	vshll.u32 v14, $0x11  }
0x136: {  	v44 =	vshrl.u32 v12, $0xF;
	v12 =	vshll.u32 v12, $0x11;
	v13 =	vadd.s32 $0x1, v13  }
0x137: {  	v11 =	vadd.s32 $0x1, v11;
	v12 =	vor.u32 v44, v12;
	v14 =	vor.u32 v43, v14  }
0x138: {  	v12 =	vxor.u32 v11, v12;
	v14 =	vxor.u32 v13, v14  }
0x139: {  	v13 =	vadd.s32 v13, v14;
	v45 =	vshrl.u32 v14, $0x3;
	v14 =	vshll.u32 v14, $0x1D  }
0x13a: {  	v46 =	vshrl.u32 v12, $0x3;
	v47 =	vshll.u32 v12, $0x1D;
	v14 =	vor.u32 v45, v14  }
0x13b: {  	v11 =	vadd.s32 v11, v12;
	v48 =	vor.u32 v46, v47;
	v14 =	vxor.u32 v13, v14  }
0x13c: {  	v12 =	vxor.u32 v11, v48;
	v13 =	vadd.s32 v13, v14;
	v49 =	vshrl.u32 v14, $0x10  }
0x13d: {  	v50 =	vshrl.u32 v12, $0x10;
	v51 =	vshll.u32 v12, $0x10;
	v14 =	vshll.u32 v14, $0x10  }
0x13e: {  	v11 =	vadd.s32 v11, v12;
	v52 =	vor.u32 v50, v51;
	v14 =	vor.u32 v49, v14  }
0x13f: {  	v12 =	vxor.u32 v11, v52;
	v14 =	vxor.u32 v13, v14  }
0x140: {  	v13 =	vadd.s32 v13, v14;
	v53 =	vshrl.u32 v14, $0x8;
	v14 =	vshll.u32 v14, $0x18  }
0x141: {  	v54 =	vshrl.u32 v12, $0x8;
	v55 =	vshll.u32 v12, $0x18;
	v14 =	vor.u32 v53, v14  }
0x142: {  	v11 =	vadd.s32 v11, v12;
	v56 =	vor.u32 v54, v55;
	v14 =	vxor.u32 v13, v14  }
0x143: {  	v12 =	vxor.u32 v11, v56;
	v14 =	vadd.s32 $0x2, v14  }
0x144: {  	v12 =	vadd.s32 $0x2, v12;
	v13 =	vadd.s32 v14, v13  }
0x145: {  	v11 =	vadd.s32 v12, v11;
	v57 =	vshrl.u32 v14, $0x13;
	v14 =	vshll.u32 v14, $0xD  }
0x146: {  	v58 =	vshrl.u32 v12, $0x13;
	v12 =	vshll.u32 v12, $0xD;
	v13 =	vadd.s32 $0x1BD11BDB, v13  }
0x147: {  	v11 =	vadd.s32 $0x1BD11BDB, v11;
	v12 =	vor.u32 v58, v12;
	v14 =	vor.u32 v57, v14  }
0x148: {  	v12 =	vxor.u32 v11, v12;
	v14 =	vxor.u32 v13, v14  }
0x149: {  	v13 =	vadd.s32 v13, v14;
	v59 =	vshrl.u32 v14, $0x11;
	v14 =	vshll.u32 v14, $0xF  }
0x14a: {  	v60 =	vshrl.u32 v12, $0x11;
	v61 =	vshll.u32 v12, $0xF;
	v14 =	vor.u32 v59, v14  }
0x14b: {  	v11 =	vadd.s32 v11, v12;
	v62 =	vor.u32 v60, v61;
	v14 =	vxor.u32 v13, v14  }
0x14c: {  	v12 =	vxor.u32 v11, v62;
	v13 =	vadd.s32 v13, v14;
	v63 =	vshrl.u32 v14, $0x6  }
0x14d: {  	v20 =	vshrl.u32 v12, $0x6;
	v21 =	vshll.u32 v12, $0x1A;
	v14 =	vshll.u32 v14, $0x1A  }
0x14e: {  	v11 =	vadd.s32 v11, v12;
	v22 =	vor.u32 v20, v21;
	v14 =	vor.u32 v63, v14  }
0x14f: {  	v12 =	vxor.u32 v11, v22;
	v14 =	vxor.u32 v13, v14  }
0x150: {  	v13 =	vadd.s32 v13, v14;
	v23 =	vshrl.u32 v14, $0x1A;
	v14 =	vshll.u32 v14, $0x6  }
0x151: {  	v24 =	vshrl.u32 v12, $0x1A;
	v25 =	vshll.u32 v12, $0x6;
	v14 =	vor.u32 v23, v14  }
0x152: {  	v11 =	vadd.s32 v11, v12;
	v26 =	vor.u32 v24, v25;
	v14 =	vxor.u32 v13, v14  }
0x153: {  	v12 =	vxor.u32 v11, v26;
	v14 =	vadd.s32 $0x4, v14  }
0x154: {  	v12 =	vadd.s32 $0x4, v12;
	v13 =	vadd.s32 v13, v14;
	v27 =	vshrl.u32 v14, $0xF  }
0x155: {  	v28 =	vshrl.u32 v12, $0xF;
	v29 =	vshll.u32 v12, $0x11;
	v14 =	vshll.u32 v14, $0x11  }
0x156: {  	v11 =	vadd.s32 v11, v12;
	v30 =	vor.u32 v28, v29;
	v14 =	vor.u32 v27, v14  }
0x157: {  	v12 =	vxor.u32 v11, v30;
	v14 =	vxor.u32 v13, v14  }
0x158: {  	v13 =	vadd.s32 v13, v14;
	v31 =	vshrl.u32 v14, $0x3;
	v14 =	vshll.u32 v14, $0x1D  }
0x159: {  	v32 =	vshrl.u32 v12, $0x3;
	v33 =	vshll.u32 v12, $0x1D;
	v14 =	vor.u32 v31, v14  }
0x15a: {  	v11 =	vadd.s32 v11, v12;
	v34 =	vor.u32 v32, v33;
	v14 =	vxor.u32 v13, v14  }
0x15b: {  	v12 =	vxor.u32 v11, v34;
	v13 =	vadd.s32 v13, v14;
	v35 =	vshrl.u32 v14, $0x10  }
0x15c: {  	v36 =	vshrl.u32 v12, $0x10;
	v37 =	vshll.u32 v12, $0x10;
	v14 =	vshll.u32 v14, $0x10  }
0x15d: {  	v11 =	vadd.s32 v11, v12;
	v38 =	vor.u32 v36, v37;
	v14 =	vor.u32 v35, v14  }
0x15e: {  	v12 =	vxor.u32 v11, v38;
	v14 =	vxor.u32 v13, v14  }
0x15f: {  	v13 =	vadd.s32 v13, v14;
	v39 =	vshrl.u32 v14, $0x8;
	v14 =	vshll.u32 v14, $0x18  }
0x160: {  	v40 =	vshrl.u32 v12, $0x8;
	v41 =	vshll.u32 v12, $0x18;
	v14 =	vor.u32 v39, v14  }
0x161: {  	v11 =	vadd.s32 v11, v12;
	v42 =	vor.u32 v40, v41;
	v14 =	vxor.u32 v13, v14  }
0x162: {  	v12 =	vxor.u32 v11, v42;
	v14 =	vadd.s32 $0x1BD11BDF, v14  }
0x163: {  	v12 =	vadd.s32 $0x1BD11BDF, v12;
	v13 =	vadd.s32 v14, v13;
	v43 =	vshrl.u32 v14, $0x13  }
0x164: {  	v11 =	vadd.s32 v12, v11;
	v44 =	vshrl.u32 v12, $0x13;
	v14 =	vshll.u32 v14, $0xD  }
0x165: {  	v12 =	vshll.u32 v12, $0xD;
	v13 =	vadd.s32 $0x1, v13;
	v14 =	vor.u32 v43, v14  }
0x166: {  	v11 =	vadd.s32 $0x1, v11;
	v12 =	vor.u32 v44, v12;
	v14 =	vxor.u32 v13, v14  }
0x167: {  	v12 =	vxor.u32 v11, v12;
	v13 =	vadd.s32 v13, v14;
	v45 =	vshrl.u32 v14, $0x11  }
0x168: {  	v46 =	vshrl.u32 v12, $0x11;
	v47 =	vshll.u32 v12, $0xF;
	v14 =	vshll.u32 v14, $0xF  }
0x169: {  	v11 =	vadd.s32 v11, v12;
	v48 =	vor.u32 v46, v47;
	v14 =	vor.u32 v45, v14  }
0x16a: {  	v12 =	vxor.u32 v11, v48;
	v14 =	vxor.u32 v13, v14  }
0x16b: {  	v49 =	vshrl.u32 v12, $0x6;
	v50 =	vshll.u32 v12, $0x1A;
	v51 =	vshrl.u32 v14, $0x6  }
0x16c: {  	v11 =	vadd.s32 v11, v12;
	v53 =	vshll.u32 v14, $0x1A;
	v52 =	vor.u32 v49, v50  }
0x16d: {  	v13 =	vadd.s32 v13, v14;
	v54 =	vor.u32 v51, v53;
	v12 =	vxor.u32 v11, v52  }
0x16e: {  	v14 =	vxor.u32 v13, v54;
	v55 =	vshrl.u32 v12, $0x1A;
	v56 =	vshll.u32 v12, $0x6  }
0x16f: {  	v11 =	vadd.s32 v11, v12;
	v13 =	vadd.s32 v13, v14;
	v57 =	vor.u32 v55, v56  }
0x170: {  	v58 =	vshrl.u32 v14, $0x1A;
	v14 =	vshll.u32 v14, $0x6;
	v12 =	vxor.u32 v11, v57  }
0x171: {  	v14 =	vor.u32 v58, v14;
	v11 =	vadd.s32 $0x1BD11BDB, v11;
	v12 =	vadd.s32 $0x5, v12  }
0x172: {  	v59 =	vxor.u32 v13, v14;
	v11 =	vxor.u32 v11, v12  }
0x173: {  	v13 =	vadd.s32 $0x1BD11BDB, v13;
	v12 =	vadd.s32 $0x5, v59;
	v11 =	vshrl.u32 v11, $0x9  }
0x174: {  	v12 =	vxor.u32 v13, v12;
	vm0 =	vgt.s32 v11, v9  }
0x175: {  	v12 =	vshrl.u32 v12, $0x9;
	v9 =	vsel vm0, v11, v9  }
0x176: {  	v11 =	vmax.u32 v12, v9  }
0x177: {  	v60 =	vperm.xlane v11, v2;
	_ =	sdelay $0x1  }
0x178: {  	vm1 =	vgt.s32 v11, v60  }
0x179: {  	v13 =	vsel vm1, v11, v60  }
0x17a: {  	v61 =	vperm.xlane v13, v3;
	_ =	sdelay $0x1  }
0x17b: {  	vm1 =	vgt.s32 v13, v61  }
0x17c: {  	v13 =	vsel vm1, v13, v61  }
0x17d: {  	v14 =	vperm.xlane v13, v4;
	_ =	sdelay $0x1  }
0x17e: {  	vm1 =	vgt.s32 v13, v14  }
0x17f: {  	v13 =	vsel vm1, v13, v14  }
0x180: {  	v14 =	vperm.xlane v13, v5;
	_ =	sdelay $0x1  }
0x181: {  	vm1 =	vgt.s32 v13, v14  }
0x182: {  	v8 =	vsel vm0, v8, v10;
	vm13 =	vgt.u32 v12, v9;
	v62 =	vsel vm1, v13, v14  }
0x183: {  	v7 =	vsel vm13, v7, v8;
	vm14 =	veq.s32 v11, v62  }
0x184: {  	v7 =	vnsel vm14, $0x40000000, v7  }
0x185: {  	v8 =	vperm.xlane v7, v2;
	_ =	sdelay $0x1  }
0x186: {  	vm0 =	vlt.s32 v7, v8  }
0x187: {  	v7 =	vsel vm0, v7, v8  }
0x188: {  	v8 =	vperm.xlane v7, v3;
	_ =	sdelay $0x1  }
0x189: {  	vm0 =	vlt.s32 v7, v8  }
0x18a: {  	v7 =	vsel vm0, v7, v8  }
0x18b: {  	v8 =	vperm.xlane v7, v4;
	_ =	sdelay $0x1  }
0x18c: {  	v63 =	vmov s11;
	s11 =	sadd.s32 $0x1, s11;
	vm0 =	vlt.s32 v7, v8  }
0x18d: {  	p0 =	sne.s32 s11, $0x10;
	v7 =	vsel vm0, v7, v8  }
.Ltmp3:
0x18e: {  	v8 =	vperm.xlane v7, v5;
	(pc) =	sbr.rel @p0 .LBB2_6-.Ltmp3, $4  }
0x18f: {  	_ = 	snop  }
0x190: {  	vm0 =	vlt.s32 v7, v8  }
0x191: {  	vm15 =	veq.s32 v63, v0;
	v7 =	vsel vm0, v7, v8  }
0x192: {  	v6 =	vsel vm15, v7, v6  }
0x193: {  	[tilespmem:$0x10] =	vst v6;
	s10 =	simm.s32 $0x0;
	v6 =	vimm.s32 $0x0;
	s11 =	simm.s32 $0x0  }
.LBB2_10:
0x194: {  	s12 =	sadd.s32 s5, s11  }
0x195: {  	s12 =	smul.u32 $0x186A0, s12;
	_ =	sdelay $0x1  }
0x196: {  	v7 =	vmov s12  }
0x197: {  	v7 =	vor.u32 $0x1, v7  }
0x198: {  	v11 =	vbroadcast v7, $0x0  }
0x199: {  	v7 =	vor.u32 s10, v1  }
0x19a: {  	v8 =	vor.u32 s10, v0;
	v9 =	vadd.s32 v7, v11  }
0x19b: {  	v10 =	vadd.s32 v8, v11;
	v12 =	vshrl.u32 v9, $0x13;
	v13 =	vshll.u32 v9, $0xD  }
0x19c: {  	v14 =	vshrl.u32 v10, $0x13;
	v15 =	vshll.u32 v10, $0xD;
	v12 =	vor.u32 v12, v13  }
0x19d: {  	v13 =	vor.u32 v14, v15;
	v12 =	vxor.u32 v9, v12  }
0x19e: {  	v13 =	vxor.u32 v10, v13;
	v14 =	vadd.s32 v9, v12;
	v9 =	vshrl.u32 v12, $0x11  }
0x19f: {  	v12 =	vshll.u32 v12, $0xF;
	v15 =	vshrl.u32 v13, $0x11;
	v16 =	vshll.u32 v13, $0xF  }
0x1a0: {  	v10 =	vadd.s32 v10, v13;
	v12 =	vor.u32 v9, v12;
	v13 =	vor.u32 v15, v16  }
0x1a1: {  	v9 =	vimm.s32 $0xFFFFFFFE;
	v12 =	vxor.u32 v14, v12;
	v15 =	vxor.u32 v10, v13  }
0x1a2: {  	v13 =	vadd.s32 v14, v12;
	v16 =	vshrl.u32 v12, $0x6;
	v14 =	vshrl.u32 v15, $0x6  }
0x1a3: {  	v17 =	vshll.u32 v15, $0x1A;
	v18 =	vshll.u32 v12, $0x1A;
	v12 =	vadd.s32 v10, v15  }
0x1a4: {  	s12 =	simm.s32 $0x20;
	v10 =	vimm.s32 $0x0;
	v14 =	vor.u32 v14, v17;
	v15 =	vor.u32 v16, v18  }
.LBB2_11:
0x1a5: {  	p0 =	sne.s32 s12, $0x18680;
	v14 =	vxor.u32 v12, v14;
	v15 =	vxor.u32 v13, v15  }
0x1a6: {  	v16 =	vadd.s32 v13, v15;
	v13 =	vshrl.u32 v15, $0x1A;
	v15 =	vshll.u32 v15, $0x6  }
0x1a7: {  	v17 =	vshrl.u32 v14, $0x1A;
	v18 =	vshll.u32 v14, $0x6;
	v13 =	vor.u32 v13, v15  }
0x1a8: {  	v14 =	vadd.s32 v12, v14;
	v15 =	vor.u32 v17, v18;
	v13 =	vxor.u32 v16, v13  }
0x1a9: {  	v12 =	vor.u32 s12, v1;
	v15 =	vxor.u32 v14, v15;
	v17 =	vadd.s32 $0x1BD11BDC, v13  }
0x1aa: {  	v13 =	vor.u32 s12, v0;
	v15 =	vadd.s32 $0x1BD11BDC, v15;
	v16 =	vadd.s32 v17, v16  }
0x1ab: {  	v14 =	vadd.s32 v15, v14;
	v18 =	vshrl.u32 v17, $0xF;
	v17 =	vshll.u32 v17, $0x11  }
0x1ac: {  	v19 =	vshrl.u32 v15, $0xF;
	v15 =	vshll.u32 v15, $0x11;
	v16 =	vadd.s32 $0x1, v16  }
0x1ad: {  	v14 =	vadd.s32 $0x1, v14;
	v19 =	vor.u32 v19, v15;
	v17 =	vor.u32 v18, v17  }
0x1ae: {  	v15 =	vadd.s32 v12, v11;
	v18 =	vxor.u32 v14, v19;
	v17 =	vxor.u32 v16, v17  }
0x1af: {  	v16 =	vadd.s32 v16, v17;
	v19 =	vshrl.u32 v17, $0x3;
	v17 =	vshll.u32 v17, $0x1D  }
0x1b0: {  	v20 =	vshrl.u32 v18, $0x3;
	v21 =	vshll.u32 v18, $0x1D;
	v17 =	vor.u32 v19, v17  }
0x1b1: {  	v14 =	vadd.s32 v14, v18;
	v18 =	vor.u32 v20, v21;
	v17 =	vxor.u32 v16, v17  }
0x1b2: {  	v18 =	vxor.u32 v14, v18;
	v16 =	vadd.s32 v16, v17;
	v19 =	vshrl.u32 v17, $0x10  }
0x1b3: {  	v20 =	vshrl.u32 v18, $0x10;
	v21 =	vshll.u32 v18, $0x10;
	v17 =	vshll.u32 v17, $0x10  }
0x1b4: {  	v18 =	vadd.s32 v14, v18;
	v20 =	vor.u32 v20, v21;
	v17 =	vor.u32 v19, v17  }
0x1b5: {  	v14 =	vadd.s32 v13, v11;
	v19 =	vxor.u32 v18, v20;
	v17 =	vxor.u32 v16, v17  }
0x1b6: {  	v16 =	vadd.s32 v16, v17;
	v20 =	vshrl.u32 v17, $0x8;
	v17 =	vshll.u32 v17, $0x18  }
0x1b7: {  	v21 =	vshrl.u32 v19, $0x8;
	v22 =	vshll.u32 v19, $0x18;
	v17 =	vor.u32 v20, v17  }
0x1b8: {  	v18 =	vadd.s32 v18, v19;
	v19 =	vor.u32 v21, v22;
	v17 =	vxor.u32 v16, v17  }
0x1b9: {  	v20 =	vshrl.u32 v15, $0x13;
	v19 =	vxor.u32 v18, v19;
	v17 =	vadd.s32 $0x2, v17  }
0x1ba: {  	v21 =	vshll.u32 v15, $0xD;
	v19 =	vadd.s32 $0x2, v19;
	v16 =	vadd.s32 v17, v16  }
0x1bb: {  	v18 =	vadd.s32 v19, v18;
	v22 =	vshrl.u32 v17, $0x13;
	v17 =	vshll.u32 v17, $0xD  }
0x1bc: {  	v23 =	vshrl.u32 v19, $0x13;
	v19 =	vshll.u32 v19, $0xD;
	v16 =	vadd.s32 $0x1BD11BDB, v16  }
0x1bd: {  	v18 =	vadd.s32 $0x1BD11BDB, v18;
	v19 =	vor.u32 v23, v19;
	v17 =	vor.u32 v22, v17  }
0x1be: {  	v22 =	vshrl.u32 v14, $0x13;
	v19 =	vxor.u32 v18, v19;
	v17 =	vxor.u32 v16, v17  }
0x1bf: {  	v16 =	vadd.s32 v16, v17;
	v23 =	vshrl.u32 v17, $0x11;
	v17 =	vshll.u32 v17, $0xF  }
0x1c0: {  	v24 =	vshrl.u32 v19, $0x11;
	v25 =	vshll.u32 v19, $0xF;
	v17 =	vor.u32 v23, v17  }
0x1c1: {  	v18 =	vadd.s32 v18, v19;
	v19 =	vor.u32 v24, v25;
	v17 =	vxor.u32 v16, v17  }
0x1c2: {  	v19 =	vxor.u32 v18, v19;
	v16 =	vadd.s32 v16, v17;
	v23 =	vshrl.u32 v17, $0x6  }
0x1c3: {  	v24 =	vshrl.u32 v19, $0x6;
	v25 =	vshll.u32 v19, $0x1A;
	v17 =	vshll.u32 v17, $0x1A  }
0x1c4: {  	v18 =	vadd.s32 v18, v19;
	v19 =	vor.u32 v24, v25;
	v17 =	vor.u32 v23, v17  }
0x1c5: {  	v23 =	vshll.u32 v14, $0xD;
	v19 =	vxor.u32 v18, v19;
	v17 =	vxor.u32 v16, v17  }
0x1c6: {  	v16 =	vadd.s32 v16, v17;
	v24 =	vshrl.u32 v17, $0x1A;
	v17 =	vshll.u32 v17, $0x6  }
0x1c7: {  	v25 =	vshrl.u32 v19, $0x1A;
	v26 =	vshll.u32 v19, $0x6;
	v17 =	vor.u32 v24, v17  }
0x1c8: {  	v18 =	vadd.s32 v18, v19;
	v19 =	vor.u32 v25, v26;
	v17 =	vxor.u32 v16, v17  }
0x1c9: {  	v20 =	vor.u32 v20, v21;
	v19 =	vxor.u32 v18, v19;
	v17 =	vadd.s32 $0x4, v17  }
0x1ca: {  	v19 =	vadd.s32 $0x4, v19;
	v16 =	vadd.s32 v16, v17;
	v21 =	vshrl.u32 v17, $0xF  }
0x1cb: {  	v24 =	vshrl.u32 v19, $0xF;
	v25 =	vshll.u32 v19, $0x11;
	v17 =	vshll.u32 v17, $0x11  }
0x1cc: {  	v18 =	vadd.s32 v18, v19;
	v19 =	vor.u32 v24, v25;
	v17 =	vor.u32 v21, v17  }
0x1cd: {  	v21 =	vor.u32 v22, v23;
	v19 =	vxor.u32 v18, v19;
	v17 =	vxor.u32 v16, v17  }
0x1ce: {  	v16 =	vadd.s32 v16, v17;
	v22 =	vshrl.u32 v17, $0x3;
	v17 =	vshll.u32 v17, $0x1D  }
0x1cf: {  	v23 =	vshrl.u32 v19, $0x3;
	v24 =	vshll.u32 v19, $0x1D;
	v17 =	vor.u32 v22, v17  }
0x1d0: {  	v18 =	vadd.s32 v18, v19;
	v19 =	vor.u32 v23, v24;
	v17 =	vxor.u32 v16, v17  }
0x1d1: {  	v19 =	vxor.u32 v18, v19;
	v16 =	vadd.s32 v16, v17;
	v22 =	vshrl.u32 v17, $0x10  }
0x1d2: {  	v23 =	vshrl.u32 v19, $0x10;
	v24 =	vshll.u32 v19, $0x10;
	v17 =	vshll.u32 v17, $0x10  }
0x1d3: {  	v18 =	vadd.s32 v18, v19;
	v19 =	vor.u32 v23, v24;
	v17 =	vor.u32 v22, v17  }
0x1d4: {  	v20 =	vxor.u32 v15, v20;
	v19 =	vxor.u32 v18, v19;
	v17 =	vxor.u32 v16, v17  }
0x1d5: {  	v16 =	vadd.s32 v16, v17;
	v22 =	vshrl.u32 v17, $0x8;
	v17 =	vshll.u32 v17, $0x18  }
0x1d6: {  	v23 =	vshrl.u32 v19, $0x8;
	v24 =	vshll.u32 v19, $0x18;
	v17 =	vor.u32 v22, v17  }
0x1d7: {  	v18 =	vadd.s32 v18, v19;
	v19 =	vor.u32 v23, v24;
	v17 =	vxor.u32 v16, v17  }
0x1d8: {  	v21 =	vxor.u32 v14, v21;
	v19 =	vxor.u32 v18, v19;
	v17 =	vadd.s32 $0x1BD11BDF, v17  }
0x1d9: {  	v19 =	vadd.s32 $0x1BD11BDF, v19;
	v16 =	vadd.s32 v17, v16;
	v22 =	vshrl.u32 v17, $0x13  }
0x1da: {  	v18 =	vadd.s32 v19, v18;
	v23 =	vshrl.u32 v19, $0x13;
	v17 =	vshll.u32 v17, $0xD  }
0x1db: {  	v19 =	vshll.u32 v19, $0xD;
	v16 =	vadd.s32 $0x1, v16;
	v17 =	vor.u32 v22, v17  }
0x1dc: {  	v18 =	vadd.s32 $0x1, v18;
	v19 =	vor.u32 v23, v19;
	v17 =	vxor.u32 v16, v17  }
0x1dd: {  	v19 =	vxor.u32 v18, v19;
	v16 =	vadd.s32 v16, v17;
	v22 =	vshrl.u32 v17, $0x11  }
0x1de: {  	v23 =	vshrl.u32 v19, $0x11;
	v24 =	vshll.u32 v19, $0xF;
	v17 =	vshll.u32 v17, $0xF  }
0x1df: {  	v18 =	vadd.s32 v18, v19;
	v19 =	vor.u32 v23, v24;
	v17 =	vor.u32 v22, v17  }
0x1e0: {  	v15 =	vadd.s32 v15, v20;
	v19 =	vxor.u32 v18, v19;
	v17 =	vxor.u32 v16, v17  }
0x1e1: {  	v22 =	vshrl.u32 v19, $0x6;
	v23 =	vshll.u32 v19, $0x1A;
	v24 =	vshrl.u32 v17, $0x6  }
0x1e2: {  	v18 =	vadd.s32 v18, v19;
	v19 =	vor.u32 v22, v23;
	v22 =	vshll.u32 v17, $0x1A  }
0x1e3: {  	v16 =	vadd.s32 v16, v17;
	v19 =	vxor.u32 v18, v19;
	v17 =	vor.u32 v24, v22  }
0x1e4: {  	v22 =	vshrl.u32 v19, $0x1A;
	v23 =	vshll.u32 v19, $0x6;
	v17 =	vxor.u32 v16, v17  }
0x1e5: {  	v18 =	vadd.s32 v18, v19;
	v19 =	vor.u32 v22, v23;
	v16 =	vadd.s32 v16, v17  }
0x1e6: {  	v22 =	vshrl.u32 v17, $0x1A;
	v17 =	vshll.u32 v17, $0x6;
	v19 =	vxor.u32 v18, v19  }
0x1e7: {  	v18 =	vadd.s32 $0x1BD11BDB, v18;
	v17 =	vor.u32 v22, v17;
	v19 =	vadd.s32 $0x5, v19  }
0x1e8: {  	v22 =	vshrl.u32 v20, $0x11;
	v17 =	vxor.u32 v16, v17;
	v18 =	vxor.u32 v18, v19  }
0x1e9: {  	v16 =	vadd.s32 $0x1BD11BDB, v16;
	v17 =	vadd.s32 $0x5, v17;
	v18 =	vshrl.u32 v18, $0x9  }
0x1ea: {  	v19 =	vshll.u32 v20, $0xF;
	v16 =	vxor.u32 v16, v17;
	vm0 =	vgt.s32 v18, v9  }
0x1eb: {  	v16 =	vshrl.u32 v16, $0x9;
	v9 =	vsel vm0, v18, v9;
	v10 =	vsel vm0, v8, v10;
	v8 =	vmovc v13  }
0x1ec: {  	v13 =	vshrl.u32 v21, $0x11;
	vm0 =	vgt.u32 v16, v9;
	v9 =	vmax.u32 v16, v9  }
.Ltmp4:
0x1ed: {  	v17 =	vor.u32 v22, v19;
	v16 =	vshll.u32 v21, $0xF;
	v10 =	vsel vm0, v7, v10;
	v7 =	vmovc v12;
	(pc) =	sbr.rel @p0 .LBB2_11-.Ltmp4, $4  }
0x1ee: {  	v12 =	vadd.s32 v14, v21;
	v13 =	vor.u32 v13, v16;
	v14 =	vxor.u32 v15, v17  }
0x1ef: {  	v16 =	vxor.u32 v12, v13;
	v13 =	vadd.s32 v15, v14;
	v15 =	vshrl.u32 v14, $0x6  }
0x1f0: {  	v19 =	vshll.u32 v14, $0x1A;
	v17 =	vshrl.u32 v16, $0x6;
	v18 =	vshll.u32 v16, $0x1A  }
0x1f1: {  	s12 =	sadd.s32 $0x20, s12;
	v12 =	vadd.s32 v12, v16;
	v15 =	vor.u32 v15, v19;
	v14 =	vor.u32 v17, v18  }
0x1f2: {  	v11 =	vxor.u32 v12, v14;
	v41 =	vxor.u32 v13, v15  }
0x1f3: {  	v13 =	vadd.s32 v13, v41;
	v15 =	vshrl.u32 v41, $0x1A;
	v14 =	vshll.u32 v41, $0x6  }
0x1f4: {  	v16 =	vshrl.u32 v11, $0x1A;
	v17 =	vshll.u32 v11, $0x6;
	v14 =	vor.u32 v15, v14  }
0x1f5: {  	v11 =	vadd.s32 v12, v11;
	v42 =	vor.u32 v16, v17;
	v14 =	vxor.u32 v13, v14  }
0x1f6: {  	v12 =	vxor.u32 v11, v42;
	v14 =	vadd.s32 $0x1BD11BDC, v14  }
0x1f7: {  	v12 =	vadd.s32 $0x1BD11BDC, v12;
	v13 =	vadd.s32 v14, v13  }
0x1f8: {  	v11 =	vadd.s32 v12, v11;
	v43 =	vshrl.u32 v14, $0xF;
	v14 =	vshll.u32 v14, $0x11  }
0x1f9: {  	v44 =	vshrl.u32 v12, $0xF;
	v12 =	vshll.u32 v12, $0x11;
	v13 =	vadd.s32 $0x1, v13  }
0x1fa: {  	v11 =	vadd.s32 $0x1, v11;
	v12 =	vor.u32 v44, v12;
	v14 =	vor.u32 v43, v14  }
0x1fb: {  	v12 =	vxor.u32 v11, v12;
	v14 =	vxor.u32 v13, v14  }
0x1fc: {  	v13 =	vadd.s32 v13, v14;
	v45 =	vshrl.u32 v14, $0x3;
	v14 =	vshll.u32 v14, $0x1D  }
0x1fd: {  	v46 =	vshrl.u32 v12, $0x3;
	v47 =	vshll.u32 v12, $0x1D;
	v14 =	vor.u32 v45, v14  }
0x1fe: {  	v11 =	vadd.s32 v11, v12;
	v48 =	vor.u32 v46, v47;
	v14 =	vxor.u32 v13, v14  }
0x1ff: {  	v12 =	vxor.u32 v11, v48;
	v13 =	vadd.s32 v13, v14;
	v49 =	vshrl.u32 v14, $0x10  }
0x200: {  	v50 =	vshrl.u32 v12, $0x10;
	v51 =	vshll.u32 v12, $0x10;
	v14 =	vshll.u32 v14, $0x10  }
0x201: {  	v11 =	vadd.s32 v11, v12;
	v52 =	vor.u32 v50, v51;
	v14 =	vor.u32 v49, v14  }
0x202: {  	v12 =	vxor.u32 v11, v52;
	v14 =	vxor.u32 v13, v14  }
0x203: {  	v13 =	vadd.s32 v13, v14;
	v53 =	vshrl.u32 v14, $0x8;
	v14 =	vshll.u32 v14, $0x18  }
0x204: {  	v54 =	vshrl.u32 v12, $0x8;
	v55 =	vshll.u32 v12, $0x18;
	v14 =	vor.u32 v53, v14  }
0x205: {  	v11 =	vadd.s32 v11, v12;
	v56 =	vor.u32 v54, v55;
	v14 =	vxor.u32 v13, v14  }
0x206: {  	v12 =	vxor.u32 v11, v56;
	v14 =	vadd.s32 $0x2, v14  }
0x207: {  	v12 =	vadd.s32 $0x2, v12;
	v13 =	vadd.s32 v14, v13  }
0x208: {  	v11 =	vadd.s32 v12, v11;
	v57 =	vshrl.u32 v14, $0x13;
	v14 =	vshll.u32 v14, $0xD  }
0x209: {  	v58 =	vshrl.u32 v12, $0x13;
	v12 =	vshll.u32 v12, $0xD;
	v13 =	vadd.s32 $0x1BD11BDB, v13  }
0x20a: {  	v11 =	vadd.s32 $0x1BD11BDB, v11;
	v12 =	vor.u32 v58, v12;
	v14 =	vor.u32 v57, v14  }
0x20b: {  	v12 =	vxor.u32 v11, v12;
	v14 =	vxor.u32 v13, v14  }
0x20c: {  	v13 =	vadd.s32 v13, v14;
	v59 =	vshrl.u32 v14, $0x11;
	v14 =	vshll.u32 v14, $0xF  }
0x20d: {  	v60 =	vshrl.u32 v12, $0x11;
	v61 =	vshll.u32 v12, $0xF;
	v14 =	vor.u32 v59, v14  }
0x20e: {  	v11 =	vadd.s32 v11, v12;
	v62 =	vor.u32 v60, v61;
	v14 =	vxor.u32 v13, v14  }
0x20f: {  	v12 =	vxor.u32 v11, v62;
	v13 =	vadd.s32 v13, v14;
	v63 =	vshrl.u32 v14, $0x6  }
0x210: {  	v20 =	vshrl.u32 v12, $0x6;
	v21 =	vshll.u32 v12, $0x1A;
	v14 =	vshll.u32 v14, $0x1A  }
0x211: {  	v11 =	vadd.s32 v11, v12;
	v22 =	vor.u32 v20, v21;
	v14 =	vor.u32 v63, v14  }
0x212: {  	v12 =	vxor.u32 v11, v22;
	v14 =	vxor.u32 v13, v14  }
0x213: {  	v13 =	vadd.s32 v13, v14;
	v23 =	vshrl.u32 v14, $0x1A;
	v14 =	vshll.u32 v14, $0x6  }
0x214: {  	v24 =	vshrl.u32 v12, $0x1A;
	v25 =	vshll.u32 v12, $0x6;
	v14 =	vor.u32 v23, v14  }
0x215: {  	v11 =	vadd.s32 v11, v12;
	v26 =	vor.u32 v24, v25;
	v14 =	vxor.u32 v13, v14  }
0x216: {  	v12 =	vxor.u32 v11, v26;
	v14 =	vadd.s32 $0x4, v14  }
0x217: {  	v12 =	vadd.s32 $0x4, v12;
	v13 =	vadd.s32 v13, v14;
	v27 =	vshrl.u32 v14, $0xF  }
0x218: {  	v28 =	vshrl.u32 v12, $0xF;
	v29 =	vshll.u32 v12, $0x11;
	v14 =	vshll.u32 v14, $0x11  }
0x219: {  	v11 =	vadd.s32 v11, v12;
	v30 =	vor.u32 v28, v29;
	v14 =	vor.u32 v27, v14  }
0x21a: {  	v12 =	vxor.u32 v11, v30;
	v14 =	vxor.u32 v13, v14  }
0x21b: {  	v13 =	vadd.s32 v13, v14;
	v31 =	vshrl.u32 v14, $0x3;
	v14 =	vshll.u32 v14, $0x1D  }
0x21c: {  	v32 =	vshrl.u32 v12, $0x3;
	v33 =	vshll.u32 v12, $0x1D;
	v14 =	vor.u32 v31, v14  }
0x21d: {  	v11 =	vadd.s32 v11, v12;
	v34 =	vor.u32 v32, v33;
	v14 =	vxor.u32 v13, v14  }
0x21e: {  	v12 =	vxor.u32 v11, v34;
	v13 =	vadd.s32 v13, v14;
	v35 =	vshrl.u32 v14, $0x10  }
0x21f: {  	v36 =	vshrl.u32 v12, $0x10;
	v37 =	vshll.u32 v12, $0x10;
	v14 =	vshll.u32 v14, $0x10  }
0x220: {  	v11 =	vadd.s32 v11, v12;
	v38 =	vor.u32 v36, v37;
	v14 =	vor.u32 v35, v14  }
0x221: {  	v12 =	vxor.u32 v11, v38;
	v14 =	vxor.u32 v13, v14  }
0x222: {  	v13 =	vadd.s32 v13, v14;
	v39 =	vshrl.u32 v14, $0x8;
	v14 =	vshll.u32 v14, $0x18  }
0x223: {  	v40 =	vshrl.u32 v12, $0x8;
	v41 =	vshll.u32 v12, $0x18;
	v14 =	vor.u32 v39, v14  }
0x224: {  	v11 =	vadd.s32 v11, v12;
	v42 =	vor.u32 v40, v41;
	v14 =	vxor.u32 v13, v14  }
0x225: {  	v12 =	vxor.u32 v11, v42;
	v14 =	vadd.s32 $0x1BD11BDF, v14  }
0x226: {  	v12 =	vadd.s32 $0x1BD11BDF, v12;
	v13 =	vadd.s32 v14, v13;
	v43 =	vshrl.u32 v14, $0x13  }
0x227: {  	v11 =	vadd.s32 v12, v11;
	v44 =	vshrl.u32 v12, $0x13;
	v14 =	vshll.u32 v14, $0xD  }
0x228: {  	v12 =	vshll.u32 v12, $0xD;
	v13 =	vadd.s32 $0x1, v13;
	v14 =	vor.u32 v43, v14  }
0x229: {  	v11 =	vadd.s32 $0x1, v11;
	v12 =	vor.u32 v44, v12;
	v14 =	vxor.u32 v13, v14  }
0x22a: {  	v12 =	vxor.u32 v11, v12;
	v13 =	vadd.s32 v13, v14;
	v45 =	vshrl.u32 v14, $0x11  }
0x22b: {  	v46 =	vshrl.u32 v12, $0x11;
	v47 =	vshll.u32 v12, $0xF;
	v14 =	vshll.u32 v14, $0xF  }
0x22c: {  	v11 =	vadd.s32 v11, v12;
	v48 =	vor.u32 v46, v47;
	v14 =	vor.u32 v45, v14  }
0x22d: {  	v12 =	vxor.u32 v11, v48;
	v14 =	vxor.u32 v13, v14  }
0x22e: {  	v49 =	vshrl.u32 v12, $0x6;
	v50 =	vshll.u32 v12, $0x1A;
	v51 =	vshrl.u32 v14, $0x6  }
0x22f: {  	v11 =	vadd.s32 v11, v12;
	v53 =	vshll.u32 v14, $0x1A;
	v52 =	vor.u32 v49, v50  }
0x230: {  	v13 =	vadd.s32 v13, v14;
	v54 =	vor.u32 v51, v53;
	v12 =	vxor.u32 v11, v52  }
0x231: {  	v14 =	vxor.u32 v13, v54;
	v55 =	vshrl.u32 v12, $0x1A;
	v56 =	vshll.u32 v12, $0x6  }
0x232: {  	v11 =	vadd.s32 v11, v12;
	v13 =	vadd.s32 v13, v14;
	v57 =	vor.u32 v55, v56  }
0x233: {  	v58 =	vshrl.u32 v14, $0x1A;
	v14 =	vshll.u32 v14, $0x6;
	v12 =	vxor.u32 v11, v57  }
0x234: {  	v14 =	vor.u32 v58, v14;
	v11 =	vadd.s32 $0x1BD11BDB, v11;
	v12 =	vadd.s32 $0x5, v12  }
0x235: {  	v59 =	vxor.u32 v13, v14;
	v11 =	vxor.u32 v11, v12  }
0x236: {  	v13 =	vadd.s32 $0x1BD11BDB, v13;
	v12 =	vadd.s32 $0x5, v59;
	v11 =	vshrl.u32 v11, $0x9  }
0x237: {  	v12 =	vxor.u32 v13, v12;
	vm0 =	vgt.s32 v11, v9  }
0x238: {  	v12 =	vshrl.u32 v12, $0x9;
	v9 =	vsel vm0, v11, v9  }
0x239: {  	v11 =	vmax.u32 v12, v9  }
0x23a: {  	v60 =	vperm.xlane v11, v2;
	_ =	sdelay $0x1  }
0x23b: {  	vm1 =	vgt.s32 v11, v60  }
0x23c: {  	v13 =	vsel vm1, v11, v60  }
0x23d: {  	v61 =	vperm.xlane v13, v3;
	_ =	sdelay $0x1  }
0x23e: {  	vm1 =	vgt.s32 v13, v61  }
0x23f: {  	v13 =	vsel vm1, v13, v61  }
0x240: {  	v14 =	vperm.xlane v13, v4;
	_ =	sdelay $0x1  }
0x241: {  	vm1 =	vgt.s32 v13, v14  }
0x242: {  	v13 =	vsel vm1, v13, v14  }
0x243: {  	v14 =	vperm.xlane v13, v5;
	_ =	sdelay $0x1  }
0x244: {  	vm1 =	vgt.s32 v13, v14  }
0x245: {  	v8 =	vsel vm0, v8, v10;
	vm13 =	vgt.u32 v12, v9;
	v62 =	vsel vm1, v13, v14  }
0x246: {  	v7 =	vsel vm13, v7, v8;
	vm14 =	veq.s32 v11, v62  }
0x247: {  	v7 =	vnsel vm14, $0x40000000, v7  }
0x248: {  	v8 =	vperm.xlane v7, v2;
	_ =	sdelay $0x1  }
0x249: {  	vm0 =	vlt.s32 v7, v8  }
0x24a: {  	v7 =	vsel vm0, v7, v8  }
0x24b: {  	v8 =	vperm.xlane v7, v3;
	_ =	sdelay $0x1  }
0x24c: {  	vm0 =	vlt.s32 v7, v8  }
0x24d: {  	v7 =	vsel vm0, v7, v8  }
0x24e: {  	v8 =	vperm.xlane v7, v4;
	_ =	sdelay $0x1  }
0x24f: {  	v63 =	vmov s11;
	s11 =	sadd.s32 $0x1, s11;
	vm0 =	vlt.s32 v7, v8  }
0x250: {  	p0 =	sne.s32 s11, $0x10;
	v7 =	vsel vm0, v7, v8  }
.Ltmp5:
0x251: {  	v8 =	vperm.xlane v7, v5;
	(pc) =	sbr.rel @p0 .LBB2_10-.Ltmp5, $4  }
0x252: {  	_ = 	snop  }
0x253: {  	vm0 =	vlt.s32 v7, v8  }
0x254: {  	vm15 =	veq.s32 v63, v0;
	v7 =	vsel vm0, v7, v8  }
0x255: {  	v6 =	vsel vm15, v7, v6  }
0x256: {  	s9 =	sadd.s32 $0x1, s9  }
0x257: {  	p0 =	sne.s32 s9, s7  }
.Ltmp6:
0x258: {  	[tilespmem:$0x20] =	vst v6;
	(pc) =	sbr.rel @p0 .LBB2_1-.Ltmp6, $4  }
0x259: {  	[hbm4b:s6+s2] =	stream.linear.scatter [tilespmem:s2], [sflag:$0x1], $0x30, $0x38;
	[tilespmem:$0x80] =	vst v63  }
0x25a: {  	_ =	swait.ge [sflag:s8], $0x30  }
0x25b: {  	[sflag:s8] =	ssyncset.done $0x0  }
0x25c: {  	[sflag:s8] =	ssyncadd.s32 $0xFFFFFFD0  }
0x25d: {  	_ =	sfence.sel $0x180000  }
0x25e: {  	[bflag:$0x0] =	sbarrier.arrive $0xFFFF  }
0x25f: {  	p0 =	sne.s32 s0, $0x0;
	_ =	strace $0x90000047  }
0x260: {  	s0 =	sadd.s32 @!p0 $0x100000, s1;
	[bflag:$0x2] =	sbarrier.arrive $0xFFFF  }
0x261: {  	[sflag:s0] =	ssyncadd.tile.s32 @!p0 $0x1;
	_ =	shalt  }
.Lfunc_end2:
_tile_overlayer_lowered:
.L_overlay_start_2:
0x262: {  	(tag) =	ssettag $0x2  }
0x263: {  	s0 =	rddreg [dreg:$0x0];
	s2 =	stileid.u32  }
0x264: {  	s1 =	rddreg [dreg:$0x1];
	p0 =	sne.s32 s2, $0x0  }
0x265: {  	s3 =	rddreg [dreg:$0x2];
	[bflag:$0x3] =	sbarrier.arrive $0xFFFF;
	s2 =	simm.s32 @!p0 $0x1C01  }
0x266: {  	[timem:s3], [sflag:s2] =	dma.local @!p0 [hbm:s0], s1  }
0x267: {  	s0 =	simm.s32 @!p0 $0x1  }
0x268: {  	_ =	swait.ge @!p0 [sflag:s0], s1  }
0x269: {  	s1 =	ssub.s32 @!p0 $0x0, s1;
	[sflag:s0] =	ssyncset.done @!p0 $0x0  }
0x26a: {  	[sflag:s0] =	ssyncadd.s32 @!p0 s1  }
0x26b: {  	[bflag:$0x3] =	sbarrier.arrive $0xFFFF  }
0x26c: {  	_ =	shalt  }

// kernel: kernel.9.cloned.1.call-start
scs
__scs_entry_jumppad:
0x0: {  	(pc) =	sbr.rel $0x88, $3  }
0x1: {  	(tag) =	ssettag $0x0;
	lr =	simm.s32 $0x1  }
0x2: {  	[smem:$0x3F9D] =	sst lr;
	_ =	strace $0xD0000000  }
0x3: {  	_ = 	snop  }
0x4: {  	_ = 	snop  }
0x5: {  	_ = 	snop  }
0x6: {  	_ = 	snop  }
0x7: {  	_ = 	snop  }
__scs_overlays_trampoline_lowered:
0x8: {  	[smem:$0x3FAC] =	sst s0  }
0x9: {  	[smem:$0x3FAD] =	sst s1  }
0xa: {  	[smem:$0x3FAE] =	sst s2  }
0xb: {  	[smem:$0x3FAF] =	sst s3  }
0xc: {  	[smem:$0x3FB0] =	sst s4  }
0xd: {  	[smem:$0x3FB1] =	sst s5  }
0xe: {  	[smem:$0x3FB2] =	sst s6  }
0xf: {  	[smem:$0x3FB3] =	sst s7  }
0x10: {  	[smem:$0x3FB4] =	sst s8  }
0x11: {  	[smem:$0x3FB5] =	sst s9;
	s0 =	simm.s32 @!p0 $0x0  }
0x12: {  	s1 =	sld [smem:$0x3F9B];
	s0 =	simm.s32 @p0 $0x1  }
0x13: {  	[smem:$0x3FB6] =	sst s0;
	s0 =	simm.s32 @!p1 $0x0  }
0x14: {  	s2 =	sld [smem:$0x3F9A];
	s0 =	simm.s32 @p1 $0x1  }
0x15: {  	[smem:$0x3FB7] =	sst s0;
	s0 =	simm.s32 @!p2 $0x0  }
0x16: {  	s3 =	sld [smem:$0x3FDB];
	s0 =	simm.s32 @p2 $0x1  }
0x17: {  	s4 =	simm.s32 $0x1BF5;
	[smem:$0x3FB9] =	sst s0  }
0x18: {  	s0 =	sld [smem:$0x3F9C];
	_ =	swait.ge [sflag:s4], $0x0  }
0x19: {  	s7 =	sld [smem:$0x3F9D]  }
0x1a: {  	s8 =	sadd.s32 $0xFFFFE003, lr  }
0x1b: {  	s9 =	sadd.s32 $0xFFFFFEF7, lr;
	s5 =	simm.s32 $0xFFFFFFFF;
	p2 =	slt.u32 s8, $0xFFFFF086  }
0x1c: {  	p1 =	slt.u32 s9, $0xF7A;
	s5 =	simm.s32 @!p2 $0x0  }
0x1d: {  	s5 =	simm.s32 @p1 $0x1;
	p0 =	seq.s32 s7, s2  }
0x1e: {  	s7 =	smul.u32 @!p0 $0xF7A, s2;
	p2 =	seq.s32 @!p0 s5, $0x0  }
0x1f: {  	s9 =	smul.u32 $0xF7A, s1;
	s8 =	simm.s32 @!p0 $0x1BF5;
	p2 =	por !p2, p0  }
0x20: {  	[sflag:s8] =	ssyncset.s32 @!p0 $0xFFFFF086;
	s6 =	sadd.s32 @!p0 s3, s7;
	s7 =	simm.s32 @!p0 $0x108  }
0x21: {  	s3 =	sadd.s32 s3, s9;
	s6 =	sadd.s32 @!p0 $0x88, s6;
	s7 =	simm.s32 @p2 $0x1082  }
0x22: {  	[simem:s7], [sflag:s8] =	dma.local @!p0 [hbm:s6], $0xF7A  }
0x23: {  	s9 =	sor.u32 $0xD0000000, s2;
	s6 =	simm.s32 $0x108;
	_ =	swait.ge @!p0 [sflag:s8], $0x0  }
0x24: {  	s3 =	sadd.s32 $0x88, s3;
	s6 =	simm.s32 @!p1 $0x1082;
	[sflag:s4] =	ssyncset.s32 $0xFFFFF086  }
0x25: {  	[simem:s6], [sflag:s4] =	dma.local [hbm:s3], $0xF7A  }
0x26: {  	[smem:$0x3F9D] =	sst s1;
	(tag) =	ssettag s2;
	_ =	strace s9  }
0x27: {  	s1 =	sld [smem:$0x3FAD]  }
0x28: {  	s2 =	sld [smem:$0x3FAE]  }
0x29: {  	s4 =	sld [smem:$0x3FB0]  }
0x2a: {  	p0 =	seq.s32 s5, $0x0;
	s5 =	sld [smem:$0x3FB1]  }
0x2b: {  	s6 =	sld [smem:$0x3FB2]  }
0x2c: {  	s7 =	sld [smem:$0x3FB3]  }
0x2d: {  	s3 =	simm.s32 $0x108;
	s8 =	sld [smem:$0x3FB4]  }
0x2e: {  	s3 =	simm.s32 @!p0 $0x1082;
	s9 =	sld [smem:$0x3FB5]  }
0x2f: {  	lr =	sadd.s32 s0, s3;
	s0 =	sld [smem:$0x3FAC]  }
0x30: {  	s3 =	sld [smem:$0x3FAF]  }
0x31: {  	[smem:$0x3FB8] =	sst s10  }
0x32: {  	s10 =	sld [smem:$0x3FB6];
	_ =	sdelay $0x3  }
0x33: {  	p0 =	seq.s32 s10, $0x1;
	s10 =	sld [smem:$0x3FB8];
	_ =	sdelay $0x3  }
0x34: {  	[smem:$0x3FB8] =	sst s10  }
0x35: {  	s10 =	sld [smem:$0x3FB7];
	_ =	sdelay $0x3  }
0x36: {  	p1 =	seq.s32 s10, $0x1;
	s10 =	sld [smem:$0x3FB8];
	_ =	sdelay $0x3  }
0x37: {  	[smem:$0x3FB8] =	sst s10  }
0x38: {  	s10 =	sld [smem:$0x3FB9]  }
0x39: {  	_ = 	snop;
	(pc) =	sbr.ind lr, $3  }
0x3a: {  	_ = 	snop  }
0x3b: {  	_ = 	snop  }
0x3c: {  	p2 =	seq.s32 s10, $0x1;
	s10 =	sld [smem:$0x3FB8]  }
0x3d: {  	_ =	shalt  }
0x3e: {  	_ =	shalt  }
0x3f: {  	_ =	shalt  }
0x40: {  	_ =	shalt  }
0x41: {  	_ =	shalt  }
0x42: {  	_ =	shalt  }
0x43: {  	_ =	shalt  }
0x44: {  	_ =	shalt  }
0x45: {  	_ =	shalt  }
0x46: {  	_ =	shalt  }
0x47: {  	_ =	shalt  }
0x48: {  	_ =	shalt  }
0x49: {  	_ =	shalt  }
0x4a: {  	_ =	shalt  }
0x4b: {  	_ =	shalt  }
0x4c: {  	_ =	shalt  }
0x4d: {  	_ =	shalt  }
0x4e: {  	_ =	shalt  }
0x4f: {  	_ =	shalt  }
0x50: {  	_ =	shalt  }
0x51: {  	_ =	shalt  }
0x52: {  	_ =	shalt  }
0x53: {  	_ =	shalt  }
0x54: {  	_ =	shalt  }
0x55: {  	_ =	shalt  }
0x56: {  	_ =	shalt  }
0x57: {  	_ =	shalt  }
0x58: {  	_ =	shalt  }
0x59: {  	_ =	shalt  }
0x5a: {  	_ =	shalt  }
0x5b: {  	_ =	shalt  }
0x5c: {  	_ =	shalt  }
0x5d: {  	_ =	shalt  }
0x5e: {  	_ =	shalt  }
0x5f: {  	_ =	shalt  }
0x60: {  	_ =	shalt  }
0x61: {  	_ =	shalt  }
0x62: {  	_ =	shalt  }
0x63: {  	_ =	shalt  }
0x64: {  	_ =	shalt  }
0x65: {  	_ =	shalt  }
0x66: {  	_ =	shalt  }
0x67: {  	_ =	shalt  }
0x68: {  	_ =	shalt  }
0x69: {  	_ =	shalt  }
0x6a: {  	_ =	shalt  }
0x6b: {  	_ =	shalt  }
0x6c: {  	_ =	shalt  }
0x6d: {  	_ =	shalt  }
0x6e: {  	_ =	shalt  }
0x6f: {  	_ =	shalt  }
0x70: {  	_ =	shalt  }
0x71: {  	_ =	shalt  }
0x72: {  	_ =	shalt  }
0x73: {  	_ =	shalt  }
0x74: {  	_ =	shalt  }
0x75: {  	_ =	shalt  }
0x76: {  	_ =	shalt  }
0x77: {  	_ =	shalt  }
0x78: {  	_ =	shalt  }
0x79: {  	_ =	shalt  }
0x7a: {  	_ =	shalt  }
0x7b: {  	_ =	shalt  }
0x7c: {  	_ =	shalt  }
0x7d: {  	_ =	shalt  }
0x7e: {  	_ =	shalt  }
0x7f: {  	_ =	shalt  }
0x80: {  	_ =	shalt  }
0x81: {  	_ =	shalt  }
0x82: {  	_ =	shalt  }
0x83: {  	_ =	shalt  }
0x84: {  	_ =	shalt  }
0x85: {  	_ =	shalt  }
0x86: {  	_ =	shalt  }
0x87: {  	_ =	shalt  }
.Lfunc_end0:
.L_simem_size_0:
called_computation.2_lowered:
.L_overlay_start_0:
0x88: {  	s2 =	sld [smem:$0x3FD9]  }
0x89: {  	s3 =	sld [smem:$0x3FFE];
	_ =	sdelay $0x1  }
0x8a: {  	s1 =	srdreg.scid  }
0x8b: {  	s0 =	sand.u32 $0x1, s1  }
0x8c: {  	s15 =	sshll.u32 s0, $0xA;
	s2 =	sadd.s32 s3, s2  }
0x8d: {  	s2 =	sadd.s32 s2, s15  }
0x8e: {  	[smem:$0x3FC4] =	sst s2  }
0x8f: {  	_ = 	snop  }
0x90: {  	s16 =	sld [smem:$0x3FD0];
	_ =	sdelay $0x2  }
0x91: {  	s4 =	simm.s32 $0xB;
	s5 =	simm.s32 $0x10;
	s2 =	sld [smem:$0x3FC9]  }
0x92: {  	[smem:s5], [sflag:s4] =	dma.local [hbm:s16], $0x1  }
0x93: {  	_ =	swait.eq [sflag:s4], $0x1  }
0x94: {  	[sflag:s4] =	ssyncset.done $0x0  }
0x95: {  	[sflag:s4] =	ssyncadd.s32 $0xFFFFFFFF  }
0x96: {  	s17 =	sld [smem:$0x10];
	(tm) =	ssettm $0x1  }
0x97: {  	s18 =	sld [smem:$0x3FFB];
	_ =	sdelay $0x3  }
0x98: {  	_ =	strace s18  }
0x99: {  	s3 =	sld [smem:$0x3FFC];
	_ =	sdelay $0x3  }
0x9a: {  	_ =	strace s3  }
0x9b: {  	s3 =	sld [smem:$0x3FFD];
	_ =	sdelay $0x3  }
0x9c: {  	_ =	strace s3  }
0x9d: {  	_ =	strace $0x8FFFFFFF  }
0x9e: {  	s19 =	sld [smem:$0x3FDB];
	_ =	sdelay $0x1  }
0x9f: {  	s20 =	simm.s32 $_scs_section_size  }
0xa0: {  	s6 =	simm.s32 $_size__tile_overlayer_lowered;
	s7 =	simm.s32 $_tile_overlayer_lowered  }
0xa1: {  	s8 =	simm.s32 $0x1BFF;
	s21 =	sshll.u32 s7, $0x1;
	s5 =	sadd.s32 s20, s19  }
0xa2: {  	s22 =	simm.s32 $0x0;
	s6 =	sshll.u32 s6, $0x1;
	s7 =	sadd.s32 s21, s5  }
0xa3: {  	[timem:s22], [sflag:s8] =	dma.local [hbm:s7], s6  }
0xa4: {  	_ =	swait.ge [sflag:s8], s6  }
0xa5: {  	s6 =	ssub.s32 $0x0, s6;
	[sflag:s8] =	ssyncset.done $0x0  }
0xa6: {  	[sflag:s8] =	ssyncadd.s32 s6;
	_ =	sdelay $0x1  }
0xa7: {  	s23 =	simm.s32 $0x1B8B  }
0xa8: {  	_ =	swait.ge [sflag:s23], $0x1  }
0xa9: {  	[sflag:s23] =	ssyncset.done $0x0  }
0xaa: {  	[sflag:s23] =	ssyncadd.s32 $0xFFFFFFFF  }
0xab: {  	s6 =	sld [smem:$0x0]  }
0xac: {  	s7 =	sand.u32 $0xFFFFFFFE, s1  }
0xad: {  	p0 =	sne.s32 s1, s7  }
0xae: {  	s7 =	sshll.u32 @p0 s7, $0xE  }
0xaf: {  	s7 =	sadd.s32 @p0 $0x11B8D, s7;
	s8 =	sshll.u32 @p0 s6, $0x11  }
0xb0: {  	s7 =	sor.u32 @p0 s8, s7  }
0xb1: {  	[sflag:s7] =	ssyncadd.remote.s32 @p0 $0x1;
	_ =	sdelay $0x1  }
0xb2: {  	s7 =	simm.s32 @p0 $0x1B8D  }
0xb3: {  	_ =	swait.eq @p0 [sflag:s7], $0x1  }
0xb4: {  	[sflag:s7] =	ssyncadd.s32 @p0 $0xFFFFFFFF  }
0xb5: {  	s8 =	sshll.u32 @!p0 s1, $0xE  }
0xb6: {  	s8 =	sor.u32 @!p0 $0x4000, s8;
	s7 =	simm.s32 @!p0 $0x1B8D  }
0xb7: {  	s6 =	sshll.u32 @!p0 s6, $0x11;
	s8 =	sadd.s32 @!p0 $0x11B8D, s8;
	_ =	swait.eq @!p0 [sflag:s7], $0x1  }
0xb8: {  	s6 =	sor.u32 @!p0 s6, s8;
	[sflag:s7] =	ssyncadd.s32 @!p0 $0xFFFFFFFF  }
0xb9: {  	s25 =	simm.s32 $0x1B8E;
	s24 =	sld [smem:$0x3FFE];
	[sflag:s6] =	ssyncadd.remote.s32 @!p0 $0x1  }
0xba: {  	s26 =	simm.s32 $execute0_lowered;
	[smem:$0x3FD2] =	sst s25  }
0xbb: {  	s7 =	sshll.u32 s26, $0x1;
	_ =	strace $0x80000049;
	[dreg:$0x1] =	wrdreg $0xFFFFFFFF  }
0xbc: {  	s28 =	simm.s32 $_size_execute0_lowered;
	s5 =	sadd.s32 s5, s7;
	[dreg:$0x0] =	wrdreg $0x0  }
0xbd: {  	s7 =	sshll.u32 s28, $0x1;
	[dreg:$0x2] =	wrdreg s5  }
0xbe: {  	[dreg:$0x3] =	wrdreg s7  }
0xbf: {  	[dreg:$0x4] =	wrdreg $0xC0  }
0xc0: {  	_ =	task [dreg:s22], $0x5FFFF  }
0xc1: {  	[dreg:$0x1] =	wrdreg $0xFFFFFFFF  }
0xc2: {  	[dreg:$0x0] =	wrdreg $0x60  }
0xc3: {  	[dreg:$0x2] =	wrdreg s24  }
0xc4: {  	[dreg:$0x3] =	wrdreg s2  }
0xc5: {  	[dreg:$0x4] =	wrdreg s17  }
0xc6: {  	[dreg:$0x5] =	wrdreg $0x9  }
0xc7: {  	_ =	task.clear_ibuf [dreg:s22], $0x6FFFF;
	_ =	strace $0x90000049  }
0xc8: {  	s29 =	simm.s32 $0x9;
	_ =	strace $0x8000004B  }
0xc9: {  	_ =	swait.ge [sflag:s29], $0x1  }
0xca: {  	[sflag:s29] =	ssyncadd.s32 $0xFFFFFFFF  }
0xcb: {  	_ =	strace $0x9000004B  }
0xcc: {  	_ =	sfence  }
0xcd: {  	s30 =	sld [smem:$0x0];
	_ =	sdelay $0x2  }
0xce: {  	s31 =	sshll.u32 s1, $0xD;
	s1 =	sshrl.u32 s1, $0x2  }
0xcf: {  	s4 =	sand.u32 $0x4000, s31;
	s1 =	sadd.s32 s1, s30  }
0xd0: {  	s0 =	sor.u32 s4, s0;
	s1 =	sshll.u32 s1, $0x11  }
0xd1: {  	s0 =	sor.u32 s1, s0  }
0xd2: {  	s0 =	sadd.s32 $0x8F2B, s0  }
0xd3: {  	[sflag:s0] =	ssyncadd.remote.s32 $0x1  }
0xd4: {  	_ =	sfence.sel $0xFFFF  }
0xd5: {  	[dreg:$0x0] =	wrdreg $0xFFFFFFFF;
	(pc) =	sbr.abs _section_cstart, $3  }
0xd6: {  	[dreg:$0x1] =	wrdreg $0xFFFFFFFF  }
0xd7: {  	_ =	task.clear_ibuf [dreg:s22], $0x2FFFF;
	_ =	strace $0x9FFFFFFF  }
0xd8: {  	(tm) =	ssettm $0x7FFFFFFF  }
0xd9: {  	_ =	shalt  }
tec
execute0_lowered:
.L_overlay_start_1:
0x0: {  	(tag) =	ssettag $0x1  }
0x1: {  	s5 =	rddreg [dreg:$0x0];
	s1 =	srdreg.scid  }
0x2: {  	s3 =	rddreg [dreg:$0x1];
	s0 =	stileid.u32;
	s13 =	sand.u32 $0x1, s1  }
0x3: {  	s10 =	rddreg [dreg:$0x2];
	s4 =	sshll.u32 s0, $0x6;
	s6 =	sshll.u32 s13, $0x5  }
0x4: {  	s2 =	simm.s32 $0x0;
	s1 =	rddreg [dreg:$0x3];
	s11 =	sor.u32 s6, s4  }
0x5: {  	[smem:$0x7FF] =	sst s2;
	s4 =	sshrl.u32 s11, $0x3  }
0x6: {  	_ =	strace $0x8000004A;
	s4 =	sadd.s32 s3, s4;
	s3 =	simm.s32 $0x2  }
0x7: {  	[tilespmem:s2], [sflag:$0x2] =	stream.linear.gather [hbm4b:s4+s2], $0x20, $0x38;
	[tilespmem:$0x138A0] =	vst v63  }
0x8: {  	_ =	swait.ge [sflag:s3], $0x20  }
0x9: {  	s7 =	simm.s32 $0x20;
	s8 =	simm.s32 $0x1;
	[sflag:s3] =	ssyncset.done $0x0  }
0xa: {  	s5 =	sadd.s32 $0xE00, s5;
	s6 =	simm.s32 $0x8;
	[sflag:s3] =	ssyncadd.s32 $0xFFFFFFE0  }
0xb: {  	[tilespmem:s7], [sflag:$0x1] =	stream.indirect.gather [hbm4b:s5+s6], $0x2710, s2, s6, $0xb8;
	[tilespmem:$0x138A0] =	vst v63  }
0xc: {  	s9 =	smul.u32 $0x4E2, s11;
	_ =	swait.ge [sflag:s8], $0x13880  }
0xd: {  	[sflag:s8] =	ssyncset.done $0x0  }
0xe: {  	s9 =	sadd.s32 s10, s9;
	[sflag:s8] =	ssyncadd.s32 $0xFFFEC780  }
0xf: {  	[hbm4b:s9+s2] =	stream.linear.scatter [tilespmem:s7], [sflag:$0x2], $0x13880, $0x38;
	[tilespmem:$0x138A0] =	vst v63  }
0x10: {  	_ =	swait.ge [sflag:s3], $0x13880  }
0x11: {  	[sflag:s3] =	ssyncset.done $0x0  }
0x12: {  	s11 =	smul.u32 $0x2710, s11;
	[sflag:s3] =	ssyncadd.s32 $0xFFFEC780  }
0x13: {  	[tilespmem:s7], [sflag:$0x1] =	stream.indirect.gather [hbm4b:s5+s6], $0x2710, s6, s6, $0xb8;
	[tilespmem:$0x138A0] =	vst v63  }
0x14: {  	s11 =	sshrl.u32 s11, $0x3;
	_ =	swait.ge [sflag:s8], $0x13880  }
0x15: {  	s14 =	sadd.s32 s10, s11;
	[sflag:s8] =	ssyncset.done $0x0  }
0x16: {  	s10 =	sadd.s32 $0x2710, s14;
	[sflag:s8] =	ssyncadd.s32 $0xFFFEC780  }
0x17: {  	[hbm4b:s10+s2] =	stream.linear.scatter [tilespmem:s7], [sflag:$0x2], $0x13880, $0x38;
	[tilespmem:$0x138A0] =	vst v63  }
0x18: {  	_ =	swait.ge [sflag:s3], $0x13880  }
0x19: {  	[sflag:s3] =	ssyncset.done $0x0  }
0x1a: {  	s11 =	simm.s32 $0x10;
	[sflag:s3] =	ssyncadd.s32 $0xFFFEC780  }
0x1b: {  	[tilespmem:s7], [sflag:$0x1] =	stream.indirect.gather [hbm4b:s5+s6], $0x2710, s11, s6, $0xb8;
	[tilespmem:$0x138A0] =	vst v63  }
0x1c: {  	_ =	swait.ge [sflag:s8], $0x13880  }
0x1d: {  	[sflag:s8] =	ssyncset.done $0x0  }
0x1e: {  	s15 =	ssub.s32 $0x2, s13;
	s12 =	sadd.s32 $0x4E20, s14;
	[sflag:s8] =	ssyncadd.s32 $0xFFFEC780  }
0x1f: {  	[hbm4b:s12+s2] =	stream.linear.scatter [tilespmem:s7], [sflag:$0x2], $0x13880, $0x38;
	[tilespmem:$0x138A0] =	vst v63  }
0x20: {  	s16 =	sshrl.u32 s15, $0x1;
	_ =	swait.ge [sflag:s3], $0x13880  }
0x21: {  	s15 =	ssub.s32 s15, s16;
	[sflag:s3] =	ssyncset.done $0x0  }
0x22: {  	s13 =	simm.s32 $0x18;
	s15 =	smax.u32 s15, $0x1;
	[sflag:s3] =	ssyncadd.s32 $0xFFFEC780  }
0x23: {  	[tilespmem:s7], [sflag:$0x1] =	stream.indirect.gather [hbm4b:s5+s6], $0x2710, s13, s6, $0xb8;
	[tilespmem:$0x138A0] =	vst v63  }
0x24: {  	p0 =	sne.s32 s15, $0x1;
	_ =	swait.ge [sflag:s8], $0x13880  }
.Ltmp0:
0x25: {  	[sflag:s8] =	ssyncset.done $0x0;
	(pc) =	sbr.rel @!p0 .LBB2_2-.Ltmp0, $4  }
0x26: {  	s14 =	sadd.s32 $0x7530, s14;
	[sflag:s8] =	ssyncadd.s32 $0xFFFEC780  }
0x27: {  	[hbm4b:s14+s2] =	stream.linear.scatter [tilespmem:s7], [sflag:$0x2], $0x13880, $0x38;
	[tilespmem:$0x138A0] =	vst v63  }
0x28: {  	_ =	swait.ge [sflag:s3], $0x13880  }
0x29: {  	s15 =	sadd.s32 $0xFFFFFFFF, s15;
	[sflag:s3] =	ssyncset.done $0x0  }
.LBB2_1:
0x2a: {  	p0 =	sne.s32 s15, $0x1;
	s15 =	sadd.s32 $0xFFFFFFFF, s15;
	[sflag:s3] =	ssyncadd.s32 $0xFFFEC780  }
0x2b: {  	[tilespmem:s2], [sflag:$0x2] =	stream.linear.gather [hbm4b:s4+s2], $0x20, $0x38;
	[tilespmem:$0x138A0] =	vst v63  }
0x2c: {  	_ =	swait.ge [sflag:s3], $0x20  }
0x2d: {  	[sflag:s3] =	ssyncset.done $0x0  }
0x2e: {  	[sflag:s3] =	ssyncadd.s32 $0xFFFFFFE0  }
0x2f: {  	[tilespmem:s7], [sflag:$0x1] =	stream.indirect.gather [hbm4b:s5+s6], $0x2710, s2, s6, $0xb8;
	[tilespmem:$0x138A0] =	vst v63  }
0x30: {  	_ =	swait.ge [sflag:s8], $0x13880  }
0x31: {  	[sflag:s8] =	ssyncset.done $0x0  }
0x32: {  	[sflag:s8] =	ssyncadd.s32 $0xFFFEC780  }
0x33: {  	[hbm4b:s9+s2] =	stream.linear.scatter [tilespmem:s7], [sflag:$0x2], $0x13880, $0x38;
	[tilespmem:$0x138A0] =	vst v63  }
0x34: {  	_ =	swait.ge [sflag:s3], $0x13880  }
0x35: {  	[sflag:s3] =	ssyncset.done $0x0  }
0x36: {  	[sflag:s3] =	ssyncadd.s32 $0xFFFEC780  }
0x37: {  	[tilespmem:s7], [sflag:$0x1] =	stream.indirect.gather [hbm4b:s5+s6], $0x2710, s6, s6, $0xb8;
	[tilespmem:$0x138A0] =	vst v63  }
0x38: {  	_ =	swait.ge [sflag:s8], $0x13880  }
0x39: {  	[sflag:s8] =	ssyncset.done $0x0  }
0x3a: {  	[sflag:s8] =	ssyncadd.s32 $0xFFFEC780  }
0x3b: {  	[hbm4b:s10+s2] =	stream.linear.scatter [tilespmem:s7], [sflag:$0x2], $0x13880, $0x38;
	[tilespmem:$0x138A0] =	vst v63  }
0x3c: {  	_ =	swait.ge [sflag:s3], $0x13880  }
0x3d: {  	[sflag:s3] =	ssyncset.done $0x0  }
0x3e: {  	[sflag:s3] =	ssyncadd.s32 $0xFFFEC780  }
0x3f: {  	[tilespmem:s7], [sflag:$0x1] =	stream.indirect.gather [hbm4b:s5+s6], $0x2710, s11, s6, $0xb8;
	[tilespmem:$0x138A0] =	vst v63  }
0x40: {  	_ =	swait.ge [sflag:s8], $0x13880  }
0x41: {  	[sflag:s8] =	ssyncset.done $0x0  }
0x42: {  	[sflag:s8] =	ssyncadd.s32 $0xFFFEC780  }
0x43: {  	[hbm4b:s12+s2] =	stream.linear.scatter [tilespmem:s7], [sflag:$0x2], $0x13880, $0x38;
	[tilespmem:$0x138A0] =	vst v63  }
0x44: {  	_ =	swait.ge [sflag:s3], $0x13880  }
0x45: {  	[sflag:s3] =	ssyncset.done $0x0  }
0x46: {  	[sflag:s3] =	ssyncadd.s32 $0xFFFEC780  }
0x47: {  	[tilespmem:s7], [sflag:$0x1] =	stream.indirect.gather [hbm4b:s5+s6], $0x2710, s13, s6, $0xb8;
	[tilespmem:$0x138A0] =	vst v63  }
0x48: {  	_ =	swait.ge [sflag:s8], $0x13880  }
.Ltmp1:
0x49: {  	[sflag:s8] =	ssyncset.done $0x0;
	(pc) =	sbr.rel @p0 .LBB2_1-.Ltmp1, $4  }
0x4a: {  	[sflag:s8] =	ssyncadd.s32 $0xFFFEC780  }
0x4b: {  	[hbm4b:s14+s2] =	stream.linear.scatter [tilespmem:s7], [sflag:$0x2], $0x13880, $0x38;
	[tilespmem:$0x138A0] =	vst v63  }
0x4c: {  	_ =	swait.ge [sflag:s3], $0x13880  }
0x4d: {  	[sflag:s3] =	ssyncset.done $0x0  }
.LBB2_2:
0x4e: {  	[sflag:s3] =	ssyncadd.s32 $0xFFFEC780  }
0x4f: {  	_ =	sfence.sel $0x180000  }
0x50: {  	[bflag:$0x0] =	sbarrier.arrive $0xFFFF  }
0x51: {  	p0 =	sne.s32 s0, $0x0;
	_ =	strace $0x9000004A  }
0x52: {  	s0 =	sadd.s32 @!p0 $0x100000, s1;
	[bflag:$0x2] =	sbarrier.arrive $0xFFFF  }
0x53: {  	[sflag:s0] =	ssyncadd.tile.s32 @!p0 $0x1;
	_ =	shalt  }
.Lfunc_end2:
_tile_overlayer_lowered:
.L_overlay_start_2:
0x54: {  	(tag) =	ssettag $0x2  }
0x55: {  	s0 =	rddreg [dreg:$0x0];
	s2 =	stileid.u32  }
0x56: {  	s1 =	rddreg [dreg:$0x1];
	p0 =	sne.s32 s2, $0x0  }
0x57: {  	s3 =	rddreg [dreg:$0x2];
	[bflag:$0x3] =	sbarrier.arrive $0xFFFF;
	s2 =	simm.s32 @!p0 $0x1C02  }
0x58: {  	[timem:s3], [sflag:s2] =	dma.local @!p0 [hbm:s0], s1  }
0x59: {  	s0 =	simm.s32 @!p0 $0x2  }
0x5a: {  	_ =	swait.ge @!p0 [sflag:s0], s1  }
0x5b: {  	s1 =	ssub.s32 @!p0 $0x0, s1;
	[sflag:s0] =	ssyncset.done @!p0 $0x0  }
0x5c: {  	[sflag:s0] =	ssyncadd.s32 @!p0 s1  }
0x5d: {  	[bflag:$0x3] =	sbarrier.arrive $0xFFFF  }
0x5e: {  	_ =	shalt  }

// kernel: sparse-core-data-format-call.cloned.1.call-start
scs
called_computation_lowered:
.L_overlay_start_0:
0x0: {  	s2 =	sld [smem:$0x3FD9]  }
0x1: {  	s3 =	sld [smem:$0x3FFE];
	_ =	sdelay $0x1  }
0x2: {  	s1 =	srdreg.scid  }
0x3: {  	s0 =	sand.u32 $0x1, s1  }
0x4: {  	s16 =	sshll.u32 s0, $0xA;
	s2 =	sadd.s32 s3, s2  }
0x5: {  	s2 =	sadd.s32 s2, s16  }
0x6: {  	[smem:$0x3FC4] =	sst s2  }
0x7: {  	_ = 	snop  }
0x8: {  	s2 =	sld [smem:$0x3FD0];
	_ =	sdelay $0x2  }
0x9: {  	s17 =	simm.s32 $0xB;
	s4 =	simm.s32 $0x10  }
0xa: {  	[smem:s4], [sflag:s17] =	dma.local [hbm:s2], $0x1  }
0xb: {  	_ =	swait.eq [sflag:s17], $0x1  }
0xc: {  	[sflag:s17] =	ssyncset.done $0x0  }
0xd: {  	[sflag:s17] =	ssyncadd.s32 $0xFFFFFFFF  }
0xe: {  	s18 =	sld [smem:$0x10];
	(tm) =	ssettm $0x1  }
0xf: {  	s19 =	sld [smem:$0x3FFB];
	_ =	sdelay $0x3  }
0x10: {  	_ =	strace s19  }
0x11: {  	s2 =	sld [smem:$0x3FFC];
	_ =	sdelay $0x3  }
0x12: {  	_ =	strace s2  }
0x13: {  	s2 =	sld [smem:$0x3FFD];
	_ =	sdelay $0x3  }
0x14: {  	_ =	strace s2  }
0x15: {  	_ =	strace $0x8FFFFFFF  }
0x16: {  	s20 =	sld [smem:$0x3FDB];
	_ =	sdelay $0x1  }
0x17: {  	s21 =	simm.s32 $_scs_section_size  }
0x18: {  	s5 =	simm.s32 $_size__tile_overlayer_lowered;
	s6 =	simm.s32 $_tile_overlayer_lowered  }
0x19: {  	s7 =	simm.s32 $0x1BFF;
	s22 =	sshll.u32 s6, $0x1;
	s4 =	sadd.s32 s21, s20  }
0x1a: {  	s23 =	simm.s32 $0x0;
	s5 =	sshll.u32 s5, $0x1;
	s6 =	sadd.s32 s22, s4  }
0x1b: {  	[timem:s23], [sflag:s7] =	dma.local [hbm:s6], s5  }
0x1c: {  	_ =	swait.ge [sflag:s7], s5  }
0x1d: {  	s5 =	ssub.s32 $0x0, s5;
	[sflag:s7] =	ssyncset.done $0x0  }
0x1e: {  	[sflag:s7] =	ssyncadd.s32 s5;
	_ =	sdelay $0x1  }
0x1f: {  	s24 =	simm.s32 $0x1B8B  }
0x20: {  	_ =	swait.ge [sflag:s24], $0x1  }
0x21: {  	[sflag:s24] =	ssyncset.done $0x0  }
0x22: {  	[sflag:s24] =	ssyncadd.s32 $0xFFFFFFFF  }
0x23: {  	s5 =	sld [smem:$0x0]  }
0x24: {  	s6 =	sand.u32 $0xFFFFFFFE, s1  }
0x25: {  	p0 =	sne.s32 s1, s6  }
0x26: {  	s6 =	sshll.u32 @p0 s6, $0xE  }
0x27: {  	s6 =	sadd.s32 @p0 $0x11B8D, s6;
	s7 =	sshll.u32 @p0 s5, $0x11  }
0x28: {  	s6 =	sor.u32 @p0 s7, s6  }
0x29: {  	[sflag:s6] =	ssyncadd.remote.s32 @p0 $0x1;
	_ =	sdelay $0x1  }
0x2a: {  	s6 =	simm.s32 @p0 $0x1B8D  }
0x2b: {  	_ =	swait.eq @p0 [sflag:s6], $0x1  }
0x2c: {  	[sflag:s6] =	ssyncadd.s32 @p0 $0xFFFFFFFF  }
0x2d: {  	s7 =	sshll.u32 @!p0 s1, $0xE  }
0x2e: {  	s7 =	sor.u32 @!p0 $0x4000, s7;
	s6 =	simm.s32 @!p0 $0x1B8D  }
0x2f: {  	s5 =	sshll.u32 @!p0 s5, $0x11;
	s7 =	sadd.s32 @!p0 $0x11B8D, s7;
	_ =	swait.eq @!p0 [sflag:s6], $0x1  }
0x30: {  	s5 =	sor.u32 @!p0 s5, s7;
	[sflag:s6] =	ssyncadd.s32 @!p0 $0xFFFFFFFF  }
0x31: {  	s26 =	simm.s32 $0x1B8E;
	s25 =	sld [smem:$0x3FFE];
	[sflag:s5] =	ssyncadd.remote.s32 @!p0 $0x1  }
0x32: {  	s27 =	simm.s32 $execute0_lowered;
	[smem:$0x3FD2] =	sst s26  }
0x33: {  	s6 =	sshll.u32 s27, $0x1;
	_ =	strace $0x8000004F;
	[dreg:$0x1] =	wrdreg $0xFFFFFFFF  }
0x34: {  	s28 =	simm.s32 $_size_execute0_lowered;
	s4 =	sadd.s32 s4, s6;
	[dreg:$0x0] =	wrdreg $0x0  }
0x35: {  	s6 =	sshll.u32 s28, $0x1;
	[dreg:$0x2] =	wrdreg s4  }
0x36: {  	[dreg:$0x3] =	wrdreg s6  }
0x37: {  	[dreg:$0x4] =	wrdreg $0xC0  }
0x38: {  	_ =	task [dreg:s23], $0x5FFFF  }
0x39: {  	[dreg:$0x1] =	wrdreg $0xFFFFFFFF  }
0x3a: {  	[dreg:$0x0] =	wrdreg $0x60  }
0x3b: {  	[dreg:$0x2] =	wrdreg s25  }
0x3c: {  	[dreg:$0x3] =	wrdreg s18  }
0x3d: {  	[dreg:$0x4] =	wrdreg $0x9  }
0x3e: {  	_ =	task.clear_ibuf [dreg:s23], $0x5FFFF;
	_ =	strace $0x9000004F  }
0x3f: {  	s29 =	simm.s32 $0x9;
	_ =	strace $0x80000051  }
0x40: {  	_ =	swait.ge [sflag:s29], $0x1  }
0x41: {  	[sflag:s29] =	ssyncadd.s32 $0xFFFFFFFF  }
0x42: {  	_ =	strace $0x90000051  }
0x43: {  	_ =	sfence  }
0x44: {  	s30 =	sld [smem:$0x0];
	_ =	sdelay $0x2  }
0x45: {  	s31 =	sshll.u32 s1, $0xD;
	s1 =	sshrl.u32 s1, $0x2  }
0x46: {  	s4 =	sand.u32 $0x4000, s31;
	s1 =	sadd.s32 s1, s30  }
0x47: {  	s0 =	sor.u32 s4, s0;
	s1 =	sshll.u32 s1, $0x11  }
0x48: {  	s0 =	sor.u32 s1, s0  }
0x49: {  	s0 =	sadd.s32 $0x8F2B, s0  }
0x4a: {  	[sflag:s0] =	ssyncadd.remote.s32 $0x1  }
0x4b: {  	_ =	sfence.sel $0xFFFF  }
0x4c: {  	[dreg:$0x0] =	wrdreg $0xFFFFFFFF;
	(pc) =	sbr.abs _section_cstart, $3  }
0x4d: {  	[dreg:$0x1] =	wrdreg $0xFFFFFFFF  }
0x4e: {  	_ =	task.clear_ibuf [dreg:s23], $0x2FFFF;
	_ =	strace $0x9FFFFFFF  }
0x4f: {  	(tm) =	ssettm $0x7FFFFFFF  }
tec
execute0_lowered:
.L_overlay_start_1:
0x0: {  	(tag) =	ssettag $0x1  }
0x1: {  	s0 =	stileid.u32  }
0x2: {  	s2 =	srdreg.scid;
	s7 =	rddreg [dreg:$0x0]  }
0x3: {  	s6 =	simm.s32 $0x1;
	s31 =	simm.s32 $0x2;
	s16 =	simm.s32 $0x0  }
0x4: {  	s9 =	simm.s32 $0x2000;
	s15 =	simm.s32 $0x0;
	s10 =	simm.s32 $0x0  }
0x5: {  	s11 =	simm.s32 $0x0;
	s14 =	simm.s32 $0x0;
	s1 =	sshll.u32 s0, $0x7  }
0x6: {  	s3 =	sshll.u32 s0, $0x4;
	s2 =	sshll.u32 s2, $0x8;
	s1 =	sand.u32 $0x380, s1  }
0x7: {  	s7 =	sadd.s32 $0x3F0800, s7;
	s2 =	sor.u32 s3, s2;
	s5 =	ssub.s32 $0x400, s1  }
0x8: {  	s3 =	rddreg [dreg:$0x1];
	s4 =	sand.u32 $0x180, s2;
	s29 =	sand.u32 $0x380, s5  }
0x9: {  	s30 =	ssub.s32 $0x2700, s4;
	s5 =	sshrl.u32 s5, $0xA;
	p0 =	sne.s32 s29, $0x0  }
.Ltmp0:
0xa: {  	s8 =	sshrl.u32 s30, $0x9;
	s6 =	simm.s32 @!p0 $0x0;
	(pc) =	sbr.rel .LBB1_1-.Ltmp0, $4  }
0xb: {  	s2 =	rddreg [dreg:$0x2];
	s8 =	sadd.s32 $0x1, s8;
	s6 =	sadd.s32 s6, s5  }
0xc: {  	_ =	strace $0x80000050;
	s5 =	simm.s32 $0x1;
	s6 =	smul.u32 s6, s8  }
0xd: {  	s13 =	smov.u32 s1;
	s12 =	smov.u32 s4;
	[sflag:s5] =	ssyncpa.u1 $0x0  }
0xe: {  	p0 =	por $0x0, $0x0;
	[sflag:s31] =	ssyncpa.u1 $0x0;
	s8 =	sadd.s32 $0x1, s6  }
.LBB1_4:
0xf: {  	s21 =	sshra.s32 s21, $0x2;
	s27 =	sshll.u32 s10, $0xA;
	s22 =	sshll.u32 s11, $0x3  }
0x10: {  	s23 =	sshll.u32 s10, $0x7;
	s24 =	sand.u32 $0x78, s11;
	p1 =	sgt.s32 s10, $0x2690  }
0x11: {  	s25 =	sshra.s32 s10, $0x1F;
	s26 =	sshra.s32 s11, $0x1F;
	s20 =	sadd.s32 s21, s20  }
0x12: {  	v5 =	vld [tilespmem:s18+$0xFFFFFFD0];
	[tilespmem:s19+$0x2040 ss:$0x81] =	vst.msk $0xffff, v4;
	s21 =	sand.u32 $0xFFFFE000, s27;
	s22 =	sand.u32 $0xFFFFFC00, s22;
	s28 =	sand.u32 $0x380, s23  }
0x13: {  	v58 =	vld [tilespmem:s18+$0xFFFFFFE0];
	[tilespmem:s19+$0x2850 ss:$0x81] =	vst.msk $0xffff, v3;
	s23 =	smov.u32 s10;
	s30 =	sand.u32 s25, s10;
	s25 =	smov.u32 s11  }
0x14: {  	v59 =	vld [tilespmem:s18+$0xFFFFFFF0];
	[tilespmem:s19+$0x3060 ss:$0x81] =	vst.msk $0xffff, v2;
	s31 =	sand.u32 s26, s11;
	s21 =	sadd.s32 s22, s21;
	s22 =	sor.u32 s24, s28  }
0x15: {  	v60 =	vld [tilespmem:s18+$0x0];
	[tilespmem:s19+$0x0 ss:$0x81] =	vst.msk $0xffff, v1;
	s23 =	simm.s32 @!p1 $0x2690;
	p1 =	sgt.s32 s11, $0x380;
	s21 =	sshrl.u32 s21, $0xA  }
0x16: {  	v61 =	vld [tilespmem:s18+$0x10];
	[tilespmem:s20+$0x3870 ss:$0x81] =	vst.msk $0xffff, v0;
	s19 =	ssub.s32 s23, s30;
	s25 =	simm.s32 @!p1 $0x380;
	s29 =	smulhi.u32 $0x1A36E3, s21  }
0x17: {  	v62 =	vld [tilespmem:s18+$0x20];
	s23 =	ssub.s32 s25, s31;
	s26 =	sadd.s32 $0xFFFFD970, s19;
	s19 =	ssub.s32 $0x2710, s19;
	[tilespmem:s20+$0x810 ss:$0x81] =	vst.msk $0xffff, v5  }
0x18: {  	v63 =	vld [tilespmem:s18+$0xFFFFFFC0];
	[tilespmem:s20+$0x1020 ss:$0x81] =	vst.msk $0xffff, v58;
	p1 =	sgt.s32 s26, $0x7F;
	s28 =	sadd.s32 $0xFFFFFC80, s23;
	s24 =	sshrl.u32 s29, $0x2  }
0x19: {  	[tilespmem:s20+$0x1830 ss:$0x81] =	vst.msk $0xffff, v59;
	s23 =	ssub.s32 $0x400, s23;
	p2 =	sgt.s32 s28, $0x7F;
	s27 =	smul.u32 $0x2710, s24  }
0x1a: {  	s30 =	sand.u32 $0x7, s11;
	[tilespmem:s20+$0x2040 ss:$0x81] =	vst.msk $0xffff, v60;
	s19 =	simm.s32 @p1 $0x0;
	s23 =	simm.s32 @p2 $0x0  }
0x1b: {  	[tilespmem:s20+$0x2850 ss:$0x81] =	vst.msk $0xffff, v61;
	s29 =	sshrl.u32 s22, $0x3;
	s19 =	smul.u32 s23, s19;
	s18 =	ssub.s32 s21, s27  }
0x1c: {  	[tilespmem:s20+$0x3060 ss:$0x81] =	vst.msk $0xffff, v62;
	s22 =	sshll.u32 s30, $0x12;
	s21 =	sadd.s32 s3, s29;
	s18 =	sshll.u32 s18, $0x7  }
0x1d: {  	[tilespmem:s20+$0x0 ss:$0x81] =	vst.msk $0xffff, v63;
	s31 =	sor.u32 $0x400, s22;
	s19 =	sand.u32 $0x3FFFFFFF, s19;
	s18 =	sadd.s32 s18, s21  }
0x1e: {  	[hbm4b:s18+s31] =	stream.strided.scatter [tilespmem:s17], [sflag:$0x2], s19, s9, s31, $0x20;
	[tilespmem:$0x10100] =	vst v63  }
.LBB1_5:
0x1f: {  	p1 =	slt.u32 s14, $0x2  }
0x20: {  	s18 =	smov.u32 s16;
	p2 =	sgt.s32 @!p1 s16, $0x2690;
	s17 =	sshra.s32 @!p1 s16, $0x1F  }
0x21: {  	p3 =	sgt.s32 @!p1 s15, $0x380;
	s19 =	sshra.s32 @!p1 s15, $0x1F;
	p2 =	por !p2, p1  }
0x22: {  	s16 =	sand.u32 @!p1 s17, s16;
	p3 =	por !p3, p1;
	s17 =	smov.u32 s15  }
0x23: {  	s15 =	sand.u32 @!p1 s19, s15;
	s18 =	simm.s32 @p2 $0x2690;
	s17 =	simm.s32 @p3 $0x380  }
0x24: {  	s16 =	ssub.s32 @!p1 s18, s16;
	s15 =	ssub.s32 @!p1 s17, s15  }
0x25: {  	s19 =	smov.u32 s13;
	s17 =	sadd.s32 @!p1 $0xFFFFD970, s16;
	s18 =	sadd.s32 @!p1 $0xFFFFFC80, s15  }
0x26: {  	s16 =	ssub.s32 @!p1 $0x2710, s16;
	p2 =	sgt.s32 @!p1 s17, $0x7F;
	p3 =	sgt.s32 @!p1 s18, $0x7F  }
0x27: {  	s15 =	ssub.s32 @!p1 $0x400, s15;
	p2 =	por !p2, p1;
	p3 =	por !p3, p1  }
0x28: {  	s17 =	sadd.s32 $0x200, s12;
	s16 =	simm.s32 @!p2 $0x0;
	s15 =	simm.s32 @!p3 $0x0  }
0x29: {  	p2 =	sgt.s32 s17, $0x270F;
	s15 =	smul.u32 @!p1 s15, s16;
	s16 =	sadd.s32 $0x400, s13  }
0x2a: {  	s19 =	smov.u32 @p2 s16  }
0x2b: {  	s17 =	smov.u32 @p2 s4;
	p2 =	sgt.s32 s19, $0x3FF  }
0x2c: {  	s19 =	smov.u32 @p2 s1;
	p2 =	sne.s32 s14, s8  }
.Ltmp1:
0x2d: {  	p0 =	por !p0, !p0;
	s18 =	simm.s32 @!p1 $0x2;
	(pc) =	sbr.rel @!p2 .LBB1_6-.Ltmp1, $4  }
0x2e: {  	s16 =	smov.u32 s10;
	s10 =	smov.u32 s12;
	s15 =	sand.u32 @!p1 $0x3FFFFFFF, s15  }
0x2f: {  	s12 =	smov.u32 s17;
	_ =	swait.ge @!p1 [sflag:s18], s15;
	s20 =	ssub.s32 @!p1 $0x0, s15  }
0x30: {  	s15 =	smov.u32 s11;
	s14 =	sadd.s32 $0x1, s14;
	[sflag:s18] =	ssyncset.done @!p1 $0x0  }
0x31: {  	s11 =	smov.u32 s13;
	s13 =	smov.u32 s19;
	[sflag:s18] =	ssyncadd.s32 @!p1 s20  }
.LBB1_1:
0x32: {  	p1 =	sge.u32 s14, s6  }
0x33: {  	s17 =	sshrl.u32 @!p1 s13, $0x3  }
0x34: {  	s18 =	sshll.u32 @!p1 s12, $0x3;
	s17 =	smul.u32 @!p1 $0x13C00, s17  }
0x35: {  	s19 =	sshll.u32 @!p1 s13, $0x7;
	s18 =	sand.u32 @!p1 $0xFFFFFC00, s18  }
0x36: {  	s17 =	sadd.s32 @!p1 s17, s18;
	s18 =	sand.u32 @!p1 $0x380, s19  }
0x37: {  	s19 =	sand.u32 @!p1 $0x7F, s12;
	s17 =	sor.u32 @!p1 s18, s17  }
0x38: {  	s18 =	sor.u32 @!p1 s19, s17  }
0x39: {  	s19 =	smulhi.u32 @!p1 $0xCF6474A9, s18;
	_ =	sdelay $0x1  }
0x3a: {  	s17 =	smulhi.u32 @!p1 $0xCF6474A9, s17;
	s19 =	sshrl.u32 @!p1 s19, $0xD  }
0x3b: {  	s19 =	smul.u32 @!p1 $0x2780, s19  }
0x3c: {  	s31 =	sadd.s32 $0xFFFFFFFF, s14;
	s20 =	sxor.u32 @!p1 $0xFFFFFFFF, s14;
	s17 =	sshrl.u32 @!p1 s17, $0xD  }
0x3d: {  	s20 =	sshll.u32 @!p1 s20, $0xE;
	s17 =	sand.u32 @!p1 $0x3FF, s17;
	s18 =	ssub.s32 @!p1 s18, s19  }
0x3e: {  	s17 =	smul.u32 @!p1 $0x4F0, s17;
	s19 =	sshrl.u32 @!p1 s18, $0x3;
	s18 =	sand.u32 @!p1 $0x7, s18  }
0x3f: {  	s20 =	sand.u32 @!p1 $0x4000, s20;
	s19 =	sadd.s32 @!p1 s7, s19;
	s18 =	sshll.u32 @!p1 s18, $0x12  }
0x40: {  	s17 =	sadd.s32 @!p1 s17, s19;
	s18 =	sor.u32 @!p1 $0x400, s18;
	s19 =	simm.s32 @!p1 $0x13C00  }
0x41: {  	[tilespmem:s20], [sflag:$0x1] =	stream.strided.gather @!p1 [hbm4b:s17+s18], $0x4000, s19, s18, $0x38;
	[tilespmem:$0x10100] =	vst v63  }
0x42: {  	p1 =	sge.u32 s31, s6  }
.Ltmp2:
0x43: {  	_ = 	snop;
	(pc) =	sbr.rel @p1 .LBB1_5-.Ltmp2, $1  }
0x44: {  	_ =	sdelay $0x3  }
0x45: {  	s17 =	simm.s32 $0x1  }
0x46: {  	_ =	swait.ge [sflag:s5], $0x4000;
	s17 =	simm.s32 @!p0 $0x0  }
0x47: {  	[sflag:s5] =	ssyncset.done $0x0;
	s18 =	sshll.u32 s17, $0xE  }
0x48: {  	[sflag:s5] =	ssyncadd.s32 $0xFFFFC000;
	s18 =	sor.u32 $0x40, s18  }
0x49: {  	s17 =	smul.u32 $0x10200, s17;
	v0 =	vld [tilespmem:s18+$0x30]  }
0x4a: {  	v1 =	vld [tilespmem:s18+$0xFFFFFFD0]  }
0x4b: {  	s17 =	sshrl.u32 s17, $0x2;
	v5 =	vld [tilespmem:s18+$0xFFFFFFE0]  }
0x4c: {  	v6 =	vld [tilespmem:s18+$0xFFFFFFF0];
	s20 =	sor.u32 $0x8000, s17  }
0x4d: {  	s31 =	sand.u32 $0x1, s14;
	v4 =	vld [tilespmem:s18+$0x0];
	s19 =	sadd.s32 $0x0, s20  }
0x4e: {  	v3 =	vld [tilespmem:s18+$0x10];
	s17 =	smul.u32 $0x10200, s31;
	[tilespmem:s19+$0x3870 ss:$0x81] =	vst.msk $0xffff, v0  }
0x4f: {  	v2 =	vld [tilespmem:s18+$0x20];
	[tilespmem:s19+$0x810 ss:$0x81] =	vst.msk $0xffff, v1  }
0x50: {  	s17 =	sshrl.u32 s17, $0x2;
	v1 =	vld [tilespmem:s18+$0xFFFFFFC0];
	[tilespmem:s19+$0x1020 ss:$0x81] =	vst.msk $0xffff, v5;
	s18 =	sadd.s32 $0x80, s18  }
0x51: {  	s21 =	simm.s32 $0x4;
	s22 =	simm.s32 $0x8;
	s17 =	sor.u32 $0x8000, s17;
	[tilespmem:s19+$0x1830 ss:$0x81] =	vst.msk $0xffff, v6;
	v0 =	vld [tilespmem:s18+$0x30]  }
.LBB1_3:
0x52: {  	p1 =	sne.s32 s22, $0x1FC;
	v5 =	vld [tilespmem:s18+$0xFFFFFFD0];
	[tilespmem:s19+$0x2040 ss:$0x81] =	vst.msk $0xffff, v4  }
0x53: {  	v6 =	vld [tilespmem:s18+$0xFFFFFFE0];
	[tilespmem:s19+$0x2850 ss:$0x81] =	vst.msk $0xffff, v3  }
0x54: {  	s23 =	sshra.s32 s21, $0x2;
	s21 =	smov.u32 s22;
	v7 =	vld [tilespmem:s18+$0xFFFFFFF0];
	[tilespmem:s19+$0x3060 ss:$0x81] =	vst.msk $0xffff, v2  }
.Ltmp3:
0x55: {  	v4 =	vld [tilespmem:s18+$0x0];
	[tilespmem:s19+$0x0 ss:$0x81] =	vst.msk $0xffff, v1;
	s19 =	sadd.s32 s23, s20;
	(pc) =	sbr.rel @p1 .LBB1_3-.Ltmp3, $4  }
0x56: {  	v3 =	vld [tilespmem:s18+$0x10];
	[tilespmem:s19+$0x3870 ss:$0x81] =	vst.msk $0xffff, v0  }
0x57: {  	[tilespmem:s19+$0x810 ss:$0x81] =	vst.msk $0xffff, v5;
	v2 =	vld [tilespmem:s18+$0x20]  }
0x58: {  	v1 =	vld [tilespmem:s18+$0xFFFFFFC0];
	[tilespmem:s19+$0x1020 ss:$0x81] =	vst.msk $0xffff, v6;
	s18 =	sadd.s32 $0x80, s18  }
0x59: {  	s22 =	sadd.s32 $0x4, s22;
	v0 =	vld [tilespmem:s18+$0x30];
	[tilespmem:s19+$0x1830 ss:$0x81] =	vst.msk $0xffff, v7  }
.Ltmp4:
0x5a: {  	_ = 	snop;
	(pc) =	sbr.rel .LBB1_4-.Ltmp4, $1  }
0x5b: {  	_ =	sdelay $0x3  }
.LBB1_6:
0x5c: {  	_ =	sfence.sel $0x180000  }
0x5d: {  	s1 =	simm.s32 $0x1;
	[bflag:$0x0] =	sbarrier.arrive $0xFFFF  }
0x5e: {  	s31 =	simm.s32 $0x2;
	[sflag:s1] =	ssyncpa.u1 $0x1  }
0x5f: {  	[sflag:s31] =	ssyncpa.u1 $0x1  }
0x60: {  	p0 =	sne.s32 s0, $0x0;
	_ =	strace $0x90000050  }
0x61: {  	s0 =	sadd.s32 @!p0 $0x100000, s2;
	[bflag:$0x2] =	sbarrier.arrive $0xFFFF  }
0x62: {  	[sflag:s0] =	ssyncadd.tile.s32 @!p0 $0x1;
	_ =	shalt  }
.Lfunc_end1:
_tile_overlayer_lowered:
.L_overlay_start_2:
0x63: {  	(tag) =	ssettag $0x2  }
0x64: {  	s0 =	rddreg [dreg:$0x0];
	s2 =	stileid.u32  }
0x65: {  	s1 =	rddreg [dreg:$0x1];
	p0 =	sne.s32 s2, $0x0  }
0x66: {  	s3 =	rddreg [dreg:$0x2];
	[bflag:$0x3] =	sbarrier.arrive $0xFFFF;
	s2 =	simm.s32 @!p0 $0x1C01  }
0x67: {  	[timem:s3], [sflag:s2] =	dma.local @!p0 [hbm:s0], s1  }
0x68: {  	s0 =	simm.s32 @!p0 $0x1  }
0x69: {  	_ =	swait.ge @!p0 [sflag:s0], s1  }
0x6a: {  	s1 =	ssub.s32 @!p0 $0x0, s1;
	[sflag:s0] =	ssyncset.done @!p0 $0x0  }
0x6b: {  	[sflag:s0] =	ssyncadd.s32 @!p0 s1  }
0x6c: {  	[bflag:$0x3] =	sbarrier.arrive $0xFFFF  }
0x6d: {  	_ =	shalt  }

</sc_bundles>
